<compile_context>
chip_gen: v7x
topology: tpu7x:2x2x1
jax: 0.10.2.dev20260603
libtpu: 0.0.44.dev20260713+nightly
codegen_flags: <defaults>
</compile_context>

<pallas_src>
import functools

import jax
import jax.numpy as jnp
from jax import lax
from jax.experimental import pallas as pl
from jax.experimental.pallas import tpu as pltpu
from jax.experimental.pallas import tpu_sc as plsc

N = 10000
E = 320000
EQ = 320000
D = 128
H = 128

ROWS_BLK = 1000

NC = 2
NS = 16
NW = NC * NS
CHUNK = 125
E_PER_W = E // NW
NCHUNK = E_PER_W // CHUNK
NP = 10240
IBLK = 8
CB = 2000
ROWS_PER_SUB = NP // NS
ZBLK = 128


def _combine_body(aggp_ref, cnt_ref, x_ref, wl_ref, bl_ref, wr_ref, o_ref, *, relu):
    cnt = jnp.maximum(cnt_ref[...], 1.0)
    agg = (aggp_ref[0] + aggp_ref[1]) / cnt
    acc = jnp.dot(agg, wl_ref[...].T, preferred_element_type=jnp.float32)
    acc += jnp.dot(x_ref[...], wr_ref[...].T, preferred_element_type=jnp.float32)
    acc += bl_ref[...]
    if relu:
        acc = jnp.maximum(acc, 0.0)
    o_ref[...] = acc


def _combine(aggp, cnt2d, x, Wl, bl, Wr, relu):
    grid = (N // ROWS_BLK,)
    return pl.pallas_call(
        functools.partial(_combine_body, relu=relu),
        grid=grid,
        in_specs=[
            pl.BlockSpec((NC, ROWS_BLK, H), lambda i: (0, i, 0)),
            pl.BlockSpec((ROWS_BLK, 1), lambda i: (i, 0)),
            pl.BlockSpec((ROWS_BLK, D), lambda i: (i, 0)),
            pl.BlockSpec((H, D), lambda i: (0, 0)),
            pl.BlockSpec((1, H), lambda i: (0, 0)),
            pl.BlockSpec((H, D), lambda i: (0, 0)),
        ],
        out_specs=pl.BlockSpec((ROWS_BLK, H), lambda i: (i, 0)),
        out_shape=jax.ShapeDtypeStruct((N, H), jnp.float32),
    )(aggp, cnt2d, x, Wl, bl, Wr)


def _ab_body(z_ref, w1a_ref, w1b_ref, b1_ref, a_ref, b_ref):
    z = z_ref[...]
    a_ref[...] = (
        jnp.dot(z, w1a_ref[...].T, preferred_element_type=jnp.float32) + b1_ref[...]
    )
    b_ref[...] = jnp.dot(z, w1b_ref[...].T, preferred_element_type=jnp.float32)


def _ab(z, W1, b1):
    W1a = W1[:, :H]
    W1b = W1[:, H:]
    grid = (N // ROWS_BLK,)
    return pl.pallas_call(
        _ab_body,
        grid=grid,
        in_specs=[
            pl.BlockSpec((ROWS_BLK, H), lambda i: (i, 0)),
            pl.BlockSpec((H, H), lambda i: (0, 0)),
            pl.BlockSpec((H, H), lambda i: (0, 0)),
            pl.BlockSpec((1, H), lambda i: (0, 0)),
        ],
        out_specs=[
            pl.BlockSpec((ROWS_BLK, H), lambda i: (i, 0)),
            pl.BlockSpec((ROWS_BLK, H), lambda i: (i, 0)),
        ],
        out_shape=[
            jax.ShapeDtypeStruct((N, H), jnp.float32),
            jax.ShapeDtypeStruct((N, H), jnp.float32),
        ],
    )(z, W1a, W1b, b1.reshape(1, H))


def _sc_agg_body(table, src3, dst3, zrow, agg_out,
                 src_v, dst_v, rows_v, agg_s, sem):
    cid = lax.axis_index("c")
    sid = lax.axis_index("s")
    wid = sid * NC + cid

    rbase = sid * ROWS_PER_SUB
    for k in range(ROWS_PER_SUB // ZBLK):
        pltpu.sync_copy(zrow, agg_s.at[pl.ds(rbase + k * ZBLK, ZBLK)])
    plsc.subcore_barrier()

    def super_body(g, _):
        pltpu.sync_copy(src3.at[wid, pl.ds(g * IBLK, IBLK)], src_v)
        pltpu.sync_copy(dst3.at[wid, pl.ds(g * IBLK, IBLK)], dst_v)

        def chunk_body(c, _):
            pltpu.async_copy(table.at[src_v.at[c]], rows_v, sem).wait()
            pltpu.sync_copy(rows_v, agg_s.at[dst_v.at[c]], add=True)
            return 0

        lax.fori_loop(0, IBLK, chunk_body, 0)
        return 0

    lax.fori_loop(0, NCHUNK // IBLK, super_body, 0)
    plsc.subcore_barrier()

    for k in range(ROWS_PER_SUB // ZBLK):
        r = rbase + k * ZBLK
        pltpu.sync_copy(agg_s.at[pl.ds(r, ZBLK)], agg_out.at[cid, pl.ds(r, ZBLK)])


def _sc_aggregate(table, src3, dst3, zrow):
    mesh = plsc.VectorSubcoreMesh(core_axis_name="c", subcore_axis_name="s",
                                  num_cores=NC, num_subcores=NS)
    f = pl.kernel(
        _sc_agg_body,
        out_type=jax.ShapeDtypeStruct((NC, NP, D), jnp.float32),
        mesh=mesh,
        scratch_types=[
            pltpu.VMEM((IBLK, CHUNK), jnp.int32),
            pltpu.VMEM((IBLK, CHUNK), jnp.int32),
            pltpu.VMEM((CHUNK, D), jnp.float32),
            pltpu.VMEM_SHARED((NP, D), jnp.float32),
            pltpu.SemaphoreType.DMA,
        ],
    )
    return f(table, src3, dst3, zrow)


DCHUNK = 128
NDC = (EQ // NW) // DCHUNK
DTAIL = EQ // NW - NDC * DCHUNK


def _sc_decode_body(Ah, Bh, s2, d2, wvh, out_h,
                    s_v, d_v, ar0, br0, ar1, br1, art, brt, out_v, wv,
                    semA0, semB0, semA1, semB1):
    cid = lax.axis_index("c")
    sid = lax.axis_index("s")
    wid = sid * NC + cid

    pltpu.sync_copy(wvh, wv)
    pltpu.sync_copy(s2.at[wid, 0], s_v)
    pltpu.sync_copy(d2.at[wid, 0], d_v)

    w2v = tuple(wv[pl.ds(16 * j, 16)] for j in range(D // 16))
    b2v = wv[pl.ds(D, 16)]
    lanes = lax.iota(jnp.int32, 16)

    def fire(c, n, ar, br, semA, semB):
        pltpu.async_copy(Ah.at[s_v.at[pl.ds(c * DCHUNK, n)]], ar, semA)
        pltpu.async_copy(Bh.at[d_v.at[pl.ds(c * DCHUNK, n)]], br, semB)

    def wait(n, ar, br, semA, semB):
        pltpu.make_async_copy(Ah.at[pl.ds(0, n)], ar, semA).wait()
        pltpu.make_async_copy(Bh.at[pl.ds(0, n)], br, semB).wait()

    def compute(c, ngrp, ar, br):
        def group_body(g2, _):
            def edge_body(k, res):
                e = g2 * 16 + k
                acc = b2v
                for j in range(D // 16):
                    a = ar[e, pl.ds(16 * j, 16)]
                    b = br[e, pl.ds(16 * j, 16)]
                    acc = acc + jnp.maximum(a + b, 0.0) * w2v[j]
                for sh in (8, 4, 2, 1):
                    acc = acc + acc[lanes ^ sh]
                return jnp.where(lanes == k, acc, res)

            res = lax.fori_loop(0, 16, edge_body, jnp.zeros((16,), jnp.float32))
            out_v[pl.ds(c * DCHUNK + g2 * 16, 16)] = res
            return 0

        lax.fori_loop(0, ngrp, group_body, 0)

    fire(0, DCHUNK, ar0, br0, semA0, semB0)

    def outer(g, _):
        c0 = 2 * g
        fire(c0 + 1, DCHUNK, ar1, br1, semA1, semB1)
        wait(DCHUNK, ar0, br0, semA0, semB0)
        compute(c0, DCHUNK // 16, ar0, br0)
        fire(jnp.minimum(c0 + 2, NDC - 1), DCHUNK, ar0, br0, semA0, semB0)
        wait(DCHUNK, ar1, br1, semA1, semB1)
        compute(c0 + 1, DCHUNK // 16, ar1, br1)
        return 0

    lax.fori_loop(0, NDC // 2, outer, 0)
    wait(DCHUNK, ar0, br0, semA0, semB0)

    fire(NDC, DTAIL, art, brt, semA0, semB0)
    wait(DTAIL, art, brt, semA0, semB0)
    compute(NDC, DTAIL // 16, art, brt)

    pltpu.sync_copy(out_v, out_h.at[wid, 0])


def _sc_decode(A, B, s2, d2, wv):
    mesh = plsc.VectorSubcoreMesh(core_axis_name="c", subcore_axis_name="s",
                                  num_cores=NC, num_subcores=NS)
    f = pl.kernel(
        _sc_decode_body,
        out_type=jax.ShapeDtypeStruct((NW, 1, EQ // NW), jnp.float32),
        mesh=mesh,
        scratch_types=[
            pltpu.VMEM((EQ // NW,), jnp.int32),
            pltpu.VMEM((EQ // NW,), jnp.int32),
            pltpu.VMEM((DCHUNK, D), jnp.float32),
            pltpu.VMEM((DCHUNK, D), jnp.float32),
            pltpu.VMEM((DCHUNK, D), jnp.float32),
            pltpu.VMEM((DCHUNK, D), jnp.float32),
            pltpu.VMEM((DTAIL, D), jnp.float32),
            pltpu.VMEM((DTAIL, D), jnp.float32),
            pltpu.VMEM((EQ // NW,), jnp.float32),
            pltpu.VMEM((D + 16,), jnp.float32),
            pltpu.SemaphoreType.DMA,
            pltpu.SemaphoreType.DMA,
            pltpu.SemaphoreType.DMA,
            pltpu.SemaphoreType.DMA,
        ],
    )
    return f(A, B, s2, d2, wv)


def kernel(x, edge_index, edge_label_index, W_l1, b_l1, W_r1, W_l2, b_l2, W_r2, W1, b1, W2, b2):
    src3 = edge_index[0].reshape(NW, NCHUNK, CHUNK)
    dst3 = edge_index[1].reshape(NW, NCHUNK, CHUNK)
    zrow = jnp.zeros((ZBLK, D), jnp.float32)
    cnt2d = jax.ops.segment_sum(jnp.ones((E,), jnp.float32), edge_index[1],
                                num_segments=N).reshape(N, 1)

    aggp1 = _sc_aggregate(x, src3, dst3, zrow)[:, :N]
    z1 = _combine(aggp1, cnt2d, x, W_l1, b_l1.reshape(1, H), W_r1, relu=True)

    aggp2 = _sc_aggregate(z1, src3, dst3, zrow)[:, :N]
    z2 = _combine(aggp2, cnt2d, z1, W_l2, b_l2.reshape(1, H), W_r2, relu=False)

    A, B = _ab(z2, W1, b1)

    s2 = edge_label_index[0].reshape(NW, 1, EQ // NW)
    d2 = edge_label_index[1].reshape(NW, 1, EQ // NW)
    wv = jnp.concatenate([W2[0], jnp.full((16,), b2[0] / 16.0, jnp.float32)])
    out = _sc_decode(A, B, s2, d2, wv)
    return out.reshape(-1)

# --- scband reference (transcript-rebuilt; emitter-appended) ---
"""Pipeline reference for scband-crochet-gnn-63264868270269 (READ-ONLY COPY).

The authoritative reference and input builder live on the scoring server;
editing this copy changes nothing except your own understanding.
"""

import jax, jax.numpy as jnp
import numpy as np

N = 10000
E = 320000
EQ = 320000
D = 128
H = 128


def setup_inputs(seed: int = 0) -> dict:
    key = jax.random.key(seed)
    ks = jax.random.split(key, 16)
    inp = {}
    inp["x"] = jax.random.normal(ks[0], (N, D), dtype=jnp.float32)
    inp["edge_index"] = jax.random.randint(ks[1], (2, E), 0, N, dtype=jnp.int32)
    inp["edge_label_index"] = jax.random.randint(ks[2], (2, EQ), 0, N, dtype=jnp.int32)
    # SAGEConv 1: lin_l (applied to aggregated neighbors, with bias), lin_r (root, no bias)
    inp["W_l1"] = jax.random.normal(ks[3], (H, D), dtype=jnp.float32) * (1.0 / np.sqrt(D))
    inp["b_l1"] = jnp.zeros((H,), dtype=jnp.float32)
    inp["W_r1"] = jax.random.normal(ks[4], (H, D), dtype=jnp.float32) * (1.0 / np.sqrt(D))
    # SAGEConv 2
    inp["W_l2"] = jax.random.normal(ks[5], (H, H), dtype=jnp.float32) * (1.0 / np.sqrt(H))
    inp["b_l2"] = jnp.zeros((H,), dtype=jnp.float32)
    inp["W_r2"] = jax.random.normal(ks[6], (H, H), dtype=jnp.float32) * (1.0 / np.sqrt(H))
    # post_mp: Linear(2H -> H), ReLU, Linear(H -> 1)
    inp["W1"] = jax.random.normal(ks[7], (H, 2 * H), dtype=jnp.float32) * (1.0 / np.sqrt(2 * H))
    inp["b1"] = jnp.zeros((H,), dtype=jnp.float32)
    inp["W2"] = jax.random.normal(ks[8], (1, H), dtype=jnp.float32) * (1.0 / np.sqrt(H))
    inp["b2"] = jnp.zeros((1,), dtype=jnp.float32)
    return inp


def _sage_conv(x, edge_index, Wl, bl, Wr):
    # PyG SAGEConv (mean aggregation): out = lin_l(mean_j x_j) + lin_r(x_i)
    src = edge_index[0]
    dst = edge_index[1]
    msg = x[src]  # gather
    agg = jax.ops.segment_sum(msg, dst, num_segments=N)  # scatter-add
    cnt = jax.ops.segment_sum(jnp.ones((edge_index.shape[1],), dtype=x.dtype), dst, num_segments=N)
    agg = agg / jnp.clip(cnt, 1.0)[:, None]
    return agg @ Wl.T + bl + x @ Wr.T


def reference(x, edge_index, edge_label_index, W_l1, b_l1, W_r1, W_l2, b_l2, W_r2, W1, b1, W2, b2):
    # encode
    z = jax.nn.relu(_sage_conv(x, edge_index, W_l1, b_l1, W_r1))
    z = _sage_conv(z, edge_index, W_l2, b_l2, W_r2)
    # decode
    s = edge_label_index[0]
    d = edge_label_index[1]
    edge_feat = jnp.concatenate([z[s], z[d]], axis=-1)
    h = jax.nn.relu(edge_feat @ W1.T + b1)
    out = h @ W2.T + b2
    return out.reshape(-1)

if __name__ == "__main__":
    import jax
    _d = setup_inputs()
    print(jax.jit(kernel)(*tuple(_d.values())))

</pallas_src>

<mosaic_0001>
#map = affine_map<(d0, d1) -> (0, 0)>
#map1 = affine_map<(d0, d1) -> (0, 0, 0)>
module attributes {stable_mosaic.version = 14 : i64} {
  func.func @_sc_agg_body(%arg0: i32, %arg1: i32, %arg2: memref<10000x128xf32, #tpu.memory_space<hbm>>, %arg3: memref<32x80x125xi32, #tpu.memory_space<hbm>>, %arg4: memref<32x80x125xi32, #tpu.memory_space<hbm>>, %arg5: memref<128x128xf32, #tpu.memory_space<hbm>>, %arg6: memref<2x10240x128xf32, #tpu.memory_space<hbm>>, %arg7: memref<8x125xi32, #tpu.memory_space<vmem>>, %arg8: memref<8x125xi32, #tpu.memory_space<vmem>>, %arg9: memref<125x128xf32, #tpu.memory_space<vmem>>, %arg10: memref<10240x128xf32, #tpu.memory_space<vmem_shared>>, %arg11: memref<!tpu.dma_semaphore, #tpu.memory_space<semaphore_mem>>) attributes {dimension_semantics = [#tpu.dimension_semantics<core_parallel>, #tpu.dimension_semantics<subcore_parallel>], iteration_bounds = array<i64: 2, 16>, scalar_prefetch = 0 : i64, scratch_operands = 5 : i64, tpu.core_type = #tpu.core_type<sc_vector_subcore>, window_params = [{transform_indices = #map}, {transform_indices = #map1}, {transform_indices = #map1}, {transform_indices = #map}, {transform_indices = #map1}]} {
    %mul3A = arith.constant 2 : i32
    %mul3A_0 = arith.muli %arg1, %mul3A : i32
    %add3A = arith.addi %mul3A_0, %arg0 : i32
    %mul3A_1 = arith.constant 640 : i32
    %mul3A_2 = arith.muli %arg1, %mul3A_1 : i32
    %add3A_3 = arith.constant 0 : i32
    %add3A_4 = arith.addi %mul3A_2, %add3A_3 : i32
    "tpu.region"() ({
      %run_scoped3A = tpu.sem_alloc : memref<!tpu.dma_semaphore, #tpu.memory_space<semaphore_mem>>
      %dma_start3A = arith.constant 0 : i32
      %dma_start3A_30 = tpu.memref_slice %arg10[%add3A_4, %dma_start3A] : memref<10240x128xf32, #tpu.memory_space<vmem_shared>> -> memref<128x128xf32, #tpu.memory_space<vmem_shared>>
      tpu.enqueue_dma source(%arg5 : memref<128x128xf32, #tpu.memory_space<hbm>>) target(%dma_start3A_30 : memref<128x128xf32, #tpu.memory_space<vmem_shared>>) target_semaphore(%run_scoped3A : memref<!tpu.dma_semaphore, #tpu.memory_space<semaphore_mem>>)
      %dma_wait3A = arith.constant 0 : i32
      %dma_wait3A_31 = tpu.memref_slice %arg10[%add3A_4, %dma_wait3A] : memref<10240x128xf32, #tpu.memory_space<vmem_shared>> -> memref<128x128xf32, #tpu.memory_space<vmem_shared>>
      tpu.wait_dma2 semaphore(%run_scoped3A : memref<!tpu.dma_semaphore, #tpu.memory_space<semaphore_mem>>) src(%arg5 : memref<128x128xf32, #tpu.memory_space<hbm>>) dst(%dma_wait3A_31 : memref<128x128xf32, #tpu.memory_space<vmem_shared>>)
      tpu.yield
    }) : () -> ()
    %add3A_5 = arith.constant 128 : i32
    %add3A_6 = arith.addi %mul3A_2, %add3A_5 : i32
    "tpu.region"() ({
      %run_scoped3A = tpu.sem_alloc : memref<!tpu.dma_semaphore, #tpu.memory_space<semaphore_mem>>
      %dma_start3A = arith.constant 0 : i32
      %dma_start3A_30 = tpu.memref_slice %arg10[%add3A_6, %dma_start3A] : memref<10240x128xf32, #tpu.memory_space<vmem_shared>> -> memref<128x128xf32, #tpu.memory_space<vmem_shared>>
      tpu.enqueue_dma source(%arg5 : memref<128x128xf32, #tpu.memory_space<hbm>>) target(%dma_start3A_30 : memref<128x128xf32, #tpu.memory_space<vmem_shared>>) target_semaphore(%run_scoped3A : memref<!tpu.dma_semaphore, #tpu.memory_space<semaphore_mem>>)
      %dma_wait3A = arith.constant 0 : i32
      %dma_wait3A_31 = tpu.memref_slice %arg10[%add3A_6, %dma_wait3A] : memref<10240x128xf32, #tpu.memory_space<vmem_shared>> -> memref<128x128xf32, #tpu.memory_space<vmem_shared>>
      tpu.wait_dma2 semaphore(%run_scoped3A : memref<!tpu.dma_semaphore, #tpu.memory_space<semaphore_mem>>) src(%arg5 : memref<128x128xf32, #tpu.memory_space<hbm>>) dst(%dma_wait3A_31 : memref<128x128xf32, #tpu.memory_space<vmem_shared>>)
      tpu.yield
    }) : () -> ()
    %add3A_7 = arith.constant 256 : i32
    %add3A_8 = arith.addi %mul3A_2, %add3A_7 : i32
    "tpu.region"() ({
      %run_scoped3A = tpu.sem_alloc : memref<!tpu.dma_semaphore, #tpu.memory_space<semaphore_mem>>
      %dma_start3A = arith.constant 0 : i32
      %dma_start3A_30 = tpu.memref_slice %arg10[%add3A_8, %dma_start3A] : memref<10240x128xf32, #tpu.memory_space<vmem_shared>> -> memref<128x128xf32, #tpu.memory_space<vmem_shared>>
      tpu.enqueue_dma source(%arg5 : memref<128x128xf32, #tpu.memory_space<hbm>>) target(%dma_start3A_30 : memref<128x128xf32, #tpu.memory_space<vmem_shared>>) target_semaphore(%run_scoped3A : memref<!tpu.dma_semaphore, #tpu.memory_space<semaphore_mem>>)
      %dma_wait3A = arith.constant 0 : i32
      %dma_wait3A_31 = tpu.memref_slice %arg10[%add3A_8, %dma_wait3A] : memref<10240x128xf32, #tpu.memory_space<vmem_shared>> -> memref<128x128xf32, #tpu.memory_space<vmem_shared>>
      tpu.wait_dma2 semaphore(%run_scoped3A : memref<!tpu.dma_semaphore, #tpu.memory_space<semaphore_mem>>) src(%arg5 : memref<128x128xf32, #tpu.memory_space<hbm>>) dst(%dma_wait3A_31 : memref<128x128xf32, #tpu.memory_space<vmem_shared>>)
      tpu.yield
    }) : () -> ()
    %add3A_9 = arith.constant 384 : i32
    %add3A_10 = arith.addi %mul3A_2, %add3A_9 : i32
    "tpu.region"() ({
      %run_scoped3A = tpu.sem_alloc : memref<!tpu.dma_semaphore, #tpu.memory_space<semaphore_mem>>
      %dma_start3A = arith.constant 0 : i32
      %dma_start3A_30 = tpu.memref_slice %arg10[%add3A_10, %dma_start3A] : memref<10240x128xf32, #tpu.memory_space<vmem_shared>> -> memref<128x128xf32, #tpu.memory_space<vmem_shared>>
      tpu.enqueue_dma source(%arg5 : memref<128x128xf32, #tpu.memory_space<hbm>>) target(%dma_start3A_30 : memref<128x128xf32, #tpu.memory_space<vmem_shared>>) target_semaphore(%run_scoped3A : memref<!tpu.dma_semaphore, #tpu.memory_space<semaphore_mem>>)
      %dma_wait3A = arith.constant 0 : i32
      %dma_wait3A_31 = tpu.memref_slice %arg10[%add3A_10, %dma_wait3A] : memref<10240x128xf32, #tpu.memory_space<vmem_shared>> -> memref<128x128xf32, #tpu.memory_space<vmem_shared>>
      tpu.wait_dma2 semaphore(%run_scoped3A : memref<!tpu.dma_semaphore, #tpu.memory_space<semaphore_mem>>) src(%arg5 : memref<128x128xf32, #tpu.memory_space<hbm>>) dst(%dma_wait3A_31 : memref<128x128xf32, #tpu.memory_space<vmem_shared>>)
      tpu.yield
    }) : () -> ()
    %add3A_11 = arith.constant 512 : i32
    %add3A_12 = arith.addi %mul3A_2, %add3A_11 : i32
    "tpu.region"() ({
      %run_scoped3A = tpu.sem_alloc : memref<!tpu.dma_semaphore, #tpu.memory_space<semaphore_mem>>
      %dma_start3A = arith.constant 0 : i32
      %dma_start3A_30 = tpu.memref_slice %arg10[%add3A_12, %dma_start3A] : memref<10240x128xf32, #tpu.memory_space<vmem_shared>> -> memref<128x128xf32, #tpu.memory_space<vmem_shared>>
      tpu.enqueue_dma source(%arg5 : memref<128x128xf32, #tpu.memory_space<hbm>>) target(%dma_start3A_30 : memref<128x128xf32, #tpu.memory_space<vmem_shared>>) target_semaphore(%run_scoped3A : memref<!tpu.dma_semaphore, #tpu.memory_space<semaphore_mem>>)
      %dma_wait3A = arith.constant 0 : i32
      %dma_wait3A_31 = tpu.memref_slice %arg10[%add3A_12, %dma_wait3A] : memref<10240x128xf32, #tpu.memory_space<vmem_shared>> -> memref<128x128xf32, #tpu.memory_space<vmem_shared>>
      tpu.wait_dma2 semaphore(%run_scoped3A : memref<!tpu.dma_semaphore, #tpu.memory_space<semaphore_mem>>) src(%arg5 : memref<128x128xf32, #tpu.memory_space<hbm>>) dst(%dma_wait3A_31 : memref<128x128xf32, #tpu.memory_space<vmem_shared>>)
      tpu.yield
    }) : () -> ()
    %barrier3A = arith.constant 0 : index
    tpu.barrier barrier_id(%barrier3A)
    %scan3A = arith.constant 0 : i32
    %scan3A_13 = arith.constant 0 : i32
    %scan3A_14 = arith.constant 10 : i32
    %scan3A_15 = arith.addi %scan3A_13, %scan3A_14 : i32
    %scan3A_16 = arith.constant 1 : i32
    %scan3A_17 = scf.for %scan3A_30 = %scan3A_13 to %scan3A_15 step %scan3A_16 iter_args(%scan3A_31 = %scan3A) -> (i32)  : i32 {
      %mul3A_32 = arith.constant 8 : i32
      %mul3A_33 = arith.muli %scan3A_30, %mul3A_32 : i32
      "tpu.region"() ({
        %run_scoped3A = tpu.sem_alloc : memref<!tpu.dma_semaphore, #tpu.memory_space<semaphore_mem>>
        %dma_start3A = arith.constant 0 : i32
        %dma_start3A_44 = tpu.memref_slice %arg3[%add3A, %mul3A_33, %dma_start3A] : memref<32x80x125xi32, #tpu.memory_space<hbm>> -> memref<1x8x125xi32, #tpu.memory_space<hbm>>
        %dma_start3A_45 = tpu.memref_squeeze %dma_start3A_44 : memref<1x8x125xi32, #tpu.memory_space<hbm>> -> memref<8x125xi32, #tpu.memory_space<hbm>>
        %dma_start3A_46 = arith.constant 0 : i32
        %dma_start3A_47 = tpu.memref_slice %arg3[%add3A, %mul3A_33, %dma_start3A_46] : memref<32x80x125xi32, #tpu.memory_space<hbm>> -> memref<1x8x125xi32, #tpu.memory_space<hbm>>
        %dma_start3A_48 = tpu.memref_squeeze %dma_start3A_47 : memref<1x8x125xi32, #tpu.memory_space<hbm>> -> memref<8x125xi32, #tpu.memory_space<hbm>>
        tpu.enqueue_dma source(%dma_start3A_48 : memref<8x125xi32, #tpu.memory_space<hbm>>) target(%arg7 : memref<8x125xi32, #tpu.memory_space<vmem>>) target_semaphore(%run_scoped3A : memref<!tpu.dma_semaphore, #tpu.memory_space<semaphore_mem>>)
        %dma_wait3A = arith.constant 0 : i32
        %dma_wait3A_49 = tpu.memref_slice %arg3[%add3A, %mul3A_33, %dma_wait3A] : memref<32x80x125xi32, #tpu.memory_space<hbm>> -> memref<1x8x125xi32, #tpu.memory_space<hbm>>
        %dma_wait3A_50 = tpu.memref_squeeze %dma_wait3A_49 : memref<1x8x125xi32, #tpu.memory_space<hbm>> -> memref<8x125xi32, #tpu.memory_space<hbm>>
        %dma_wait3A_51 = arith.constant 0 : i32
        %dma_wait3A_52 = tpu.memref_slice %arg3[%add3A, %mul3A_33, %dma_wait3A_51] : memref<32x80x125xi32, #tpu.memory_space<hbm>> -> memref<1x8x125xi32, #tpu.memory_space<hbm>>
        %dma_wait3A_53 = tpu.memref_squeeze %dma_wait3A_52 : memref<1x8x125xi32, #tpu.memory_space<hbm>> -> memref<8x125xi32, #tpu.memory_space<hbm>>
        tpu.wait_dma2 semaphore(%run_scoped3A : memref<!tpu.dma_semaphore, #tpu.memory_space<semaphore_mem>>) src(%dma_wait3A_53 : memref<8x125xi32, #tpu.memory_space<hbm>>) dst(%arg7 : memref<8x125xi32, #tpu.memory_space<vmem>>)
        tpu.yield
      }) : () -> ()
      %mul3A_34 = arith.constant 8 : i32
      %mul3A_35 = arith.muli %scan3A_30, %mul3A_34 : i32
      "tpu.region"() ({
        %run_scoped3A = tpu.sem_alloc : memref<!tpu.dma_semaphore, #tpu.memory_space<semaphore_mem>>
        %dma_start3A = arith.constant 0 : i32
        %dma_start3A_44 = tpu.memref_slice %arg4[%add3A, %mul3A_35, %dma_start3A] : memref<32x80x125xi32, #tpu.memory_space<hbm>> -> memref<1x8x125xi32, #tpu.memory_space<hbm>>
        %dma_start3A_45 = tpu.memref_squeeze %dma_start3A_44 : memref<1x8x125xi32, #tpu.memory_space<hbm>> -> memref<8x125xi32, #tpu.memory_space<hbm>>
        %dma_start3A_46 = arith.constant 0 : i32
        %dma_start3A_47 = tpu.memref_slice %arg4[%add3A, %mul3A_35, %dma_start3A_46] : memref<32x80x125xi32, #tpu.memory_space<hbm>> -> memref<1x8x125xi32, #tpu.memory_space<hbm>>
        %dma_start3A_48 = tpu.memref_squeeze %dma_start3A_47 : memref<1x8x125xi32, #tpu.memory_space<hbm>> -> memref<8x125xi32, #tpu.memory_space<hbm>>
        tpu.enqueue_dma source(%dma_start3A_48 : memref<8x125xi32, #tpu.memory_space<hbm>>) target(%arg8 : memref<8x125xi32, #tpu.memory_space<vmem>>) target_semaphore(%run_scoped3A : memref<!tpu.dma_semaphore, #tpu.memory_space<semaphore_mem>>)
        %dma_wait3A = arith.constant 0 : i32
        %dma_wait3A_49 = tpu.memref_slice %arg4[%add3A, %mul3A_35, %dma_wait3A] : memref<32x80x125xi32, #tpu.memory_space<hbm>> -> memref<1x8x125xi32, #tpu.memory_space<hbm>>
        %dma_wait3A_50 = tpu.memref_squeeze %dma_wait3A_49 : memref<1x8x125xi32, #tpu.memory_space<hbm>> -> memref<8x125xi32, #tpu.memory_space<hbm>>
        %dma_wait3A_51 = arith.constant 0 : i32
        %dma_wait3A_52 = tpu.memref_slice %arg4[%add3A, %mul3A_35, %dma_wait3A_51] : memref<32x80x125xi32, #tpu.memory_space<hbm>> -> memref<1x8x125xi32, #tpu.memory_space<hbm>>
        %dma_wait3A_53 = tpu.memref_squeeze %dma_wait3A_52 : memref<1x8x125xi32, #tpu.memory_space<hbm>> -> memref<8x125xi32, #tpu.memory_space<hbm>>
        tpu.wait_dma2 semaphore(%run_scoped3A : memref<!tpu.dma_semaphore, #tpu.memory_space<semaphore_mem>>) src(%dma_wait3A_53 : memref<8x125xi32, #tpu.memory_space<hbm>>) dst(%arg8 : memref<8x125xi32, #tpu.memory_space<vmem>>)
        tpu.yield
      }) : () -> ()
      %scan3A_36 = arith.constant 0 : i32
      %scan3A_37 = arith.constant 0 : i32
      %scan3A_38 = arith.constant 8 : i32
      %scan3A_39 = arith.addi %scan3A_37, %scan3A_38 : i32
      %scan3A_40 = arith.constant 1 : i32
      %scan3A_41 = scf.for %scan3A_44 = %scan3A_37 to %scan3A_39 step %scan3A_40 iter_args(%scan3A_45 = %scan3A_36) -> (i32)  : i32 {
        %dma_start3A = arith.constant 0 : i32
        %dma_start3A_46 = tpu.memref_slice %arg7[%scan3A_44, %dma_start3A] : memref<8x125xi32, #tpu.memory_space<vmem>> -> memref<1x125xi32, #tpu.memory_space<vmem>>
        %dma_start3A_47 = tpu.memref_squeeze %dma_start3A_46 : memref<1x125xi32, #tpu.memory_space<vmem>> -> memref<125xi32, #tpu.memory_space<vmem>>
        %dma_start3A_48 = arith.constant 0 : i32
        %dma_start3A_49 = arith.constant 0 : i32
        %dma_start3A_50 = tpu.memref_slice %arg2[%dma_start3A_48, %dma_start3A_49] : memref<10000x128xf32, #tpu.memory_space<hbm>> -> memref<10000x128xf32, #tpu.memory_space<hbm>>
        tpu.enqueue_indirect_dma source(%dma_start3A_50 : memref<10000x128xf32, #tpu.memory_space<hbm>>) target(%arg9 : memref<125x128xf32, #tpu.memory_space<vmem>>) offsets(%dma_start3A_47 : memref<125xi32, #tpu.memory_space<vmem>>) semaphore(%arg11 : memref<!tpu.dma_semaphore, #tpu.memory_space<semaphore_mem>>)
        %dma_wait3A = arith.constant 0 : i32
        %dma_wait3A_51 = tpu.memref_slice %arg7[%scan3A_44, %dma_wait3A] : memref<8x125xi32, #tpu.memory_space<vmem>> -> memref<1x125xi32, #tpu.memory_space<vmem>>
        %dma_wait3A_52 = tpu.memref_squeeze %dma_wait3A_51 : memref<1x125xi32, #tpu.memory_space<vmem>> -> memref<125xi32, #tpu.memory_space<vmem>>
        %dma_wait3A_53 = arith.constant 0 : i32
        %dma_wait3A_54 = arith.constant 0 : i32
        %dma_wait3A_55 = tpu.memref_slice %arg2[%dma_wait3A_53, %dma_wait3A_54] : memref<10000x128xf32, #tpu.memory_space<hbm>> -> memref<10000x128xf32, #tpu.memory_space<hbm>>
        tpu.wait_indirect_dma semaphore(%arg11 : memref<!tpu.dma_semaphore, #tpu.memory_space<semaphore_mem>>) src(%dma_wait3A_55 : memref<10000x128xf32, #tpu.memory_space<hbm>>) dst(%arg9 : memref<125x128xf32, #tpu.memory_space<vmem>>)
        "tpu.region"() ({
          %run_scoped3A = tpu.sem_alloc : memref<!tpu.dma_semaphore, #tpu.memory_space<semaphore_mem>>
          %dma_start3A_57 = arith.constant 0 : i32
          %dma_start3A_58 = tpu.memref_slice %arg8[%scan3A_44, %dma_start3A_57] : memref<8x125xi32, #tpu.memory_space<vmem>> -> memref<1x125xi32, #tpu.memory_space<vmem>>
          %dma_start3A_59 = tpu.memref_squeeze %dma_start3A_58 : memref<1x125xi32, #tpu.memory_space<vmem>> -> memref<125xi32, #tpu.memory_space<vmem>>
          %dma_start3A_60 = arith.constant 0 : i32
          %dma_start3A_61 = arith.constant 0 : i32
          %dma_start3A_62 = tpu.memref_slice %arg10[%dma_start3A_60, %dma_start3A_61] : memref<10240x128xf32, #tpu.memory_space<vmem_shared>> -> memref<10240x128xf32, #tpu.memory_space<vmem_shared>>
          tpu.enqueue_indirect_dma source(%arg9 : memref<125x128xf32, #tpu.memory_space<vmem>>) target(%dma_start3A_62 : memref<10240x128xf32, #tpu.memory_space<vmem_shared>>) offsets(%dma_start3A_59 : memref<125xi32, #tpu.memory_space<vmem>>) semaphore(%run_scoped3A : memref<!tpu.dma_semaphore, #tpu.memory_space<semaphore_mem>>) {add = true}
          %dma_wait3A_63 = arith.constant 0 : i32
          %dma_wait3A_64 = tpu.memref_slice %arg8[%scan3A_44, %dma_wait3A_63] : memref<8x125xi32, #tpu.memory_space<vmem>> -> memref<1x125xi32, #tpu.memory_space<vmem>>
          %dma_wait3A_65 = tpu.memref_squeeze %dma_wait3A_64 : memref<1x125xi32, #tpu.memory_space<vmem>> -> memref<125xi32, #tpu.memory_space<vmem>>
          %dma_wait3A_66 = arith.constant 0 : i32
          %dma_wait3A_67 = arith.constant 0 : i32
          %dma_wait3A_68 = tpu.memref_slice %arg10[%dma_wait3A_66, %dma_wait3A_67] : memref<10240x128xf32, #tpu.memory_space<vmem_shared>> -> memref<10240x128xf32, #tpu.memory_space<vmem_shared>>
          tpu.wait_indirect_dma semaphore(%run_scoped3A : memref<!tpu.dma_semaphore, #tpu.memory_space<semaphore_mem>>) src(%arg9 : memref<125x128xf32, #tpu.memory_space<vmem>>) dst(%dma_wait3A_68 : memref<10240x128xf32, #tpu.memory_space<vmem_shared>>)
          tpu.yield
        }) : () -> ()
        %scan3A_56 = arith.constant 0 : i32
        scf.yield %scan3A_56 : i32
      }
      %scan3A_42 = arith.constant 8 : i32
      %scan3A_43 = arith.constant 0 : i32
      scf.yield %scan3A_43 : i32
    }
    %scan3A_18 = arith.constant 10 : i32
    %barrier3A_19 = arith.constant 0 : index
    tpu.barrier barrier_id(%barrier3A_19)
    %add3A_20 = arith.constant 0 : i32
    %add3A_21 = arith.addi %mul3A_2, %add3A_20 : i32
    "tpu.region"() ({
      %run_scoped3A = tpu.sem_alloc : memref<!tpu.dma_semaphore, #tpu.memory_space<semaphore_mem>>
      %dma_start3A = arith.constant 0 : i32
      %dma_start3A_30 = tpu.memref_slice %arg6[%arg0, %add3A_21, %dma_start3A] : memref<2x10240x128xf32, #tpu.memory_space<hbm>> -> memref<1x128x128xf32, #tpu.memory_space<hbm>>
      %dma_start3A_31 = tpu.memref_squeeze %dma_start3A_30 : memref<1x128x128xf32, #tpu.memory_space<hbm>> -> memref<128x128xf32, #tpu.memory_space<hbm>>
      %dma_start3A_32 = arith.constant 0 : i32
      %dma_start3A_33 = tpu.memref_slice %arg10[%add3A_21, %dma_start3A_32] : memref<10240x128xf32, #tpu.memory_space<vmem_shared>> -> memref<128x128xf32, #tpu.memory_space<vmem_shared>>
      tpu.enqueue_dma source(%dma_start3A_33 : memref<128x128xf32, #tpu.memory_space<vmem_shared>>) target(%dma_start3A_31 : memref<128x128xf32, #tpu.memory_space<hbm>>) target_semaphore(%run_scoped3A : memref<!tpu.dma_semaphore, #tpu.memory_space<semaphore_mem>>)
      %dma_wait3A = arith.constant 0 : i32
      %dma_wait3A_34 = tpu.memref_slice %arg6[%arg0, %add3A_21, %dma_wait3A] : memref<2x10240x128xf32, #tpu.memory_space<hbm>> -> memref<1x128x128xf32, #tpu.memory_space<hbm>>
      %dma_wait3A_35 = tpu.memref_squeeze %dma_wait3A_34 : memref<1x128x128xf32, #tpu.memory_space<hbm>> -> memref<128x128xf32, #tpu.memory_space<hbm>>
      %dma_wait3A_36 = arith.constant 0 : i32
      %dma_wait3A_37 = tpu.memref_slice %arg10[%add3A_21, %dma_wait3A_36] : memref<10240x128xf32, #tpu.memory_space<vmem_shared>> -> memref<128x128xf32, #tpu.memory_space<vmem_shared>>
      tpu.wait_dma2 semaphore(%run_scoped3A : memref<!tpu.dma_semaphore, #tpu.memory_space<semaphore_mem>>) src(%dma_wait3A_37 : memref<128x128xf32, #tpu.memory_space<vmem_shared>>) dst(%dma_wait3A_35 : memref<128x128xf32, #tpu.memory_space<hbm>>)
      tpu.yield
    }) : () -> ()
    %add3A_22 = arith.constant 128 : i32
    %add3A_23 = arith.addi %mul3A_2, %add3A_22 : i32
    "tpu.region"() ({
      %run_scoped3A = tpu.sem_alloc : memref<!tpu.dma_semaphore, #tpu.memory_space<semaphore_mem>>
      %dma_start3A = arith.constant 0 : i32
      %dma_start3A_30 = tpu.memref_slice %arg6[%arg0, %add3A_23, %dma_start3A] : memref<2x10240x128xf32, #tpu.memory_space<hbm>> -> memref<1x128x128xf32, #tpu.memory_space<hbm>>
      %dma_start3A_31 = tpu.memref_squeeze %dma_start3A_30 : memref<1x128x128xf32, #tpu.memory_space<hbm>> -> memref<128x128xf32, #tpu.memory_space<hbm>>
      %dma_start3A_32 = arith.constant 0 : i32
      %dma_start3A_33 = tpu.memref_slice %arg10[%add3A_23, %dma_start3A_32] : memref<10240x128xf32, #tpu.memory_space<vmem_shared>> -> memref<128x128xf32, #tpu.memory_space<vmem_shared>>
      tpu.enqueue_dma source(%dma_start3A_33 : memref<128x128xf32, #tpu.memory_space<vmem_shared>>) target(%dma_start3A_31 : memref<128x128xf32, #tpu.memory_space<hbm>>) target_semaphore(%run_scoped3A : memref<!tpu.dma_semaphore, #tpu.memory_space<semaphore_mem>>)
      %dma_wait3A = arith.constant 0 : i32
      %dma_wait3A_34 = tpu.memref_slice %arg6[%arg0, %add3A_23, %dma_wait3A] : memref<2x10240x128xf32, #tpu.memory_space<hbm>> -> memref<1x128x128xf32, #tpu.memory_space<hbm>>
      %dma_wait3A_35 = tpu.memref_squeeze %dma_wait3A_34 : memref<1x128x128xf32, #tpu.memory_space<hbm>> -> memref<128x128xf32, #tpu.memory_space<hbm>>
      %dma_wait3A_36 = arith.constant 0 : i32
      %dma_wait3A_37 = tpu.memref_slice %arg10[%add3A_23, %dma_wait3A_36] : memref<10240x128xf32, #tpu.memory_space<vmem_shared>> -> memref<128x128xf32, #tpu.memory_space<vmem_shared>>
      tpu.wait_dma2 semaphore(%run_scoped3A : memref<!tpu.dma_semaphore, #tpu.memory_space<semaphore_mem>>) src(%dma_wait3A_37 : memref<128x128xf32, #tpu.memory_space<vmem_shared>>) dst(%dma_wait3A_35 : memref<128x128xf32, #tpu.memory_space<hbm>>)
      tpu.yield
    }) : () -> ()
    %add3A_24 = arith.constant 256 : i32
    %add3A_25 = arith.addi %mul3A_2, %add3A_24 : i32
    "tpu.region"() ({
      %run_scoped3A = tpu.sem_alloc : memref<!tpu.dma_semaphore, #tpu.memory_space<semaphore_mem>>
      %dma_start3A = arith.constant 0 : i32
      %dma_start3A_30 = tpu.memref_slice %arg6[%arg0, %add3A_25, %dma_start3A] : memref<2x10240x128xf32, #tpu.memory_space<hbm>> -> memref<1x128x128xf32, #tpu.memory_space<hbm>>
      %dma_start3A_31 = tpu.memref_squeeze %dma_start3A_30 : memref<1x128x128xf32, #tpu.memory_space<hbm>> -> memref<128x128xf32, #tpu.memory_space<hbm>>
      %dma_start3A_32 = arith.constant 0 : i32
      %dma_start3A_33 = tpu.memref_slice %arg10[%add3A_25, %dma_start3A_32] : memref<10240x128xf32, #tpu.memory_space<vmem_shared>> -> memref<128x128xf32, #tpu.memory_space<vmem_shared>>
      tpu.enqueue_dma source(%dma_start3A_33 : memref<128x128xf32, #tpu.memory_space<vmem_shared>>) target(%dma_start3A_31 : memref<128x128xf32, #tpu.memory_space<hbm>>) target_semaphore(%run_scoped3A : memref<!tpu.dma_semaphore, #tpu.memory_space<semaphore_mem>>)
      %dma_wait3A = arith.constant 0 : i32
      %dma_wait3A_34 = tpu.memref_slice %arg6[%arg0, %add3A_25, %dma_wait3A] : memref<2x10240x128xf32, #tpu.memory_space<hbm>> -> memref<1x128x128xf32, #tpu.memory_space<hbm>>
      %dma_wait3A_35 = tpu.memref_squeeze %dma_wait3A_34 : memref<1x128x128xf32, #tpu.memory_space<hbm>> -> memref<128x128xf32, #tpu.memory_space<hbm>>
      %dma_wait3A_36 = arith.constant 0 : i32
      %dma_wait3A_37 = tpu.memref_slice %arg10[%add3A_25, %dma_wait3A_36] : memref<10240x128xf32, #tpu.memory_space<vmem_shared>> -> memref<128x128xf32, #tpu.memory_space<vmem_shared>>
      tpu.wait_dma2 semaphore(%run_scoped3A : memref<!tpu.dma_semaphore, #tpu.memory_space<semaphore_mem>>) src(%dma_wait3A_37 : memref<128x128xf32, #tpu.memory_space<vmem_shared>>) dst(%dma_wait3A_35 : memref<128x128xf32, #tpu.memory_space<hbm>>)
      tpu.yield
    }) : () -> ()
    %add3A_26 = arith.constant 384 : i32
    %add3A_27 = arith.addi %mul3A_2, %add3A_26 : i32
    "tpu.region"() ({
      %run_scoped3A = tpu.sem_alloc : memref<!tpu.dma_semaphore, #tpu.memory_space<semaphore_mem>>
      %dma_start3A = arith.constant 0 : i32
      %dma_start3A_30 = tpu.memref_slice %arg6[%arg0, %add3A_27, %dma_start3A] : memref<2x10240x128xf32, #tpu.memory_space<hbm>> -> memref<1x128x128xf32, #tpu.memory_space<hbm>>
      %dma_start3A_31 = tpu.memref_squeeze %dma_start3A_30 : memref<1x128x128xf32, #tpu.memory_space<hbm>> -> memref<128x128xf32, #tpu.memory_space<hbm>>
      %dma_start3A_32 = arith.constant 0 : i32
      %dma_start3A_33 = tpu.memref_slice %arg10[%add3A_27, %dma_start3A_32] : memref<10240x128xf32, #tpu.memory_space<vmem_shared>> -> memref<128x128xf32, #tpu.memory_space<vmem_shared>>
      tpu.enqueue_dma source(%dma_start3A_33 : memref<128x128xf32, #tpu.memory_space<vmem_shared>>) target(%dma_start3A_31 : memref<128x128xf32, #tpu.memory_space<hbm>>) target_semaphore(%run_scoped3A : memref<!tpu.dma_semaphore, #tpu.memory_space<semaphore_mem>>)
      %dma_wait3A = arith.constant 0 : i32
      %dma_wait3A_34 = tpu.memref_slice %arg6[%arg0, %add3A_27, %dma_wait3A] : memref<2x10240x128xf32, #tpu.memory_space<hbm>> -> memref<1x128x128xf32, #tpu.memory_space<hbm>>
      %dma_wait3A_35 = tpu.memref_squeeze %dma_wait3A_34 : memref<1x128x128xf32, #tpu.memory_space<hbm>> -> memref<128x128xf32, #tpu.memory_space<hbm>>
      %dma_wait3A_36 = arith.constant 0 : i32
      %dma_wait3A_37 = tpu.memref_slice %arg10[%add3A_27, %dma_wait3A_36] : memref<10240x128xf32, #tpu.memory_space<vmem_shared>> -> memref<128x128xf32, #tpu.memory_space<vmem_shared>>
      tpu.wait_dma2 semaphore(%run_scoped3A : memref<!tpu.dma_semaphore, #tpu.memory_space<semaphore_mem>>) src(%dma_wait3A_37 : memref<128x128xf32, #tpu.memory_space<vmem_shared>>) dst(%dma_wait3A_35 : memref<128x128xf32, #tpu.memory_space<hbm>>)
      tpu.yield
    }) : () -> ()
    %add3A_28 = arith.constant 512 : i32
    %add3A_29 = arith.addi %mul3A_2, %add3A_28 : i32
    "tpu.region"() ({
      %run_scoped3A = tpu.sem_alloc : memref<!tpu.dma_semaphore, #tpu.memory_space<semaphore_mem>>
      %dma_start3A = arith.constant 0 : i32
      %dma_start3A_30 = tpu.memref_slice %arg6[%arg0, %add3A_29, %dma_start3A] : memref<2x10240x128xf32, #tpu.memory_space<hbm>> -> memref<1x128x128xf32, #tpu.memory_space<hbm>>
      %dma_start3A_31 = tpu.memref_squeeze %dma_start3A_30 : memref<1x128x128xf32, #tpu.memory_space<hbm>> -> memref<128x128xf32, #tpu.memory_space<hbm>>
      %dma_start3A_32 = arith.constant 0 : i32
      %dma_start3A_33 = tpu.memref_slice %arg10[%add3A_29, %dma_start3A_32] : memref<10240x128xf32, #tpu.memory_space<vmem_shared>> -> memref<128x128xf32, #tpu.memory_space<vmem_shared>>
      tpu.enqueue_dma source(%dma_start3A_33 : memref<128x128xf32, #tpu.memory_space<vmem_shared>>) target(%dma_start3A_31 : memref<128x128xf32, #tpu.memory_space<hbm>>) target_semaphore(%run_scoped3A : memref<!tpu.dma_semaphore, #tpu.memory_space<semaphore_mem>>)
      %dma_wait3A = arith.constant 0 : i32
      %dma_wait3A_34 = tpu.memref_slice %arg6[%arg0, %add3A_29, %dma_wait3A] : memref<2x10240x128xf32, #tpu.memory_space<hbm>> -> memref<1x128x128xf32, #tpu.memory_space<hbm>>
      %dma_wait3A_35 = tpu.memref_squeeze %dma_wait3A_34 : memref<1x128x128xf32, #tpu.memory_space<hbm>> -> memref<128x128xf32, #tpu.memory_space<hbm>>
      %dma_wait3A_36 = arith.constant 0 : i32
      %dma_wait3A_37 = tpu.memref_slice %arg10[%add3A_29, %dma_wait3A_36] : memref<10240x128xf32, #tpu.memory_space<vmem_shared>> -> memref<128x128xf32, #tpu.memory_space<vmem_shared>>
      tpu.wait_dma2 semaphore(%run_scoped3A : memref<!tpu.dma_semaphore, #tpu.memory_space<semaphore_mem>>) src(%dma_wait3A_37 : memref<128x128xf32, #tpu.memory_space<vmem_shared>>) dst(%dma_wait3A_35 : memref<128x128xf32, #tpu.memory_space<hbm>>)
      tpu.yield
    }) : () -> ()
    return
  }
}

#map = affine_map<(d0, d1) -> (0, 0)>
#map1 = affine_map<(d0, d1) -> (0, 0, 0)>
module attributes {stable_mosaic.version = 14 : i64} {
  func.func @_sc_agg_body(%arg0: i32, %arg1: i32, %arg2: memref<10000x128xf32, #tpu.memory_space<hbm>>, %arg3: memref<32x80x125xi32, #tpu.memory_space<hbm>>, %arg4: memref<32x80x125xi32, #tpu.memory_space<hbm>>, %arg5: memref<128x128xf32, #tpu.memory_space<hbm>>, %arg6: memref<2x10240x128xf32, #tpu.memory_space<hbm>>, %arg7: memref<8x125xi32, #tpu.memory_space<vmem>>, %arg8: memref<8x125xi32, #tpu.memory_space<vmem>>, %arg9: memref<125x128xf32, #tpu.memory_space<vmem>>, %arg10: memref<10240x128xf32, #tpu.memory_space<vmem_shared>>, %arg11: memref<!tpu.dma_semaphore, #tpu.memory_space<semaphore_mem>>) attributes {dimension_semantics = [#tpu.dimension_semantics<core_parallel>, #tpu.dimension_semantics<subcore_parallel>], iteration_bounds = array<i64: 2, 16>, scalar_prefetch = 0 : i64, scratch_operands = 5 : i64, tpu.core_type = #tpu.core_type<sc_vector_subcore>, window_params = [{transform_indices = #map}, {transform_indices = #map1}, {transform_indices = #map1}, {transform_indices = #map}, {transform_indices = #map1}]} {
    %mul3A = arith.constant 2 : i32
    %mul3A_0 = arith.muli %arg1, %mul3A : i32
    %add3A = arith.addi %mul3A_0, %arg0 : i32
    %mul3A_1 = arith.constant 640 : i32
    %mul3A_2 = arith.muli %arg1, %mul3A_1 : i32
    %add3A_3 = arith.constant 0 : i32
    %add3A_4 = arith.addi %mul3A_2, %add3A_3 : i32
    "tpu.region"() ({
      %run_scoped3A = tpu.sem_alloc : memref<!tpu.dma_semaphore, #tpu.memory_space<semaphore_mem>>
      %dma_start3A = arith.constant 0 : i32
      %dma_start3A_30 = tpu.memref_slice %arg10[%add3A_4, %dma_start3A] : memref<10240x128xf32, #tpu.memory_space<vmem_shared>> -> memref<128x128xf32, #tpu.memory_space<vmem_shared>>
      tpu.enqueue_dma source(%arg5 : memref<128x128xf32, #tpu.memory_space<hbm>>) target(%dma_start3A_30 : memref<128x128xf32, #tpu.memory_space<vmem_shared>>) target_semaphore(%run_scoped3A : memref<!tpu.dma_semaphore, #tpu.memory_space<semaphore_mem>>)
      %dma_wait3A = arith.constant 0 : i32
      %dma_wait3A_31 = tpu.memref_slice %arg10[%add3A_4, %dma_wait3A] : memref<10240x128xf32, #tpu.memory_space<vmem_shared>> -> memref<128x128xf32, #tpu.memory_space<vmem_shared>>
      tpu.wait_dma2 semaphore(%run_scoped3A : memref<!tpu.dma_semaphore, #tpu.memory_space<semaphore_mem>>) src(%arg5 : memref<128x128xf32, #tpu.memory_space<hbm>>) dst(%dma_wait3A_31 : memref<128x128xf32, #tpu.memory_space<vmem_shared>>)
      tpu.yield
    }) : () -> ()
    %add3A_5 = arith.constant 128 : i32
    %add3A_6 = arith.addi %mul3A_2, %add3A_5 : i32
    "tpu.region"() ({
      %run_scoped3A = tpu.sem_alloc : memref<!tpu.dma_semaphore, #tpu.memory_space<semaphore_mem>>
      %dma_start3A = arith.constant 0 : i32
      %dma_start3A_30 = tpu.memref_slice %arg10[%add3A_6, %dma_start3A] : memref<10240x128xf32, #tpu.memory_space<vmem_shared>> -> memref<128x128xf32, #tpu.memory_space<vmem_shared>>
      tpu.enqueue_dma source(%arg5 : memref<128x128xf32, #tpu.memory_space<hbm>>) target(%dma_start3A_30 : memref<128x128xf32, #tpu.memory_space<vmem_shared>>) target_semaphore(%run_scoped3A : memref<!tpu.dma_semaphore, #tpu.memory_space<semaphore_mem>>)
      %dma_wait3A = arith.constant 0 : i32
      %dma_wait3A_31 = tpu.memref_slice %arg10[%add3A_6, %dma_wait3A] : memref<10240x128xf32, #tpu.memory_space<vmem_shared>> -> memref<128x128xf32, #tpu.memory_space<vmem_shared>>
      tpu.wait_dma2 semaphore(%run_scoped3A : memref<!tpu.dma_semaphore, #tpu.memory_space<semaphore_mem>>) src(%arg5 : memref<128x128xf32, #tpu.memory_space<hbm>>) dst(%dma_wait3A_31 : memref<128x128xf32, #tpu.memory_space<vmem_shared>>)
      tpu.yield
    }) : () -> ()
    %add3A_7 = arith.constant 256 : i32
    %add3A_8 = arith.addi %mul3A_2, %add3A_7 : i32
    "tpu.region"() ({
      %run_scoped3A = tpu.sem_alloc : memref<!tpu.dma_semaphore, #tpu.memory_space<semaphore_mem>>
      %dma_start3A = arith.constant 0 : i32
      %dma_start3A_30 = tpu.memref_slice %arg10[%add3A_8, %dma_start3A] : memref<10240x128xf32, #tpu.memory_space<vmem_shared>> -> memref<128x128xf32, #tpu.memory_space<vmem_shared>>
      tpu.enqueue_dma source(%arg5 : memref<128x128xf32, #tpu.memory_space<hbm>>) target(%dma_start3A_30 : memref<128x128xf32, #tpu.memory_space<vmem_shared>>) target_semaphore(%run_scoped3A : memref<!tpu.dma_semaphore, #tpu.memory_space<semaphore_mem>>)
      %dma_wait3A = arith.constant 0 : i32
      %dma_wait3A_31 = tpu.memref_slice %arg10[%add3A_8, %dma_wait3A] : memref<10240x128xf32, #tpu.memory_space<vmem_shared>> -> memref<128x128xf32, #tpu.memory_space<vmem_shared>>
      tpu.wait_dma2 semaphore(%run_scoped3A : memref<!tpu.dma_semaphore, #tpu.memory_space<semaphore_mem>>) src(%arg5 : memref<128x128xf32, #tpu.memory_space<hbm>>) dst(%dma_wait3A_31 : memref<128x128xf32, #tpu.memory_space<vmem_shared>>)
      tpu.yield
    }) : () -> ()
    %add3A_9 = arith.constant 384 : i32
    %add3A_10 = arith.addi %mul3A_2, %add3A_9 : i32
    "tpu.region"() ({
      %run_scoped3A = tpu.sem_alloc : memref<!tpu.dma_semaphore, #tpu.memory_space<semaphore_mem>>
      %dma_start3A = arith.constant 0 : i32
      %dma_start3A_30 = tpu.memref_slice %arg10[%add3A_10, %dma_start3A] : memref<10240x128xf32, #tpu.memory_space<vmem_shared>> -> memref<128x128xf32, #tpu.memory_space<vmem_shared>>
      tpu.enqueue_dma source(%arg5 : memref<128x128xf32, #tpu.memory_space<hbm>>) target(%dma_start3A_30 : memref<128x128xf32, #tpu.memory_space<vmem_shared>>) target_semaphore(%run_scoped3A : memref<!tpu.dma_semaphore, #tpu.memory_space<semaphore_mem>>)
      %dma_wait3A = arith.constant 0 : i32
      %dma_wait3A_31 = tpu.memref_slice %arg10[%add3A_10, %dma_wait3A] : memref<10240x128xf32, #tpu.memory_space<vmem_shared>> -> memref<128x128xf32, #tpu.memory_space<vmem_shared>>
      tpu.wait_dma2 semaphore(%run_scoped3A : memref<!tpu.dma_semaphore, #tpu.memory_space<semaphore_mem>>) src(%arg5 : memref<128x128xf32, #tpu.memory_space<hbm>>) dst(%dma_wait3A_31 : memref<128x128xf32, #tpu.memory_space<vmem_shared>>)
      tpu.yield
    }) : () -> ()
    %add3A_11 = arith.constant 512 : i32
    %add3A_12 = arith.addi %mul3A_2, %add3A_11 : i32
    "tpu.region"() ({
      %run_scoped3A = tpu.sem_alloc : memref<!tpu.dma_semaphore, #tpu.memory_space<semaphore_mem>>
      %dma_start3A = arith.constant 0 : i32
      %dma_start3A_30 = tpu.memref_slice %arg10[%add3A_12, %dma_start3A] : memref<10240x128xf32, #tpu.memory_space<vmem_shared>> -> memref<128x128xf32, #tpu.memory_space<vmem_shared>>
      tpu.enqueue_dma source(%arg5 : memref<128x128xf32, #tpu.memory_space<hbm>>) target(%dma_start3A_30 : memref<128x128xf32, #tpu.memory_space<vmem_shared>>) target_semaphore(%run_scoped3A : memref<!tpu.dma_semaphore, #tpu.memory_space<semaphore_mem>>)
      %dma_wait3A = arith.constant 0 : i32
      %dma_wait3A_31 = tpu.memref_slice %arg10[%add3A_12, %dma_wait3A] : memref<10240x128xf32, #tpu.memory_space<vmem_shared>> -> memref<128x128xf32, #tpu.memory_space<vmem_shared>>
      tpu.wait_dma2 semaphore(%run_scoped3A : memref<!tpu.dma_semaphore, #tpu.memory_space<semaphore_mem>>) src(%arg5 : memref<128x128xf32, #tpu.memory_space<hbm>>) dst(%dma_wait3A_31 : memref<128x128xf32, #tpu.memory_space<vmem_shared>>)
      tpu.yield
    }) : () -> ()
    %barrier3A = arith.constant 0 : index
    tpu.barrier barrier_id(%barrier3A)
    %scan3A = arith.constant 0 : i32
    %scan3A_13 = arith.constant 0 : i32
    %scan3A_14 = arith.constant 10 : i32
    %scan3A_15 = arith.addi %scan3A_13, %scan3A_14 : i32
    %scan3A_16 = arith.constant 1 : i32
    %scan3A_17 = scf.for %scan3A_30 = %scan3A_13 to %scan3A_15 step %scan3A_16 iter_args(%scan3A_31 = %scan3A) -> (i32)  : i32 {
      %mul3A_32 = arith.constant 8 : i32
      %mul3A_33 = arith.muli %scan3A_30, %mul3A_32 : i32
      "tpu.region"() ({
        %run_scoped3A = tpu.sem_alloc : memref<!tpu.dma_semaphore, #tpu.memory_space<semaphore_mem>>
        %dma_start3A = arith.constant 0 : i32
        %dma_start3A_44 = tpu.memref_slice %arg3[%add3A, %mul3A_33, %dma_start3A] : memref<32x80x125xi32, #tpu.memory_space<hbm>> -> memref<1x8x125xi32, #tpu.memory_space<hbm>>
        %dma_start3A_45 = tpu.memref_squeeze %dma_start3A_44 : memref<1x8x125xi32, #tpu.memory_space<hbm>> -> memref<8x125xi32, #tpu.memory_space<hbm>>
        %dma_start3A_46 = arith.constant 0 : i32
        %dma_start3A_47 = tpu.memref_slice %arg3[%add3A, %mul3A_33, %dma_start3A_46] : memref<32x80x125xi32, #tpu.memory_space<hbm>> -> memref<1x8x125xi32, #tpu.memory_space<hbm>>
        %dma_start3A_48 = tpu.memref_squeeze %dma_start3A_47 : memref<1x8x125xi32, #tpu.memory_space<hbm>> -> memref<8x125xi32, #tpu.memory_space<hbm>>
        tpu.enqueue_dma source(%dma_start3A_48 : memref<8x125xi32, #tpu.memory_space<hbm>>) target(%arg7 : memref<8x125xi32, #tpu.memory_space<vmem>>) target_semaphore(%run_scoped3A : memref<!tpu.dma_semaphore, #tpu.memory_space<semaphore_mem>>)
        %dma_wait3A = arith.constant 0 : i32
        %dma_wait3A_49 = tpu.memref_slice %arg3[%add3A, %mul3A_33, %dma_wait3A] : memref<32x80x125xi32, #tpu.memory_space<hbm>> -> memref<1x8x125xi32, #tpu.memory_space<hbm>>
        %dma_wait3A_50 = tpu.memref_squeeze %dma_wait3A_49 : memref<1x8x125xi32, #tpu.memory_space<hbm>> -> memref<8x125xi32, #tpu.memory_space<hbm>>
        %dma_wait3A_51 = arith.constant 0 : i32
        %dma_wait3A_52 = tpu.memref_slice %arg3[%add3A, %mul3A_33, %dma_wait3A_51] : memref<32x80x125xi32, #tpu.memory_space<hbm>> -> memref<1x8x125xi32, #tpu.memory_space<hbm>>
        %dma_wait3A_53 = tpu.memref_squeeze %dma_wait3A_52 : memref<1x8x125xi32, #tpu.memory_space<hbm>> -> memref<8x125xi32, #tpu.memory_space<hbm>>
        tpu.wait_dma2 semaphore(%run_scoped3A : memref<!tpu.dma_semaphore, #tpu.memory_space<semaphore_mem>>) src(%dma_wait3A_53 : memref<8x125xi32, #tpu.memory_space<hbm>>) dst(%arg7 : memref<8x125xi32, #tpu.memory_space<vmem>>)
        tpu.yield
      }) : () -> ()
      %mul3A_34 = arith.constant 8 : i32
      %mul3A_35 = arith.muli %scan3A_30, %mul3A_34 : i32
      "tpu.region"() ({
        %run_scoped3A = tpu.sem_alloc : memref<!tpu.dma_semaphore, #tpu.memory_space<semaphore_mem>>
        %dma_start3A = arith.constant 0 : i32
        %dma_start3A_44 = tpu.memref_slice %arg4[%add3A, %mul3A_35, %dma_start3A] : memref<32x80x125xi32, #tpu.memory_space<hbm>> -> memref<1x8x125xi32, #tpu.memory_space<hbm>>
        %dma_start3A_45 = tpu.memref_squeeze %dma_start3A_44 : memref<1x8x125xi32, #tpu.memory_space<hbm>> -> memref<8x125xi32, #tpu.memory_space<hbm>>
        %dma_start3A_46 = arith.constant 0 : i32
        %dma_start3A_47 = tpu.memref_slice %arg4[%add3A, %mul3A_35, %dma_start3A_46] : memref<32x80x125xi32, #tpu.memory_space<hbm>> -> memref<1x8x125xi32, #tpu.memory_space<hbm>>
        %dma_start3A_48 = tpu.memref_squeeze %dma_start3A_47 : memref<1x8x125xi32, #tpu.memory_space<hbm>> -> memref<8x125xi32, #tpu.memory_space<hbm>>
        tpu.enqueue_dma source(%dma_start3A_48 : memref<8x125xi32, #tpu.memory_space<hbm>>) target(%arg8 : memref<8x125xi32, #tpu.memory_space<vmem>>) target_semaphore(%run_scoped3A : memref<!tpu.dma_semaphore, #tpu.memory_space<semaphore_mem>>)
        %dma_wait3A = arith.constant 0 : i32
        %dma_wait3A_49 = tpu.memref_slice %arg4[%add3A, %mul3A_35, %dma_wait3A] : memref<32x80x125xi32, #tpu.memory_space<hbm>> -> memref<1x8x125xi32, #tpu.memory_space<hbm>>
        %dma_wait3A_50 = tpu.memref_squeeze %dma_wait3A_49 : memref<1x8x125xi32, #tpu.memory_space<hbm>> -> memref<8x125xi32, #tpu.memory_space<hbm>>
        %dma_wait3A_51 = arith.constant 0 : i32
        %dma_wait3A_52 = tpu.memref_slice %arg4[%add3A, %mul3A_35, %dma_wait3A_51] : memref<32x80x125xi32, #tpu.memory_space<hbm>> -> memref<1x8x125xi32, #tpu.memory_space<hbm>>
        %dma_wait3A_53 = tpu.memref_squeeze %dma_wait3A_52 : memref<1x8x125xi32, #tpu.memory_space<hbm>> -> memref<8x125xi32, #tpu.memory_space<hbm>>
        tpu.wait_dma2 semaphore(%run_scoped3A : memref<!tpu.dma_semaphore, #tpu.memory_space<semaphore_mem>>) src(%dma_wait3A_53 : memref<8x125xi32, #tpu.memory_space<hbm>>) dst(%arg8 : memref<8x125xi32, #tpu.memory_space<vmem>>)
        tpu.yield
      }) : () -> ()
      %scan3A_36 = arith.constant 0 : i32
      %scan3A_37 = arith.constant 0 : i32
      %scan3A_38 = arith.constant 8 : i32
      %scan3A_39 = arith.addi %scan3A_37, %scan3A_38 : i32
      %scan3A_40 = arith.constant 1 : i32
      %scan3A_41 = scf.for %scan3A_44 = %scan3A_37 to %scan3A_39 step %scan3A_40 iter_args(%scan3A_45 = %scan3A_36) -> (i32)  : i32 {
        %dma_start3A = arith.constant 0 : i32
        %dma_start3A_46 = tpu.memref_slice %arg7[%scan3A_44, %dma_start3A] : memref<8x125xi32, #tpu.memory_space<vmem>> -> memref<1x125xi32, #tpu.memory_space<vmem>>
        %dma_start3A_47 = tpu.memref_squeeze %dma_start3A_46 : memref<1x125xi32, #tpu.memory_space<vmem>> -> memref<125xi32, #tpu.memory_space<vmem>>
        %dma_start3A_48 = arith.constant 0 : i32
        %dma_start3A_49 = arith.constant 0 : i32
        %dma_start3A_50 = tpu.memref_slice %arg2[%dma_start3A_48, %dma_start3A_49] : memref<10000x128xf32, #tpu.memory_space<hbm>> -> memref<10000x128xf32, #tpu.memory_space<hbm>>
        tpu.enqueue_indirect_dma source(%dma_start3A_50 : memref<10000x128xf32, #tpu.memory_space<hbm>>) target(%arg9 : memref<125x128xf32, #tpu.memory_space<vmem>>) offsets(%dma_start3A_47 : memref<125xi32, #tpu.memory_space<vmem>>) semaphore(%arg11 : memref<!tpu.dma_semaphore, #tpu.memory_space<semaphore_mem>>)
        %dma_wait3A = arith.constant 0 : i32
        %dma_wait3A_51 = tpu.memref_slice %arg7[%scan3A_44, %dma_wait3A] : memref<8x125xi32, #tpu.memory_space<vmem>> -> memref<1x125xi32, #tpu.memory_space<vmem>>
        %dma_wait3A_52 = tpu.memref_squeeze %dma_wait3A_51 : memref<1x125xi32, #tpu.memory_space<vmem>> -> memref<125xi32, #tpu.memory_space<vmem>>
        %dma_wait3A_53 = arith.constant 0 : i32
        %dma_wait3A_54 = arith.constant 0 : i32
        %dma_wait3A_55 = tpu.memref_slice %arg2[%dma_wait3A_53, %dma_wait3A_54] : memref<10000x128xf32, #tpu.memory_space<hbm>> -> memref<10000x128xf32, #tpu.memory_space<hbm>>
        tpu.wait_indirect_dma semaphore(%arg11 : memref<!tpu.dma_semaphore, #tpu.memory_space<semaphore_mem>>) src(%dma_wait3A_55 : memref<10000x128xf32, #tpu.memory_space<hbm>>) dst(%arg9 : memref<125x128xf32, #tpu.memory_space<vmem>>)
        "tpu.region"() ({
          %run_scoped3A = tpu.sem_alloc : memref<!tpu.dma_semaphore, #tpu.memory_space<semaphore_mem>>
          %dma_start3A_57 = arith.constant 0 : i32
          %dma_start3A_58 = tpu.memref_slice %arg8[%scan3A_44, %dma_start3A_57] : memref<8x125xi32, #tpu.memory_space<vmem>> -> memref<1x125xi32, #tpu.memory_space<vmem>>
          %dma_start3A_59 = tpu.memref_squeeze %dma_start3A_58 : memref<1x125xi32, #tpu.memory_space<vmem>> -> memref<125xi32, #tpu.memory_space<vmem>>
          %dma_start3A_60 = arith.constant 0 : i32
          %dma_start3A_61 = arith.constant 0 : i32
          %dma_start3A_62 = tpu.memref_slice %arg10[%dma_start3A_60, %dma_start3A_61] : memref<10240x128xf32, #tpu.memory_space<vmem_shared>> -> memref<10240x128xf32, #tpu.memory_space<vmem_shared>>
          tpu.enqueue_indirect_dma source(%arg9 : memref<125x128xf32, #tpu.memory_space<vmem>>) target(%dma_start3A_62 : memref<10240x128xf32, #tpu.memory_space<vmem_shared>>) offsets(%dma_start3A_59 : memref<125xi32, #tpu.memory_space<vmem>>) semaphore(%run_scoped3A : memref<!tpu.dma_semaphore, #tpu.memory_space<semaphore_mem>>) {add = true}
          %dma_wait3A_63 = arith.constant 0 : i32
          %dma_wait3A_64 = tpu.memref_slice %arg8[%scan3A_44, %dma_wait3A_63] : memref<8x125xi32, #tpu.memory_space<vmem>> -> memref<1x125xi32, #tpu.memory_space<vmem>>
          %dma_wait3A_65 = tpu.memref_squeeze %dma_wait3A_64 : memref<1x125xi32, #tpu.memory_space<vmem>> -> memref<125xi32, #tpu.memory_space<vmem>>
          %dma_wait3A_66 = arith.constant 0 : i32
          %dma_wait3A_67 = arith.constant 0 : i32
          %dma_wait3A_68 = tpu.memref_slice %arg10[%dma_wait3A_66, %dma_wait3A_67] : memref<10240x128xf32, #tpu.memory_space<vmem_shared>> -> memref<10240x128xf32, #tpu.memory_space<vmem_shared>>
          tpu.wait_indirect_dma semaphore(%run_scoped3A : memref<!tpu.dma_semaphore, #tpu.memory_space<semaphore_mem>>) src(%arg9 : memref<125x128xf32, #tpu.memory_space<vmem>>) dst(%dma_wait3A_68 : memref<10240x128xf32, #tpu.memory_space<vmem_shared>>)
          tpu.yield
        }) : () -> ()
        %scan3A_56 = arith.constant 0 : i32
        scf.yield %scan3A_56 : i32
      }
      %scan3A_42 = arith.constant 8 : i32
      %scan3A_43 = arith.constant 0 : i32
      scf.yield %scan3A_43 : i32
    }
    %scan3A_18 = arith.constant 10 : i32
    %barrier3A_19 = arith.constant 0 : index
    tpu.barrier barrier_id(%barrier3A_19)
    %add3A_20 = arith.constant 0 : i32
    %add3A_21 = arith.addi %mul3A_2, %add3A_20 : i32
    "tpu.region"() ({
      %run_scoped3A = tpu.sem_alloc : memref<!tpu.dma_semaphore, #tpu.memory_space<semaphore_mem>>
      %dma_start3A = arith.constant 0 : i32
      %dma_start3A_30 = tpu.memref_slice %arg6[%arg0, %add3A_21, %dma_start3A] : memref<2x10240x128xf32, #tpu.memory_space<hbm>> -> memref<1x128x128xf32, #tpu.memory_space<hbm>>
      %dma_start3A_31 = tpu.memref_squeeze %dma_start3A_30 : memref<1x128x128xf32, #tpu.memory_space<hbm>> -> memref<128x128xf32, #tpu.memory_space<hbm>>
      %dma_start3A_32 = arith.constant 0 : i32
      %dma_start3A_33 = tpu.memref_slice %arg10[%add3A_21, %dma_start3A_32] : memref<10240x128xf32, #tpu.memory_space<vmem_shared>> -> memref<128x128xf32, #tpu.memory_space<vmem_shared>>
      tpu.enqueue_dma source(%dma_start3A_33 : memref<128x128xf32, #tpu.memory_space<vmem_shared>>) target(%dma_start3A_31 : memref<128x128xf32, #tpu.memory_space<hbm>>) target_semaphore(%run_scoped3A : memref<!tpu.dma_semaphore, #tpu.memory_space<semaphore_mem>>)
      %dma_wait3A = arith.constant 0 : i32
      %dma_wait3A_34 = tpu.memref_slice %arg6[%arg0, %add3A_21, %dma_wait3A] : memref<2x10240x128xf32, #tpu.memory_space<hbm>> -> memref<1x128x128xf32, #tpu.memory_space<hbm>>
      %dma_wait3A_35 = tpu.memref_squeeze %dma_wait3A_34 : memref<1x128x128xf32, #tpu.memory_space<hbm>> -> memref<128x128xf32, #tpu.memory_space<hbm>>
      %dma_wait3A_36 = arith.constant 0 : i32
      %dma_wait3A_37 = tpu.memref_slice %arg10[%add3A_21, %dma_wait3A_36] : memref<10240x128xf32, #tpu.memory_space<vmem_shared>> -> memref<128x128xf32, #tpu.memory_space<vmem_shared>>
      tpu.wait_dma2 semaphore(%run_scoped3A : memref<!tpu.dma_semaphore, #tpu.memory_space<semaphore_mem>>) src(%dma_wait3A_37 : memref<128x128xf32, #tpu.memory_space<vmem_shared>>) dst(%dma_wait3A_35 : memref<128x128xf32, #tpu.memory_space<hbm>>)
      tpu.yield
    }) : () -> ()
    %add3A_22 = arith.constant 128 : i32
    %add3A_23 = arith.addi %mul3A_2, %add3A_22 : i32
    "tpu.region"() ({
      %run_scoped3A = tpu.sem_alloc : memref<!tpu.dma_semaphore, #tpu.memory_space<semaphore_mem>>
      %dma_start3A = arith.constant 0 : i32
      %dma_start3A_30 = tpu.memref_slice %arg6[%arg0, %add3A_23, %dma_start3A] : memref<2x10240x128xf32, #tpu.memory_space<hbm>> -> memref<1x128x128xf32, #tpu.memory_space<hbm>>
      %dma_start3A_31 = tpu.memref_squeeze %dma_start3A_30 : memref<1x128x128xf32, #tpu.memory_space<hbm>> -> memref<128x128xf32, #tpu.memory_space<hbm>>
      %dma_start3A_32 = arith.constant 0 : i32
      %dma_start3A_33 = tpu.memref_slice %arg10[%add3A_23, %dma_start3A_32] : memref<10240x128xf32, #tpu.memory_space<vmem_shared>> -> memref<128x128xf32, #tpu.memory_space<vmem_shared>>
      tpu.enqueue_dma source(%dma_start3A_33 : memref<128x128xf32, #tpu.memory_space<vmem_shared>>) target(%dma_start3A_31 : memref<128x128xf32, #tpu.memory_space<hbm>>) target_semaphore(%run_scoped3A : memref<!tpu.dma_semaphore, #tpu.memory_space<semaphore_mem>>)
      %dma_wait3A = arith.constant 0 : i32
      %dma_wait3A_34 = tpu.memref_slice %arg6[%arg0, %add3A_23, %dma_wait3A] : memref<2x10240x128xf32, #tpu.memory_space<hbm>> -> memref<1x128x128xf32, #tpu.memory_space<hbm>>
      %dma_wait3A_35 = tpu.memref_squeeze %dma_wait3A_34 : memref<1x128x128xf32, #tpu.memory_space<hbm>> -> memref<128x128xf32, #tpu.memory_space<hbm>>
      %dma_wait3A_36 = arith.constant 0 : i32
      %dma_wait3A_37 = tpu.memref_slice %arg10[%add3A_23, %dma_wait3A_36] : memref<10240x128xf32, #tpu.memory_space<vmem_shared>> -> memref<128x128xf32, #tpu.memory_space<vmem_shared>>
      tpu.wait_dma2 semaphore(%run_scoped3A : memref<!tpu.dma_semaphore, #tpu.memory_space<semaphore_mem>>) src(%dma_wait3A_37 : memref<128x128xf32, #tpu.memory_space<vmem_shared>>) dst(%dma_wait3A_35 : memref<128x128xf32, #tpu.memory_space<hbm>>)
      tpu.yield
    }) : () -> ()
    %add3A_24 = arith.constant 256 : i32
    %add3A_25 = arith.addi %mul3A_2, %add3A_24 : i32
    "tpu.region"() ({
      %run_scoped3A = tpu.sem_alloc : memref<!tpu.dma_semaphore, #tpu.memory_space<semaphore_mem>>
      %dma_start3A = arith.constant 0 : i32
      %dma_start3A_30 = tpu.memref_slice %arg6[%arg0, %add3A_25, %dma_start3A] : memref<2x10240x128xf32, #tpu.memory_space<hbm>> -> memref<1x128x128xf32, #tpu.memory_space<hbm>>
      %dma_start3A_31 = tpu.memref_squeeze %dma_start3A_30 : memref<1x128x128xf32, #tpu.memory_space<hbm>> -> memref<128x128xf32, #tpu.memory_space<hbm>>
      %dma_start3A_32 = arith.constant 0 : i32
      %dma_start3A_33 = tpu.memref_slice %arg10[%add3A_25, %dma_start3A_32] : memref<10240x128xf32, #tpu.memory_space<vmem_shared>> -> memref<128x128xf32, #tpu.memory_space<vmem_shared>>
      tpu.enqueue_dma source(%dma_start3A_33 : memref<128x128xf32, #tpu.memory_space<vmem_shared>>) target(%dma_start3A_31 : memref<128x128xf32, #tpu.memory_space<hbm>>) target_semaphore(%run_scoped3A : memref<!tpu.dma_semaphore, #tpu.memory_space<semaphore_mem>>)
      %dma_wait3A = arith.constant 0 : i32
      %dma_wait3A_34 = tpu.memref_slice %arg6[%arg0, %add3A_25, %dma_wait3A] : memref<2x10240x128xf32, #tpu.memory_space<hbm>> -> memref<1x128x128xf32, #tpu.memory_space<hbm>>
      %dma_wait3A_35 = tpu.memref_squeeze %dma_wait3A_34 : memref<1x128x128xf32, #tpu.memory_space<hbm>> -> memref<128x128xf32, #tpu.memory_space<hbm>>
      %dma_wait3A_36 = arith.constant 0 : i32
      %dma_wait3A_37 = tpu.memref_slice %arg10[%add3A_25, %dma_wait3A_36] : memref<10240x128xf32, #tpu.memory_space<vmem_shared>> -> memref<128x128xf32, #tpu.memory_space<vmem_shared>>
      tpu.wait_dma2 semaphore(%run_scoped3A : memref<!tpu.dma_semaphore, #tpu.memory_space<semaphore_mem>>) src(%dma_wait3A_37 : memref<128x128xf32, #tpu.memory_space<vmem_shared>>) dst(%dma_wait3A_35 : memref<128x128xf32, #tpu.memory_space<hbm>>)
      tpu.yield
    }) : () -> ()
    %add3A_26 = arith.constant 384 : i32
    %add3A_27 = arith.addi %mul3A_2, %add3A_26 : i32
    "tpu.region"() ({
      %run_scoped3A = tpu.sem_alloc : memref<!tpu.dma_semaphore, #tpu.memory_space<semaphore_mem>>
      %dma_start3A = arith.constant 0 : i32
      %dma_start3A_30 = tpu.memref_slice %arg6[%arg0, %add3A_27, %dma_start3A] : memref<2x10240x128xf32, #tpu.memory_space<hbm>> -> memref<1x128x128xf32, #tpu.memory_space<hbm>>
      %dma_start3A_31 = tpu.memref_squeeze %dma_start3A_30 : memref<1x128x128xf32, #tpu.memory_space<hbm>> -> memref<128x128xf32, #tpu.memory_space<hbm>>
      %dma_start3A_32 = arith.constant 0 : i32
      %dma_start3A_33 = tpu.memref_slice %arg10[%add3A_27, %dma_start3A_32] : memref<10240x128xf32, #tpu.memory_space<vmem_shared>> -> memref<128x128xf32, #tpu.memory_space<vmem_shared>>
      tpu.enqueue_dma source(%dma_start3A_33 : memref<128x128xf32, #tpu.memory_space<vmem_shared>>) target(%dma_start3A_31 : memref<128x128xf32, #tpu.memory_space<hbm>>) target_semaphore(%run_scoped3A : memref<!tpu.dma_semaphore, #tpu.memory_space<semaphore_mem>>)
      %dma_wait3A = arith.constant 0 : i32
      %dma_wait3A_34 = tpu.memref_slice %arg6[%arg0, %add3A_27, %dma_wait3A] : memref<2x10240x128xf32, #tpu.memory_space<hbm>> -> memref<1x128x128xf32, #tpu.memory_space<hbm>>
      %dma_wait3A_35 = tpu.memref_squeeze %dma_wait3A_34 : memref<1x128x128xf32, #tpu.memory_space<hbm>> -> memref<128x128xf32, #tpu.memory_space<hbm>>
      %dma_wait3A_36 = arith.constant 0 : i32
      %dma_wait3A_37 = tpu.memref_slice %arg10[%add3A_27, %dma_wait3A_36] : memref<10240x128xf32, #tpu.memory_space<vmem_shared>> -> memref<128x128xf32, #tpu.memory_space<vmem_shared>>
      tpu.wait_dma2 semaphore(%run_scoped3A : memref<!tpu.dma_semaphore, #tpu.memory_space<semaphore_mem>>) src(%dma_wait3A_37 : memref<128x128xf32, #tpu.memory_space<vmem_shared>>) dst(%dma_wait3A_35 : memref<128x128xf32, #tpu.memory_space<hbm>>)
      tpu.yield
    }) : () -> ()
    %add3A_28 = arith.constant 512 : i32
    %add3A_29 = arith.addi %mul3A_2, %add3A_28 : i32
    "tpu.region"() ({
      %run_scoped3A = tpu.sem_alloc : memref<!tpu.dma_semaphore, #tpu.memory_space<semaphore_mem>>
      %dma_start3A = arith.constant 0 : i32
      %dma_start3A_30 = tpu.memref_slice %arg6[%arg0, %add3A_29, %dma_start3A] : memref<2x10240x128xf32, #tpu.memory_space<hbm>> -> memref<1x128x128xf32, #tpu.memory_space<hbm>>
      %dma_start3A_31 = tpu.memref_squeeze %dma_start3A_30 : memref<1x128x128xf32, #tpu.memory_space<hbm>> -> memref<128x128xf32, #tpu.memory_space<hbm>>
      %dma_start3A_32 = arith.constant 0 : i32
      %dma_start3A_33 = tpu.memref_slice %arg10[%add3A_29, %dma_start3A_32] : memref<10240x128xf32, #tpu.memory_space<vmem_shared>> -> memref<128x128xf32, #tpu.memory_space<vmem_shared>>
      tpu.enqueue_dma source(%dma_start3A_33 : memref<128x128xf32, #tpu.memory_space<vmem_shared>>) target(%dma_start3A_31 : memref<128x128xf32, #tpu.memory_space<hbm>>) target_semaphore(%run_scoped3A : memref<!tpu.dma_semaphore, #tpu.memory_space<semaphore_mem>>)
      %dma_wait3A = arith.constant 0 : i32
      %dma_wait3A_34 = tpu.memref_slice %arg6[%arg0, %add3A_29, %dma_wait3A] : memref<2x10240x128xf32, #tpu.memory_space<hbm>> -> memref<1x128x128xf32, #tpu.memory_space<hbm>>
      %dma_wait3A_35 = tpu.memref_squeeze %dma_wait3A_34 : memref<1x128x128xf32, #tpu.memory_space<hbm>> -> memref<128x128xf32, #tpu.memory_space<hbm>>
      %dma_wait3A_36 = arith.constant 0 : i32
      %dma_wait3A_37 = tpu.memref_slice %arg10[%add3A_29, %dma_wait3A_36] : memref<10240x128xf32, #tpu.memory_space<vmem_shared>> -> memref<128x128xf32, #tpu.memory_space<vmem_shared>>
      tpu.wait_dma2 semaphore(%run_scoped3A : memref<!tpu.dma_semaphore, #tpu.memory_space<semaphore_mem>>) src(%dma_wait3A_37 : memref<128x128xf32, #tpu.memory_space<vmem_shared>>) dst(%dma_wait3A_35 : memref<128x128xf32, #tpu.memory_space<hbm>>)
      tpu.yield
    }) : () -> ()
    return
  }
}

#map = affine_map<(d0, d1) -> (0, 0)>
#map1 = affine_map<(d0, d1) -> (0, 0, 0)>
#map2 = affine_map<(d0, d1) -> (0)>
module attributes {stable_mosaic.version = 14 : i64} {
  func.func @_sc_decode_body(%arg0: i32, %arg1: i32, %arg2: memref<10000x128xf32, #tpu.memory_space<hbm>>, %arg3: memref<10000x128xf32, #tpu.memory_space<hbm>>, %arg4: memref<32x1x10000xi32, #tpu.memory_space<hbm>>, %arg5: memref<32x1x10000xi32, #tpu.memory_space<hbm>>, %arg6: memref<144xf32, #tpu.memory_space<hbm>>, %arg7: memref<32x1x10000xf32, #tpu.memory_space<hbm>>, %arg8: memref<10000xi32, #tpu.memory_space<vmem>>, %arg9: memref<10000xi32, #tpu.memory_space<vmem>>, %arg10: memref<128x128xf32, #tpu.memory_space<vmem>>, %arg11: memref<128x128xf32, #tpu.memory_space<vmem>>, %arg12: memref<128x128xf32, #tpu.memory_space<vmem>>, %arg13: memref<128x128xf32, #tpu.memory_space<vmem>>, %arg14: memref<16x128xf32, #tpu.memory_space<vmem>>, %arg15: memref<16x128xf32, #tpu.memory_space<vmem>>, %arg16: memref<10000xf32, #tpu.memory_space<vmem>>, %arg17: memref<144xf32, #tpu.memory_space<vmem>>, %arg18: memref<!tpu.dma_semaphore, #tpu.memory_space<semaphore_mem>>, %arg19: memref<!tpu.dma_semaphore, #tpu.memory_space<semaphore_mem>>, %arg20: memref<!tpu.dma_semaphore, #tpu.memory_space<semaphore_mem>>, %arg21: memref<!tpu.dma_semaphore, #tpu.memory_space<semaphore_mem>>) attributes {dimension_semantics = [#tpu.dimension_semantics<core_parallel>, #tpu.dimension_semantics<subcore_parallel>], iteration_bounds = array<i64: 2, 16>, scalar_prefetch = 0 : i64, scratch_operands = 14 : i64, tpu.core_type = #tpu.core_type<sc_vector_subcore>, window_params = [{transform_indices = #map}, {transform_indices = #map}, {transform_indices = #map1}, {transform_indices = #map1}, {transform_indices = #map2}, {transform_indices = #map1}]} {
    %mul3A = arith.constant 2 : i32
    %mul3A_0 = arith.muli %arg1, %mul3A : i32
    %add3A = arith.addi %mul3A_0, %arg0 : i32
    "tpu.region"() ({
      %run_scoped3A_95 = tpu.sem_alloc : memref<!tpu.dma_semaphore, #tpu.memory_space<semaphore_mem>>
      tpu.enqueue_dma source(%arg6 : memref<144xf32, #tpu.memory_space<hbm>>) target(%arg17 : memref<144xf32, #tpu.memory_space<vmem>>) target_semaphore(%run_scoped3A_95 : memref<!tpu.dma_semaphore, #tpu.memory_space<semaphore_mem>>)
      tpu.wait_dma2 semaphore(%run_scoped3A_95 : memref<!tpu.dma_semaphore, #tpu.memory_space<semaphore_mem>>) src(%arg6 : memref<144xf32, #tpu.memory_space<hbm>>) dst(%arg17 : memref<144xf32, #tpu.memory_space<vmem>>)
      tpu.yield
    }) : () -> ()
    %run_scoped3A = arith.constant 0 : i32
    "tpu.region"() ({
      %run_scoped3A_95 = tpu.sem_alloc : memref<!tpu.dma_semaphore, #tpu.memory_space<semaphore_mem>>
      %dma_start3A_96 = arith.constant 0 : i32
      %dma_start3A_97 = tpu.memref_slice %arg4[%add3A, %run_scoped3A, %dma_start3A_96] : memref<32x1x10000xi32, #tpu.memory_space<hbm>> -> memref<1x1x10000xi32, #tpu.memory_space<hbm>>
      %dma_start3A_98 = tpu.memref_squeeze %dma_start3A_97 : memref<1x1x10000xi32, #tpu.memory_space<hbm>> -> memref<10000xi32, #tpu.memory_space<hbm>>
      %dma_start3A_99 = arith.constant 0 : i32
      %dma_start3A_100 = tpu.memref_slice %arg4[%add3A, %run_scoped3A, %dma_start3A_99] : memref<32x1x10000xi32, #tpu.memory_space<hbm>> -> memref<1x1x10000xi32, #tpu.memory_space<hbm>>
      %dma_start3A_101 = tpu.memref_squeeze %dma_start3A_100 : memref<1x1x10000xi32, #tpu.memory_space<hbm>> -> memref<10000xi32, #tpu.memory_space<hbm>>
      tpu.enqueue_dma source(%dma_start3A_101 : memref<10000xi32, #tpu.memory_space<hbm>>) target(%arg8 : memref<10000xi32, #tpu.memory_space<vmem>>) target_semaphore(%run_scoped3A_95 : memref<!tpu.dma_semaphore, #tpu.memory_space<semaphore_mem>>)
      %dma_wait3A_102 = arith.constant 0 : i32
      %dma_wait3A_103 = tpu.memref_slice %arg4[%add3A, %run_scoped3A, %dma_wait3A_102] : memref<32x1x10000xi32, #tpu.memory_space<hbm>> -> memref<1x1x10000xi32, #tpu.memory_space<hbm>>
      %dma_wait3A_104 = tpu.memref_squeeze %dma_wait3A_103 : memref<1x1x10000xi32, #tpu.memory_space<hbm>> -> memref<10000xi32, #tpu.memory_space<hbm>>
      %dma_wait3A_105 = arith.constant 0 : i32
      %dma_wait3A_106 = tpu.memref_slice %arg4[%add3A, %run_scoped3A, %dma_wait3A_105] : memref<32x1x10000xi32, #tpu.memory_space<hbm>> -> memref<1x1x10000xi32, #tpu.memory_space<hbm>>
      %dma_wait3A_107 = tpu.memref_squeeze %dma_wait3A_106 : memref<1x1x10000xi32, #tpu.memory_space<hbm>> -> memref<10000xi32, #tpu.memory_space<hbm>>
      tpu.wait_dma2 semaphore(%run_scoped3A_95 : memref<!tpu.dma_semaphore, #tpu.memory_space<semaphore_mem>>) src(%dma_wait3A_107 : memref<10000xi32, #tpu.memory_space<hbm>>) dst(%arg8 : memref<10000xi32, #tpu.memory_space<vmem>>)
      tpu.yield
    }) : () -> ()
    %run_scoped3A_1 = arith.constant 0 : i32
    "tpu.region"() ({
      %run_scoped3A_95 = tpu.sem_alloc : memref<!tpu.dma_semaphore, #tpu.memory_space<semaphore_mem>>
      %dma_start3A_96 = arith.constant 0 : i32
      %dma_start3A_97 = tpu.memref_slice %arg5[%add3A, %run_scoped3A_1, %dma_start3A_96] : memref<32x1x10000xi32, #tpu.memory_space<hbm>> -> memref<1x1x10000xi32, #tpu.memory_space<hbm>>
      %dma_start3A_98 = tpu.memref_squeeze %dma_start3A_97 : memref<1x1x10000xi32, #tpu.memory_space<hbm>> -> memref<10000xi32, #tpu.memory_space<hbm>>
      %dma_start3A_99 = arith.constant 0 : i32
      %dma_start3A_100 = tpu.memref_slice %arg5[%add3A, %run_scoped3A_1, %dma_start3A_99] : memref<32x1x10000xi32, #tpu.memory_space<hbm>> -> memref<1x1x10000xi32, #tpu.memory_space<hbm>>
      %dma_start3A_101 = tpu.memref_squeeze %dma_start3A_100 : memref<1x1x10000xi32, #tpu.memory_space<hbm>> -> memref<10000xi32, #tpu.memory_space<hbm>>
      tpu.enqueue_dma source(%dma_start3A_101 : memref<10000xi32, #tpu.memory_space<hbm>>) target(%arg9 : memref<10000xi32, #tpu.memory_space<vmem>>) target_semaphore(%run_scoped3A_95 : memref<!tpu.dma_semaphore, #tpu.memory_space<semaphore_mem>>)
      %dma_wait3A_102 = arith.constant 0 : i32
      %dma_wait3A_103 = tpu.memref_slice %arg5[%add3A, %run_scoped3A_1, %dma_wait3A_102] : memref<32x1x10000xi32, #tpu.memory_space<hbm>> -> memref<1x1x10000xi32, #tpu.memory_space<hbm>>
      %dma_wait3A_104 = tpu.memref_squeeze %dma_wait3A_103 : memref<1x1x10000xi32, #tpu.memory_space<hbm>> -> memref<10000xi32, #tpu.memory_space<hbm>>
      %dma_wait3A_105 = arith.constant 0 : i32
      %dma_wait3A_106 = tpu.memref_slice %arg5[%add3A, %run_scoped3A_1, %dma_wait3A_105] : memref<32x1x10000xi32, #tpu.memory_space<hbm>> -> memref<1x1x10000xi32, #tpu.memory_space<hbm>>
      %dma_wait3A_107 = tpu.memref_squeeze %dma_wait3A_106 : memref<1x1x10000xi32, #tpu.memory_space<hbm>> -> memref<10000xi32, #tpu.memory_space<hbm>>
      tpu.wait_dma2 semaphore(%run_scoped3A_95 : memref<!tpu.dma_semaphore, #tpu.memory_space<semaphore_mem>>) src(%dma_wait3A_107 : memref<10000xi32, #tpu.memory_space<hbm>>) dst(%arg9 : memref<10000xi32, #tpu.memory_space<vmem>>)
      tpu.yield
    }) : () -> ()
    %get3A = arith.constant 0 : index
    %get3A_2 = tpu.vector_load %arg17[%get3A] {strides = array<i32>} : memref<144xf32, #tpu.memory_space<vmem>>, vector<16xf32>,
    %get3A_3 = vector.shape_cast %get3A_2 : vector<16xf32> to vector<16xf32>
    %get3A_4 = arith.constant 16 : index
    %get3A_5 = tpu.vector_load %arg17[%get3A_4] {strides = array<i32>} : memref<144xf32, #tpu.memory_space<vmem>>, vector<16xf32>,
    %get3A_6 = vector.shape_cast %get3A_5 : vector<16xf32> to vector<16xf32>
    %get3A_7 = arith.constant 32 : index
    %get3A_8 = tpu.vector_load %arg17[%get3A_7] {strides = array<i32>} : memref<144xf32, #tpu.memory_space<vmem>>, vector<16xf32>,
    %get3A_9 = vector.shape_cast %get3A_8 : vector<16xf32> to vector<16xf32>
    %get3A_10 = arith.constant 48 : index
    %get3A_11 = tpu.vector_load %arg17[%get3A_10] {strides = array<i32>} : memref<144xf32, #tpu.memory_space<vmem>>, vector<16xf32>,
    %get3A_12 = vector.shape_cast %get3A_11 : vector<16xf32> to vector<16xf32>
    %get3A_13 = arith.constant 64 : index
    %get3A_14 = tpu.vector_load %arg17[%get3A_13] {strides = array<i32>} : memref<144xf32, #tpu.memory_space<vmem>>, vector<16xf32>,
    %get3A_15 = vector.shape_cast %get3A_14 : vector<16xf32> to vector<16xf32>
    %get3A_16 = arith.constant 80 : index
    %get3A_17 = tpu.vector_load %arg17[%get3A_16] {strides = array<i32>} : memref<144xf32, #tpu.memory_space<vmem>>, vector<16xf32>,
    %get3A_18 = vector.shape_cast %get3A_17 : vector<16xf32> to vector<16xf32>
    %get3A_19 = arith.constant 96 : index
    %get3A_20 = tpu.vector_load %arg17[%get3A_19] {strides = array<i32>} : memref<144xf32, #tpu.memory_space<vmem>>, vector<16xf32>,
    %get3A_21 = vector.shape_cast %get3A_20 : vector<16xf32> to vector<16xf32>
    %get3A_22 = arith.constant 112 : index
    %get3A_23 = tpu.vector_load %arg17[%get3A_22] {strides = array<i32>} : memref<144xf32, #tpu.memory_space<vmem>>, vector<16xf32>,
    %get3A_24 = vector.shape_cast %get3A_23 : vector<16xf32> to vector<16xf32>
    %get3A_25 = arith.constant 128 : index
    %get3A_26 = tpu.vector_load %arg17[%get3A_25] {strides = array<i32>} : memref<144xf32, #tpu.memory_space<vmem>>, vector<16xf32>,
    %get3A_27 = vector.shape_cast %get3A_26 : vector<16xf32> to vector<16xf32>
    %iota3A = tpu.iota {dimensions = array<i32: 0>} : vector<16xi32>
    %dma_start3A = arith.constant 0 : i32
    %dma_start3A_28 = tpu.memref_slice %arg8[%dma_start3A] : memref<10000xi32, #tpu.memory_space<vmem>> -> memref<128xi32, #tpu.memory_space<vmem>>
    %dma_start3A_29 = arith.constant 0 : i32
    %dma_start3A_30 = arith.constant 0 : i32
    %dma_start3A_31 = tpu.memref_slice %arg2[%dma_start3A_29, %dma_start3A_30] : memref<10000x128xf32, #tpu.memory_space<hbm>> -> memref<10000x128xf32, #tpu.memory_space<hbm>>
    tpu.enqueue_indirect_dma source(%dma_start3A_31 : memref<10000x128xf32, #tpu.memory_space<hbm>>) target(%arg10 : memref<128x128xf32, #tpu.memory_space<vmem>>) offsets(%dma_start3A_28 : memref<128xi32, #tpu.memory_space<vmem>>) semaphore(%arg18 : memref<!tpu.dma_semaphore, #tpu.memory_space<semaphore_mem>>)
    %dma_start3A_32 = arith.constant 0 : i32
    %dma_start3A_33 = tpu.memref_slice %arg9[%dma_start3A_32] : memref<10000xi32, #tpu.memory_space<vmem>> -> memref<128xi32, #tpu.memory_space<vmem>>
    %dma_start3A_34 = arith.constant 0 : i32
    %dma_start3A_35 = arith.constant 0 : i32
    %dma_start3A_36 = tpu.memref_slice %arg3[%dma_start3A_34, %dma_start3A_35] : memref<10000x128xf32, #tpu.memory_space<hbm>> -> memref<10000x128xf32, #tpu.memory_space<hbm>>
    tpu.enqueue_indirect_dma source(%dma_start3A_36 : memref<10000x128xf32, #tpu.memory_space<hbm>>) target(%arg11 : memref<128x128xf32, #tpu.memory_space<vmem>>) offsets(%dma_start3A_33 : memref<128xi32, #tpu.memory_space<vmem>>) semaphore(%arg19 : memref<!tpu.dma_semaphore, #tpu.memory_space<semaphore_mem>>)
    %scan3A = arith.constant 0 : i32
    %scan3A_37 = arith.constant 0 : i32
    %scan3A_38 = arith.constant 39 : i32
    %scan3A_39 = arith.addi %scan3A_37, %scan3A_38 : i32
    %scan3A_40 = arith.constant 1 : i32
    %scan3A_41 = scf.for %scan3A_95 = %scan3A_37 to %scan3A_39 step %scan3A_40 iter_args(%scan3A_96 = %scan3A) -> (i32)  : i32 {
      %mul3A_97 = arith.constant 2 : i32
      %mul3A_98 = arith.muli %mul3A_97, %scan3A_95 : i32
      %add3A_99 = arith.constant 1 : i32
      %add3A_100 = arith.addi %mul3A_98, %add3A_99 : i32
      %mul3A_101 = arith.constant 128 : i32
      %mul3A_102 = arith.muli %add3A_100, %mul3A_101 : i32
      %dma_start3A_103 = tpu.memref_slice %arg8[%mul3A_102] : memref<10000xi32, #tpu.memory_space<vmem>> -> memref<128xi32, #tpu.memory_space<vmem>>
      %dma_start3A_104 = arith.constant 0 : i32
      %dma_start3A_105 = arith.constant 0 : i32
      %dma_start3A_106 = tpu.memref_slice %arg2[%dma_start3A_104, %dma_start3A_105] : memref<10000x128xf32, #tpu.memory_space<hbm>> -> memref<10000x128xf32, #tpu.memory_space<hbm>>
      tpu.enqueue_indirect_dma source(%dma_start3A_106 : memref<10000x128xf32, #tpu.memory_space<hbm>>) target(%arg12 : memref<128x128xf32, #tpu.memory_space<vmem>>) offsets(%dma_start3A_103 : memref<128xi32, #tpu.memory_space<vmem>>) semaphore(%arg20 : memref<!tpu.dma_semaphore, #tpu.memory_space<semaphore_mem>>)
      %mul3A_107 = arith.constant 128 : i32
      %mul3A_108 = arith.muli %add3A_100, %mul3A_107 : i32
      %dma_start3A_109 = tpu.memref_slice %arg9[%mul3A_108] : memref<10000xi32, #tpu.memory_space<vmem>> -> memref<128xi32, #tpu.memory_space<vmem>>
      %dma_start3A_110 = arith.constant 0 : i32
      %dma_start3A_111 = arith.constant 0 : i32
      %dma_start3A_112 = tpu.memref_slice %arg3[%dma_start3A_110, %dma_start3A_111] : memref<10000x128xf32, #tpu.memory_space<hbm>> -> memref<10000x128xf32, #tpu.memory_space<hbm>>
      tpu.enqueue_indirect_dma source(%dma_start3A_112 : memref<10000x128xf32, #tpu.memory_space<hbm>>) target(%arg13 : memref<128x128xf32, #tpu.memory_space<vmem>>) offsets(%dma_start3A_109 : memref<128xi32, #tpu.memory_space<vmem>>) semaphore(%arg21 : memref<!tpu.dma_semaphore, #tpu.memory_space<semaphore_mem>>)
      %dma_wait3A_113 = arith.constant 0 : i32
      %dma_wait3A_114 = arith.constant 0 : i32
      %dma_wait3A_115 = tpu.memref_slice %arg2[%dma_wait3A_113, %dma_wait3A_114] : memref<10000x128xf32, #tpu.memory_space<hbm>> -> memref<128x128xf32, #tpu.memory_space<hbm>>
      %dma_wait3A_116 = arith.constant 0 : i32
      %dma_wait3A_117 = arith.constant 0 : i32
      %dma_wait3A_118 = tpu.memref_slice %arg2[%dma_wait3A_116, %dma_wait3A_117] : memref<10000x128xf32, #tpu.memory_space<hbm>> -> memref<128x128xf32, #tpu.memory_space<hbm>>
      tpu.wait_dma2 semaphore(%arg18 : memref<!tpu.dma_semaphore, #tpu.memory_space<semaphore_mem>>) src(%dma_wait3A_118 : memref<128x128xf32, #tpu.memory_space<hbm>>) dst(%arg10 : memref<128x128xf32, #tpu.memory_space<vmem>>)
      %dma_wait3A_119 = arith.constant 0 : i32
      %dma_wait3A_120 = arith.constant 0 : i32
      %dma_wait3A_121 = tpu.memref_slice %arg3[%dma_wait3A_119, %dma_wait3A_120] : memref<10000x128xf32, #tpu.memory_space<hbm>> -> memref<128x128xf32, #tpu.memory_space<hbm>>
      %dma_wait3A_122 = arith.constant 0 : i32
      %dma_wait3A_123 = arith.constant 0 : i32
      %dma_wait3A_124 = tpu.memref_slice %arg3[%dma_wait3A_122, %dma_wait3A_123] : memref<10000x128xf32, #tpu.memory_space<hbm>> -> memref<128x128xf32, #tpu.memory_space<hbm>>
      tpu.wait_dma2 semaphore(%arg19 : memref<!tpu.dma_semaphore, #tpu.memory_space<semaphore_mem>>) src(%dma_wait3A_124 : memref<128x128xf32, #tpu.memory_space<hbm>>) dst(%arg11 : memref<128x128xf32, #tpu.memory_space<vmem>>)
      %scan3A_125 = arith.constant 0 : i32
      %scan3A_126 = arith.constant 0 : i32
      %scan3A_127 = arith.constant 8 : i32
      %scan3A_128 = arith.addi %scan3A_126, %scan3A_127 : i32
      %scan3A_129 = arith.constant 1 : i32
      %scan3A_130 = scf.for %scan3A_169 = %scan3A_126 to %scan3A_128 step %scan3A_129 iter_args(%scan3A_170 = %scan3A_125) -> (i32)  : i32 {
        %broadcast_in_dim3A_171 = arith.constant 0.000000e+00 : f32
        %broadcast_in_dim3A_172 = vector.broadcast %broadcast_in_dim3A_171 : f32 to vector<16xf32>
        %scan3A_173 = arith.constant 0 : i32
        %scan3A_174 = arith.constant 16 : i32
        %scan3A_175 = arith.addi %scan3A_173, %scan3A_174 : i32
        %scan3A_176 = arith.constant 1 : i32
        %scan3A_177 = scf.for %scan3A_189 = %scan3A_173 to %scan3A_175 step %scan3A_176 iter_args(%scan3A_190 = %broadcast_in_dim3A_172) -> (vector<16xf32>)  : i32 {
          %mul3A_191 = arith.constant 16 : i32
          %mul3A_192 = arith.muli %scan3A_169, %mul3A_191 : i32
          %add3A_193 = arith.addi %mul3A_192, %scan3A_189 : i32
          %get3A_194 = arith.index_cast %add3A_193 : i32 to index
          %get3A_195 = arith.constant 0 : index
          %get3A_196 = tpu.vector_load %arg10[%get3A_194, %get3A_195] {strides = array<i32>} : memref<128x128xf32, #tpu.memory_space<vmem>>, vector<1x16xf32>,
          %get3A_197 = vector.shape_cast %get3A_196 : vector<1x16xf32> to vector<16xf32>
          %get3A_198 = arith.index_cast %add3A_193 : i32 to index
          %get3A_199 = arith.constant 0 : index
          %get3A_200 = tpu.vector_load %arg11[%get3A_198, %get3A_199] {strides = array<i32>} : memref<128x128xf32, #tpu.memory_space<vmem>>, vector<1x16xf32>,
          %get3A_201 = vector.shape_cast %get3A_200 : vector<1x16xf32> to vector<16xf32>
          %add3A_202 = arith.addf %get3A_197, %get3A_201 : vector<16xf32>
          %max3A = arith.constant 0.000000e+00 : f32
          %max3A_203 = vector.broadcast %max3A : f32 to vector<16xf32>
          %max3A_204 = arith.maximumf %add3A_202, %max3A_203 : vector<16xf32>
          %mul3A_205 = arith.mulf %max3A_204, %get3A_3 : vector<16xf32>
          %add3A_206 = arith.addf %get3A_27, %mul3A_205 : vector<16xf32>
          %get3A_207 = arith.index_cast %add3A_193 : i32 to index
          %get3A_208 = arith.constant 16 : index
          %get3A_209 = tpu.vector_load %arg10[%get3A_207, %get3A_208] {strides = array<i32>} : memref<128x128xf32, #tpu.memory_space<vmem>>, vector<1x16xf32>,
          %get3A_210 = vector.shape_cast %get3A_209 : vector<1x16xf32> to vector<16xf32>
          %get3A_211 = arith.index_cast %add3A_193 : i32 to index
          %get3A_212 = arith.constant 16 : index
          %get3A_213 = tpu.vector_load %arg11[%get3A_211, %get3A_212] {strides = array<i32>} : memref<128x128xf32, #tpu.memory_space<vmem>>, vector<1x16xf32>,
          %get3A_214 = vector.shape_cast %get3A_213 : vector<1x16xf32> to vector<16xf32>
          %add3A_215 = arith.addf %get3A_210, %get3A_214 : vector<16xf32>
          %max3A_216 = arith.constant 0.000000e+00 : f32
          %max3A_217 = vector.broadcast %max3A_216 : f32 to vector<16xf32>
          %max3A_218 = arith.maximumf %add3A_215, %max3A_217 : vector<16xf32>
          %mul3A_219 = arith.mulf %max3A_218, %get3A_6 : vector<16xf32>
          %add3A_220 = arith.addf %add3A_206, %mul3A_219 : vector<16xf32>
          %get3A_221 = arith.index_cast %add3A_193 : i32 to index
          %get3A_222 = arith.constant 32 : index
          %get3A_223 = tpu.vector_load %arg10[%get3A_221, %get3A_222] {strides = array<i32>} : memref<128x128xf32, #tpu.memory_space<vmem>>, vector<1x16xf32>,
          %get3A_224 = vector.shape_cast %get3A_223 : vector<1x16xf32> to vector<16xf32>
          %get3A_225 = arith.index_cast %add3A_193 : i32 to index
          %get3A_226 = arith.constant 32 : index
          %get3A_227 = tpu.vector_load %arg11[%get3A_225, %get3A_226] {strides = array<i32>} : memref<128x128xf32, #tpu.memory_space<vmem>>, vector<1x16xf32>,
          %get3A_228 = vector.shape_cast %get3A_227 : vector<1x16xf32> to vector<16xf32>
          %add3A_229 = arith.addf %get3A_224, %get3A_228 : vector<16xf32>
          %max3A_230 = arith.constant 0.000000e+00 : f32
          %max3A_231 = vector.broadcast %max3A_230 : f32 to vector<16xf32>
          %max3A_232 = arith.maximumf %add3A_229, %max3A_231 : vector<16xf32>
          %mul3A_233 = arith.mulf %max3A_232, %get3A_9 : vector<16xf32>
          %add3A_234 = arith.addf %add3A_220, %mul3A_233 : vector<16xf32>
          %get3A_235 = arith.index_cast %add3A_193 : i32 to index
          %get3A_236 = arith.constant 48 : index
          %get3A_237 = tpu.vector_load %arg10[%get3A_235, %get3A_236] {strides = array<i32>} : memref<128x128xf32, #tpu.memory_space<vmem>>, vector<1x16xf32>,
          %get3A_238 = vector.shape_cast %get3A_237 : vector<1x16xf32> to vector<16xf32>
          %get3A_239 = arith.index_cast %add3A_193 : i32 to index
          %get3A_240 = arith.constant 48 : index
          %get3A_241 = tpu.vector_load %arg11[%get3A_239, %get3A_240] {strides = array<i32>} : memref<128x128xf32, #tpu.memory_space<vmem>>, vector<1x16xf32>,
          %get3A_242 = vector.shape_cast %get3A_241 : vector<1x16xf32> to vector<16xf32>
          %add3A_243 = arith.addf %get3A_238, %get3A_242 : vector<16xf32>
          %max3A_244 = arith.constant 0.000000e+00 : f32
          %max3A_245 = vector.broadcast %max3A_244 : f32 to vector<16xf32>
          %max3A_246 = arith.maximumf %add3A_243, %max3A_245 : vector<16xf32>
          %mul3A_247 = arith.mulf %max3A_246, %get3A_12 : vector<16xf32>
          %add3A_248 = arith.addf %add3A_234, %mul3A_247 : vector<16xf32>
          %get3A_249 = arith.index_cast %add3A_193 : i32 to index
          %get3A_250 = arith.constant 64 : index
          %get3A_251 = tpu.vector_load %arg10[%get3A_249, %get3A_250] {strides = array<i32>} : memref<128x128xf32, #tpu.memory_space<vmem>>, vector<1x16xf32>,
          %get3A_252 = vector.shape_cast %get3A_251 : vector<1x16xf32> to vector<16xf32>
          %get3A_253 = arith.index_cast %add3A_193 : i32 to index
          %get3A_254 = arith.constant 64 : index
          %get3A_255 = tpu.vector_load %arg11[%get3A_253, %get3A_254] {strides = array<i32>} : memref<128x128xf32, #tpu.memory_space<vmem>>, vector<1x16xf32>,
          %get3A_256 = vector.shape_cast %get3A_255 : vector<1x16xf32> to vector<16xf32>
          %add3A_257 = arith.addf %get3A_252, %get3A_256 : vector<16xf32>
          %max3A_258 = arith.constant 0.000000e+00 : f32
          %max3A_259 = vector.broadcast %max3A_258 : f32 to vector<16xf32>
          %max3A_260 = arith.maximumf %add3A_257, %max3A_259 : vector<16xf32>
          %mul3A_261 = arith.mulf %max3A_260, %get3A_15 : vector<16xf32>
          %add3A_262 = arith.addf %add3A_248, %mul3A_261 : vector<16xf32>
          %get3A_263 = arith.index_cast %add3A_193 : i32 to index
          %get3A_264 = arith.constant 80 : index
          %get3A_265 = tpu.vector_load %arg10[%get3A_263, %get3A_264] {strides = array<i32>} : memref<128x128xf32, #tpu.memory_space<vmem>>, vector<1x16xf32>,
          %get3A_266 = vector.shape_cast %get3A_265 : vector<1x16xf32> to vector<16xf32>
          %get3A_267 = arith.index_cast %add3A_193 : i32 to index
          %get3A_268 = arith.constant 80 : index
          %get3A_269 = tpu.vector_load %arg11[%get3A_267, %get3A_268] {strides = array<i32>} : memref<128x128xf32, #tpu.memory_space<vmem>>, vector<1x16xf32>,
          %get3A_270 = vector.shape_cast %get3A_269 : vector<1x16xf32> to vector<16xf32>
          %add3A_271 = arith.addf %get3A_266, %get3A_270 : vector<16xf32>
          %max3A_272 = arith.constant 0.000000e+00 : f32
          %max3A_273 = vector.broadcast %max3A_272 : f32 to vector<16xf32>
          %max3A_274 = arith.maximumf %add3A_271, %max3A_273 : vector<16xf32>
          %mul3A_275 = arith.mulf %max3A_274, %get3A_18 : vector<16xf32>
          %add3A_276 = arith.addf %add3A_262, %mul3A_275 : vector<16xf32>
          %get3A_277 = arith.index_cast %add3A_193 : i32 to index
          %get3A_278 = arith.constant 96 : index
          %get3A_279 = tpu.vector_load %arg10[%get3A_277, %get3A_278] {strides = array<i32>} : memref<128x128xf32, #tpu.memory_space<vmem>>, vector<1x16xf32>,
          %get3A_280 = vector.shape_cast %get3A_279 : vector<1x16xf32> to vector<16xf32>
          %get3A_281 = arith.index_cast %add3A_193 : i32 to index
          %get3A_282 = arith.constant 96 : index
          %get3A_283 = tpu.vector_load %arg11[%get3A_281, %get3A_282] {strides = array<i32>} : memref<128x128xf32, #tpu.memory_space<vmem>>, vector<1x16xf32>,
          %get3A_284 = vector.shape_cast %get3A_283 : vector<1x16xf32> to vector<16xf32>
          %add3A_285 = arith.addf %get3A_280, %get3A_284 : vector<16xf32>
          %max3A_286 = arith.constant 0.000000e+00 : f32
          %max3A_287 = vector.broadcast %max3A_286 : f32 to vector<16xf32>
          %max3A_288 = arith.maximumf %add3A_285, %max3A_287 : vector<16xf32>
          %mul3A_289 = arith.mulf %max3A_288, %get3A_21 : vector<16xf32>
          %add3A_290 = arith.addf %add3A_276, %mul3A_289 : vector<16xf32>
          %get3A_291 = arith.index_cast %add3A_193 : i32 to index
          %get3A_292 = arith.constant 112 : index
          %get3A_293 = tpu.vector_load %arg10[%get3A_291, %get3A_292] {strides = array<i32>} : memref<128x128xf32, #tpu.memory_space<vmem>>, vector<1x16xf32>,
          %get3A_294 = vector.shape_cast %get3A_293 : vector<1x16xf32> to vector<16xf32>
          %get3A_295 = arith.index_cast %add3A_193 : i32 to index
          %get3A_296 = arith.constant 112 : index
          %get3A_297 = tpu.vector_load %arg11[%get3A_295, %get3A_296] {strides = array<i32>} : memref<128x128xf32, #tpu.memory_space<vmem>>, vector<1x16xf32>,
          %get3A_298 = vector.shape_cast %get3A_297 : vector<1x16xf32> to vector<16xf32>
          %add3A_299 = arith.addf %get3A_294, %get3A_298 : vector<16xf32>
          %max3A_300 = arith.constant 0.000000e+00 : f32
          %max3A_301 = vector.broadcast %max3A_300 : f32 to vector<16xf32>
          %max3A_302 = arith.maximumf %add3A_299, %max3A_301 : vector<16xf32>
          %mul3A_303 = arith.mulf %max3A_302, %get3A_24 : vector<16xf32>
          %add3A_304 = arith.addf %add3A_290, %mul3A_303 : vector<16xf32>
          %xor3A = arith.constant 8 : i32
          %xor3A_305 = vector.broadcast %xor3A : i32 to vector<16xi32>
          %xor3A_306 = arith.xori %iota3A, %xor3A_305 : vector<16xi32>
          %lt3A = arith.constant 0 : i32
          %lt3A_307 = vector.broadcast %lt3A : i32 to vector<16xi32>
          %lt3A_308 = arith.cmpi slt, %xor3A_306, %lt3A_307 : vector<16xi32>
          %add3A_309 = arith.constant 16 : i32
          %add3A_310 = vector.broadcast %add3A_309 : i32 to vector<16xi32>
          %add3A_311 = arith.addi %xor3A_306, %add3A_310 : vector<16xi32>
          %select_n3A = arith.select %lt3A_308, %add3A_311, %xor3A_306 : vector<16xi1>, vector<16xi32>
          %broadcast_in_dim3A_312 = vector.shape_cast %select_n3A : vector<16xi32> to vector<16x1xi32>
          %gather3A = vector.shape_cast %broadcast_in_dim3A_312 : vector<16x1xi32> to vector<16xi32>
          %gather3A_313 = tpu.dynamic_gather %add3A_304[%gather3A] in [0] : vector<16xf32>, vector<16xi32> -> vector<16xf32>
          %add3A_314 = arith.addf %add3A_304, %gather3A_313 : vector<16xf32>
          %xor3A_315 = arith.constant 4 : i32
          %xor3A_316 = vector.broadcast %xor3A_315 : i32 to vector<16xi32>
          %xor3A_317 = arith.xori %iota3A, %xor3A_316 : vector<16xi32>
          %lt3A_318 = arith.constant 0 : i32
          %lt3A_319 = vector.broadcast %lt3A_318 : i32 to vector<16xi32>
          %lt3A_320 = arith.cmpi slt, %xor3A_317, %lt3A_319 : vector<16xi32>
          %add3A_321 = arith.constant 16 : i32
          %add3A_322 = vector.broadcast %add3A_321 : i32 to vector<16xi32>
          %add3A_323 = arith.addi %xor3A_317, %add3A_322 : vector<16xi32>
          %select_n3A_324 = arith.select %lt3A_320, %add3A_323, %xor3A_317 : vector<16xi1>, vector<16xi32>
          %broadcast_in_dim3A_325 = vector.shape_cast %select_n3A_324 : vector<16xi32> to vector<16x1xi32>
          %gather3A_326 = vector.shape_cast %broadcast_in_dim3A_325 : vector<16x1xi32> to vector<16xi32>
          %gather3A_327 = tpu.dynamic_gather %add3A_314[%gather3A_326] in [0] : vector<16xf32>, vector<16xi32> -> vector<16xf32>
          %add3A_328 = arith.addf %add3A_314, %gather3A_327 : vector<16xf32>
          %xor3A_329 = arith.constant 2 : i32
          %xor3A_330 = vector.broadcast %xor3A_329 : i32 to vector<16xi32>
          %xor3A_331 = arith.xori %iota3A, %xor3A_330 : vector<16xi32>
          %lt3A_332 = arith.constant 0 : i32
          %lt3A_333 = vector.broadcast %lt3A_332 : i32 to vector<16xi32>
          %lt3A_334 = arith.cmpi slt, %xor3A_331, %lt3A_333 : vector<16xi32>
          %add3A_335 = arith.constant 16 : i32
          %add3A_336 = vector.broadcast %add3A_335 : i32 to vector<16xi32>
          %add3A_337 = arith.addi %xor3A_331, %add3A_336 : vector<16xi32>
          %select_n3A_338 = arith.select %lt3A_334, %add3A_337, %xor3A_331 : vector<16xi1>, vector<16xi32>
          %broadcast_in_dim3A_339 = vector.shape_cast %select_n3A_338 : vector<16xi32> to vector<16x1xi32>
          %gather3A_340 = vector.shape_cast %broadcast_in_dim3A_339 : vector<16x1xi32> to vector<16xi32>
          %gather3A_341 = tpu.dynamic_gather %add3A_328[%gather3A_340] in [0] : vector<16xf32>, vector<16xi32> -> vector<16xf32>
          %add3A_342 = arith.addf %add3A_328, %gather3A_341 : vector<16xf32>
          %xor3A_343 = arith.constant 1 : i32
          %xor3A_344 = vector.broadcast %xor3A_343 : i32 to vector<16xi32>
          %xor3A_345 = arith.xori %iota3A, %xor3A_344 : vector<16xi32>
          %lt3A_346 = arith.constant 0 : i32
          %lt3A_347 = vector.broadcast %lt3A_346 : i32 to vector<16xi32>
          %lt3A_348 = arith.cmpi slt, %xor3A_345, %lt3A_347 : vector<16xi32>
          %add3A_349 = arith.constant 16 : i32
          %add3A_350 = vector.broadcast %add3A_349 : i32 to vector<16xi32>
          %add3A_351 = arith.addi %xor3A_345, %add3A_350 : vector<16xi32>
          %select_n3A_352 = arith.select %lt3A_348, %add3A_351, %xor3A_345 : vector<16xi1>, vector<16xi32>
          %broadcast_in_dim3A_353 = vector.shape_cast %select_n3A_352 : vector<16xi32> to vector<16x1xi32>
          %gather3A_354 = vector.shape_cast %broadcast_in_dim3A_353 : vector<16x1xi32> to vector<16xi32>
          %gather3A_355 = tpu.dynamic_gather %add3A_342[%gather3A_354] in [0] : vector<16xf32>, vector<16xi32> -> vector<16xf32>
          %add3A_356 = arith.addf %add3A_342, %gather3A_355 : vector<16xf32>
          %eq3A = vector.broadcast %scan3A_189 : i32 to vector<16xi32>
          %eq3A_357 = arith.cmpi eq, %iota3A, %eq3A : vector<16xi32>
          %select_n3A_358 = arith.select %eq3A_357, %add3A_356, %scan3A_190 : vector<16xi1>, vector<16xf32>
          scf.yield %select_n3A_358 : vector<16xf32>
        }
        %scan3A_178 = arith.constant 16 : i32
        %mul3A_179 = arith.constant 128 : i32
        %mul3A_180 = arith.muli %mul3A_98, %mul3A_179 : i32
        %mul3A_181 = arith.constant 16 : i32
        %mul3A_182 = arith.muli %scan3A_169, %mul3A_181 : i32
        %add3A_183 = arith.addi %mul3A_180, %mul3A_182 : i32
        %swap3A_184 = arith.index_cast %add3A_183 : i32 to index
        %swap3A_185 = tpu.vector_load %arg16[%swap3A_184] {strides = array<i32>} : memref<10000xf32, #tpu.memory_space<vmem>>, vector<16xf32>,
        %swap3A_186 = vector.shape_cast %swap3A_185 : vector<16xf32> to vector<16xf32>
        %swap3A_187 = vector.shape_cast %scan3A_177 : vector<16xf32> to vector<16xf32>
        tpu.vector_store %arg16[%swap3A_184], %swap3A_187 {strides = array<i32>} : memref<10000xf32, #tpu.memory_space<vmem>>, vector<16xf32>,
        %scan3A_188 = arith.constant 0 : i32
        scf.yield %scan3A_188 : i32
      }
      %scan3A_131 = arith.constant 8 : i32
      %add3A_132 = arith.constant 2 : i32
      %add3A_133 = arith.addi %mul3A_98, %add3A_132 : i32
      %min3A = arith.constant 77 : i32
      %min3A_134 = arith.minsi %add3A_133, %min3A : i32
      %mul3A_135 = arith.constant 128 : i32
      %mul3A_136 = arith.muli %min3A_134, %mul3A_135 : i32
      %dma_start3A_137 = tpu.memref_slice %arg8[%mul3A_136] : memref<10000xi32, #tpu.memory_space<vmem>> -> memref<128xi32, #tpu.memory_space<vmem>>
      %dma_start3A_138 = arith.constant 0 : i32
      %dma_start3A_139 = arith.constant 0 : i32
      %dma_start3A_140 = tpu.memref_slice %arg2[%dma_start3A_138, %dma_start3A_139] : memref<10000x128xf32, #tpu.memory_space<hbm>> -> memref<10000x128xf32, #tpu.memory_space<hbm>>
      tpu.enqueue_indirect_dma source(%dma_start3A_140 : memref<10000x128xf32, #tpu.memory_space<hbm>>) target(%arg10 : memref<128x128xf32, #tpu.memory_space<vmem>>) offsets(%dma_start3A_137 : memref<128xi32, #tpu.memory_space<vmem>>) semaphore(%arg18 : memref<!tpu.dma_semaphore, #tpu.memory_space<semaphore_mem>>)
      %mul3A_141 = arith.constant 128 : i32
      %mul3A_142 = arith.muli %min3A_134, %mul3A_141 : i32
      %dma_start3A_143 = tpu.memref_slice %arg9[%mul3A_142] : memref<10000xi32, #tpu.memory_space<vmem>> -> memref<128xi32, #tpu.memory_space<vmem>>
      %dma_start3A_144 = arith.constant 0 : i32
      %dma_start3A_145 = arith.constant 0 : i32
      %dma_start3A_146 = tpu.memref_slice %arg3[%dma_start3A_144, %dma_start3A_145] : memref<10000x128xf32, #tpu.memory_space<hbm>> -> memref<10000x128xf32, #tpu.memory_space<hbm>>
      tpu.enqueue_indirect_dma source(%dma_start3A_146 : memref<10000x128xf32, #tpu.memory_space<hbm>>) target(%arg11 : memref<128x128xf32, #tpu.memory_space<vmem>>) offsets(%dma_start3A_143 : memref<128xi32, #tpu.memory_space<vmem>>) semaphore(%arg19 : memref<!tpu.dma_semaphore, #tpu.memory_space<semaphore_mem>>)
      %dma_wait3A_147 = arith.constant 0 : i32
      %dma_wait3A_148 = arith.constant 0 : i32
      %dma_wait3A_149 = tpu.memref_slice %arg2[%dma_wait3A_147, %dma_wait3A_148] : memref<10000x128xf32, #tpu.memory_space<hbm>> -> memref<128x128xf32, #tpu.memory_space<hbm>>
      %dma_wait3A_150 = arith.constant 0 : i32
      %dma_wait3A_151 = arith.constant 0 : i32
      %dma_wait3A_152 = tpu.memref_slice %arg2[%dma_wait3A_150, %dma_wait3A_151] : memref<10000x128xf32, #tpu.memory_space<hbm>> -> memref<128x128xf32, #tpu.memory_space<hbm>>
      tpu.wait_dma2 semaphore(%arg20 : memref<!tpu.dma_semaphore, #tpu.memory_space<semaphore_mem>>) src(%dma_wait3A_152 : memref<128x128xf32, #tpu.memory_space<hbm>>) dst(%arg12 : memref<128x128xf32, #tpu.memory_space<vmem>>)
      %dma_wait3A_153 = arith.constant 0 : i32
      %dma_wait3A_154 = arith.constant 0 : i32
      %dma_wait3A_155 = tpu.memref_slice %arg3[%dma_wait3A_153, %dma_wait3A_154] : memref<10000x128xf32, #tpu.memory_space<hbm>> -> memref<128x128xf32, #tpu.memory_space<hbm>>
      %dma_wait3A_156 = arith.constant 0 : i32
      %dma_wait3A_157 = arith.constant 0 : i32
      %dma_wait3A_158 = tpu.memref_slice %arg3[%dma_wait3A_156, %dma_wait3A_157] : memref<10000x128xf32, #tpu.memory_space<hbm>> -> memref<128x128xf32, #tpu.memory_space<hbm>>
      tpu.wait_dma2 semaphore(%arg21 : memref<!tpu.dma_semaphore, #tpu.memory_space<semaphore_mem>>) src(%dma_wait3A_158 : memref<128x128xf32, #tpu.memory_space<hbm>>) dst(%arg13 : memref<128x128xf32, #tpu.memory_space<vmem>>)
      %add3A_159 = arith.constant 1 : i32
      %add3A_160 = arith.addi %mul3A_98, %add3A_159 : i32
      %scan3A_161 = arith.constant 0 : i32
      %scan3A_162 = arith.constant 0 : i32
      %scan3A_163 = arith.constant 8 : i32
      %scan3A_164 = arith.addi %scan3A_162, %scan3A_163 : i32
      %scan3A_165 = arith.constant 1 : i32
      %scan3A_166 = scf.for %scan3A_169 = %scan3A_162 to %scan3A_164 step %scan3A_165 iter_args(%scan3A_170 = %scan3A_161) -> (i32)  : i32 {
        %broadcast_in_dim3A_171 = arith.constant 0.000000e+00 : f32
        %broadcast_in_dim3A_172 = vector.broadcast %broadcast_in_dim3A_171 : f32 to vector<16xf32>
        %scan3A_173 = arith.constant 0 : i32
        %scan3A_174 = arith.constant 16 : i32
        %scan3A_175 = arith.addi %scan3A_173, %scan3A_174 : i32
        %scan3A_176 = arith.constant 1 : i32
        %scan3A_177 = scf.for %scan3A_189 = %scan3A_173 to %scan3A_175 step %scan3A_176 iter_args(%scan3A_190 = %broadcast_in_dim3A_172) -> (vector<16xf32>)  : i32 {
          %mul3A_191 = arith.constant 16 : i32
          %mul3A_192 = arith.muli %scan3A_169, %mul3A_191 : i32
          %add3A_193 = arith.addi %mul3A_192, %scan3A_189 : i32
          %get3A_194 = arith.index_cast %add3A_193 : i32 to index
          %get3A_195 = arith.constant 0 : index
          %get3A_196 = tpu.vector_load %arg12[%get3A_194, %get3A_195] {strides = array<i32>} : memref<128x128xf32, #tpu.memory_space<vmem>>, vector<1x16xf32>,
          %get3A_197 = vector.shape_cast %get3A_196 : vector<1x16xf32> to vector<16xf32>
          %get3A_198 = arith.index_cast %add3A_193 : i32 to index
          %get3A_199 = arith.constant 0 : index
          %get3A_200 = tpu.vector_load %arg13[%get3A_198, %get3A_199] {strides = array<i32>} : memref<128x128xf32, #tpu.memory_space<vmem>>, vector<1x16xf32>,
          %get3A_201 = vector.shape_cast %get3A_200 : vector<1x16xf32> to vector<16xf32>
          %add3A_202 = arith.addf %get3A_197, %get3A_201 : vector<16xf32>
          %max3A = arith.constant 0.000000e+00 : f32
          %max3A_203 = vector.broadcast %max3A : f32 to vector<16xf32>
          %max3A_204 = arith.maximumf %add3A_202, %max3A_203 : vector<16xf32>
          %mul3A_205 = arith.mulf %max3A_204, %get3A_3 : vector<16xf32>
          %add3A_206 = arith.addf %get3A_27, %mul3A_205 : vector<16xf32>
          %get3A_207 = arith.index_cast %add3A_193 : i32 to index
          %get3A_208 = arith.constant 16 : index
          %get3A_209 = tpu.vector_load %arg12[%get3A_207, %get3A_208] {strides = array<i32>} : memref<128x128xf32, #tpu.memory_space<vmem>>, vector<1x16xf32>,
          %get3A_210 = vector.shape_cast %get3A_209 : vector<1x16xf32> to vector<16xf32>
          %get3A_211 = arith.index_cast %add3A_193 : i32 to index
          %get3A_212 = arith.constant 16 : index
          %get3A_213 = tpu.vector_load %arg13[%get3A_211, %get3A_212] {strides = array<i32>} : memref<128x128xf32, #tpu.memory_space<vmem>>, vector<1x16xf32>,
          %get3A_214 = vector.shape_cast %get3A_213 : vector<1x16xf32> to vector<16xf32>
          %add3A_215 = arith.addf %get3A_210, %get3A_214 : vector<16xf32>
          %max3A_216 = arith.constant 0.000000e+00 : f32
          %max3A_217 = vector.broadcast %max3A_216 : f32 to vector<16xf32>
          %max3A_218 = arith.maximumf %add3A_215, %max3A_217 : vector<16xf32>
          %mul3A_219 = arith.mulf %max3A_218, %get3A_6 : vector<16xf32>
          %add3A_220 = arith.addf %add3A_206, %mul3A_219 : vector<16xf32>
          %get3A_221 = arith.index_cast %add3A_193 : i32 to index
          %get3A_222 = arith.constant 32 : index
          %get3A_223 = tpu.vector_load %arg12[%get3A_221, %get3A_222] {strides = array<i32>} : memref<128x128xf32, #tpu.memory_space<vmem>>, vector<1x16xf32>,
          %get3A_224 = vector.shape_cast %get3A_223 : vector<1x16xf32> to vector<16xf32>
          %get3A_225 = arith.index_cast %add3A_193 : i32 to index
          %get3A_226 = arith.constant 32 : index
          %get3A_227 = tpu.vector_load %arg13[%get3A_225, %get3A_226] {strides = array<i32>} : memref<128x128xf32, #tpu.memory_space<vmem>>, vector<1x16xf32>,
          %get3A_228 = vector.shape_cast %get3A_227 : vector<1x16xf32> to vector<16xf32>
          %add3A_229 = arith.addf %get3A_224, %get3A_228 : vector<16xf32>
          %max3A_230 = arith.constant 0.000000e+00 : f32
          %max3A_231 = vector.broadcast %max3A_230 : f32 to vector<16xf32>
          %max3A_232 = arith.maximumf %add3A_229, %max3A_231 : vector<16xf32>
          %mul3A_233 = arith.mulf %max3A_232, %get3A_9 : vector<16xf32>
          %add3A_234 = arith.addf %add3A_220, %mul3A_233 : vector<16xf32>
          %get3A_235 = arith.index_cast %add3A_193 : i32 to index
          %get3A_236 = arith.constant 48 : index
          %get3A_237 = tpu.vector_load %arg12[%get3A_235, %get3A_236] {strides = array<i32>} : memref<128x128xf32, #tpu.memory_space<vmem>>, vector<1x16xf32>,
          %get3A_238 = vector.shape_cast %get3A_237 : vector<1x16xf32> to vector<16xf32>
          %get3A_239 = arith.index_cast %add3A_193 : i32 to index
          %get3A_240 = arith.constant 48 : index
          %get3A_241 = tpu.vector_load %arg13[%get3A_239, %get3A_240] {strides = array<i32>} : memref<128x128xf32, #tpu.memory_space<vmem>>, vector<1x16xf32>,
          %get3A_242 = vector.shape_cast %get3A_241 : vector<1x16xf32> to vector<16xf32>
          %add3A_243 = arith.addf %get3A_238, %get3A_242 : vector<16xf32>
          %max3A_244 = arith.constant 0.000000e+00 : f32
          %max3A_245 = vector.broadcast %max3A_244 : f32 to vector<16xf32>
          %max3A_246 = arith.maximumf %add3A_243, %max3A_245 : vector<16xf32>
          %mul3A_247 = arith.mulf %max3A_246, %get3A_12 : vector<16xf32>
          %add3A_248 = arith.addf %add3A_234, %mul3A_247 : vector<16xf32>
          %get3A_249 = arith.index_cast %add3A_193 : i32 to index
          %get3A_250 = arith.constant 64 : index
          %get3A_251 = tpu.vector_load %arg12[%get3A_249, %get3A_250] {strides = array<i32>} : memref<128x128xf32, #tpu.memory_space<vmem>>, vector<1x16xf32>,
          %get3A_252 = vector.shape_cast %get3A_251 : vector<1x16xf32> to vector<16xf32>
          %get3A_253 = arith.index_cast %add3A_193 : i32 to index
          %get3A_254 = arith.constant 64 : index
          %get3A_255 = tpu.vector_load %arg13[%get3A_253, %get3A_254] {strides = array<i32>} : memref<128x128xf32, #tpu.memory_space<vmem>>, vector<1x16xf32>,
          %get3A_256 = vector.shape_cast %get3A_255 : vector<1x16xf32> to vector<16xf32>
          %add3A_257 = arith.addf %get3A_252, %get3A_256 : vector<16xf32>
          %max3A_258 = arith.constant 0.000000e+00 : f32
          %max3A_259 = vector.broadcast %max3A_258 : f32 to vector<16xf32>
          %max3A_260 = arith.maximumf %add3A_257, %max3A_259 : vector<16xf32>
          %mul3A_261 = arith.mulf %max3A_260, %get3A_15 : vector<16xf32>
          %add3A_262 = arith.addf %add3A_248, %mul3A_261 : vector<16xf32>
          %get3A_263 = arith.index_cast %add3A_193 : i32 to index
          %get3A_264 = arith.constant 80 : index
          %get3A_265 = tpu.vector_load %arg12[%get3A_263, %get3A_264] {strides = array<i32>} : memref<128x128xf32, #tpu.memory_space<vmem>>, vector<1x16xf32>,
          %get3A_266 = vector.shape_cast %get3A_265 : vector<1x16xf32> to vector<16xf32>
          %get3A_267 = arith.index_cast %add3A_193 : i32 to index
          %get3A_268 = arith.constant 80 : index
          %get3A_269 = tpu.vector_load %arg13[%get3A_267, %get3A_268] {strides = array<i32>} : memref<128x128xf32, #tpu.memory_space<vmem>>, vector<1x16xf32>,
          %get3A_270 = vector.shape_cast %get3A_269 : vector<1x16xf32> to vector<16xf32>
          %add3A_271 = arith.addf %get3A_266, %get3A_270 : vector<16xf32>
          %max3A_272 = arith.constant 0.000000e+00 : f32
          %max3A_273 = vector.broadcast %max3A_272 : f32 to vector<16xf32>
          %max3A_274 = arith.maximumf %add3A_271, %max3A_273 : vector<16xf32>
          %mul3A_275 = arith.mulf %max3A_274, %get3A_18 : vector<16xf32>
          %add3A_276 = arith.addf %add3A_262, %mul3A_275 : vector<16xf32>
          %get3A_277 = arith.index_cast %add3A_193 : i32 to index
          %get3A_278 = arith.constant 96 : index
          %get3A_279 = tpu.vector_load %arg12[%get3A_277, %get3A_278] {strides = array<i32>} : memref<128x128xf32, #tpu.memory_space<vmem>>, vector<1x16xf32>,
          %get3A_280 = vector.shape_cast %get3A_279 : vector<1x16xf32> to vector<16xf32>
          %get3A_281 = arith.index_cast %add3A_193 : i32 to index
          %get3A_282 = arith.constant 96 : index
          %get3A_283 = tpu.vector_load %arg13[%get3A_281, %get3A_282] {strides = array<i32>} : memref<128x128xf32, #tpu.memory_space<vmem>>, vector<1x16xf32>,
          %get3A_284 = vector.shape_cast %get3A_283 : vector<1x16xf32> to vector<16xf32>
          %add3A_285 = arith.addf %get3A_280, %get3A_284 : vector<16xf32>
          %max3A_286 = arith.constant 0.000000e+00 : f32
          %max3A_287 = vector.broadcast %max3A_286 : f32 to vector<16xf32>
          %max3A_288 = arith.maximumf %add3A_285, %max3A_287 : vector<16xf32>
          %mul3A_289 = arith.mulf %max3A_288, %get3A_21 : vector<16xf32>
          %add3A_290 = arith.addf %add3A_276, %mul3A_289 : vector<16xf32>
          %get3A_291 = arith.index_cast %add3A_193 : i32 to index
          %get3A_292 = arith.constant 112 : index
          %get3A_293 = tpu.vector_load %arg12[%get3A_291, %get3A_292] {strides = array<i32>} : memref<128x128xf32, #tpu.memory_space<vmem>>, vector<1x16xf32>,
          %get3A_294 = vector.shape_cast %get3A_293 : vector<1x16xf32> to vector<16xf32>
          %get3A_295 = arith.index_cast %add3A_193 : i32 to index
          %get3A_296 = arith.constant 112 : index
          %get3A_297 = tpu.vector_load %arg13[%get3A_295, %get3A_296] {strides = array<i32>} : memref<128x128xf32, #tpu.memory_space<vmem>>, vector<1x16xf32>,
          %get3A_298 = vector.shape_cast %get3A_297 : vector<1x16xf32> to vector<16xf32>
          %add3A_299 = arith.addf %get3A_294, %get3A_298 : vector<16xf32>
          %max3A_300 = arith.constant 0.000000e+00 : f32
          %max3A_301 = vector.broadcast %max3A_300 : f32 to vector<16xf32>
          %max3A_302 = arith.maximumf %add3A_299, %max3A_301 : vector<16xf32>
          %mul3A_303 = arith.mulf %max3A_302, %get3A_24 : vector<16xf32>
          %add3A_304 = arith.addf %add3A_290, %mul3A_303 : vector<16xf32>
          %xor3A = arith.constant 8 : i32
          %xor3A_305 = vector.broadcast %xor3A : i32 to vector<16xi32>
          %xor3A_306 = arith.xori %iota3A, %xor3A_305 : vector<16xi32>
          %lt3A = arith.constant 0 : i32
          %lt3A_307 = vector.broadcast %lt3A : i32 to vector<16xi32>
          %lt3A_308 = arith.cmpi slt, %xor3A_306, %lt3A_307 : vector<16xi32>
          %add3A_309 = arith.constant 16 : i32
          %add3A_310 = vector.broadcast %add3A_309 : i32 to vector<16xi32>
          %add3A_311 = arith.addi %xor3A_306, %add3A_310 : vector<16xi32>
          %select_n3A = arith.select %lt3A_308, %add3A_311, %xor3A_306 : vector<16xi1>, vector<16xi32>
          %broadcast_in_dim3A_312 = vector.shape_cast %select_n3A : vector<16xi32> to vector<16x1xi32>
          %gather3A = vector.shape_cast %broadcast_in_dim3A_312 : vector<16x1xi32> to vector<16xi32>
          %gather3A_313 = tpu.dynamic_gather %add3A_304[%gather3A] in [0] : vector<16xf32>, vector<16xi32> -> vector<16xf32>
          %add3A_314 = arith.addf %add3A_304, %gather3A_313 : vector<16xf32>
          %xor3A_315 = arith.constant 4 : i32
          %xor3A_316 = vector.broadcast %xor3A_315 : i32 to vector<16xi32>
          %xor3A_317 = arith.xori %iota3A, %xor3A_316 : vector<16xi32>
          %lt3A_318 = arith.constant 0 : i32
          %lt3A_319 = vector.broadcast %lt3A_318 : i32 to vector<16xi32>
          %lt3A_320 = arith.cmpi slt, %xor3A_317, %lt3A_319 : vector<16xi32>
          %add3A_321 = arith.constant 16 : i32
          %add3A_322 = vector.broadcast %add3A_321 : i32 to vector<16xi32>
          %add3A_323 = arith.addi %xor3A_317, %add3A_322 : vector<16xi32>
          %select_n3A_324 = arith.select %lt3A_320, %add3A_323, %xor3A_317 : vector<16xi1>, vector<16xi32>
          %broadcast_in_dim3A_325 = vector.shape_cast %select_n3A_324 : vector<16xi32> to vector<16x1xi32>
          %gather3A_326 = vector.shape_cast %broadcast_in_dim3A_325 : vector<16x1xi32> to vector<16xi32>
          %gather3A_327 = tpu.dynamic_gather %add3A_314[%gather3A_326] in [0] : vector<16xf32>, vector<16xi32> -> vector<16xf32>
          %add3A_328 = arith.addf %add3A_314, %gather3A_327 : vector<16xf32>
          %xor3A_329 = arith.constant 2 : i32
          %xor3A_330 = vector.broadcast %xor3A_329 : i32 to vector<16xi32>
          %xor3A_331 = arith.xori %iota3A, %xor3A_330 : vector<16xi32>
          %lt3A_332 = arith.constant 0 : i32
          %lt3A_333 = vector.broadcast %lt3A_332 : i32 to vector<16xi32>
          %lt3A_334 = arith.cmpi slt, %xor3A_331, %lt3A_333 : vector<16xi32>
          %add3A_335 = arith.constant 16 : i32
          %add3A_336 = vector.broadcast %add3A_335 : i32 to vector<16xi32>
          %add3A_337 = arith.addi %xor3A_331, %add3A_336 : vector<16xi32>
          %select_n3A_338 = arith.select %lt3A_334, %add3A_337, %xor3A_331 : vector<16xi1>, vector<16xi32>
          %broadcast_in_dim3A_339 = vector.shape_cast %select_n3A_338 : vector<16xi32> to vector<16x1xi32>
          %gather3A_340 = vector.shape_cast %broadcast_in_dim3A_339 : vector<16x1xi32> to vector<16xi32>
          %gather3A_341 = tpu.dynamic_gather %add3A_328[%gather3A_340] in [0] : vector<16xf32>, vector<16xi32> -> vector<16xf32>
          %add3A_342 = arith.addf %add3A_328, %gather3A_341 : vector<16xf32>
          %xor3A_343 = arith.constant 1 : i32
          %xor3A_344 = vector.broadcast %xor3A_343 : i32 to vector<16xi32>
          %xor3A_345 = arith.xori %iota3A, %xor3A_344 : vector<16xi32>
          %lt3A_346 = arith.constant 0 : i32
          %lt3A_347 = vector.broadcast %lt3A_346 : i32 to vector<16xi32>
          %lt3A_348 = arith.cmpi slt, %xor3A_345, %lt3A_347 : vector<16xi32>
          %add3A_349 = arith.constant 16 : i32
          %add3A_350 = vector.broadcast %add3A_349 : i32 to vector<16xi32>
          %add3A_351 = arith.addi %xor3A_345, %add3A_350 : vector<16xi32>
          %select_n3A_352 = arith.select %lt3A_348, %add3A_351, %xor3A_345 : vector<16xi1>, vector<16xi32>
          %broadcast_in_dim3A_353 = vector.shape_cast %select_n3A_352 : vector<16xi32> to vector<16x1xi32>
          %gather3A_354 = vector.shape_cast %broadcast_in_dim3A_353 : vector<16x1xi32> to vector<16xi32>
          %gather3A_355 = tpu.dynamic_gather %add3A_342[%gather3A_354] in [0] : vector<16xf32>, vector<16xi32> -> vector<16xf32>
          %add3A_356 = arith.addf %add3A_342, %gather3A_355 : vector<16xf32>
          %eq3A = vector.broadcast %scan3A_189 : i32 to vector<16xi32>
          %eq3A_357 = arith.cmpi eq, %iota3A, %eq3A : vector<16xi32>
          %select_n3A_358 = arith.select %eq3A_357, %add3A_356, %scan3A_190 : vector<16xi1>, vector<16xf32>
          scf.yield %select_n3A_358 : vector<16xf32>
        }
        %scan3A_178 = arith.constant 16 : i32
        %mul3A_179 = arith.constant 128 : i32
        %mul3A_180 = arith.muli %add3A_160, %mul3A_179 : i32
        %mul3A_181 = arith.constant 16 : i32
        %mul3A_182 = arith.muli %scan3A_169, %mul3A_181 : i32
        %add3A_183 = arith.addi %mul3A_180, %mul3A_182 : i32
        %swap3A_184 = arith.index_cast %add3A_183 : i32 to index
        %swap3A_185 = tpu.vector_load %arg16[%swap3A_184] {strides = array<i32>} : memref<10000xf32, #tpu.memory_space<vmem>>, vector<16xf32>,
        %swap3A_186 = vector.shape_cast %swap3A_185 : vector<16xf32> to vector<16xf32>
        %swap3A_187 = vector.shape_cast %scan3A_177 : vector<16xf32> to vector<16xf32>
        tpu.vector_store %arg16[%swap3A_184], %swap3A_187 {strides = array<i32>} : memref<10000xf32, #tpu.memory_space<vmem>>, vector<16xf32>,
        %scan3A_188 = arith.constant 0 : i32
        scf.yield %scan3A_188 : i32
      }
      %scan3A_167 = arith.constant 8 : i32
      %scan3A_168 = arith.constant 0 : i32
      scf.yield %scan3A_168 : i32
    }
    %scan3A_42 = arith.constant 39 : i32
    %dma_wait3A = arith.constant 0 : i32
    %dma_wait3A_43 = arith.constant 0 : i32
    %dma_wait3A_44 = tpu.memref_slice %arg2[%dma_wait3A, %dma_wait3A_43] : memref<10000x128xf32, #tpu.memory_space<hbm>> -> memref<128x128xf32, #tpu.memory_space<hbm>>
    %dma_wait3A_45 = arith.constant 0 : i32
    %dma_wait3A_46 = arith.constant 0 : i32
    %dma_wait3A_47 = tpu.memref_slice %arg2[%dma_wait3A_45, %dma_wait3A_46] : memref<10000x128xf32, #tpu.memory_space<hbm>> -> memref<128x128xf32, #tpu.memory_space<hbm>>
    tpu.wait_dma2 semaphore(%arg18 : memref<!tpu.dma_semaphore, #tpu.memory_space<semaphore_mem>>) src(%dma_wait3A_47 : memref<128x128xf32, #tpu.memory_space<hbm>>) dst(%arg10 : memref<128x128xf32, #tpu.memory_space<vmem>>)
    %dma_wait3A_48 = arith.constant 0 : i32
    %dma_wait3A_49 = arith.constant 0 : i32
    %dma_wait3A_50 = tpu.memref_slice %arg3[%dma_wait3A_48, %dma_wait3A_49] : memref<10000x128xf32, #tpu.memory_space<hbm>> -> memref<128x128xf32, #tpu.memory_space<hbm>>
    %dma_wait3A_51 = arith.constant 0 : i32
    %dma_wait3A_52 = arith.constant 0 : i32
    %dma_wait3A_53 = tpu.memref_slice %arg3[%dma_wait3A_51, %dma_wait3A_52] : memref<10000x128xf32, #tpu.memory_space<hbm>> -> memref<128x128xf32, #tpu.memory_space<hbm>>
    tpu.wait_dma2 semaphore(%arg19 : memref<!tpu.dma_semaphore, #tpu.memory_space<semaphore_mem>>) src(%dma_wait3A_53 : memref<128x128xf32, #tpu.memory_space<hbm>>) dst(%arg11 : memref<128x128xf32, #tpu.memory_space<vmem>>)
    %dma_start3A_54 = arith.constant 9984 : i32
    %dma_start3A_55 = tpu.memref_slice %arg8[%dma_start3A_54] : memref<10000xi32, #tpu.memory_space<vmem>> -> memref<16xi32, #tpu.memory_space<vmem>>
    %dma_start3A_56 = arith.constant 0 : i32
    %dma_start3A_57 = arith.constant 0 : i32
    %dma_start3A_58 = tpu.memref_slice %arg2[%dma_start3A_56, %dma_start3A_57] : memref<10000x128xf32, #tpu.memory_space<hbm>> -> memref<10000x128xf32, #tpu.memory_space<hbm>>
    tpu.enqueue_indirect_dma source(%dma_start3A_58 : memref<10000x128xf32, #tpu.memory_space<hbm>>) target(%arg14 : memref<16x128xf32, #tpu.memory_space<vmem>>) offsets(%dma_start3A_55 : memref<16xi32, #tpu.memory_space<vmem>>) semaphore(%arg18 : memref<!tpu.dma_semaphore, #tpu.memory_space<semaphore_mem>>)
    %dma_start3A_59 = arith.constant 9984 : i32
    %dma_start3A_60 = tpu.memref_slice %arg9[%dma_start3A_59] : memref<10000xi32, #tpu.memory_space<vmem>> -> memref<16xi32, #tpu.memory_space<vmem>>
    %dma_start3A_61 = arith.constant 0 : i32
    %dma_start3A_62 = arith.constant 0 : i32
    %dma_start3A_63 = tpu.memref_slice %arg3[%dma_start3A_61, %dma_start3A_62] : memref<10000x128xf32, #tpu.memory_space<hbm>> -> memref<10000x128xf32, #tpu.memory_space<hbm>>
    tpu.enqueue_indirect_dma source(%dma_start3A_63 : memref<10000x128xf32, #tpu.memory_space<hbm>>) target(%arg15 : memref<16x128xf32, #tpu.memory_space<vmem>>) offsets(%dma_start3A_60 : memref<16xi32, #tpu.memory_space<vmem>>) semaphore(%arg19 : memref<!tpu.dma_semaphore, #tpu.memory_space<semaphore_mem>>)
    %dma_wait3A_64 = arith.constant 0 : i32
    %dma_wait3A_65 = arith.constant 0 : i32
    %dma_wait3A_66 = tpu.memref_slice %arg2[%dma_wait3A_64, %dma_wait3A_65] : memref<10000x128xf32, #tpu.memory_space<hbm>> -> memref<16x128xf32, #tpu.memory_space<hbm>>
    %dma_wait3A_67 = arith.constant 0 : i32
    %dma_wait3A_68 = arith.constant 0 : i32
    %dma_wait3A_69 = tpu.memref_slice %arg2[%dma_wait3A_67, %dma_wait3A_68] : memref<10000x128xf32, #tpu.memory_space<hbm>> -> memref<16x128xf32, #tpu.memory_space<hbm>>
    tpu.wait_dma2 semaphore(%arg18 : memref<!tpu.dma_semaphore, #tpu.memory_space<semaphore_mem>>) src(%dma_wait3A_69 : memref<16x128xf32, #tpu.memory_space<hbm>>) dst(%arg14 : memref<16x128xf32, #tpu.memory_space<vmem>>)
    %dma_wait3A_70 = arith.constant 0 : i32
    %dma_wait3A_71 = arith.constant 0 : i32
    %dma_wait3A_72 = tpu.memref_slice %arg3[%dma_wait3A_70, %dma_wait3A_71] : memref<10000x128xf32, #tpu.memory_space<hbm>> -> memref<16x128xf32, #tpu.memory_space<hbm>>
    %dma_wait3A_73 = arith.constant 0 : i32
    %dma_wait3A_74 = arith.constant 0 : i32
    %dma_wait3A_75 = tpu.memref_slice %arg3[%dma_wait3A_73, %dma_wait3A_74] : memref<10000x128xf32, #tpu.memory_space<hbm>> -> memref<16x128xf32, #tpu.memory_space<hbm>>
    tpu.wait_dma2 semaphore(%arg19 : memref<!tpu.dma_semaphore, #tpu.memory_space<semaphore_mem>>) src(%dma_wait3A_75 : memref<16x128xf32, #tpu.memory_space<hbm>>) dst(%arg15 : memref<16x128xf32, #tpu.memory_space<vmem>>)
    %scan3A_76 = arith.constant 0 : i32
    %scan3A_77 = arith.constant 0 : i32
    %broadcast_in_dim3A = arith.constant 0.000000e+00 : f32
    %broadcast_in_dim3A_78 = vector.broadcast %broadcast_in_dim3A : f32 to vector<16xf32>
    %scan3A_79 = arith.constant 0 : i32
    %scan3A_80 = arith.constant 16 : i32
    %scan3A_81 = arith.addi %scan3A_79, %scan3A_80 : i32
    %scan3A_82 = arith.constant 1 : i32
    %scan3A_83 = scf.for %scan3A_95 = %scan3A_79 to %scan3A_81 step %scan3A_82 iter_args(%scan3A_96 = %broadcast_in_dim3A_78) -> (vector<16xf32>)  : i32 {
      %mul3A_97 = arith.constant 16 : i32
      %mul3A_98 = arith.muli %scan3A_77, %mul3A_97 : i32
      %add3A_99 = arith.addi %mul3A_98, %scan3A_95 : i32
      %get3A_100 = arith.index_cast %add3A_99 : i32 to index
      %get3A_101 = arith.constant 0 : index
      %get3A_102 = tpu.vector_load %arg14[%get3A_100, %get3A_101] {strides = array<i32>} : memref<16x128xf32, #tpu.memory_space<vmem>>, vector<1x16xf32>,
      %get3A_103 = vector.shape_cast %get3A_102 : vector<1x16xf32> to vector<16xf32>
      %get3A_104 = arith.index_cast %add3A_99 : i32 to index
      %get3A_105 = arith.constant 0 : index
      %get3A_106 = tpu.vector_load %arg15[%get3A_104, %get3A_105] {strides = array<i32>} : memref<16x128xf32, #tpu.memory_space<vmem>>, vector<1x16xf32>,
      %get3A_107 = vector.shape_cast %get3A_106 : vector<1x16xf32> to vector<16xf32>
      %add3A_108 = arith.addf %get3A_103, %get3A_107 : vector<16xf32>
      %max3A = arith.constant 0.000000e+00 : f32
      %max3A_109 = vector.broadcast %max3A : f32 to vector<16xf32>
      %max3A_110 = arith.maximumf %add3A_108, %max3A_109 : vector<16xf32>
      %mul3A_111 = arith.mulf %max3A_110, %get3A_3 : vector<16xf32>
      %add3A_112 = arith.addf %get3A_27, %mul3A_111 : vector<16xf32>
      %get3A_113 = arith.index_cast %add3A_99 : i32 to index
      %get3A_114 = arith.constant 16 : index
      %get3A_115 = tpu.vector_load %arg14[%get3A_113, %get3A_114] {strides = array<i32>} : memref<16x128xf32, #tpu.memory_space<vmem>>, vector<1x16xf32>,
      %get3A_116 = vector.shape_cast %get3A_115 : vector<1x16xf32> to vector<16xf32>
      %get3A_117 = arith.index_cast %add3A_99 : i32 to index
      %get3A_118 = arith.constant 16 : index
      %get3A_119 = tpu.vector_load %arg15[%get3A_117, %get3A_118] {strides = array<i32>} : memref<16x128xf32, #tpu.memory_space<vmem>>, vector<1x16xf32>,
      %get3A_120 = vector.shape_cast %get3A_119 : vector<1x16xf32> to vector<16xf32>
      %add3A_121 = arith.addf %get3A_116, %get3A_120 : vector<16xf32>
      %max3A_122 = arith.constant 0.000000e+00 : f32
      %max3A_123 = vector.broadcast %max3A_122 : f32 to vector<16xf32>
      %max3A_124 = arith.maximumf %add3A_121, %max3A_123 : vector<16xf32>
      %mul3A_125 = arith.mulf %max3A_124, %get3A_6 : vector<16xf32>
      %add3A_126 = arith.addf %add3A_112, %mul3A_125 : vector<16xf32>
      %get3A_127 = arith.index_cast %add3A_99 : i32 to index
      %get3A_128 = arith.constant 32 : index
      %get3A_129 = tpu.vector_load %arg14[%get3A_127, %get3A_128] {strides = array<i32>} : memref<16x128xf32, #tpu.memory_space<vmem>>, vector<1x16xf32>,
      %get3A_130 = vector.shape_cast %get3A_129 : vector<1x16xf32> to vector<16xf32>
      %get3A_131 = arith.index_cast %add3A_99 : i32 to index
      %get3A_132 = arith.constant 32 : index
      %get3A_133 = tpu.vector_load %arg15[%get3A_131, %get3A_132] {strides = array<i32>} : memref<16x128xf32, #tpu.memory_space<vmem>>, vector<1x16xf32>,
      %get3A_134 = vector.shape_cast %get3A_133 : vector<1x16xf32> to vector<16xf32>
      %add3A_135 = arith.addf %get3A_130, %get3A_134 : vector<16xf32>
      %max3A_136 = arith.constant 0.000000e+00 : f32
      %max3A_137 = vector.broadcast %max3A_136 : f32 to vector<16xf32>
      %max3A_138 = arith.maximumf %add3A_135, %max3A_137 : vector<16xf32>
      %mul3A_139 = arith.mulf %max3A_138, %get3A_9 : vector<16xf32>
      %add3A_140 = arith.addf %add3A_126, %mul3A_139 : vector<16xf32>
      %get3A_141 = arith.index_cast %add3A_99 : i32 to index
      %get3A_142 = arith.constant 48 : index
      %get3A_143 = tpu.vector_load %arg14[%get3A_141, %get3A_142] {strides = array<i32>} : memref<16x128xf32, #tpu.memory_space<vmem>>, vector<1x16xf32>,
      %get3A_144 = vector.shape_cast %get3A_143 : vector<1x16xf32> to vector<16xf32>
      %get3A_145 = arith.index_cast %add3A_99 : i32 to index
      %get3A_146 = arith.constant 48 : index
      %get3A_147 = tpu.vector_load %arg15[%get3A_145, %get3A_146] {strides = array<i32>} : memref<16x128xf32, #tpu.memory_space<vmem>>, vector<1x16xf32>,
      %get3A_148 = vector.shape_cast %get3A_147 : vector<1x16xf32> to vector<16xf32>
      %add3A_149 = arith.addf %get3A_144, %get3A_148 : vector<16xf32>
      %max3A_150 = arith.constant 0.000000e+00 : f32
      %max3A_151 = vector.broadcast %max3A_150 : f32 to vector<16xf32>
      %max3A_152 = arith.maximumf %add3A_149, %max3A_151 : vector<16xf32>
      %mul3A_153 = arith.mulf %max3A_152, %get3A_12 : vector<16xf32>
      %add3A_154 = arith.addf %add3A_140, %mul3A_153 : vector<16xf32>
      %get3A_155 = arith.index_cast %add3A_99 : i32 to index
      %get3A_156 = arith.constant 64 : index
      %get3A_157 = tpu.vector_load %arg14[%get3A_155, %get3A_156] {strides = array<i32>} : memref<16x128xf32, #tpu.memory_space<vmem>>, vector<1x16xf32>,
      %get3A_158 = vector.shape_cast %get3A_157 : vector<1x16xf32> to vector<16xf32>
      %get3A_159 = arith.index_cast %add3A_99 : i32 to index
      %get3A_160 = arith.constant 64 : index
      %get3A_161 = tpu.vector_load %arg15[%get3A_159, %get3A_160] {strides = array<i32>} : memref<16x128xf32, #tpu.memory_space<vmem>>, vector<1x16xf32>,
      %get3A_162 = vector.shape_cast %get3A_161 : vector<1x16xf32> to vector<16xf32>
      %add3A_163 = arith.addf %get3A_158, %get3A_162 : vector<16xf32>
      %max3A_164 = arith.constant 0.000000e+00 : f32
      %max3A_165 = vector.broadcast %max3A_164 : f32 to vector<16xf32>
      %max3A_166 = arith.maximumf %add3A_163, %max3A_165 : vector<16xf32>
      %mul3A_167 = arith.mulf %max3A_166, %get3A_15 : vector<16xf32>
      %add3A_168 = arith.addf %add3A_154, %mul3A_167 : vector<16xf32>
      %get3A_169 = arith.index_cast %add3A_99 : i32 to index
      %get3A_170 = arith.constant 80 : index
      %get3A_171 = tpu.vector_load %arg14[%get3A_169, %get3A_170] {strides = array<i32>} : memref<16x128xf32, #tpu.memory_space<vmem>>, vector<1x16xf32>,
      %get3A_172 = vector.shape_cast %get3A_171 : vector<1x16xf32> to vector<16xf32>
      %get3A_173 = arith.index_cast %add3A_99 : i32 to index
      %get3A_174 = arith.constant 80 : index
      %get3A_175 = tpu.vector_load %arg15[%get3A_173, %get3A_174] {strides = array<i32>} : memref<16x128xf32, #tpu.memory_space<vmem>>, vector<1x16xf32>,
      %get3A_176 = vector.shape_cast %get3A_175 : vector<1x16xf32> to vector<16xf32>
      %add3A_177 = arith.addf %get3A_172, %get3A_176 : vector<16xf32>
      %max3A_178 = arith.constant 0.000000e+00 : f32
      %max3A_179 = vector.broadcast %max3A_178 : f32 to vector<16xf32>
      %max3A_180 = arith.maximumf %add3A_177, %max3A_179 : vector<16xf32>
      %mul3A_181 = arith.mulf %max3A_180, %get3A_18 : vector<16xf32>
      %add3A_182 = arith.addf %add3A_168, %mul3A_181 : vector<16xf32>
      %get3A_183 = arith.index_cast %add3A_99 : i32 to index
      %get3A_184 = arith.constant 96 : index
      %get3A_185 = tpu.vector_load %arg14[%get3A_183, %get3A_184] {strides = array<i32>} : memref<16x128xf32, #tpu.memory_space<vmem>>, vector<1x16xf32>,
      %get3A_186 = vector.shape_cast %get3A_185 : vector<1x16xf32> to vector<16xf32>
      %get3A_187 = arith.index_cast %add3A_99 : i32 to index
      %get3A_188 = arith.constant 96 : index
      %get3A_189 = tpu.vector_load %arg15[%get3A_187, %get3A_188] {strides = array<i32>} : memref<16x128xf32, #tpu.memory_space<vmem>>, vector<1x16xf32>,
      %get3A_190 = vector.shape_cast %get3A_189 : vector<1x16xf32> to vector<16xf32>
      %add3A_191 = arith.addf %get3A_186, %get3A_190 : vector<16xf32>
      %max3A_192 = arith.constant 0.000000e+00 : f32
      %max3A_193 = vector.broadcast %max3A_192 : f32 to vector<16xf32>
      %max3A_194 = arith.maximumf %add3A_191, %max3A_193 : vector<16xf32>
      %mul3A_195 = arith.mulf %max3A_194, %get3A_21 : vector<16xf32>
      %add3A_196 = arith.addf %add3A_182, %mul3A_195 : vector<16xf32>
      %get3A_197 = arith.index_cast %add3A_99 : i32 to index
      %get3A_198 = arith.constant 112 : index
      %get3A_199 = tpu.vector_load %arg14[%get3A_197, %get3A_198] {strides = array<i32>} : memref<16x128xf32, #tpu.memory_space<vmem>>, vector<1x16xf32>,
      %get3A_200 = vector.shape_cast %get3A_199 : vector<1x16xf32> to vector<16xf32>
      %get3A_201 = arith.index_cast %add3A_99 : i32 to index
      %get3A_202 = arith.constant 112 : index
      %get3A_203 = tpu.vector_load %arg15[%get3A_201, %get3A_202] {strides = array<i32>} : memref<16x128xf32, #tpu.memory_space<vmem>>, vector<1x16xf32>,
      %get3A_204 = vector.shape_cast %get3A_203 : vector<1x16xf32> to vector<16xf32>
      %add3A_205 = arith.addf %get3A_200, %get3A_204 : vector<16xf32>
      %max3A_206 = arith.constant 0.000000e+00 : f32
      %max3A_207 = vector.broadcast %max3A_206 : f32 to vector<16xf32>
      %max3A_208 = arith.maximumf %add3A_205, %max3A_207 : vector<16xf32>
      %mul3A_209 = arith.mulf %max3A_208, %get3A_24 : vector<16xf32>
      %add3A_210 = arith.addf %add3A_196, %mul3A_209 : vector<16xf32>
      %xor3A = arith.constant 8 : i32
      %xor3A_211 = vector.broadcast %xor3A : i32 to vector<16xi32>
      %xor3A_212 = arith.xori %iota3A, %xor3A_211 : vector<16xi32>
      %lt3A = arith.constant 0 : i32
      %lt3A_213 = vector.broadcast %lt3A : i32 to vector<16xi32>
      %lt3A_214 = arith.cmpi slt, %xor3A_212, %lt3A_213 : vector<16xi32>
      %add3A_215 = arith.constant 16 : i32
      %add3A_216 = vector.broadcast %add3A_215 : i32 to vector<16xi32>
      %add3A_217 = arith.addi %xor3A_212, %add3A_216 : vector<16xi32>
      %select_n3A = arith.select %lt3A_214, %add3A_217, %xor3A_212 : vector<16xi1>, vector<16xi32>
      %broadcast_in_dim3A_218 = vector.shape_cast %select_n3A : vector<16xi32> to vector<16x1xi32>
      %gather3A = vector.shape_cast %broadcast_in_dim3A_218 : vector<16x1xi32> to vector<16xi32>
      %gather3A_219 = tpu.dynamic_gather %add3A_210[%gather3A] in [0] : vector<16xf32>, vector<16xi32> -> vector<16xf32>
      %add3A_220 = arith.addf %add3A_210, %gather3A_219 : vector<16xf32>
      %xor3A_221 = arith.constant 4 : i32
      %xor3A_222 = vector.broadcast %xor3A_221 : i32 to vector<16xi32>
      %xor3A_223 = arith.xori %iota3A, %xor3A_222 : vector<16xi32>
      %lt3A_224 = arith.constant 0 : i32
      %lt3A_225 = vector.broadcast %lt3A_224 : i32 to vector<16xi32>
      %lt3A_226 = arith.cmpi slt, %xor3A_223, %lt3A_225 : vector<16xi32>
      %add3A_227 = arith.constant 16 : i32
      %add3A_228 = vector.broadcast %add3A_227 : i32 to vector<16xi32>
      %add3A_229 = arith.addi %xor3A_223, %add3A_228 : vector<16xi32>
      %select_n3A_230 = arith.select %lt3A_226, %add3A_229, %xor3A_223 : vector<16xi1>, vector<16xi32>
      %broadcast_in_dim3A_231 = vector.shape_cast %select_n3A_230 : vector<16xi32> to vector<16x1xi32>
      %gather3A_232 = vector.shape_cast %broadcast_in_dim3A_231 : vector<16x1xi32> to vector<16xi32>
      %gather3A_233 = tpu.dynamic_gather %add3A_220[%gather3A_232] in [0] : vector<16xf32>, vector<16xi32> -> vector<16xf32>
      %add3A_234 = arith.addf %add3A_220, %gather3A_233 : vector<16xf32>
      %xor3A_235 = arith.constant 2 : i32
      %xor3A_236 = vector.broadcast %xor3A_235 : i32 to vector<16xi32>
      %xor3A_237 = arith.xori %iota3A, %xor3A_236 : vector<16xi32>
      %lt3A_238 = arith.constant 0 : i32
      %lt3A_239 = vector.broadcast %lt3A_238 : i32 to vector<16xi32>
      %lt3A_240 = arith.cmpi slt, %xor3A_237, %lt3A_239 : vector<16xi32>
      %add3A_241 = arith.constant 16 : i32
      %add3A_242 = vector.broadcast %add3A_241 : i32 to vector<16xi32>
      %add3A_243 = arith.addi %xor3A_237, %add3A_242 : vector<16xi32>
      %select_n3A_244 = arith.select %lt3A_240, %add3A_243, %xor3A_237 : vector<16xi1>, vector<16xi32>
      %broadcast_in_dim3A_245 = vector.shape_cast %select_n3A_244 : vector<16xi32> to vector<16x1xi32>
      %gather3A_246 = vector.shape_cast %broadcast_in_dim3A_245 : vector<16x1xi32> to vector<16xi32>
      %gather3A_247 = tpu.dynamic_gather %add3A_234[%gather3A_246] in [0] : vector<16xf32>, vector<16xi32> -> vector<16xf32>
      %add3A_248 = arith.addf %add3A_234, %gather3A_247 : vector<16xf32>
      %xor3A_249 = arith.constant 1 : i32
      %xor3A_250 = vector.broadcast %xor3A_249 : i32 to vector<16xi32>
      %xor3A_251 = arith.xori %iota3A, %xor3A_250 : vector<16xi32>
      %lt3A_252 = arith.constant 0 : i32
      %lt3A_253 = vector.broadcast %lt3A_252 : i32 to vector<16xi32>
      %lt3A_254 = arith.cmpi slt, %xor3A_251, %lt3A_253 : vector<16xi32>
      %add3A_255 = arith.constant 16 : i32
      %add3A_256 = vector.broadcast %add3A_255 : i32 to vector<16xi32>
      %add3A_257 = arith.addi %xor3A_251, %add3A_256 : vector<16xi32>
      %select_n3A_258 = arith.select %lt3A_254, %add3A_257, %xor3A_251 : vector<16xi1>, vector<16xi32>
      %broadcast_in_dim3A_259 = vector.shape_cast %select_n3A_258 : vector<16xi32> to vector<16x1xi32>
      %gather3A_260 = vector.shape_cast %broadcast_in_dim3A_259 : vector<16x1xi32> to vector<16xi32>
      %gather3A_261 = tpu.dynamic_gather %add3A_248[%gather3A_260] in [0] : vector<16xf32>, vector<16xi32> -> vector<16xf32>
      %add3A_262 = arith.addf %add3A_248, %gather3A_261 : vector<16xf32>
      %eq3A = vector.broadcast %scan3A_95 : i32 to vector<16xi32>
      %eq3A_263 = arith.cmpi eq, %iota3A, %eq3A : vector<16xi32>
      %select_n3A_264 = arith.select %eq3A_263, %add3A_262, %scan3A_96 : vector<16xi1>, vector<16xf32>
      scf.yield %select_n3A_264 : vector<16xf32>
    }
    %scan3A_84 = arith.constant 16 : i32
    %mul3A_85 = arith.constant 16 : i32
    %mul3A_86 = arith.muli %scan3A_77, %mul3A_85 : i32
    %add3A_87 = arith.constant 9984 : i32
    %add3A_88 = arith.addi %add3A_87, %mul3A_86 : i32
    %swap3A = arith.index_cast %add3A_88 : i32 to index
    %swap3A_89 = tpu.vector_load %arg16[%swap3A] {strides = array<i32>} : memref<10000xf32, #tpu.memory_space<vmem>>, vector<16xf32>,
    %swap3A_90 = vector.shape_cast %swap3A_89 : vector<16xf32> to vector<16xf32>
    %swap3A_91 = vector.shape_cast %scan3A_83 : vector<16xf32> to vector<16xf32>
    tpu.vector_store %arg16[%swap3A], %swap3A_91 {strides = array<i32>} : memref<10000xf32, #tpu.memory_space<vmem>>, vector<16xf32>,
    %scan3A_92 = arith.constant 0 : i32
    %scan3A_93 = arith.constant 1 : i32
    %run_scoped3A_94 = arith.constant 0 : i32
    "tpu.region"() ({
      %run_scoped3A_95 = tpu.sem_alloc : memref<!tpu.dma_semaphore, #tpu.memory_space<semaphore_mem>>
      %dma_start3A_96 = arith.constant 0 : i32
      %dma_start3A_97 = tpu.memref_slice %arg7[%add3A, %run_scoped3A_94, %dma_start3A_96] : memref<32x1x10000xf32, #tpu.memory_space<hbm>> -> memref<1x1x10000xf32, #tpu.memory_space<hbm>>
      %dma_start3A_98 = tpu.memref_squeeze %dma_start3A_97 : memref<1x1x10000xf32, #tpu.memory_space<hbm>> -> memref<10000xf32, #tpu.memory_space<hbm>>
      %dma_start3A_99 = arith.constant 0 : i32
      %dma_start3A_100 = tpu.memref_slice %arg7[%add3A, %run_scoped3A_94, %dma_start3A_99] : memref<32x1x10000xf32, #tpu.memory_space<hbm>> -> memref<1x1x10000xf32, #tpu.memory_space<hbm>>
      %dma_start3A_101 = tpu.memref_squeeze %dma_start3A_100 : memref<1x1x10000xf32, #tpu.memory_space<hbm>> -> memref<10000xf32, #tpu.memory_space<hbm>>
      tpu.enqueue_dma source(%arg16 : memref<10000xf32, #tpu.memory_space<vmem>>) target(%dma_start3A_101 : memref<10000xf32, #tpu.memory_space<hbm>>) target_semaphore(%run_scoped3A_95 : memref<!tpu.dma_semaphore, #tpu.memory_space<semaphore_mem>>)
      %dma_wait3A_102 = arith.constant 0 : i32
      %dma_wait3A_103 = tpu.memref_slice %arg7[%add3A, %run_scoped3A_94, %dma_wait3A_102] : memref<32x1x10000xf32, #tpu.memory_space<hbm>> -> memref<1x1x10000xf32, #tpu.memory_space<hbm>>
      %dma_wait3A_104 = tpu.memref_squeeze %dma_wait3A_103 : memref<1x1x10000xf32, #tpu.memory_space<hbm>> -> memref<10000xf32, #tpu.memory_space<hbm>>
      %dma_wait3A_105 = arith.constant 0 : i32
      %dma_wait3A_106 = tpu.memref_slice %arg7[%add3A, %run_scoped3A_94, %dma_wait3A_105] : memref<32x1x10000xf32, #tpu.memory_space<hbm>> -> memref<1x1x10000xf32, #tpu.memory_space<hbm>>
      %dma_wait3A_107 = tpu.memref_squeeze %dma_wait3A_106 : memref<1x1x10000xf32, #tpu.memory_space<hbm>> -> memref<10000xf32, #tpu.memory_space<hbm>>
      tpu.wait_dma2 semaphore(%run_scoped3A_95 : memref<!tpu.dma_semaphore, #tpu.memory_space<semaphore_mem>>) src(%arg16 : memref<10000xf32, #tpu.memory_space<vmem>>) dst(%dma_wait3A_107 : memref<10000xf32, #tpu.memory_space<hbm>>)
      tpu.yield
    }) : () -> ()
    return
  }
}

module attributes {stable_mosaic.version = 14 : i64} {
  func.func @_combine_body(%arg0: i32, %arg1: memref<2x1000x128xf32, #tpu.memory_space<vmem>>, %arg2: memref<1000x1xf32, #tpu.memory_space<vmem>>, %arg3: memref<1000x128xf32, #tpu.memory_space<vmem>>, %arg4: memref<128x128xf32, #tpu.memory_space<vmem>>, %arg5: memref<1x128xf32, #tpu.memory_space<vmem>>, %arg6: memref<128x128xf32, #tpu.memory_space<vmem>>, %arg7: memref<1000x128xf32, #tpu.memory_space<vmem>>) attributes {dimension_semantics = [#tpu.dimension_semantics<arbitrary>], iteration_bounds = array<i64: 10>, scalar_prefetch = 0 : i64, scratch_operands = 0 : i64, tpu.core_type = #tpu.core_type<tc>, window_params = [{transform_indices = @transform_0, window_bounds = array<i64: 2, 1000, 128>}, {transform_indices = @transform_1, window_bounds = array<i64: 1000, 1>}, {transform_indices = @transform_2, window_bounds = array<i64: 1000, 128>}, {pipeline_mode = #tpu.pipeline_mode<synchronous>, transform_indices = @transform_3, window_bounds = array<i64: 128, 128>}, {pipeline_mode = #tpu.pipeline_mode<synchronous>, transform_indices = @transform_4, window_bounds = array<i64: 1, 128>}, {pipeline_mode = #tpu.pipeline_mode<synchronous>, transform_indices = @transform_5, window_bounds = array<i64: 128, 128>}, {transform_indices = @transform_6, window_bounds = array<i64: 1000, 128>}]} {
    %get3A = arith.constant 0 : index
    %get3A_0 = arith.constant 0 : index
    %get3A_1 = vector.load %arg2[%get3A, %get3A_0] : memref<1000x1xf32, #tpu.memory_space<vmem>>, vector<1000x1xf32>
    %max3A = arith.constant 1.000000e+00 : f32
    %max3A_2 = vector.broadcast %max3A : f32 to vector<1000x1xf32>
    %max3A_3 = arith.maximumf %get3A_1, %max3A_2 : vector<1000x1xf32>
    %get3A_4 = arith.constant 0 : index
    %get3A_5 = arith.constant 0 : index
    %get3A_6 = arith.constant 0 : index
    %get3A_7 = vector.load %arg1[%get3A_4, %get3A_5, %get3A_6] : memref<2x1000x128xf32, #tpu.memory_space<vmem>>, vector<1x1000x128xf32>
    %get3A_8 = vector.shape_cast %get3A_7 : vector<1x1000x128xf32> to vector<1000x128xf32>
    %get3A_9 = arith.constant 1 : index
    %get3A_10 = arith.constant 0 : index
    %get3A_11 = arith.constant 0 : index
    %get3A_12 = vector.load %arg1[%get3A_9, %get3A_10, %get3A_11] : memref<2x1000x128xf32, #tpu.memory_space<vmem>>, vector<1x1000x128xf32>
    %get3A_13 = vector.shape_cast %get3A_12 : vector<1x1000x128xf32> to vector<1000x128xf32>
    %add3A = arith.addf %get3A_8, %get3A_13 : vector<1000x128xf32>
    %div3A = vector.broadcast %max3A_3 : vector<1000x1xf32> to vector<1000x128xf32>
    %div3A_14 = arith.divf %add3A, %div3A : vector<1000x128xf32>
    %get3A_15 = arith.constant 0 : index
    %get3A_16 = arith.constant 0 : index
    %get3A_17 = vector.load %arg4[%get3A_15, %get3A_16] : memref<128x128xf32, #tpu.memory_space<vmem>>, vector<128x128xf32>
    %transpose3A = tpu.transpose %get3A_17, [1, 0] : vector<128x128xf32> -> vector<128x128xf32>
    %dot_general3A = arith.constant dense<0.000000e+00> : vector<1000x128xf32>
    %dot_general3A_18 = tpu.matmul %div3A_14, %transpose3A, %dot_general3A {dimension_numbers = #tpu.dot_dimension_numbers<[1], [0], [0], [1], [0, 0, 1, 1], [], []>, transpose_lhs_hint = false} : vector<1000x128xf32>, vector<128x128xf32>, vector<1000x128xf32> -> vector<1000x128xf32>
    %get3A_19 = arith.constant 0 : index
    %get3A_20 = arith.constant 0 : index
    %get3A_21 = vector.load %arg3[%get3A_19, %get3A_20] : memref<1000x128xf32, #tpu.memory_space<vmem>>, vector<1000x128xf32>
    %get3A_22 = arith.constant 0 : index
    %get3A_23 = arith.constant 0 : index
    %get3A_24 = vector.load %arg6[%get3A_22, %get3A_23] : memref<128x128xf32, #tpu.memory_space<vmem>>, vector<128x128xf32>
    %transpose3A_25 = tpu.transpose %get3A_24, [1, 0] : vector<128x128xf32> -> vector<128x128xf32>
    %dot_general3A_26 = arith.constant dense<0.000000e+00> : vector<1000x128xf32>
    %dot_general3A_27 = tpu.matmul %get3A_21, %transpose3A_25, %dot_general3A_26 {dimension_numbers = #tpu.dot_dimension_numbers<[1], [0], [0], [1], [0, 0, 1, 1], [], []>, transpose_lhs_hint = false} : vector<1000x128xf32>, vector<128x128xf32>, vector<1000x128xf32> -> vector<1000x128xf32>
    %add3A_28 = arith.addf %dot_general3A_18, %dot_general3A_27 : vector<1000x128xf32>
    %get3A_29 = arith.constant 0 : index
    %get3A_30 = arith.constant 0 : index
    %get3A_31 = vector.load %arg5[%get3A_29, %get3A_30] : memref<1x128xf32, #tpu.memory_space<vmem>>, vector<1x128xf32>
    %add3A_32 = vector.broadcast %get3A_31 : vector<1x128xf32> to vector<1000x128xf32>
    %add3A_33 = arith.addf %add3A_28, %add3A_32 : vector<1000x128xf32>
    %max3A_34 = arith.constant 0.000000e+00 : f32
    %max3A_35 = vector.broadcast %max3A_34 : f32 to vector<1000x128xf32>
    %max3A_36 = arith.maximumf %add3A_33, %max3A_35 : vector<1000x128xf32>
    %swap3A = arith.constant 0 : index
    %swap3A_37 = arith.constant 0 : index
    %swap3A_38 = vector.load %arg7[%swap3A, %swap3A_37] : memref<1000x128xf32, #tpu.memory_space<vmem>>, vector<1000x128xf32>
    tpu.vector_store %arg7[%swap3A, %swap3A_37], %max3A_36 {strides = array<i32>} : memref<1000x128xf32, #tpu.memory_space<vmem>>, vector<1000x128xf32>,
    return
  }
  func.func @transform_0(%arg0: i32) -> (i32, i32, i32) {
    %c0_i32 = arith.constant 0 : i32
    %c0_i32_0 = arith.constant 0 : i32
    %c0_i32_1 = arith.constant 0 : i32
    return %c0_i32, %arg0, %c0_i32_0 : i32, i32, i32
  }
  func.func @transform_1(%arg0: i32) -> (i32, i32) {
    %c0_i32 = arith.constant 0 : i32
    %c0_i32_0 = arith.constant 0 : i32
    return %arg0, %c0_i32 : i32, i32
  }
  func.func @transform_2(%arg0: i32) -> (i32, i32) {
    %c0_i32 = arith.constant 0 : i32
    %c0_i32_0 = arith.constant 0 : i32
    return %arg0, %c0_i32 : i32, i32
  }
  func.func @transform_3(%arg0: i32) -> (i32, i32) {
    %c0_i32 = arith.constant 0 : i32
    %c0_i32_0 = arith.constant 0 : i32
    %c0_i32_1 = arith.constant 0 : i32
    return %c0_i32, %c0_i32_0 : i32, i32
  }
  func.func @transform_4(%arg0: i32) -> (i32, i32) {
    %c0_i32 = arith.constant 0 : i32
    %c0_i32_0 = arith.constant 0 : i32
    %c0_i32_1 = arith.constant 0 : i32
    return %c0_i32, %c0_i32_0 : i32, i32
  }
  func.func @transform_5(%arg0: i32) -> (i32, i32) {
    %c0_i32 = arith.constant 0 : i32
    %c0_i32_0 = arith.constant 0 : i32
    %c0_i32_1 = arith.constant 0 : i32
    return %c0_i32, %c0_i32_0 : i32, i32
  }
  func.func @transform_6(%arg0: i32) -> (i32, i32) {
    %c0_i32 = arith.constant 0 : i32
    %c0_i32_0 = arith.constant 0 : i32
    return %arg0, %c0_i32 : i32, i32
  }
}

module attributes {stable_mosaic.version = 14 : i64} {
  func.func @_combine_body(%arg0: i32, %arg1: memref<2x1000x128xf32, #tpu.memory_space<vmem>>, %arg2: memref<1000x1xf32, #tpu.memory_space<vmem>>, %arg3: memref<1000x128xf32, #tpu.memory_space<vmem>>, %arg4: memref<128x128xf32, #tpu.memory_space<vmem>>, %arg5: memref<1x128xf32, #tpu.memory_space<vmem>>, %arg6: memref<128x128xf32, #tpu.memory_space<vmem>>, %arg7: memref<1000x128xf32, #tpu.memory_space<vmem>>) attributes {dimension_semantics = [#tpu.dimension_semantics<arbitrary>], iteration_bounds = array<i64: 10>, scalar_prefetch = 0 : i64, scratch_operands = 0 : i64, tpu.core_type = #tpu.core_type<tc>, window_params = [{transform_indices = @transform_0, window_bounds = array<i64: 2, 1000, 128>}, {transform_indices = @transform_1, window_bounds = array<i64: 1000, 1>}, {transform_indices = @transform_2, window_bounds = array<i64: 1000, 128>}, {pipeline_mode = #tpu.pipeline_mode<synchronous>, transform_indices = @transform_3, window_bounds = array<i64: 128, 128>}, {pipeline_mode = #tpu.pipeline_mode<synchronous>, transform_indices = @transform_4, window_bounds = array<i64: 1, 128>}, {pipeline_mode = #tpu.pipeline_mode<synchronous>, transform_indices = @transform_5, window_bounds = array<i64: 128, 128>}, {transform_indices = @transform_6, window_bounds = array<i64: 1000, 128>}]} {
    %get3A = arith.constant 0 : index
    %get3A_0 = arith.constant 0 : index
    %get3A_1 = vector.load %arg2[%get3A, %get3A_0] : memref<1000x1xf32, #tpu.memory_space<vmem>>, vector<1000x1xf32>
    %max3A = arith.constant 1.000000e+00 : f32
    %max3A_2 = vector.broadcast %max3A : f32 to vector<1000x1xf32>
    %max3A_3 = arith.maximumf %get3A_1, %max3A_2 : vector<1000x1xf32>
    %get3A_4 = arith.constant 0 : index
    %get3A_5 = arith.constant 0 : index
    %get3A_6 = arith.constant 0 : index
    %get3A_7 = vector.load %arg1[%get3A_4, %get3A_5, %get3A_6] : memref<2x1000x128xf32, #tpu.memory_space<vmem>>, vector<1x1000x128xf32>
    %get3A_8 = vector.shape_cast %get3A_7 : vector<1x1000x128xf32> to vector<1000x128xf32>
    %get3A_9 = arith.constant 1 : index
    %get3A_10 = arith.constant 0 : index
    %get3A_11 = arith.constant 0 : index
    %get3A_12 = vector.load %arg1[%get3A_9, %get3A_10, %get3A_11] : memref<2x1000x128xf32, #tpu.memory_space<vmem>>, vector<1x1000x128xf32>
    %get3A_13 = vector.shape_cast %get3A_12 : vector<1x1000x128xf32> to vector<1000x128xf32>
    %add3A = arith.addf %get3A_8, %get3A_13 : vector<1000x128xf32>
    %div3A = vector.broadcast %max3A_3 : vector<1000x1xf32> to vector<1000x128xf32>
    %div3A_14 = arith.divf %add3A, %div3A : vector<1000x128xf32>
    %get3A_15 = arith.constant 0 : index
    %get3A_16 = arith.constant 0 : index
    %get3A_17 = vector.load %arg4[%get3A_15, %get3A_16] : memref<128x128xf32, #tpu.memory_space<vmem>>, vector<128x128xf32>
    %transpose3A = tpu.transpose %get3A_17, [1, 0] : vector<128x128xf32> -> vector<128x128xf32>
    %dot_general3A = arith.constant dense<0.000000e+00> : vector<1000x128xf32>
    %dot_general3A_18 = tpu.matmul %div3A_14, %transpose3A, %dot_general3A {dimension_numbers = #tpu.dot_dimension_numbers<[1], [0], [0], [1], [0, 0, 1, 1], [], []>, transpose_lhs_hint = false} : vector<1000x128xf32>, vector<128x128xf32>, vector<1000x128xf32> -> vector<1000x128xf32>
    %get3A_19 = arith.constant 0 : index
    %get3A_20 = arith.constant 0 : index
    %get3A_21 = vector.load %arg3[%get3A_19, %get3A_20] : memref<1000x128xf32, #tpu.memory_space<vmem>>, vector<1000x128xf32>
    %get3A_22 = arith.constant 0 : index
    %get3A_23 = arith.constant 0 : index
    %get3A_24 = vector.load %arg6[%get3A_22, %get3A_23] : memref<128x128xf32, #tpu.memory_space<vmem>>, vector<128x128xf32>
    %transpose3A_25 = tpu.transpose %get3A_24, [1, 0] : vector<128x128xf32> -> vector<128x128xf32>
    %dot_general3A_26 = arith.constant dense<0.000000e+00> : vector<1000x128xf32>
    %dot_general3A_27 = tpu.matmul %get3A_21, %transpose3A_25, %dot_general3A_26 {dimension_numbers = #tpu.dot_dimension_numbers<[1], [0], [0], [1], [0, 0, 1, 1], [], []>, transpose_lhs_hint = false} : vector<1000x128xf32>, vector<128x128xf32>, vector<1000x128xf32> -> vector<1000x128xf32>
    %add3A_28 = arith.addf %dot_general3A_18, %dot_general3A_27 : vector<1000x128xf32>
    %get3A_29 = arith.constant 0 : index
    %get3A_30 = arith.constant 0 : index
    %get3A_31 = vector.load %arg5[%get3A_29, %get3A_30] : memref<1x128xf32, #tpu.memory_space<vmem>>, vector<1x128xf32>
    %add3A_32 = vector.broadcast %get3A_31 : vector<1x128xf32> to vector<1000x128xf32>
    %add3A_33 = arith.addf %add3A_28, %add3A_32 : vector<1000x128xf32>
    %swap3A = arith.constant 0 : index
    %swap3A_34 = arith.constant 0 : index
    %swap3A_35 = vector.load %arg7[%swap3A, %swap3A_34] : memref<1000x128xf32, #tpu.memory_space<vmem>>, vector<1000x128xf32>
    tpu.vector_store %arg7[%swap3A, %swap3A_34], %add3A_33 {strides = array<i32>} : memref<1000x128xf32, #tpu.memory_space<vmem>>, vector<1000x128xf32>,
    return
  }
  func.func @transform_0(%arg0: i32) -> (i32, i32, i32) {
    %c0_i32 = arith.constant 0 : i32
    %c0_i32_0 = arith.constant 0 : i32
    %c0_i32_1 = arith.constant 0 : i32
    return %c0_i32, %arg0, %c0_i32_0 : i32, i32, i32
  }
  func.func @transform_1(%arg0: i32) -> (i32, i32) {
    %c0_i32 = arith.constant 0 : i32
    %c0_i32_0 = arith.constant 0 : i32
    return %arg0, %c0_i32 : i32, i32
  }
  func.func @transform_2(%arg0: i32) -> (i32, i32) {
    %c0_i32 = arith.constant 0 : i32
    %c0_i32_0 = arith.constant 0 : i32
    return %arg0, %c0_i32 : i32, i32
  }
  func.func @transform_3(%arg0: i32) -> (i32, i32) {
    %c0_i32 = arith.constant 0 : i32
    %c0_i32_0 = arith.constant 0 : i32
    %c0_i32_1 = arith.constant 0 : i32
    return %c0_i32, %c0_i32_0 : i32, i32
  }
  func.func @transform_4(%arg0: i32) -> (i32, i32) {
    %c0_i32 = arith.constant 0 : i32
    %c0_i32_0 = arith.constant 0 : i32
    %c0_i32_1 = arith.constant 0 : i32
    return %c0_i32, %c0_i32_0 : i32, i32
  }
  func.func @transform_5(%arg0: i32) -> (i32, i32) {
    %c0_i32 = arith.constant 0 : i32
    %c0_i32_0 = arith.constant 0 : i32
    %c0_i32_1 = arith.constant 0 : i32
    return %c0_i32, %c0_i32_0 : i32, i32
  }
  func.func @transform_6(%arg0: i32) -> (i32, i32) {
    %c0_i32 = arith.constant 0 : i32
    %c0_i32_0 = arith.constant 0 : i32
    return %arg0, %c0_i32 : i32, i32
  }
}

module attributes {stable_mosaic.version = 14 : i64} {
  func.func @_ab_body(%arg0: i32, %arg1: memref<1000x128xf32, #tpu.memory_space<vmem>>, %arg2: memref<128x128xf32, #tpu.memory_space<vmem>>, %arg3: memref<128x128xf32, #tpu.memory_space<vmem>>, %arg4: memref<1x128xf32, #tpu.memory_space<vmem>>, %arg5: memref<1000x128xf32, #tpu.memory_space<vmem>>, %arg6: memref<1000x128xf32, #tpu.memory_space<vmem>>) attributes {dimension_semantics = [#tpu.dimension_semantics<arbitrary>], iteration_bounds = array<i64: 10>, scalar_prefetch = 0 : i64, scratch_operands = 0 : i64, tpu.core_type = #tpu.core_type<tc>, window_params = [{transform_indices = @transform_0, window_bounds = array<i64: 1000, 128>}, {pipeline_mode = #tpu.pipeline_mode<synchronous>, transform_indices = @transform_1, window_bounds = array<i64: 128, 128>}, {pipeline_mode = #tpu.pipeline_mode<synchronous>, transform_indices = @transform_2, window_bounds = array<i64: 128, 128>}, {pipeline_mode = #tpu.pipeline_mode<synchronous>, transform_indices = @transform_3, window_bounds = array<i64: 1, 128>}, {transform_indices = @transform_4, window_bounds = array<i64: 1000, 128>}, {transform_indices = @transform_5, window_bounds = array<i64: 1000, 128>}]} {
    %get3A = arith.constant 0 : index
    %get3A_0 = arith.constant 0 : index
    %get3A_1 = vector.load %arg1[%get3A, %get3A_0] : memref<1000x128xf32, #tpu.memory_space<vmem>>, vector<1000x128xf32>
    %get3A_2 = arith.constant 0 : index
    %get3A_3 = arith.constant 0 : index
    %get3A_4 = vector.load %arg2[%get3A_2, %get3A_3] : memref<128x128xf32, #tpu.memory_space<vmem>>, vector<128x128xf32>
    %transpose3A = tpu.transpose %get3A_4, [1, 0] : vector<128x128xf32> -> vector<128x128xf32>
    %dot_general3A = arith.constant dense<0.000000e+00> : vector<1000x128xf32>
    %dot_general3A_5 = tpu.matmul %get3A_1, %transpose3A, %dot_general3A {dimension_numbers = #tpu.dot_dimension_numbers<[1], [0], [0], [1], [0, 0, 1, 1], [], []>, transpose_lhs_hint = false} : vector<1000x128xf32>, vector<128x128xf32>, vector<1000x128xf32> -> vector<1000x128xf32>
    %get3A_6 = arith.constant 0 : index
    %get3A_7 = arith.constant 0 : index
    %get3A_8 = vector.load %arg4[%get3A_6, %get3A_7] : memref<1x128xf32, #tpu.memory_space<vmem>>, vector<1x128xf32>
    %add3A = vector.broadcast %get3A_8 : vector<1x128xf32> to vector<1000x128xf32>
    %add3A_9 = arith.addf %dot_general3A_5, %add3A : vector<1000x128xf32>
    %swap3A = arith.constant 0 : index
    %swap3A_10 = arith.constant 0 : index
    %swap3A_11 = vector.load %arg5[%swap3A, %swap3A_10] : memref<1000x128xf32, #tpu.memory_space<vmem>>, vector<1000x128xf32>
    tpu.vector_store %arg5[%swap3A, %swap3A_10], %add3A_9 {strides = array<i32>} : memref<1000x128xf32, #tpu.memory_space<vmem>>, vector<1000x128xf32>,
    %get3A_12 = arith.constant 0 : index
    %get3A_13 = arith.constant 0 : index
    %get3A_14 = vector.load %arg3[%get3A_12, %get3A_13] : memref<128x128xf32, #tpu.memory_space<vmem>>, vector<128x128xf32>
    %transpose3A_15 = tpu.transpose %get3A_14, [1, 0] : vector<128x128xf32> -> vector<128x128xf32>
    %dot_general3A_16 = arith.constant dense<0.000000e+00> : vector<1000x128xf32>
    %dot_general3A_17 = tpu.matmul %get3A_1, %transpose3A_15, %dot_general3A_16 {dimension_numbers = #tpu.dot_dimension_numbers<[1], [0], [0], [1], [0, 0, 1, 1], [], []>, transpose_lhs_hint = false} : vector<1000x128xf32>, vector<128x128xf32>, vector<1000x128xf32> -> vector<1000x128xf32>
    %swap3A_18 = arith.constant 0 : index
    %swap3A_19 = arith.constant 0 : index
    %swap3A_20 = vector.load %arg6[%swap3A_18, %swap3A_19] : memref<1000x128xf32, #tpu.memory_space<vmem>>, vector<1000x128xf32>
    tpu.vector_store %arg6[%swap3A_18, %swap3A_19], %dot_general3A_17 {strides = array<i32>} : memref<1000x128xf32, #tpu.memory_space<vmem>>, vector<1000x128xf32>,
    return
  }
  func.func @transform_0(%arg0: i32) -> (i32, i32) {
    %c0_i32 = arith.constant 0 : i32
    %c0_i32_0 = arith.constant 0 : i32
    return %arg0, %c0_i32 : i32, i32
  }
  func.func @transform_1(%arg0: i32) -> (i32, i32) {
    %c0_i32 = arith.constant 0 : i32
    %c0_i32_0 = arith.constant 0 : i32
    %c0_i32_1 = arith.constant 0 : i32
    return %c0_i32, %c0_i32_0 : i32, i32
  }
  func.func @transform_2(%arg0: i32) -> (i32, i32) {
    %c0_i32 = arith.constant 0 : i32
    %c0_i32_0 = arith.constant 0 : i32
    %c0_i32_1 = arith.constant 0 : i32
    return %c0_i32, %c0_i32_0 : i32, i32
  }
  func.func @transform_3(%arg0: i32) -> (i32, i32) {
    %c0_i32 = arith.constant 0 : i32
    %c0_i32_0 = arith.constant 0 : i32
    %c0_i32_1 = arith.constant 0 : i32
    return %c0_i32, %c0_i32_0 : i32, i32
  }
  func.func @transform_4(%arg0: i32) -> (i32, i32) {
    %c0_i32 = arith.constant 0 : i32
    %c0_i32_0 = arith.constant 0 : i32
    return %arg0, %c0_i32 : i32, i32
  }
  func.func @transform_5(%arg0: i32) -> (i32, i32) {
    %c0_i32 = arith.constant 0 : i32
    %c0_i32_0 = arith.constant 0 : i32
    return %arg0, %c0_i32 : i32, i32
  }
}

</mosaic_0001>

<sc_bundles>
// kernel: kernel.11.cloned.1.call-start
scs
__scs_entry_jumppad:
0x0: {  	(pc) =	sbr.rel $0x88, $3  }
0x1: {  	(tag) =	ssettag $0x0;
	lr =	simm.s32 $0x1  }
0x2: {  	[smem:$0x3F94] =	sst lr;
	_ =	strace $0xD0000000  }
0x3: {  	_ = 	snop  }
0x4: {  	_ = 	snop  }
0x5: {  	_ = 	snop  }
0x6: {  	_ = 	snop  }
0x7: {  	_ = 	snop  }
__scs_overlays_trampoline_lowered:
0x8: {  	[smem:$0x3FA3] =	sst s0  }
0x9: {  	[smem:$0x3FA4] =	sst s1  }
0xa: {  	[smem:$0x3FA5] =	sst s2  }
0xb: {  	[smem:$0x3FA6] =	sst s3  }
0xc: {  	[smem:$0x3FA7] =	sst s4  }
0xd: {  	[smem:$0x3FA8] =	sst s5  }
0xe: {  	[smem:$0x3FA9] =	sst s6  }
0xf: {  	[smem:$0x3FAA] =	sst s7  }
0x10: {  	[smem:$0x3FAB] =	sst s8  }
0x11: {  	[smem:$0x3FAC] =	sst s9;
	s0 =	simm.s32 @!p0 $0x0  }
0x12: {  	s1 =	sld [smem:$0x3F92];
	s0 =	simm.s32 @p0 $0x1  }
0x13: {  	[smem:$0x3FAD] =	sst s0;
	s0 =	simm.s32 @!p1 $0x0  }
0x14: {  	s2 =	sld [smem:$0x3F91];
	s0 =	simm.s32 @p1 $0x1  }
0x15: {  	[smem:$0x3FAE] =	sst s0;
	s0 =	simm.s32 @!p2 $0x0  }
0x16: {  	s3 =	sld [smem:$0x3FDB];
	s0 =	simm.s32 @p2 $0x1  }
0x17: {  	s4 =	simm.s32 $0x1BF5;
	[smem:$0x3FB0] =	sst s0  }
0x18: {  	s0 =	sld [smem:$0x3F93];
	_ =	swait.ge [sflag:s4], $0x0  }
0x19: {  	s7 =	sld [smem:$0x3F94]  }
0x1a: {  	s8 =	sadd.s32 $0xFFFFE003, lr  }
0x1b: {  	s9 =	sadd.s32 $0xFFFFFEF7, lr;
	s5 =	simm.s32 $0xFFFFFFFF;
	p2 =	slt.u32 s8, $0xFFFFF086  }
0x1c: {  	p1 =	slt.u32 s9, $0xF7A;
	s5 =	simm.s32 @!p2 $0x0  }
0x1d: {  	s5 =	simm.s32 @p1 $0x1;
	p0 =	seq.s32 s7, s2  }
0x1e: {  	s7 =	smul.u32 @!p0 $0xF7A, s2;
	p2 =	seq.s32 @!p0 s5, $0x0  }
0x1f: {  	s9 =	smul.u32 $0xF7A, s1;
	s8 =	simm.s32 @!p0 $0x1BF5;
	p2 =	por !p2, p0  }
0x20: {  	[sflag:s8] =	ssyncset.s32 @!p0 $0xFFFFF086;
	s6 =	sadd.s32 @!p0 s3, s7;
	s7 =	simm.s32 @!p0 $0x108  }
0x21: {  	s3 =	sadd.s32 s3, s9;
	s6 =	sadd.s32 @!p0 $0x88, s6;
	s7 =	simm.s32 @p2 $0x1082  }
0x22: {  	[simem:s7], [sflag:s8] =	dma.local @!p0 [hbm:s6], $0xF7A  }
0x23: {  	s9 =	sor.u32 $0xD0000000, s2;
	s6 =	simm.s32 $0x108;
	_ =	swait.ge @!p0 [sflag:s8], $0x0  }
0x24: {  	s3 =	sadd.s32 $0x88, s3;
	s6 =	simm.s32 @!p1 $0x1082;
	[sflag:s4] =	ssyncset.s32 $0xFFFFF086  }
0x25: {  	[simem:s6], [sflag:s4] =	dma.local [hbm:s3], $0xF7A  }
0x26: {  	[smem:$0x3F94] =	sst s1;
	(tag) =	ssettag s2;
	_ =	strace s9  }
0x27: {  	s1 =	sld [smem:$0x3FA4]  }
0x28: {  	s2 =	sld [smem:$0x3FA5]  }
0x29: {  	s4 =	sld [smem:$0x3FA7]  }
0x2a: {  	p0 =	seq.s32 s5, $0x0;
	s5 =	sld [smem:$0x3FA8]  }
0x2b: {  	s6 =	sld [smem:$0x3FA9]  }
0x2c: {  	s7 =	sld [smem:$0x3FAA]  }
0x2d: {  	s3 =	simm.s32 $0x108;
	s8 =	sld [smem:$0x3FAB]  }
0x2e: {  	s3 =	simm.s32 @!p0 $0x1082;
	s9 =	sld [smem:$0x3FAC]  }
0x2f: {  	lr =	sadd.s32 s0, s3;
	s0 =	sld [smem:$0x3FA3]  }
0x30: {  	s3 =	sld [smem:$0x3FA6]  }
0x31: {  	[smem:$0x3FAF] =	sst s10  }
0x32: {  	s10 =	sld [smem:$0x3FAD];
	_ =	sdelay $0x3  }
0x33: {  	p0 =	seq.s32 s10, $0x1;
	s10 =	sld [smem:$0x3FAF];
	_ =	sdelay $0x3  }
0x34: {  	[smem:$0x3FAF] =	sst s10  }
0x35: {  	s10 =	sld [smem:$0x3FAE];
	_ =	sdelay $0x3  }
0x36: {  	p1 =	seq.s32 s10, $0x1;
	s10 =	sld [smem:$0x3FAF];
	_ =	sdelay $0x3  }
0x37: {  	[smem:$0x3FAF] =	sst s10  }
0x38: {  	s10 =	sld [smem:$0x3FB0]  }
0x39: {  	_ = 	snop;
	(pc) =	sbr.ind lr, $3  }
0x3a: {  	_ = 	snop  }
0x3b: {  	_ = 	snop  }
0x3c: {  	p2 =	seq.s32 s10, $0x1;
	s10 =	sld [smem:$0x3FAF]  }
0x3d: {  	_ =	shalt  }
0x3e: {  	_ =	shalt  }
0x3f: {  	_ =	shalt  }
0x40: {  	_ =	shalt  }
0x41: {  	_ =	shalt  }
0x42: {  	_ =	shalt  }
0x43: {  	_ =	shalt  }
0x44: {  	_ =	shalt  }
0x45: {  	_ =	shalt  }
0x46: {  	_ =	shalt  }
0x47: {  	_ =	shalt  }
0x48: {  	_ =	shalt  }
0x49: {  	_ =	shalt  }
0x4a: {  	_ =	shalt  }
0x4b: {  	_ =	shalt  }
0x4c: {  	_ =	shalt  }
0x4d: {  	_ =	shalt  }
0x4e: {  	_ =	shalt  }
0x4f: {  	_ =	shalt  }
0x50: {  	_ =	shalt  }
0x51: {  	_ =	shalt  }
0x52: {  	_ =	shalt  }
0x53: {  	_ =	shalt  }
0x54: {  	_ =	shalt  }
0x55: {  	_ =	shalt  }
0x56: {  	_ =	shalt  }
0x57: {  	_ =	shalt  }
0x58: {  	_ =	shalt  }
0x59: {  	_ =	shalt  }
0x5a: {  	_ =	shalt  }
0x5b: {  	_ =	shalt  }
0x5c: {  	_ =	shalt  }
0x5d: {  	_ =	shalt  }
0x5e: {  	_ =	shalt  }
0x5f: {  	_ =	shalt  }
0x60: {  	_ =	shalt  }
0x61: {  	_ =	shalt  }
0x62: {  	_ =	shalt  }
0x63: {  	_ =	shalt  }
0x64: {  	_ =	shalt  }
0x65: {  	_ =	shalt  }
0x66: {  	_ =	shalt  }
0x67: {  	_ =	shalt  }
0x68: {  	_ =	shalt  }
0x69: {  	_ =	shalt  }
0x6a: {  	_ =	shalt  }
0x6b: {  	_ =	shalt  }
0x6c: {  	_ =	shalt  }
0x6d: {  	_ =	shalt  }
0x6e: {  	_ =	shalt  }
0x6f: {  	_ =	shalt  }
0x70: {  	_ =	shalt  }
0x71: {  	_ =	shalt  }
0x72: {  	_ =	shalt  }
0x73: {  	_ =	shalt  }
0x74: {  	_ =	shalt  }
0x75: {  	_ =	shalt  }
0x76: {  	_ =	shalt  }
0x77: {  	_ =	shalt  }
0x78: {  	_ =	shalt  }
0x79: {  	_ =	shalt  }
0x7a: {  	_ =	shalt  }
0x7b: {  	_ =	shalt  }
0x7c: {  	_ =	shalt  }
0x7d: {  	_ =	shalt  }
0x7e: {  	_ =	shalt  }
0x7f: {  	_ =	shalt  }
0x80: {  	_ =	shalt  }
0x81: {  	_ =	shalt  }
0x82: {  	_ =	shalt  }
0x83: {  	_ =	shalt  }
0x84: {  	_ =	shalt  }
0x85: {  	_ =	shalt  }
0x86: {  	_ =	shalt  }
0x87: {  	_ =	shalt  }
.Lfunc_end0:
.L_simem_size_0:
called_computation.2_lowered:
.L_overlay_start_0:
0x88: {  	s2 =	sld [smem:$0x3FD9]  }
0x89: {  	s3 =	sld [smem:$0x3FFE];
	_ =	sdelay $0x1  }
0x8a: {  	s1 =	srdreg.scid  }
0x8b: {  	s0 =	sand.u32 $0x1, s1  }
0x8c: {  	s16 =	sshll.u32 s0, $0xA;
	s2 =	sadd.s32 s3, s2  }
0x8d: {  	s2 =	sadd.s32 s2, s16  }
0x8e: {  	[smem:$0x3FBB] =	sst s2  }
0x8f: {  	_ = 	snop  }
0x90: {  	(tm) =	ssettm $0x1  }
0x91: {  	s17 =	sld [smem:$0x3FFB];
	_ =	sdelay $0x3  }
0x92: {  	_ =	strace s17  }
0x93: {  	s2 =	sld [smem:$0x3FFC];
	_ =	sdelay $0x3  }
0x94: {  	_ =	strace s2  }
0x95: {  	s2 =	sld [smem:$0x3FFD];
	_ =	sdelay $0x3  }
0x96: {  	_ =	strace s2  }
0x97: {  	_ =	strace $0x8FFFFFFF  }
0x98: {  	s18 =	sld [smem:$0x3FDB];
	_ =	sdelay $0x1  }
0x99: {  	s19 =	simm.s32 $_scs_section_size  }
0x9a: {  	s4 =	simm.s32 $_size__tile_overlayer_lowered;
	s5 =	simm.s32 $_tile_overlayer_lowered  }
0x9b: {  	s22 =	simm.s32 $0x1BFF;
	s21 =	sshll.u32 s5, $0x1;
	s2 =	sadd.s32 s19, s18  }
0x9c: {  	s6 =	simm.s32 $0x0;
	s20 =	sshll.u32 s4, $0x1;
	s4 =	sadd.s32 s21, s2  }
0x9d: {  	[timem:s6], [sflag:s22] =	dma.local [hbm:s4], s20  }
0x9e: {  	_ =	swait.ge [sflag:s22], s20  }
0x9f: {  	s3 =	ssub.s32 $0x0, s20;
	[sflag:s22] =	ssyncset.done $0x0  }
0xa0: {  	[sflag:s22] =	ssyncadd.s32 s3;
	_ =	sdelay $0x1  }
0xa1: {  	s23 =	simm.s32 $0x1B8B  }
0xa2: {  	_ =	swait.ge [sflag:s23], $0x1  }
0xa3: {  	[sflag:s23] =	ssyncset.done $0x0  }
0xa4: {  	s25 =	simm.s32 $0x1B8E;
	s24 =	sld [smem:$0x3FFE];
	[sflag:s23] =	ssyncadd.s32 $0xFFFFFFFF  }
0xa5: {  	s26 =	simm.s32 $execute0_lowered;
	[smem:$0x3FD2] =	sst s25  }
0xa6: {  	s4 =	sshll.u32 s26, $0x1;
	_ =	strace $0x8000004C;
	[dreg:$0x1] =	wrdreg $0xFFFFFFFF  }
0xa7: {  	s28 =	simm.s32 $_size_execute0_lowered;
	s2 =	sadd.s32 s2, s4;
	[dreg:$0x0] =	wrdreg $0x0  }
0xa8: {  	s4 =	sshll.u32 s28, $0x1;
	[dreg:$0x2] =	wrdreg s2  }
0xa9: {  	[dreg:$0x3] =	wrdreg s4  }
0xaa: {  	[dreg:$0x4] =	wrdreg $0xC0  }
0xab: {  	_ =	task [dreg:s6], $0x5FFFF  }
0xac: {  	[dreg:$0x1] =	wrdreg $0xFFFFFFFF  }
0xad: {  	[dreg:$0x0] =	wrdreg $0x60  }
0xae: {  	[dreg:$0x2] =	wrdreg s24  }
0xaf: {  	[dreg:$0x3] =	wrdreg $0x48000  }
0xb0: {  	[dreg:$0x4] =	wrdreg $0x9  }
0xb1: {  	_ =	task.clear_ibuf [dreg:s6], $0x5FFFF;
	_ =	strace $0x9000004C  }
0xb2: {  	s29 =	simm.s32 $0x9;
	_ =	strace $0x8000004E  }
0xb3: {  	_ =	swait.ge [sflag:s29], $0x1  }
0xb4: {  	[sflag:s29] =	ssyncadd.s32 $0xFFFFFFFF  }
0xb5: {  	_ =	strace $0x9000004E  }
0xb6: {  	_ =	sfence  }
0xb7: {  	s30 =	sld [smem:$0x0];
	_ =	sdelay $0x2  }
0xb8: {  	s31 =	sshll.u32 s1, $0xD;
	s1 =	sshrl.u32 s1, $0x2  }
0xb9: {  	s3 =	sand.u32 $0x4000, s31;
	s1 =	sadd.s32 s1, s30  }
0xba: {  	s0 =	sor.u32 s3, s0;
	s1 =	sshll.u32 s1, $0x11  }
0xbb: {  	s0 =	sor.u32 s1, s0  }
0xbc: {  	s0 =	sadd.s32 $0x8F2B, s0  }
0xbd: {  	[sflag:s0] =	ssyncadd.remote.s32 $0x1  }
0xbe: {  	_ =	sfence.sel $0xFFFF  }
0xbf: {  	[dreg:$0x0] =	wrdreg $0xFFFFFFFF;
	(pc) =	sbr.abs _section_cstart, $3  }
0xc0: {  	[dreg:$0x1] =	wrdreg $0xFFFFFFFF  }
0xc1: {  	_ =	task.clear_ibuf [dreg:s6], $0x2FFFF;
	_ =	strace $0x9FFFFFFF  }
0xc2: {  	(tm) =	ssettm $0x7FFFFFFF  }
0xc3: {  	_ =	shalt  }
tec
execute0_lowered:
.L_overlay_start_1:
0x0: {  	(tag) =	ssettag $0x1  }
0x1: {  	s0 =	srdreg.scid  }
0x2: {  	s11 =	stileid.u32;
	s1 =	rddreg [dreg:$0x0]  }
0x3: {  	s2 =	rddreg [dreg:$0x1];
	s3 =	simm.s32 $0x0;
	s28 =	simm.s32 $0x100  }
0x4: {  	s29 =	simm.s32 $0x500;
	s30 =	simm.s32 $0x180;
	s4 =	smul.u32 $0x5000, s11  }
0x5: {  	s31 =	simm.s32 $0x580;
	s0 =	sand.u32 $0x1, s0;
	s7 =	smul.u32 $0x50000, s11  }
0x6: {  	[smem:$0x7FF] =	sst s3;
	s10 =	sadd.s32 $0x1FC00, s1;
	s5 =	smul.u32 $0x2800, s0  }
0x7: {  	_ =	strace $0x8000004D;
	[dreg:$0x3] =	wrdreg s10;
	s10 =	smul.u32 $0x14000, s11  }
0x8: {  	s13 =	sshll.u32 s11, $0x6;
	s8 =	ssub.s32 $0x2, s0;
	s0 =	smul.u32 $0x140000, s0  }
0x9: {  	s9 =	sshrl.u32 s8, $0x1;
	s7 =	sshrl.u32 s7, $0x2;
	s4 =	sadd.s32 s5, s4  }
0xa: {  	s8 =	ssub.s32 s8, s9;
	s12 =	sadd.s32 s7, s2;
	s7 =	sor.u32 $0x1C02, s13  }
0xb: {  	s14 =	sadd.s32 $0x4000, s10;
	s16 =	sadd.s32 $0x8000, s10;
	s13 =	sadd.s32 s10, s0  }
0xc: {  	s5 =	sshrl.u32 s4, $0x3;
	s4 =	sadd.s32 $0x20400, s1;
	[dreg:$0x4] =	wrdreg s12  }
0xd: {  	s15 =	sadd.s32 s14, s2;
	s12 =	sadd.s32 $0xC000, s10;
	s17 =	sadd.s32 s16, s2  }
0xe: {  	s10 =	sadd.s32 $0x10000, s10;
	s13 =	sshrl.u32 s13, $0x3;
	s9 =	sadd.s32 s0, s14  }
0xf: {  	s22 =	sadd.s32 s0, s16;
	s26 =	smax.u32 s8, $0x1;
	s8 =	simm.s32 $0x680  }
0x10: {  	s6 =	sadd.s32 s5, s1;
	s1 =	sadd.s32 $0x47600, s1;
	[dreg:$0x5] =	wrdreg s15  }
0x11: {  	[dreg:$0x6] =	wrdreg s17;
	s18 =	sadd.s32 s12, s2;
	s19 =	sadd.s32 s10, s2  }
0x12: {  	s9 =	sshrl.u32 s9, $0x3;
	s23 =	sadd.s32 s0, s12;
	[dreg:$0xe] =	wrdreg s26  }
0x13: {  	s0 =	sadd.s32 s0, s10;
	s26 =	simm.s32 $0x480;
	[dreg:$0x7] =	wrdreg s18  }
0x14: {  	s10 =	simm.s32 $0x700;
	s12 =	simm.s32 $0x780;
	[dreg:$0x8] =	wrdreg s19  }
0x15: {  	s20 =	sadd.s32 s1, s13;
	s21 =	sadd.s32 s1, s9;
	s9 =	sshrl.u32 s22, $0x3  }
0x16: {  	s11 =	sshrl.u32 s23, $0x3;
	s0 =	sshrl.u32 s0, $0x3;
	s18 =	sadd.s32 $0x1800, s6  }
0x17: {  	s19 =	sadd.s32 $0x15600, s6;
	s22 =	simm.s32 $0x7D;
	s23 =	simm.s32 $0x800  }
0x18: {  	s6 =	simm.s32 $0x280;
	s13 =	simm.s32 $0x0;
	[dreg:$0x9] =	wrdreg s20  }
0x19: {  	[dreg:$0xa] =	wrdreg s21;
	s24 =	sadd.s32 s1, s9;
	s25 =	sadd.s32 s1, s11  }
0x1a: {  	s0 =	sadd.s32 s1, s0;
	s20 =	simm.s32 $0x2;
	[dreg:$0xb] =	wrdreg s24  }
0x1b: {  	s21 =	simm.s32 $0x400;
	s1 =	simm.s32 $0x200;
	[dreg:$0xc] =	wrdreg s25  }
0x1c: {  	s9 =	simm.s32 $0x300;
	s11 =	simm.s32 $0x380;
	[dreg:$0xd] =	wrdreg s0  }
0x1d: {  	s24 =	simm.s32 $0x1;
	s25 =	simm.s32 $0x80;
	s0 =	simm.s32 $0x600  }
.LBB2_1:
0x1e: {  	s5 =	rddreg [dreg:$0x4]  }
0x1f: {  	s14 =	sshrl.u32 s5, $0x3;
	s5 =	rddreg [dreg:$0x3]  }
0x20: {  	[dreg:$0xf] =	wrdreg s14  }
0x21: {  	[spmem:s14], [sflag:s7] =	dma.local [hbm:s5], $0x800  }
0x22: {  	_ =	swait.ge [sflag:s20], $0x800  }
0x23: {  	s16 =	rddreg [dreg:$0x5]  }
0x24: {  	[sflag:s20] =	ssyncset.done $0x0;
	s14 =	sshrl.u32 s16, $0x3  }
0x25: {  	[sflag:s20] =	ssyncadd.s32 $0xFFFFF800;
	[dreg:$0x10] =	wrdreg s14  }
0x26: {  	[spmem:s14], [sflag:s7] =	dma.local [hbm:s5], $0x800  }
0x27: {  	_ =	swait.ge [sflag:s20], $0x800  }
0x28: {  	s17 =	rddreg [dreg:$0x6]  }
0x29: {  	[sflag:s20] =	ssyncset.done $0x0;
	s14 =	sshrl.u32 s17, $0x3  }
0x2a: {  	[sflag:s20] =	ssyncadd.s32 $0xFFFFF800;
	[dreg:$0x11] =	wrdreg s14  }
0x2b: {  	[spmem:s14], [sflag:s7] =	dma.local [hbm:s5], $0x800  }
0x2c: {  	_ =	swait.ge [sflag:s20], $0x800  }
0x2d: {  	s15 =	rddreg [dreg:$0x7]  }
0x2e: {  	[sflag:s20] =	ssyncset.done $0x0;
	s14 =	sshrl.u32 s15, $0x3  }
0x2f: {  	[sflag:s20] =	ssyncadd.s32 $0xFFFFF800;
	[dreg:$0x12] =	wrdreg s14  }
0x30: {  	[spmem:s14], [sflag:s7] =	dma.local [hbm:s5], $0x800  }
0x31: {  	_ =	swait.ge [sflag:s20], $0x800  }
0x32: {  	s16 =	rddreg [dreg:$0x8]  }
0x33: {  	[sflag:s20] =	ssyncset.done $0x0;
	s14 =	sshrl.u32 s16, $0x3  }
0x34: {  	[sflag:s20] =	ssyncadd.s32 $0xFFFFF800;
	[dreg:$0x13] =	wrdreg s14  }
0x35: {  	[spmem:s14], [sflag:s7] =	dma.local [hbm:s5], $0x800  }
0x36: {  	_ =	swait.ge [sflag:s20], $0x800  }
0x37: {  	[sflag:s20] =	ssyncset.done $0x0  }
0x38: {  	[sflag:s20] =	ssyncadd.s32 $0xFFFFF800  }
0x39: {  	s15 =	sadd.s32 $0x0, s19;
	[bflag:$0x0] =	sbarrier.arrive $0xFFFF  }
0x3a: {  	[tilespmem:s3], [sflag:$0x2] =	stream.linear.gather [hbm4b:s15+s3], $0x400, $0x38;
	[tilespmem:$0x18800] =	vst v63  }
0x3b: {  	_ =	swait.ge [sflag:s20], $0x400  }
0x3c: {  	[sflag:s20] =	ssyncset.done $0x0  }
0x3d: {  	s17 =	sadd.s32 $0x0, s18;
	[sflag:s20] =	ssyncadd.s32 $0xFFFFFC00  }
0x3e: {  	[tilespmem:s21], [sflag:$0x2] =	stream.linear.gather [hbm4b:s17+s3], $0x400, $0x38;
	[tilespmem:$0x18800] =	vst v63  }
0x3f: {  	_ =	swait.ge [sflag:s20], $0x400  }
0x40: {  	[sflag:s20] =	ssyncset.done $0x0  }
0x41: {  	[sflag:s20] =	ssyncadd.s32 $0xFFFFFC00  }
0x42: {  	[tilespmem:s23], [sflag:$0x1] =	stream.indirect.gather [hbm4b:s4+s22], $0x80, s3, s22, $0xb8;
	[tilespmem:$0x18800] =	vst v63  }
0x43: {  	_ =	swait.ge [sflag:s24], $0x3E80  }
0x44: {  	[sflag:s24] =	ssyncset.done $0x0  }
0x45: {  	[sflag:s24] =	ssyncadd.s32 $0xFFFFC180  }
0x46: {  	[spmem:s2] =	stream.indirect.scatter.add.f32 [tilespmem:s23], [sflag:$0x2], $0x80, s21, s22, $0xb8;
	[tilespmem:$0x18800] =	vst v63  }
0x47: {  	_ =	swait.ge [sflag:s20], $0x3E80  }
0x48: {  	[sflag:s20] =	ssyncset.done $0x0  }
0x49: {  	[sflag:s20] =	ssyncadd.s32 $0xFFFFC180  }
0x4a: {  	[tilespmem:s23], [sflag:$0x1] =	stream.indirect.gather [hbm4b:s4+s22], $0x80, s25, s22, $0xb8;
	[tilespmem:$0x18800] =	vst v63  }
0x4b: {  	_ =	swait.ge [sflag:s24], $0x3E80  }
0x4c: {  	[sflag:s24] =	ssyncset.done $0x0  }
0x4d: {  	[sflag:s24] =	ssyncadd.s32 $0xFFFFC180  }
0x4e: {  	[spmem:s2] =	stream.indirect.scatter.add.f32 [tilespmem:s23], [sflag:$0x2], $0x80, s26, s22, $0xb8;
	[tilespmem:$0x18800] =	vst v63  }
0x4f: {  	_ =	swait.ge [sflag:s20], $0x3E80  }
0x50: {  	[sflag:s20] =	ssyncset.done $0x0  }
0x51: {  	[sflag:s20] =	ssyncadd.s32 $0xFFFFC180  }
0x52: {  	[tilespmem:s23], [sflag:$0x1] =	stream.indirect.gather [hbm4b:s4+s22], $0x80, s28, s22, $0xb8;
	[tilespmem:$0x18800] =	vst v63  }
0x53: {  	_ =	swait.ge [sflag:s24], $0x3E80  }
0x54: {  	[sflag:s24] =	ssyncset.done $0x0  }
0x55: {  	[sflag:s24] =	ssyncadd.s32 $0xFFFFC180  }
0x56: {  	[spmem:s2] =	stream.indirect.scatter.add.f32 [tilespmem:s23], [sflag:$0x2], $0x80, s29, s22, $0xb8;
	[tilespmem:$0x18800] =	vst v63  }
0x57: {  	_ =	swait.ge [sflag:s20], $0x3E80  }
0x58: {  	[sflag:s20] =	ssyncset.done $0x0  }
0x59: {  	[sflag:s20] =	ssyncadd.s32 $0xFFFFC180  }
0x5a: {  	[tilespmem:s23], [sflag:$0x1] =	stream.indirect.gather [hbm4b:s4+s22], $0x80, s30, s22, $0xb8;
	[tilespmem:$0x18800] =	vst v63  }
0x5b: {  	_ =	swait.ge [sflag:s24], $0x3E80  }
0x5c: {  	[sflag:s24] =	ssyncset.done $0x0  }
0x5d: {  	[sflag:s24] =	ssyncadd.s32 $0xFFFFC180  }
0x5e: {  	[spmem:s2] =	stream.indirect.scatter.add.f32 [tilespmem:s23], [sflag:$0x2], $0x80, s31, s22, $0xb8;
	[tilespmem:$0x18800] =	vst v63  }
0x5f: {  	_ =	swait.ge [sflag:s20], $0x3E80  }
0x60: {  	[sflag:s20] =	ssyncset.done $0x0  }
0x61: {  	[sflag:s20] =	ssyncadd.s32 $0xFFFFC180  }
0x62: {  	[tilespmem:s23], [sflag:$0x1] =	stream.indirect.gather [hbm4b:s4+s22], $0x80, s1, s22, $0xb8;
	[tilespmem:$0x18800] =	vst v63  }
0x63: {  	_ =	swait.ge [sflag:s24], $0x3E80  }
0x64: {  	[sflag:s24] =	ssyncset.done $0x0  }
0x65: {  	[sflag:s24] =	ssyncadd.s32 $0xFFFFC180  }
0x66: {  	[spmem:s2] =	stream.indirect.scatter.add.f32 [tilespmem:s23], [sflag:$0x2], $0x80, s0, s22, $0xb8;
	[tilespmem:$0x18800] =	vst v63  }
0x67: {  	_ =	swait.ge [sflag:s20], $0x3E80  }
0x68: {  	[sflag:s20] =	ssyncset.done $0x0  }
0x69: {  	[sflag:s20] =	ssyncadd.s32 $0xFFFFC180  }
0x6a: {  	[tilespmem:s23], [sflag:$0x1] =	stream.indirect.gather [hbm4b:s4+s22], $0x80, s6, s22, $0xb8;
	[tilespmem:$0x18800] =	vst v63  }
0x6b: {  	_ =	swait.ge [sflag:s24], $0x3E80  }
0x6c: {  	[sflag:s24] =	ssyncset.done $0x0  }
0x6d: {  	[sflag:s24] =	ssyncadd.s32 $0xFFFFC180  }
0x6e: {  	[spmem:s2] =	stream.indirect.scatter.add.f32 [tilespmem:s23], [sflag:$0x2], $0x80, s8, s22, $0xb8;
	[tilespmem:$0x18800] =	vst v63  }
0x6f: {  	_ =	swait.ge [sflag:s20], $0x3E80  }
0x70: {  	[sflag:s20] =	ssyncset.done $0x0  }
0x71: {  	[sflag:s20] =	ssyncadd.s32 $0xFFFFC180  }
0x72: {  	[tilespmem:s23], [sflag:$0x1] =	stream.indirect.gather [hbm4b:s4+s22], $0x80, s9, s22, $0xb8;
	[tilespmem:$0x18800] =	vst v63  }
0x73: {  	_ =	swait.ge [sflag:s24], $0x3E80  }
0x74: {  	[sflag:s24] =	ssyncset.done $0x0  }
0x75: {  	[sflag:s24] =	ssyncadd.s32 $0xFFFFC180  }
0x76: {  	[spmem:s2] =	stream.indirect.scatter.add.f32 [tilespmem:s23], [sflag:$0x2], $0x80, s10, s22, $0xb8;
	[tilespmem:$0x18800] =	vst v63  }
0x77: {  	_ =	swait.ge [sflag:s20], $0x3E80  }
0x78: {  	[sflag:s20] =	ssyncset.done $0x0  }
0x79: {  	[sflag:s20] =	ssyncadd.s32 $0xFFFFC180  }
0x7a: {  	[tilespmem:s23], [sflag:$0x1] =	stream.indirect.gather [hbm4b:s4+s22], $0x80, s11, s22, $0xb8;
	[tilespmem:$0x18800] =	vst v63  }
0x7b: {  	_ =	swait.ge [sflag:s24], $0x3E80  }
0x7c: {  	[sflag:s24] =	ssyncset.done $0x0  }
0x7d: {  	[sflag:s24] =	ssyncadd.s32 $0xFFFFC180  }
0x7e: {  	[spmem:s2] =	stream.indirect.scatter.add.f32 [tilespmem:s23], [sflag:$0x2], $0x80, s12, s22, $0xb8;
	[tilespmem:$0x18800] =	vst v63  }
0x7f: {  	_ =	swait.ge [sflag:s20], $0x3E80  }
0x80: {  	s16 =	simm.s32 $0x100;
	s15 =	simm.s32 $0x80;
	[sflag:s20] =	ssyncset.done $0x0  }
.LBB2_2:
0x81: {  	s14 =	sadd.s32 s15, s19  }
0x82: {  	[sflag:s20] =	ssyncadd.s32 $0xFFFFC180;
	s5 =	smov.u32 s16;
	s17 =	sadd.s32 $0x80, s16  }
0x83: {  	[tilespmem:s3], [sflag:$0x2] =	stream.linear.gather [hbm4b:s14+s3], $0x400, $0x38;
	[tilespmem:$0x18800] =	vst v63  }
0x84: {  	p0 =	sne.s32 s16, $0x480;
	_ =	swait.ge [sflag:s20], $0x400  }
0x85: {  	[sflag:s20] =	ssyncset.done $0x0  }
0x86: {  	s14 =	sadd.s32 s15, s18;
	s15 =	smov.u32 s5;
	[sflag:s20] =	ssyncadd.s32 $0xFFFFFC00  }
0x87: {  	[tilespmem:s21], [sflag:$0x2] =	stream.linear.gather [hbm4b:s14+s3], $0x400, $0x38;
	[tilespmem:$0x18800] =	vst v63  }
0x88: {  	_ =	swait.ge [sflag:s20], $0x400  }
0x89: {  	[sflag:s20] =	ssyncset.done $0x0  }
0x8a: {  	[sflag:s20] =	ssyncadd.s32 $0xFFFFFC00  }
0x8b: {  	[tilespmem:s23], [sflag:$0x1] =	stream.indirect.gather [hbm4b:s4+s22], $0x80, s3, s22, $0xb8;
	[tilespmem:$0x18800] =	vst v63  }
0x8c: {  	_ =	swait.ge [sflag:s24], $0x3E80  }
0x8d: {  	[sflag:s24] =	ssyncset.done $0x0  }
0x8e: {  	[sflag:s24] =	ssyncadd.s32 $0xFFFFC180  }
0x8f: {  	[spmem:s2] =	stream.indirect.scatter.add.f32 [tilespmem:s23], [sflag:$0x2], $0x80, s21, s22, $0xb8;
	[tilespmem:$0x18800] =	vst v63  }
0x90: {  	_ =	swait.ge [sflag:s20], $0x3E80  }
0x91: {  	[sflag:s20] =	ssyncset.done $0x0  }
0x92: {  	[sflag:s20] =	ssyncadd.s32 $0xFFFFC180  }
0x93: {  	[tilespmem:s23], [sflag:$0x1] =	stream.indirect.gather [hbm4b:s4+s22], $0x80, s25, s22, $0xb8;
	[tilespmem:$0x18800] =	vst v63  }
0x94: {  	_ =	swait.ge [sflag:s24], $0x3E80  }
0x95: {  	[sflag:s24] =	ssyncset.done $0x0  }
0x96: {  	[sflag:s24] =	ssyncadd.s32 $0xFFFFC180  }
0x97: {  	[spmem:s2] =	stream.indirect.scatter.add.f32 [tilespmem:s23], [sflag:$0x2], $0x80, s26, s22, $0xb8;
	[tilespmem:$0x18800] =	vst v63  }
0x98: {  	_ =	swait.ge [sflag:s20], $0x3E80  }
0x99: {  	[sflag:s20] =	ssyncset.done $0x0  }
0x9a: {  	[sflag:s20] =	ssyncadd.s32 $0xFFFFC180  }
0x9b: {  	[tilespmem:s23], [sflag:$0x1] =	stream.indirect.gather [hbm4b:s4+s22], $0x80, s28, s22, $0xb8;
	[tilespmem:$0x18800] =	vst v63  }
0x9c: {  	_ =	swait.ge [sflag:s24], $0x3E80  }
0x9d: {  	[sflag:s24] =	ssyncset.done $0x0  }
0x9e: {  	[sflag:s24] =	ssyncadd.s32 $0xFFFFC180  }
0x9f: {  	[spmem:s2] =	stream.indirect.scatter.add.f32 [tilespmem:s23], [sflag:$0x2], $0x80, s29, s22, $0xb8;
	[tilespmem:$0x18800] =	vst v63  }
0xa0: {  	_ =	swait.ge [sflag:s20], $0x3E80  }
0xa1: {  	[sflag:s20] =	ssyncset.done $0x0  }
0xa2: {  	[sflag:s20] =	ssyncadd.s32 $0xFFFFC180  }
0xa3: {  	[tilespmem:s23], [sflag:$0x1] =	stream.indirect.gather [hbm4b:s4+s22], $0x80, s30, s22, $0xb8;
	[tilespmem:$0x18800] =	vst v63  }
0xa4: {  	_ =	swait.ge [sflag:s24], $0x3E80  }
0xa5: {  	[sflag:s24] =	ssyncset.done $0x0  }
0xa6: {  	[sflag:s24] =	ssyncadd.s32 $0xFFFFC180  }
0xa7: {  	[spmem:s2] =	stream.indirect.scatter.add.f32 [tilespmem:s23], [sflag:$0x2], $0x80, s31, s22, $0xb8;
	[tilespmem:$0x18800] =	vst v63  }
0xa8: {  	_ =	swait.ge [sflag:s20], $0x3E80  }
0xa9: {  	[sflag:s20] =	ssyncset.done $0x0  }
0xaa: {  	[sflag:s20] =	ssyncadd.s32 $0xFFFFC180  }
0xab: {  	[tilespmem:s23], [sflag:$0x1] =	stream.indirect.gather [hbm4b:s4+s22], $0x80, s1, s22, $0xb8;
	[tilespmem:$0x18800] =	vst v63  }
0xac: {  	_ =	swait.ge [sflag:s24], $0x3E80  }
0xad: {  	[sflag:s24] =	ssyncset.done $0x0  }
0xae: {  	[sflag:s24] =	ssyncadd.s32 $0xFFFFC180  }
0xaf: {  	[spmem:s2] =	stream.indirect.scatter.add.f32 [tilespmem:s23], [sflag:$0x2], $0x80, s0, s22, $0xb8;
	[tilespmem:$0x18800] =	vst v63  }
0xb0: {  	_ =	swait.ge [sflag:s20], $0x3E80  }
0xb1: {  	[sflag:s20] =	ssyncset.done $0x0  }
0xb2: {  	[sflag:s20] =	ssyncadd.s32 $0xFFFFC180  }
0xb3: {  	[tilespmem:s23], [sflag:$0x1] =	stream.indirect.gather [hbm4b:s4+s22], $0x80, s6, s22, $0xb8;
	[tilespmem:$0x18800] =	vst v63  }
0xb4: {  	_ =	swait.ge [sflag:s24], $0x3E80  }
0xb5: {  	[sflag:s24] =	ssyncset.done $0x0  }
0xb6: {  	[sflag:s24] =	ssyncadd.s32 $0xFFFFC180  }
0xb7: {  	[spmem:s2] =	stream.indirect.scatter.add.f32 [tilespmem:s23], [sflag:$0x2], $0x80, s8, s22, $0xb8;
	[tilespmem:$0x18800] =	vst v63  }
0xb8: {  	_ =	swait.ge [sflag:s20], $0x3E80  }
0xb9: {  	[sflag:s20] =	ssyncset.done $0x0  }
0xba: {  	[sflag:s20] =	ssyncadd.s32 $0xFFFFC180  }
0xbb: {  	[tilespmem:s23], [sflag:$0x1] =	stream.indirect.gather [hbm4b:s4+s22], $0x80, s9, s22, $0xb8;
	[tilespmem:$0x18800] =	vst v63  }
0xbc: {  	_ =	swait.ge [sflag:s24], $0x3E80  }
0xbd: {  	[sflag:s24] =	ssyncset.done $0x0  }
0xbe: {  	[sflag:s24] =	ssyncadd.s32 $0xFFFFC180  }
0xbf: {  	[spmem:s2] =	stream.indirect.scatter.add.f32 [tilespmem:s23], [sflag:$0x2], $0x80, s10, s22, $0xb8;
	[tilespmem:$0x18800] =	vst v63  }
0xc0: {  	_ =	swait.ge [sflag:s20], $0x3E80  }
0xc1: {  	[sflag:s20] =	ssyncset.done $0x0  }
0xc2: {  	[sflag:s20] =	ssyncadd.s32 $0xFFFFC180  }
0xc3: {  	[tilespmem:s23], [sflag:$0x1] =	stream.indirect.gather [hbm4b:s4+s22], $0x80, s11, s22, $0xb8;
	[tilespmem:$0x18800] =	vst v63  }
0xc4: {  	_ =	swait.ge [sflag:s24], $0x3E80  }
.Ltmp0:
0xc5: {  	[sflag:s24] =	ssyncset.done $0x0;
	(pc) =	sbr.rel @p0 .LBB2_2-.Ltmp0, $4  }
0xc6: {  	[sflag:s24] =	ssyncadd.s32 $0xFFFFC180  }
0xc7: {  	[spmem:s2] =	stream.indirect.scatter.add.f32 [tilespmem:s23], [sflag:$0x2], $0x80, s12, s22, $0xb8;
	[tilespmem:$0x18800] =	vst v63  }
0xc8: {  	_ =	swait.ge [sflag:s20], $0x3E80  }
0xc9: {  	s16 =	smov.u32 s17;
	[sflag:s20] =	ssyncset.done $0x0  }
0xca: {  	s5 =	sadd.s32 s15, s19;
	[sflag:s20] =	ssyncadd.s32 $0xFFFFC180  }
0xcb: {  	[tilespmem:s3], [sflag:$0x2] =	stream.linear.gather [hbm4b:s5+s3], $0x400, $0x38;
	[tilespmem:$0x18800] =	vst v63  }
0xcc: {  	_ =	swait.ge [sflag:s20], $0x400  }
0xcd: {  	[sflag:s20] =	ssyncset.done $0x0  }
0xce: {  	s14 =	sadd.s32 s15, s18;
	[sflag:s20] =	ssyncadd.s32 $0xFFFFFC00  }
0xcf: {  	[tilespmem:s21], [sflag:$0x2] =	stream.linear.gather [hbm4b:s14+s3], $0x400, $0x38;
	[tilespmem:$0x18800] =	vst v63  }
0xd0: {  	_ =	swait.ge [sflag:s20], $0x400  }
0xd1: {  	[sflag:s20] =	ssyncset.done $0x0  }
0xd2: {  	[sflag:s20] =	ssyncadd.s32 $0xFFFFFC00  }
0xd3: {  	[tilespmem:s23], [sflag:$0x1] =	stream.indirect.gather [hbm4b:s4+s22], $0x80, s3, s22, $0xb8;
	[tilespmem:$0x18800] =	vst v63  }
0xd4: {  	_ =	swait.ge [sflag:s24], $0x3E80  }
0xd5: {  	[sflag:s24] =	ssyncset.done $0x0  }
0xd6: {  	[sflag:s24] =	ssyncadd.s32 $0xFFFFC180  }
0xd7: {  	[spmem:s2] =	stream.indirect.scatter.add.f32 [tilespmem:s23], [sflag:$0x2], $0x80, s21, s22, $0xb8;
	[tilespmem:$0x18800] =	vst v63  }
0xd8: {  	_ =	swait.ge [sflag:s20], $0x3E80  }
0xd9: {  	[sflag:s20] =	ssyncset.done $0x0  }
0xda: {  	[sflag:s20] =	ssyncadd.s32 $0xFFFFC180  }
0xdb: {  	[tilespmem:s23], [sflag:$0x1] =	stream.indirect.gather [hbm4b:s4+s22], $0x80, s25, s22, $0xb8;
	[tilespmem:$0x18800] =	vst v63  }
0xdc: {  	_ =	swait.ge [sflag:s24], $0x3E80  }
0xdd: {  	[sflag:s24] =	ssyncset.done $0x0  }
0xde: {  	[sflag:s24] =	ssyncadd.s32 $0xFFFFC180  }
0xdf: {  	[spmem:s2] =	stream.indirect.scatter.add.f32 [tilespmem:s23], [sflag:$0x2], $0x80, s26, s22, $0xb8;
	[tilespmem:$0x18800] =	vst v63  }
0xe0: {  	_ =	swait.ge [sflag:s20], $0x3E80  }
0xe1: {  	[sflag:s20] =	ssyncset.done $0x0  }
0xe2: {  	[sflag:s20] =	ssyncadd.s32 $0xFFFFC180  }
0xe3: {  	[tilespmem:s23], [sflag:$0x1] =	stream.indirect.gather [hbm4b:s4+s22], $0x80, s28, s22, $0xb8;
	[tilespmem:$0x18800] =	vst v63  }
0xe4: {  	_ =	swait.ge [sflag:s24], $0x3E80  }
0xe5: {  	[sflag:s24] =	ssyncset.done $0x0  }
0xe6: {  	[sflag:s24] =	ssyncadd.s32 $0xFFFFC180  }
0xe7: {  	[spmem:s2] =	stream.indirect.scatter.add.f32 [tilespmem:s23], [sflag:$0x2], $0x80, s29, s22, $0xb8;
	[tilespmem:$0x18800] =	vst v63  }
0xe8: {  	_ =	swait.ge [sflag:s20], $0x3E80  }
0xe9: {  	[sflag:s20] =	ssyncset.done $0x0  }
0xea: {  	[sflag:s20] =	ssyncadd.s32 $0xFFFFC180  }
0xeb: {  	[tilespmem:s23], [sflag:$0x1] =	stream.indirect.gather [hbm4b:s4+s22], $0x80, s30, s22, $0xb8;
	[tilespmem:$0x18800] =	vst v63  }
0xec: {  	_ =	swait.ge [sflag:s24], $0x3E80  }
0xed: {  	[sflag:s24] =	ssyncset.done $0x0  }
0xee: {  	[sflag:s24] =	ssyncadd.s32 $0xFFFFC180  }
0xef: {  	[spmem:s2] =	stream.indirect.scatter.add.f32 [tilespmem:s23], [sflag:$0x2], $0x80, s31, s22, $0xb8;
	[tilespmem:$0x18800] =	vst v63  }
0xf0: {  	_ =	swait.ge [sflag:s20], $0x3E80  }
0xf1: {  	[sflag:s20] =	ssyncset.done $0x0  }
0xf2: {  	[sflag:s20] =	ssyncadd.s32 $0xFFFFC180  }
0xf3: {  	[tilespmem:s23], [sflag:$0x1] =	stream.indirect.gather [hbm4b:s4+s22], $0x80, s1, s22, $0xb8;
	[tilespmem:$0x18800] =	vst v63  }
0xf4: {  	_ =	swait.ge [sflag:s24], $0x3E80  }
0xf5: {  	[sflag:s24] =	ssyncset.done $0x0  }
0xf6: {  	[sflag:s24] =	ssyncadd.s32 $0xFFFFC180  }
0xf7: {  	[spmem:s2] =	stream.indirect.scatter.add.f32 [tilespmem:s23], [sflag:$0x2], $0x80, s0, s22, $0xb8;
	[tilespmem:$0x18800] =	vst v63  }
0xf8: {  	_ =	swait.ge [sflag:s20], $0x3E80  }
0xf9: {  	[sflag:s20] =	ssyncset.done $0x0  }
0xfa: {  	[sflag:s20] =	ssyncadd.s32 $0xFFFFC180  }
0xfb: {  	[tilespmem:s23], [sflag:$0x1] =	stream.indirect.gather [hbm4b:s4+s22], $0x80, s6, s22, $0xb8;
	[tilespmem:$0x18800] =	vst v63  }
0xfc: {  	_ =	swait.ge [sflag:s24], $0x3E80  }
0xfd: {  	[sflag:s24] =	ssyncset.done $0x0  }
0xfe: {  	[sflag:s24] =	ssyncadd.s32 $0xFFFFC180  }
0xff: {  	[spmem:s2] =	stream.indirect.scatter.add.f32 [tilespmem:s23], [sflag:$0x2], $0x80, s8, s22, $0xb8;
	[tilespmem:$0x18800] =	vst v63  }
0x100: {  	_ =	swait.ge [sflag:s20], $0x3E80  }
0x101: {  	[sflag:s20] =	ssyncset.done $0x0  }
0x102: {  	[sflag:s20] =	ssyncadd.s32 $0xFFFFC180  }
0x103: {  	[tilespmem:s23], [sflag:$0x1] =	stream.indirect.gather [hbm4b:s4+s22], $0x80, s9, s22, $0xb8;
	[tilespmem:$0x18800] =	vst v63  }
0x104: {  	_ =	swait.ge [sflag:s24], $0x3E80  }
0x105: {  	[sflag:s24] =	ssyncset.done $0x0  }
0x106: {  	[sflag:s24] =	ssyncadd.s32 $0xFFFFC180  }
0x107: {  	[spmem:s2] =	stream.indirect.scatter.add.f32 [tilespmem:s23], [sflag:$0x2], $0x80, s10, s22, $0xb8;
	[tilespmem:$0x18800] =	vst v63  }
0x108: {  	_ =	swait.ge [sflag:s20], $0x3E80  }
0x109: {  	[sflag:s20] =	ssyncset.done $0x0  }
0x10a: {  	[sflag:s20] =	ssyncadd.s32 $0xFFFFC180  }
0x10b: {  	[tilespmem:s23], [sflag:$0x1] =	stream.indirect.gather [hbm4b:s4+s22], $0x80, s11, s22, $0xb8;
	[tilespmem:$0x18800] =	vst v63  }
0x10c: {  	_ =	swait.ge [sflag:s24], $0x3E80  }
0x10d: {  	[sflag:s24] =	ssyncset.done $0x0  }
0x10e: {  	[sflag:s24] =	ssyncadd.s32 $0xFFFFC180  }
0x10f: {  	[spmem:s2] =	stream.indirect.scatter.add.f32 [tilespmem:s23], [sflag:$0x2], $0x80, s12, s22, $0xb8;
	[tilespmem:$0x18800] =	vst v63  }
0x110: {  	_ =	swait.ge [sflag:s20], $0x3E80  }
0x111: {  	[sflag:s20] =	ssyncset.done $0x0  }
0x112: {  	[sflag:s20] =	ssyncadd.s32 $0xFFFFC180  }
0x113: {  	[bflag:$0x0] =	sbarrier.arrive $0xFFFF  }
0x114: {  	s15 =	rddreg [dreg:$0x9]  }
0x115: {  	s14 =	rddreg [dreg:$0xf]  }
0x116: {  	[hbm:s15], [sflag:s7] =	dma.local [spmem:s14], $0x800  }
0x117: {  	_ =	swait.ge [sflag:s20], $0x800  }
0x118: {  	[sflag:s20] =	ssyncset.done $0x0;
	s16 =	rddreg [dreg:$0xa]  }
0x119: {  	s17 =	rddreg [dreg:$0x10];
	[sflag:s20] =	ssyncadd.s32 $0xFFFFF800  }
0x11a: {  	[hbm:s16], [sflag:s7] =	dma.local [spmem:s17], $0x800  }
0x11b: {  	_ =	swait.ge [sflag:s20], $0x800  }
0x11c: {  	[sflag:s20] =	ssyncset.done $0x0;
	s14 =	rddreg [dreg:$0xb]  }
0x11d: {  	s15 =	rddreg [dreg:$0x11];
	[sflag:s20] =	ssyncadd.s32 $0xFFFFF800  }
0x11e: {  	[hbm:s14], [sflag:s7] =	dma.local [spmem:s15], $0x800  }
0x11f: {  	_ =	swait.ge [sflag:s20], $0x800  }
0x120: {  	[sflag:s20] =	ssyncset.done $0x0;
	s16 =	rddreg [dreg:$0xc]  }
0x121: {  	s17 =	rddreg [dreg:$0x12];
	[sflag:s20] =	ssyncadd.s32 $0xFFFFF800  }
0x122: {  	[hbm:s16], [sflag:s7] =	dma.local [spmem:s17], $0x800  }
0x123: {  	_ =	swait.ge [sflag:s20], $0x800  }
0x124: {  	[sflag:s20] =	ssyncset.done $0x0;
	s15 =	rddreg [dreg:$0xd]  }
0x125: {  	s16 =	rddreg [dreg:$0x13];
	[sflag:s20] =	ssyncadd.s32 $0xFFFFF800  }
0x126: {  	[hbm:s15], [sflag:s7] =	dma.local [spmem:s16], $0x800  }
0x127: {  	_ =	swait.ge [sflag:s20], $0x800  }
0x128: {  	s13 =	sadd.s32 $0x1, s13;
	s17 =	rddreg [dreg:$0xe]  }
0x129: {  	p0 =	sne.s32 s13, s17  }
.Ltmp1:
0x12a: {  	_ = 	snop;
	(pc) =	sbr.rel @p0 .LBB2_1-.Ltmp1, $3  }
0x12b: {  	_ =	sdelay $0x1  }
0x12c: {  	[sflag:s20] =	ssyncset.done $0x0  }
0x12d: {  	[sflag:s20] =	ssyncadd.s32 $0xFFFFF800  }
0x12e: {  	_ =	sfence.sel $0x180000  }
0x12f: {  	[bflag:$0x0] =	sbarrier.arrive $0xFFFF  }
0x130: {  	_ =	strace $0x9000004D  }
0x131: {  	s0 =	stileid.u32;
	[bflag:$0x2] =	sbarrier.arrive $0xFFFF  }
0x132: {  	p0 =	sne.s32 s0, $0x0;
	s0 =	rddreg [dreg:$0x2]  }
0x133: {  	s0 =	sadd.s32 @!p0 $0x100000, s0  }
0x134: {  	[sflag:s0] =	ssyncadd.tile.s32 @!p0 $0x1;
	_ =	shalt  }
.Lfunc_end2:
_tile_overlayer_lowered:
.L_overlay_start_2:
0x135: {  	(tag) =	ssettag $0x2  }
0x136: {  	s0 =	rddreg [dreg:$0x0];
	s2 =	stileid.u32  }
0x137: {  	s1 =	rddreg [dreg:$0x1];
	p0 =	sne.s32 s2, $0x0  }
0x138: {  	s3 =	rddreg [dreg:$0x2];
	[bflag:$0x3] =	sbarrier.arrive $0xFFFF;
	s2 =	simm.s32 @!p0 $0x1C02  }
0x139: {  	[timem:s3], [sflag:s2] =	dma.local @!p0 [hbm:s0], s1  }
0x13a: {  	s0 =	simm.s32 @!p0 $0x2  }
0x13b: {  	_ =	swait.ge @!p0 [sflag:s0], s1  }
0x13c: {  	s1 =	ssub.s32 @!p0 $0x0, s1;
	[sflag:s0] =	ssyncset.done @!p0 $0x0  }
0x13d: {  	[sflag:s0] =	ssyncadd.s32 @!p0 s1  }
0x13e: {  	[bflag:$0x3] =	sbarrier.arrive $0xFFFF  }
0x13f: {  	_ =	shalt  }

// kernel: kernel.14.cloned.1.call-start
scs
__scs_entry_jumppad:
0x0: {  	(pc) =	sbr.rel $0x88, $3  }
0x1: {  	(tag) =	ssettag $0x0;
	lr =	simm.s32 $0x1  }
0x2: {  	[smem:$0x3F94] =	sst lr;
	_ =	strace $0xD0000000  }
0x3: {  	_ = 	snop  }
0x4: {  	_ = 	snop  }
0x5: {  	_ = 	snop  }
0x6: {  	_ = 	snop  }
0x7: {  	_ = 	snop  }
__scs_overlays_trampoline_lowered:
0x8: {  	[smem:$0x3FA3] =	sst s0  }
0x9: {  	[smem:$0x3FA4] =	sst s1  }
0xa: {  	[smem:$0x3FA5] =	sst s2  }
0xb: {  	[smem:$0x3FA6] =	sst s3  }
0xc: {  	[smem:$0x3FA7] =	sst s4  }
0xd: {  	[smem:$0x3FA8] =	sst s5  }
0xe: {  	[smem:$0x3FA9] =	sst s6  }
0xf: {  	[smem:$0x3FAA] =	sst s7  }
0x10: {  	[smem:$0x3FAB] =	sst s8  }
0x11: {  	[smem:$0x3FAC] =	sst s9;
	s0 =	simm.s32 @!p0 $0x0  }
0x12: {  	s1 =	sld [smem:$0x3F92];
	s0 =	simm.s32 @p0 $0x1  }
0x13: {  	[smem:$0x3FAD] =	sst s0;
	s0 =	simm.s32 @!p1 $0x0  }
0x14: {  	s2 =	sld [smem:$0x3F91];
	s0 =	simm.s32 @p1 $0x1  }
0x15: {  	[smem:$0x3FAE] =	sst s0;
	s0 =	simm.s32 @!p2 $0x0  }
0x16: {  	s3 =	sld [smem:$0x3FDB];
	s0 =	simm.s32 @p2 $0x1  }
0x17: {  	s4 =	simm.s32 $0x1BF5;
	[smem:$0x3FB0] =	sst s0  }
0x18: {  	s0 =	sld [smem:$0x3F93];
	_ =	swait.ge [sflag:s4], $0x0  }
0x19: {  	s7 =	sld [smem:$0x3F94]  }
0x1a: {  	s8 =	sadd.s32 $0xFFFFE003, lr  }
0x1b: {  	s9 =	sadd.s32 $0xFFFFFEF7, lr;
	s5 =	simm.s32 $0xFFFFFFFF;
	p2 =	slt.u32 s8, $0xFFFFF086  }
0x1c: {  	p1 =	slt.u32 s9, $0xF7A;
	s5 =	simm.s32 @!p2 $0x0  }
0x1d: {  	s5 =	simm.s32 @p1 $0x1;
	p0 =	seq.s32 s7, s2  }
0x1e: {  	s7 =	smul.u32 @!p0 $0xF7A, s2;
	p2 =	seq.s32 @!p0 s5, $0x0  }
0x1f: {  	s9 =	smul.u32 $0xF7A, s1;
	s8 =	simm.s32 @!p0 $0x1BF5;
	p2 =	por !p2, p0  }
0x20: {  	[sflag:s8] =	ssyncset.s32 @!p0 $0xFFFFF086;
	s6 =	sadd.s32 @!p0 s3, s7;
	s7 =	simm.s32 @!p0 $0x108  }
0x21: {  	s3 =	sadd.s32 s3, s9;
	s6 =	sadd.s32 @!p0 $0x88, s6;
	s7 =	simm.s32 @p2 $0x1082  }
0x22: {  	[simem:s7], [sflag:s8] =	dma.local @!p0 [hbm:s6], $0xF7A  }
0x23: {  	s9 =	sor.u32 $0xD0000000, s2;
	s6 =	simm.s32 $0x108;
	_ =	swait.ge @!p0 [sflag:s8], $0x0  }
0x24: {  	s3 =	sadd.s32 $0x88, s3;
	s6 =	simm.s32 @!p1 $0x1082;
	[sflag:s4] =	ssyncset.s32 $0xFFFFF086  }
0x25: {  	[simem:s6], [sflag:s4] =	dma.local [hbm:s3], $0xF7A  }
0x26: {  	[smem:$0x3F94] =	sst s1;
	(tag) =	ssettag s2;
	_ =	strace s9  }
0x27: {  	s1 =	sld [smem:$0x3FA4]  }
0x28: {  	s2 =	sld [smem:$0x3FA5]  }
0x29: {  	s4 =	sld [smem:$0x3FA7]  }
0x2a: {  	p0 =	seq.s32 s5, $0x0;
	s5 =	sld [smem:$0x3FA8]  }
0x2b: {  	s6 =	sld [smem:$0x3FA9]  }
0x2c: {  	s7 =	sld [smem:$0x3FAA]  }
0x2d: {  	s3 =	simm.s32 $0x108;
	s8 =	sld [smem:$0x3FAB]  }
0x2e: {  	s3 =	simm.s32 @!p0 $0x1082;
	s9 =	sld [smem:$0x3FAC]  }
0x2f: {  	lr =	sadd.s32 s0, s3;
	s0 =	sld [smem:$0x3FA3]  }
0x30: {  	s3 =	sld [smem:$0x3FA6]  }
0x31: {  	[smem:$0x3FAF] =	sst s10  }
0x32: {  	s10 =	sld [smem:$0x3FAD];
	_ =	sdelay $0x3  }
0x33: {  	p0 =	seq.s32 s10, $0x1;
	s10 =	sld [smem:$0x3FAF];
	_ =	sdelay $0x3  }
0x34: {  	[smem:$0x3FAF] =	sst s10  }
0x35: {  	s10 =	sld [smem:$0x3FAE];
	_ =	sdelay $0x3  }
0x36: {  	p1 =	seq.s32 s10, $0x1;
	s10 =	sld [smem:$0x3FAF];
	_ =	sdelay $0x3  }
0x37: {  	[smem:$0x3FAF] =	sst s10  }
0x38: {  	s10 =	sld [smem:$0x3FB0]  }
0x39: {  	_ = 	snop;
	(pc) =	sbr.ind lr, $3  }
0x3a: {  	_ = 	snop  }
0x3b: {  	_ = 	snop  }
0x3c: {  	p2 =	seq.s32 s10, $0x1;
	s10 =	sld [smem:$0x3FAF]  }
0x3d: {  	_ =	shalt  }
0x3e: {  	_ =	shalt  }
0x3f: {  	_ =	shalt  }
0x40: {  	_ =	shalt  }
0x41: {  	_ =	shalt  }
0x42: {  	_ =	shalt  }
0x43: {  	_ =	shalt  }
0x44: {  	_ =	shalt  }
0x45: {  	_ =	shalt  }
0x46: {  	_ =	shalt  }
0x47: {  	_ =	shalt  }
0x48: {  	_ =	shalt  }
0x49: {  	_ =	shalt  }
0x4a: {  	_ =	shalt  }
0x4b: {  	_ =	shalt  }
0x4c: {  	_ =	shalt  }
0x4d: {  	_ =	shalt  }
0x4e: {  	_ =	shalt  }
0x4f: {  	_ =	shalt  }
0x50: {  	_ =	shalt  }
0x51: {  	_ =	shalt  }
0x52: {  	_ =	shalt  }
0x53: {  	_ =	shalt  }
0x54: {  	_ =	shalt  }
0x55: {  	_ =	shalt  }
0x56: {  	_ =	shalt  }
0x57: {  	_ =	shalt  }
0x58: {  	_ =	shalt  }
0x59: {  	_ =	shalt  }
0x5a: {  	_ =	shalt  }
0x5b: {  	_ =	shalt  }
0x5c: {  	_ =	shalt  }
0x5d: {  	_ =	shalt  }
0x5e: {  	_ =	shalt  }
0x5f: {  	_ =	shalt  }
0x60: {  	_ =	shalt  }
0x61: {  	_ =	shalt  }
0x62: {  	_ =	shalt  }
0x63: {  	_ =	shalt  }
0x64: {  	_ =	shalt  }
0x65: {  	_ =	shalt  }
0x66: {  	_ =	shalt  }
0x67: {  	_ =	shalt  }
0x68: {  	_ =	shalt  }
0x69: {  	_ =	shalt  }
0x6a: {  	_ =	shalt  }
0x6b: {  	_ =	shalt  }
0x6c: {  	_ =	shalt  }
0x6d: {  	_ =	shalt  }
0x6e: {  	_ =	shalt  }
0x6f: {  	_ =	shalt  }
0x70: {  	_ =	shalt  }
0x71: {  	_ =	shalt  }
0x72: {  	_ =	shalt  }
0x73: {  	_ =	shalt  }
0x74: {  	_ =	shalt  }
0x75: {  	_ =	shalt  }
0x76: {  	_ =	shalt  }
0x77: {  	_ =	shalt  }
0x78: {  	_ =	shalt  }
0x79: {  	_ =	shalt  }
0x7a: {  	_ =	shalt  }
0x7b: {  	_ =	shalt  }
0x7c: {  	_ =	shalt  }
0x7d: {  	_ =	shalt  }
0x7e: {  	_ =	shalt  }
0x7f: {  	_ =	shalt  }
0x80: {  	_ =	shalt  }
0x81: {  	_ =	shalt  }
0x82: {  	_ =	shalt  }
0x83: {  	_ =	shalt  }
0x84: {  	_ =	shalt  }
0x85: {  	_ =	shalt  }
0x86: {  	_ =	shalt  }
0x87: {  	_ =	shalt  }
.Lfunc_end0:
.L_simem_size_0:
called_computation.3_lowered:
.L_overlay_start_0:
0x88: {  	s2 =	sld [smem:$0x3FD9]  }
0x89: {  	s3 =	sld [smem:$0x3FFE];
	_ =	sdelay $0x1  }
0x8a: {  	s1 =	srdreg.scid  }
0x8b: {  	s0 =	sand.u32 $0x1, s1  }
0x8c: {  	s17 =	sshll.u32 s0, $0xA;
	s2 =	sadd.s32 s3, s2  }
0x8d: {  	s2 =	sadd.s32 s2, s17  }
0x8e: {  	[smem:$0x3FBB] =	sst s2  }
0x8f: {  	_ = 	snop  }
0x90: {  	s2 =	sld [smem:$0x3FD0];
	(tm) =	ssettm $0x1  }
0x91: {  	s18 =	sld [smem:$0x3FFB];
	_ =	sdelay $0x3  }
0x92: {  	_ =	strace s18  }
0x93: {  	s3 =	sld [smem:$0x3FFC];
	_ =	sdelay $0x3  }
0x94: {  	_ =	strace s3  }
0x95: {  	s3 =	sld [smem:$0x3FFD];
	_ =	sdelay $0x3  }
0x96: {  	_ =	strace s3  }
0x97: {  	_ =	strace $0x8FFFFFFF  }
0x98: {  	s19 =	sld [smem:$0x3FDB];
	_ =	sdelay $0x1  }
0x99: {  	s4 =	simm.s32 $_scs_section_size  }
0x9a: {  	s5 =	simm.s32 $_size__tile_overlayer_lowered;
	s6 =	simm.s32 $_tile_overlayer_lowered  }
0x9b: {  	s22 =	simm.s32 $0x1BFF;
	s21 =	sshll.u32 s6, $0x1;
	s3 =	sadd.s32 s4, s19  }
0x9c: {  	s7 =	simm.s32 $0x0;
	s20 =	sshll.u32 s5, $0x1;
	s5 =	sadd.s32 s21, s3  }
0x9d: {  	[timem:s7], [sflag:s22] =	dma.local [hbm:s5], s20  }
0x9e: {  	_ =	swait.ge [sflag:s22], s20  }
0x9f: {  	s4 =	ssub.s32 $0x0, s20;
	[sflag:s22] =	ssyncset.done $0x0  }
0xa0: {  	[sflag:s22] =	ssyncadd.s32 s4;
	_ =	sdelay $0x1  }
0xa1: {  	s23 =	simm.s32 $0x1B8B  }
0xa2: {  	_ =	swait.ge [sflag:s23], $0x1  }
0xa3: {  	[sflag:s23] =	ssyncset.done $0x0  }
0xa4: {  	s25 =	simm.s32 $0x1B8E;
	s24 =	sld [smem:$0x3FFE];
	[sflag:s23] =	ssyncadd.s32 $0xFFFFFFFF  }
0xa5: {  	s26 =	simm.s32 $execute0_lowered;
	[smem:$0x3FD2] =	sst s25  }
0xa6: {  	s5 =	sshll.u32 s26, $0x1;
	_ =	strace $0x8000004F;
	[dreg:$0x1] =	wrdreg $0xFFFFFFFF  }
0xa7: {  	s28 =	simm.s32 $_size_execute0_lowered;
	s3 =	sadd.s32 s3, s5;
	[dreg:$0x0] =	wrdreg $0x0  }
0xa8: {  	s5 =	sshll.u32 s28, $0x1;
	[dreg:$0x2] =	wrdreg s3  }
0xa9: {  	[dreg:$0x3] =	wrdreg s5  }
0xaa: {  	[dreg:$0x4] =	wrdreg $0xC0  }
0xab: {  	_ =	task [dreg:s7], $0x5FFFF  }
0xac: {  	[dreg:$0x1] =	wrdreg $0xFFFFFFFF  }
0xad: {  	[dreg:$0x0] =	wrdreg $0x60  }
0xae: {  	[dreg:$0x2] =	wrdreg s24  }
0xaf: {  	[dreg:$0x3] =	wrdreg s2  }
0xb0: {  	[dreg:$0x4] =	wrdreg $0x9  }
0xb1: {  	_ =	task.clear_ibuf [dreg:s7], $0x5FFFF;
	_ =	strace $0x9000004F  }
0xb2: {  	s29 =	simm.s32 $0x9;
	_ =	strace $0x80000051  }
0xb3: {  	_ =	swait.ge [sflag:s29], $0x1  }
0xb4: {  	[sflag:s29] =	ssyncadd.s32 $0xFFFFFFFF  }
0xb5: {  	_ =	strace $0x90000051  }
0xb6: {  	_ =	sfence  }
0xb7: {  	s30 =	sld [smem:$0x0];
	_ =	sdelay $0x2  }
0xb8: {  	s31 =	sshll.u32 s1, $0xD;
	s1 =	sshrl.u32 s1, $0x2  }
0xb9: {  	s3 =	sand.u32 $0x4000, s31;
	s1 =	sadd.s32 s1, s30  }
0xba: {  	s0 =	sor.u32 s3, s0;
	s1 =	sshll.u32 s1, $0x11  }
0xbb: {  	s0 =	sor.u32 s1, s0  }
0xbc: {  	s0 =	sadd.s32 $0x8F2B, s0  }
0xbd: {  	[sflag:s0] =	ssyncadd.remote.s32 $0x1  }
0xbe: {  	_ =	sfence.sel $0xFFFF  }
0xbf: {  	[dreg:$0x0] =	wrdreg $0xFFFFFFFF;
	(pc) =	sbr.abs _section_cstart, $3  }
0xc0: {  	[dreg:$0x1] =	wrdreg $0xFFFFFFFF  }
0xc1: {  	_ =	task.clear_ibuf [dreg:s7], $0x2FFFF;
	_ =	strace $0x9FFFFFFF  }
0xc2: {  	(tm) =	ssettm $0x7FFFFFFF  }
0xc3: {  	_ =	shalt  }
tec
execute0_lowered:
.L_overlay_start_1:
0x0: {  	(tag) =	ssettag $0x1  }
0x1: {  	s0 =	rddreg [dreg:$0x0]  }
0x2: {  	s1 =	srdreg.scid;
	s2 =	stileid.u32;
	v0 =	vimm.s32 $0xFEDCBA98;
	v1 =	vimm.s32 $0x76543210;
	v2 =	vimm.s32 $0xBA98FEDC  }
0x3: {  	s3 =	simm.s32 $0x0;
	v3 =	vimm.s32 $0x32107654;
	v4 =	vimm.s32 $0xDCFE98BA;
	s10 =	simm.s32 $0x2780;
	s12 =	simm.s32 $0x5  }
0x4: {  	s13 =	simm.s32 $0x80;
	v5 =	vimm.s32 $0x54761032;
	v6 =	vimm.s32 $0xEFCDAB89;
	s14 =	simm.s32 $0x4F00;
	s15 =	simm.s32 $0x8F00  }
0x5: {  	v7 =	vimm.s32 $0x67452301;
	s16 =	simm.s32 $0xCF00;
	s17 =	simm.s32 $0x10F00;
	s18 =	simm.s32 $0x1;
	v0 =	vunpack.c.l.s4.s8 v0;
	v1 =	vunpack.c.l.s4.s8 v1  }
0x6: {  	s19 =	simm.s32 $0x2;
	s20 =	simm.s32 $0x3;
	s21 =	simm.s32 $0x4;
	v2 =	vunpack.c.l.s4.s8 v2;
	v3 =	vunpack.c.l.s4.s8 v3;
	v4 =	vunpack.c.l.s4.s8 v4  }
0x7: {  	s22 =	simm.s32 $0x10;
	s1 =	sand.u32 $0x1, s1;
	s2 =	sshll.u32 s2, $0x1;
	v5 =	vunpack.c.l.s4.s8 v5;
	v6 =	vunpack.c.l.s4.s8 v6;
	v7 =	vunpack.c.l.s4.s8 v7  }
0x8: {  	s29 =	simm.s32 $0x0;
	s2 =	sor.u32 s1, s2;
	s1 =	ssub.s32 $0x2, s1;
	v0 =	vunpack.c.0.s8.s32 v0;
	v1 =	vunpack.c.0.s8.s32 v1;
	v2 =	vunpack.c.0.s8.s32 v2  }
0x9: {  	[smem:$0x7FF] =	sst s3;
	s2 =	smul.u32 $0x4F0, s2;
	s31 =	sshrl.u32 s1, $0x1;
	v3 =	vunpack.c.0.s8.s32 v3;
	v4 =	vunpack.c.0.s8.s32 v4;
	v5 =	vunpack.c.0.s8.s32 v5  }
0xa: {  	s4 =	sadd.s32 $0x1800, s0;
	s5 =	sadd.s32 $0x28A00, s0;
	v6 =	vunpack.c.0.s8.s32 v6;
	v7 =	vunpack.c.0.s8.s32 v7;
	s1 =	ssub.s32 s1, s31;
	v0 =	vand.u32 $0xF, v0  }
0xb: {  	_ =	strace $0x80000050;
	s0 =	sadd.s32 s2, s0;
	s11 =	smax.u32 s1, $0x1;
	v0 =	vcombine.low v0, v1;
	v1 =	vcombine.low v3, v2  }
0xc: {  	s6 =	sadd.s32 $0x97600, s0;
	s7 =	sadd.s32 $0xA1400, s0;
	s8 =	sadd.s32 $0x4FC00, s0;
	v2 =	vcombine.low v5, v4;
	v3 =	vcombine.low v7, v6;
	v4 =	vlaneseq.u32  }
.LBB2_1:
0xd: {  	s0 =	rddreg [dreg:$0x1];
	s1 =	simm.s32 $0x18680  }
0xe: {  	[tilespmem:s1], [sflag:$0x5] =	stream.linear.gather [hbm4b:s0+s3], $0x100, $0x38;
	[tilespmem:$0x18780] =	vst v63  }
0xf: {  	_ =	swait.ge [sflag:s12], $0x100  }
0x10: {  	[sflag:s12] =	ssyncset.done $0x0  }
0x11: {  	[sflag:s12] =	ssyncadd.s32 $0xFFFFFF00  }
0x12: {  	[tilespmem:s3], [sflag:$0x5] =	stream.linear.gather [hbm4b:s6+s3], $0x2780, $0x38;
	[tilespmem:$0x18780] =	vst v63  }
0x13: {  	_ =	swait.ge [sflag:s12], $0x2780  }
0x14: {  	[sflag:s12] =	ssyncset.done $0x0  }
0x15: {  	[sflag:s12] =	ssyncadd.s32 $0xFFFFD880  }
0x16: {  	[tilespmem:s10], [sflag:$0x5] =	stream.linear.gather [hbm4b:s7+s3], $0x2780, $0x38;
	[tilespmem:$0x18780] =	vst v63  }
0x17: {  	_ =	swait.ge [sflag:s12], $0x2780  }
0x18: {  	[sflag:s12] =	ssyncset.done $0x0  }
0x19: {  	[sflag:s12] =	ssyncadd.s32 $0xFFFFD880  }
0x1a: {  	v12 =	vld [tilespmem:$0x18680]  }
0x1b: {  	v11 =	vld [tilespmem:$0x18690]  }
0x1c: {  	v10 =	vld [tilespmem:$0x186A0]  }
0x1d: {  	v9 =	vld [tilespmem:$0x186B0]  }
0x1e: {  	v8 =	vld [tilespmem:$0x186C0]  }
0x1f: {  	v7 =	vld [tilespmem:$0x186D0]  }
0x20: {  	v6 =	vld [tilespmem:$0x186E0]  }
0x21: {  	v5 =	vld [tilespmem:$0x186F0]  }
0x22: {  	v13 =	vld [tilespmem:$0x18700];
	[tilespmem:s14], [sflag:$0x1] =	stream.indirect.gather [hbm4b:s4+s13], $0x80, s3, s13, $0xb8  }
0x23: {  	s30 =	simm.s32 $0x0  }
0x24: {  	[tilespmem:s15], [sflag:$0x2] =	stream.indirect.gather [hbm4b:s5+s13], $0x80, s10, s13, $0xb8;
	[tilespmem:$0x18780] =	vst v63  }
.LBB2_2:
0x25: {  	s0 =	sshll.u32 s30, $0x8  }
0x26: {  	s31 =	sor.u32 $0x80, s0  }
0x27: {  	[tilespmem:s16], [sflag:$0x3] =	stream.indirect.gather [hbm4b:s4+s13], $0x80, s31, s13, $0xb8;
	[tilespmem:$0x18780] =	vst v63  }
0x28: {  	s1 =	sadd.s32 $0x2800, s0  }
0x29: {  	[tilespmem:s17], [sflag:$0x4] =	stream.indirect.gather [hbm4b:s5+s13], $0x80, s1, s13, $0xb8;
	[tilespmem:$0x18780] =	vst v63  }
0x2a: {  	_ =	swait.ge [sflag:s18], $0x4000  }
0x2b: {  	[sflag:s18] =	ssyncset.done $0x0  }
0x2c: {  	[sflag:s18] =	ssyncadd.s32 $0xFFFFC000  }
0x2d: {  	s0 =	sand.u32 $0x3FFFFF00, s0;
	_ =	swait.ge [sflag:s19], $0x4000  }
0x2e: {  	s2 =	simm.s32 $0x8F40;
	s9 =	sadd.s32 $0x15F00, s0;
	[sflag:s19] =	ssyncset.done $0x0  }
0x2f: {  	s0 =	simm.s32 $0x4F40;
	v14 =	vmov s9;
	s1 =	simm.s32 $0x0;
	[sflag:s19] =	ssyncadd.s32 $0xFFFFC000  }
.LBB2_3:
0x30: {  	v15 =	vld [tilespmem:s0+$0xFFFFFFD0]  }
0x31: {  	v16 =	vld [tilespmem:s2+$0xFFFFFFD0]  }
0x32: {  	v17 =	vld [tilespmem:s0+$0xFFFFFFC0]  }
0x33: {  	v18 =	vld [tilespmem:s2+$0xFFFFFFC0]  }
0x34: {  	v19 =	vld [tilespmem:s0+$0x30]  }
0x35: {  	v20 =	vld [tilespmem:s2+$0x30]  }
0x36: {  	v21 =	vld [tilespmem:s0+$0xFFFFFFE0]  }
0x37: {  	v22 =	vld [tilespmem:s2+$0xFFFFFFE0]  }
0x38: {  	v23 =	vld [tilespmem:s2+$0xFFFFFFF0];
	v17 =	vadd.f32 v18, v17  }
0x39: {  	v18 =	vld [tilespmem:s0+$0xFFFFFFF0]  }
0x3a: {  	v24 =	vld [tilespmem:s2+$0x0];
	v15 =	vadd.f32 v16, v15;
	v16 =	vmax.f32 v17, $0.0e+00  }
0x3b: {  	v17 =	vld [tilespmem:s0+$0x0];
	v16 =	vmul.f32 v16, v12  }
0x3c: {  	v25 =	vld [tilespmem:s2+$0x10];
	v21 =	vadd.f32 v22, v21;
	v15 =	vmax.f32 v15, $0.0e+00  }
0x3d: {  	v22 =	vld [tilespmem:s0+$0x10];
	v15 =	vmul.f32 v15, v11;
	v16 =	vadd.f32 v16, v13  }
0x3e: {  	v21 =	vmax.f32 v21, $0.0e+00;
	v18 =	vadd.f32 v23, v18;
	v23 =	vld [tilespmem:s0+$0x20]  }
0x3f: {  	s9 =	sadd.s32 $0x80, s0;
	v15 =	vadd.f32 v15, v16;
	v16 =	vmul.f32 v21, v10;
	v21 =	vld [tilespmem:s2+$0x20]  }
0x40: {  	s23 =	sadd.s32 $0x80, s2;
	v26 =	vld [tilespmem:s9+$0xFFFFFFD0];
	v18 =	vmax.f32 v18, $0.0e+00;
	v17 =	vadd.f32 v24, v17  }
0x41: {  	v19 =	vadd.f32 v20, v19;
	v20 =	vld [tilespmem:s23+$0xFFFFFFE0];
	v15 =	vadd.f32 v16, v15;
	v16 =	vmul.f32 v18, v9  }
0x42: {  	v22 =	vadd.f32 v25, v22;
	v25 =	vld [tilespmem:s23+$0xFFFFFFC0];
	v17 =	vmax.f32 v17, $0.0e+00  }
0x43: {  	v18 =	vld [tilespmem:s9+$0xFFFFFFC0];
	v27 =	vmul.f32 v17, v8;
	v15 =	vadd.f32 v16, v15  }
0x44: {  	v24 =	vld [tilespmem:s23+$0xFFFFFFD0];
	v22 =	vmax.f32 v22, $0.0e+00;
	v21 =	vadd.f32 v21, v23  }
0x45: {  	v22 =	vmul.f32 v22, v7;
	v17 =	vld [tilespmem:s23+$0x30];
	v15 =	vadd.f32 v27, v15  }
0x46: {  	v16 =	vld [tilespmem:s9+$0x30];
	v21 =	vmax.f32 v21, $0.0e+00  }
0x47: {  	v23 =	vld [tilespmem:s9+$0xFFFFFFE0];
	v15 =	vadd.f32 v22, v15;
	v21 =	vmul.f32 v21, v6  }
0x48: {  	v19 =	vmax.f32 v19, $0.0e+00;
	v18 =	vadd.f32 v25, v18;
	v25 =	vld [tilespmem:s23+$0xFFFFFFF0]  }
0x49: {  	v19 =	vmul.f32 v19, v5;
	v22 =	vld [tilespmem:s9+$0xFFFFFFF0];
	v15 =	vadd.f32 v21, v15  }
0x4a: {  	v18 =	vmax.f32 v18, $0.0e+00;
	v21 =	vadd.f32 v24, v26;
	v24 =	vld [tilespmem:s9+$0x0]  }
0x4b: {  	v18 =	vmul.f32 v18, v12;
	v26 =	vld [tilespmem:s23+$0x0];
	v15 =	vadd.f32 v19, v15  }
0x4c: {  	v27 =	vld [tilespmem:s23+$0x10];
	v20 =	vadd.f32 v20, v23;
	v19 =	vmax.f32 v21, $0.0e+00  }
0x4d: {  	v23 =	vld [tilespmem:s9+$0x10];
	v18 =	vadd.f32 v18, v13;
	v21 =	vmul.f32 v19, v11;
	v28 =	vperm.xlane v15, v0  }
0x4e: {  	v20 =	vmax.f32 v20, $0.0e+00;
	v22 =	vadd.f32 v25, v22;
	v19 =	vld [tilespmem:s9+$0x20]  }
0x4f: {  	s25 =	sadd.s32 $0x80, s9;
	v25 =	vmul.f32 v20, v10;
	v20 =	vld [tilespmem:s23+$0x20];
	v18 =	vadd.f32 v21, v18;
	v28 =	vadd.f32 v15, v28  }
0x50: {  	v21 =	vld [tilespmem:s25+$0xFFFFFFD0];
	v26 =	vadd.f32 v26, v24;
	v15 =	vmax.f32 v22, $0.0e+00  }
0x51: {  	s26 =	sadd.s32 $0x80, s23;
	v24 =	vld [tilespmem:s25+$0xFFFFFFC0];
	v18 =	vadd.f32 v25, v18;
	v25 =	vmul.f32 v15, v9;
	v29 =	vperm.xlane v28, v1  }
0x52: {  	s28 =	simm.s32 $0x3;
	v23 =	vadd.f32 v27, v23;
	v27 =	vld [tilespmem:s26+$0xFFFFFFC0];
	v15 =	vimm.f32 $0.0e+00;
	v26 =	vmax.f32 v26, $0.0e+00  }
0x53: {  	s24 =	simm.s32 $0x0;
	s9 =	simm.s32 $0x1;
	s23 =	simm.s32 $0x2;
	v22 =	vld [tilespmem:s26+$0xFFFFFFD0];
	v26 =	vmul.f32 v26, v8;
	v25 =	vadd.f32 v25, v18;
	v18 =	vadd.f32 v28, v29  }
.LBB2_4:
0x54: {  	p0 =	sne.s32 s28, $0xF;
	v28 =	vld [tilespmem:s25+$0x30];
	v23 =	vmax.f32 v23, $0.0e+00;
	v19 =	vadd.f32 v20, v19  }
0x55: {  	v20 =	vld [tilespmem:s26+$0x30];
	v25 =	vadd.f32 v26, v25;
	v23 =	vmul.f32 v23, v7;
	v26 =	vperm.xlane v18, v2  }
0x56: {  	v17 =	vadd.f32 v17, v16;
	v29 =	vld [tilespmem:s25+$0xFFFFFFE0];
	v19 =	vmax.f32 v19, $0.0e+00  }
0x57: {  	v30 =	vld [tilespmem:s26+$0xFFFFFFE0];
	v31 =	vadd.f32 v23, v25;
	v19 =	vmul.f32 v19, v6;
	v18 =	vadd.f32 v18, v26  }
0x58: {  	v21 =	vadd.f32 v22, v21;
	v23 =	vadd.f32 v27, v24;
	v22 =	vld [tilespmem:s25+$0xFFFFFFF0];
	v27 =	vmax.f32 v17, $0.0e+00  }
0x59: {  	v24 =	vld [tilespmem:s26+$0xFFFFFFF0];
	v19 =	vadd.f32 v19, v31;
	v25 =	vmul.f32 v27, v5;
	v26 =	vperm.xlane v18, v3;
	v16 =	vmovc v28  }
0x5a: {  	v21 =	vmax.f32 v21, $0.0e+00;
	v28 =	vmov s24;
	s24 =	smov.u32 s9;
	s9 =	smov.u32 s23;
	s23 =	smov.u32 s28;
	v23 =	vmax.f32 v23, $0.0e+00;
	v27 =	vld [tilespmem:s25+$0x0];
	v17 =	vmovc v20  }
0x5b: {  	v20 =	vmul.f32 v23, v12;
	v23 =	vld [tilespmem:s26+$0x0];
	v25 =	vadd.f32 v25, v19;
	v18 =	vadd.f32 v18, v26  }
0x5c: {  	v21 =	vmul.f32 v21, v11;
	vm0 =	veq.s32 v28, v4;
	v19 =	vadd.f32 v30, v29;
	v26 =	vld [tilespmem:s25+$0x10]  }
0x5d: {  	v20 =	vadd.f32 v20, v13;
	v28 =	vld [tilespmem:s26+$0x10];
	v29 =	vperm.xlane v25, v0;
	v15 =	vsel vm0, v18, v15  }
0x5e: {  	v18 =	vmax.f32 v19, $0.0e+00;
	v22 =	vadd.f32 v24, v22;
	v19 =	vld [tilespmem:s25+$0x20]  }
.Ltmp0:
0x5f: {  	s25 =	sadd.s32 $0x80, s25;
	v24 =	vadd.f32 v21, v20;
	v18 =	vmul.f32 v18, v10;
	v20 =	vld [tilespmem:s26+$0x20];
	v29 =	vadd.f32 v25, v29;
	(pc) =	sbr.rel @p0 .LBB2_4-.Ltmp0, $4  }
0x60: {  	s26 =	sadd.s32 $0x80, s26;
	v21 =	vld [tilespmem:s25+$0xFFFFFFD0];
	v25 =	vmax.f32 v22, $0.0e+00;
	v23 =	vadd.f32 v23, v27  }
0x61: {  	v22 =	vld [tilespmem:s26+$0xFFFFFFD0];
	v18 =	vadd.f32 v18, v24;
	v25 =	vmul.f32 v25, v9;
	v30 =	vperm.xlane v29, v1  }
0x62: {  	v24 =	vld [tilespmem:s25+$0xFFFFFFC0];
	v31 =	vmax.f32 v23, $0.0e+00;
	v23 =	vadd.f32 v28, v26  }
0x63: {  	s28 =	sadd.s32 $0x1, s28;
	v27 =	vld [tilespmem:s26+$0xFFFFFFC0];
	v25 =	vadd.f32 v25, v18;
	v26 =	vmul.f32 v31, v8;
	v18 =	vadd.f32 v29, v30  }
0x64: {  	_ =	sdelay $0x1  }
0x65: {  	v28 =	vld [tilespmem:s25+$0xFFFFFFE0]  }
0x66: {  	v29 =	vld [tilespmem:s26+$0xFFFFFFE0]  }
0x67: {  	v44 =	vld [tilespmem:s25+$0xFFFFFFF0];
	v24 =	vadd.f32 v27, v24  }
0x68: {  	v30 =	vld [tilespmem:s26+$0xFFFFFFF0]  }
0x69: {  	v46 =	vld [tilespmem:s25+$0x0];
	v21 =	vadd.f32 v22, v21;
	v45 =	vmax.f32 v24, $0.0e+00  }
0x6a: {  	v31 =	vld [tilespmem:s26+$0x0];
	v22 =	vmul.f32 v45, v12  }
0x6b: {  	v47 =	vld [tilespmem:s25+$0x10];
	v21 =	vmax.f32 v21, $0.0e+00;
	v28 =	vadd.f32 v29, v28  }
0x6c: {  	v32 =	vld [tilespmem:s26+$0x10];
	v21 =	vmul.f32 v21, v11;
	v22 =	vadd.f32 v22, v13  }
0x6d: {  	v48 =	vld [tilespmem:s25+$0x20];
	v27 =	vadd.f32 v30, v44;
	v28 =	vmax.f32 v28, $0.0e+00  }
0x6e: {  	v19 =	vadd.f32 v20, v19;
	v51 =	vld [tilespmem:s26+$0x20];
	v50 =	vmul.f32 v28, v10;
	v49 =	vadd.f32 v21, v22  }
0x6f: {  	v52 =	vld [tilespmem:s25+$0x30];
	v23 =	vmax.f32 v23, $0.0e+00;
	v24 =	vadd.f32 v31, v46;
	v27 =	vmax.f32 v27, $0.0e+00  }
0x70: {  	v53 =	vld [tilespmem:s26+$0x30];
	v16 =	vadd.f32 v17, v16;
	v27 =	vmul.f32 v27, v9;
	v20 =	vadd.f32 v50, v49  }
0x71: {  	v25 =	vadd.f32 v26, v25;
	v54 =	vadd.f32 v32, v47;
	v24 =	vmax.f32 v24, $0.0e+00  }
0x72: {  	v23 =	vmul.f32 v23, v7;
	v24 =	vmul.f32 v24, v8;
	v20 =	vadd.f32 v27, v20  }
0x73: {  	v19 =	vmax.f32 v19, $0.0e+00;
	v55 =	vmax.f32 v54, $0.0e+00;
	v22 =	vadd.f32 v51, v48  }
0x74: {  	v23 =	vadd.f32 v23, v25;
	v17 =	vmul.f32 v55, v7;
	v20 =	vadd.f32 v24, v20  }
0x75: {  	v19 =	vmul.f32 v19, v6;
	v21 =	vadd.f32 v53, v52;
	v22 =	vmax.f32 v22, $0.0e+00  }
0x76: {  	v16 =	vmax.f32 v16, $0.0e+00;
	v56 =	vmul.f32 v22, v6;
	v17 =	vadd.f32 v17, v20  }
0x77: {  	v16 =	vmul.f32 v16, v5;
	v19 =	vadd.f32 v19, v23;
	v21 =	vmax.f32 v21, $0.0e+00  }
0x78: {  	v57 =	vmul.f32 v21, v5;
	v17 =	vadd.f32 v56, v17  }
0x79: {  	v16 =	vadd.f32 v16, v19  }
0x7a: {  	v17 =	vadd.f32 v57, v17  }
0x7b: {  	v19 =	vperm.xlane v16, v0  }
0x7c: {  	v20 =	vperm.xlane v17, v0  }
0x7d: {  	v16 =	vadd.f32 v16, v19  }
0x7e: {  	v17 =	vadd.f32 v17, v20  }
0x7f: {  	v19 =	vperm.xlane v16, v1  }
0x80: {  	v20 =	vperm.xlane v17, v1  }
0x81: {  	v16 =	vadd.f32 v16, v19  }
0x82: {  	v58 =	vperm.xlane v18, v2;
	v17 =	vadd.f32 v17, v20  }
0x83: {  	v19 =	vperm.xlane v16, v2  }
0x84: {  	v18 =	vadd.f32 v18, v58;
	v20 =	vperm.xlane v17, v2  }
0x85: {  	v16 =	vadd.f32 v16, v19  }
0x86: {  	v21 =	vperm.xlane v18, v3;
	v17 =	vadd.f32 v17, v20  }
0x87: {  	v59 =	vmov s24;
	s28 =	sshll.u32 s1, $0x4;
	s1 =	sadd.s32 $0x1, s1;
	v60 =	vperm.xlane v16, v3  }
0x88: {  	v62 =	vmov s9;
	p0 =	sne.s32 s1, $0x8;
	v18 =	vadd.f32 v18, v21;
	v61 =	vperm.xlane v17, v3  }
.Ltmp1:
0x89: {  	v63 =	vmov s23;
	vm0 =	veq.s32 v59, v4;
	v16 =	vadd.f32 v16, v60;
	(pc) =	sbr.rel @p0 .LBB2_3-.Ltmp1, $4  }
0x8a: {  	vm14 =	veq.s32 v62, v4;
	v15 =	vsel vm0, v18, v15;
	v17 =	vadd.f32 v17, v61  }
0x8b: {  	vm15 =	veq.s32 v63, v4;
	v15 =	vsel vm14, v16, v15  }
0x8c: {  	s9 =	sand.u32 $0x3FFFFFF0, s28;
	v15 =	vsel vm15, v17, v15  }
0x8d: {  	s0 =	sadd.s32 $0x800, s0;
	s2 =	sadd.s32 $0x800, s2;
	[tilespmem:v14+s9+$0x0 ss:$0x1] =	vst.idx.msk $0xffff, v15  }
0x8e: {  	s0 =	sshll.u32 s30, $0x1  }
0x8f: {  	s0 =	smin.u32 s0, $0x4B  }
0x90: {  	s0 =	sshll.u32 s0, $0x7  }
0x91: {  	s1 =	sadd.s32 $0x100, s0  }
0x92: {  	[tilespmem:s14], [sflag:$0x1] =	stream.indirect.gather [hbm4b:s4+s13], $0x80, s1, s13, $0xb8;
	[tilespmem:$0x18780] =	vst v63  }
0x93: {  	s0 =	sadd.s32 $0x2880, s0  }
0x94: {  	[tilespmem:s15], [sflag:$0x2] =	stream.indirect.gather [hbm4b:s5+s13], $0x80, s0, s13, $0xb8;
	[tilespmem:$0x18780] =	vst v63  }
0x95: {  	_ =	swait.ge [sflag:s20], $0x4000  }
0x96: {  	[sflag:s20] =	ssyncset.done $0x0  }
0x97: {  	[sflag:s20] =	ssyncadd.s32 $0xFFFFC000  }
0x98: {  	_ =	swait.ge [sflag:s21], $0x4000  }
0x99: {  	s9 =	sadd.s32 $0x15F00, s31;
	s2 =	simm.s32 $0x10F40;
	[sflag:s21] =	ssyncset.done $0x0  }
0x9a: {  	v14 =	vmov s9;
	s1 =	simm.s32 $0x0;
	s0 =	simm.s32 $0xCF40;
	[sflag:s21] =	ssyncadd.s32 $0xFFFFC000  }
.LBB2_7:
0x9b: {  	v15 =	vld [tilespmem:s0+$0xFFFFFFD0]  }
0x9c: {  	v16 =	vld [tilespmem:s2+$0xFFFFFFD0]  }
0x9d: {  	v17 =	vld [tilespmem:s0+$0xFFFFFFC0]  }
0x9e: {  	v18 =	vld [tilespmem:s2+$0xFFFFFFC0]  }
0x9f: {  	v19 =	vld [tilespmem:s0+$0x30]  }
0xa0: {  	v20 =	vld [tilespmem:s2+$0x30]  }
0xa1: {  	v21 =	vld [tilespmem:s0+$0xFFFFFFE0]  }
0xa2: {  	v22 =	vld [tilespmem:s2+$0xFFFFFFE0]  }
0xa3: {  	v23 =	vld [tilespmem:s2+$0xFFFFFFF0];
	v17 =	vadd.f32 v18, v17  }
0xa4: {  	v18 =	vld [tilespmem:s0+$0xFFFFFFF0]  }
0xa5: {  	v24 =	vld [tilespmem:s2+$0x0];
	v15 =	vadd.f32 v16, v15;
	v16 =	vmax.f32 v17, $0.0e+00  }
0xa6: {  	v17 =	vld [tilespmem:s0+$0x0];
	v16 =	vmul.f32 v16, v12  }
0xa7: {  	v25 =	vld [tilespmem:s2+$0x10];
	v21 =	vadd.f32 v22, v21;
	v15 =	vmax.f32 v15, $0.0e+00  }
0xa8: {  	v22 =	vld [tilespmem:s0+$0x10];
	v15 =	vmul.f32 v15, v11;
	v16 =	vadd.f32 v16, v13  }
0xa9: {  	v21 =	vmax.f32 v21, $0.0e+00;
	v18 =	vadd.f32 v23, v18;
	v23 =	vld [tilespmem:s0+$0x20]  }
0xaa: {  	s9 =	sadd.s32 $0x80, s0;
	v15 =	vadd.f32 v15, v16;
	v16 =	vmul.f32 v21, v10;
	v21 =	vld [tilespmem:s2+$0x20]  }
0xab: {  	s23 =	sadd.s32 $0x80, s2;
	v26 =	vld [tilespmem:s9+$0xFFFFFFD0];
	v18 =	vmax.f32 v18, $0.0e+00;
	v17 =	vadd.f32 v24, v17  }
0xac: {  	v19 =	vadd.f32 v20, v19;
	v20 =	vld [tilespmem:s23+$0xFFFFFFE0];
	v15 =	vadd.f32 v16, v15;
	v16 =	vmul.f32 v18, v9  }
0xad: {  	v22 =	vadd.f32 v25, v22;
	v25 =	vld [tilespmem:s23+$0xFFFFFFC0];
	v17 =	vmax.f32 v17, $0.0e+00  }
0xae: {  	v18 =	vld [tilespmem:s9+$0xFFFFFFC0];
	v27 =	vmul.f32 v17, v8;
	v15 =	vadd.f32 v16, v15  }
0xaf: {  	v24 =	vld [tilespmem:s23+$0xFFFFFFD0];
	v22 =	vmax.f32 v22, $0.0e+00;
	v21 =	vadd.f32 v21, v23  }
0xb0: {  	v22 =	vmul.f32 v22, v7;
	v17 =	vld [tilespmem:s23+$0x30];
	v15 =	vadd.f32 v27, v15  }
0xb1: {  	v16 =	vld [tilespmem:s9+$0x30];
	v21 =	vmax.f32 v21, $0.0e+00  }
0xb2: {  	v23 =	vld [tilespmem:s9+$0xFFFFFFE0];
	v15 =	vadd.f32 v22, v15;
	v21 =	vmul.f32 v21, v6  }
0xb3: {  	v19 =	vmax.f32 v19, $0.0e+00;
	v18 =	vadd.f32 v25, v18;
	v25 =	vld [tilespmem:s23+$0xFFFFFFF0]  }
0xb4: {  	v19 =	vmul.f32 v19, v5;
	v22 =	vld [tilespmem:s9+$0xFFFFFFF0];
	v15 =	vadd.f32 v21, v15  }
0xb5: {  	v18 =	vmax.f32 v18, $0.0e+00;
	v21 =	vadd.f32 v24, v26;
	v24 =	vld [tilespmem:s9+$0x0]  }
0xb6: {  	v18 =	vmul.f32 v18, v12;
	v26 =	vld [tilespmem:s23+$0x0];
	v15 =	vadd.f32 v19, v15  }
0xb7: {  	v27 =	vld [tilespmem:s23+$0x10];
	v20 =	vadd.f32 v20, v23;
	v19 =	vmax.f32 v21, $0.0e+00  }
0xb8: {  	v23 =	vld [tilespmem:s9+$0x10];
	v18 =	vadd.f32 v18, v13;
	v21 =	vmul.f32 v19, v11;
	v28 =	vperm.xlane v15, v0  }
0xb9: {  	v20 =	vmax.f32 v20, $0.0e+00;
	v22 =	vadd.f32 v25, v22;
	v19 =	vld [tilespmem:s9+$0x20]  }
0xba: {  	s25 =	sadd.s32 $0x80, s9;
	v25 =	vmul.f32 v20, v10;
	v20 =	vld [tilespmem:s23+$0x20];
	v18 =	vadd.f32 v21, v18;
	v28 =	vadd.f32 v15, v28  }
0xbb: {  	v21 =	vld [tilespmem:s25+$0xFFFFFFD0];
	v26 =	vadd.f32 v26, v24;
	v15 =	vmax.f32 v22, $0.0e+00  }
0xbc: {  	s26 =	sadd.s32 $0x80, s23;
	v24 =	vld [tilespmem:s25+$0xFFFFFFC0];
	v18 =	vadd.f32 v25, v18;
	v25 =	vmul.f32 v15, v9;
	v29 =	vperm.xlane v28, v1  }
0xbd: {  	s28 =	simm.s32 $0x3;
	v23 =	vadd.f32 v27, v23;
	v27 =	vld [tilespmem:s26+$0xFFFFFFC0];
	v15 =	vimm.f32 $0.0e+00;
	v26 =	vmax.f32 v26, $0.0e+00  }
0xbe: {  	s24 =	simm.s32 $0x0;
	s9 =	simm.s32 $0x1;
	s23 =	simm.s32 $0x2;
	v22 =	vld [tilespmem:s26+$0xFFFFFFD0];
	v26 =	vmul.f32 v26, v8;
	v25 =	vadd.f32 v25, v18;
	v18 =	vadd.f32 v28, v29  }
.LBB2_8:
0xbf: {  	p0 =	sne.s32 s28, $0xF;
	v28 =	vld [tilespmem:s25+$0x30];
	v23 =	vmax.f32 v23, $0.0e+00;
	v19 =	vadd.f32 v20, v19  }
0xc0: {  	v20 =	vld [tilespmem:s26+$0x30];
	v25 =	vadd.f32 v26, v25;
	v23 =	vmul.f32 v23, v7;
	v26 =	vperm.xlane v18, v2  }
0xc1: {  	v17 =	vadd.f32 v17, v16;
	v29 =	vld [tilespmem:s25+$0xFFFFFFE0];
	v19 =	vmax.f32 v19, $0.0e+00  }
0xc2: {  	v30 =	vld [tilespmem:s26+$0xFFFFFFE0];
	v31 =	vadd.f32 v23, v25;
	v19 =	vmul.f32 v19, v6;
	v18 =	vadd.f32 v18, v26  }
0xc3: {  	v21 =	vadd.f32 v22, v21;
	v23 =	vadd.f32 v27, v24;
	v22 =	vld [tilespmem:s25+$0xFFFFFFF0];
	v27 =	vmax.f32 v17, $0.0e+00  }
0xc4: {  	v24 =	vld [tilespmem:s26+$0xFFFFFFF0];
	v19 =	vadd.f32 v19, v31;
	v25 =	vmul.f32 v27, v5;
	v26 =	vperm.xlane v18, v3;
	v16 =	vmovc v28  }
0xc5: {  	v21 =	vmax.f32 v21, $0.0e+00;
	v28 =	vmov s24;
	s24 =	smov.u32 s9;
	s9 =	smov.u32 s23;
	s23 =	smov.u32 s28;
	v23 =	vmax.f32 v23, $0.0e+00;
	v27 =	vld [tilespmem:s25+$0x0];
	v17 =	vmovc v20  }
0xc6: {  	v20 =	vmul.f32 v23, v12;
	v23 =	vld [tilespmem:s26+$0x0];
	v25 =	vadd.f32 v25, v19;
	v18 =	vadd.f32 v18, v26  }
0xc7: {  	v21 =	vmul.f32 v21, v11;
	vm0 =	veq.s32 v28, v4;
	v19 =	vadd.f32 v30, v29;
	v26 =	vld [tilespmem:s25+$0x10]  }
0xc8: {  	v20 =	vadd.f32 v20, v13;
	v28 =	vld [tilespmem:s26+$0x10];
	v29 =	vperm.xlane v25, v0;
	v15 =	vsel vm0, v18, v15  }
0xc9: {  	v18 =	vmax.f32 v19, $0.0e+00;
	v22 =	vadd.f32 v24, v22;
	v19 =	vld [tilespmem:s25+$0x20]  }
.Ltmp2:
0xca: {  	s25 =	sadd.s32 $0x80, s25;
	v24 =	vadd.f32 v21, v20;
	v18 =	vmul.f32 v18, v10;
	v20 =	vld [tilespmem:s26+$0x20];
	v29 =	vadd.f32 v25, v29;
	(pc) =	sbr.rel @p0 .LBB2_8-.Ltmp2, $4  }
0xcb: {  	s26 =	sadd.s32 $0x80, s26;
	v21 =	vld [tilespmem:s25+$0xFFFFFFD0];
	v25 =	vmax.f32 v22, $0.0e+00;
	v23 =	vadd.f32 v23, v27  }
0xcc: {  	v22 =	vld [tilespmem:s26+$0xFFFFFFD0];
	v18 =	vadd.f32 v18, v24;
	v25 =	vmul.f32 v25, v9;
	v30 =	vperm.xlane v29, v1  }
0xcd: {  	v24 =	vld [tilespmem:s25+$0xFFFFFFC0];
	v31 =	vmax.f32 v23, $0.0e+00;
	v23 =	vadd.f32 v28, v26  }
0xce: {  	s28 =	sadd.s32 $0x1, s28;
	v27 =	vld [tilespmem:s26+$0xFFFFFFC0];
	v25 =	vadd.f32 v25, v18;
	v26 =	vmul.f32 v31, v8;
	v18 =	vadd.f32 v29, v30  }
0xcf: {  	_ =	sdelay $0x1  }
0xd0: {  	v28 =	vld [tilespmem:s25+$0xFFFFFFE0]  }
0xd1: {  	v29 =	vld [tilespmem:s26+$0xFFFFFFE0]  }
0xd2: {  	v44 =	vld [tilespmem:s25+$0xFFFFFFF0];
	v24 =	vadd.f32 v27, v24  }
0xd3: {  	v30 =	vld [tilespmem:s26+$0xFFFFFFF0]  }
0xd4: {  	v46 =	vld [tilespmem:s25+$0x0];
	v21 =	vadd.f32 v22, v21;
	v45 =	vmax.f32 v24, $0.0e+00  }
0xd5: {  	v31 =	vld [tilespmem:s26+$0x0];
	v22 =	vmul.f32 v45, v12  }
0xd6: {  	v47 =	vld [tilespmem:s25+$0x10];
	v21 =	vmax.f32 v21, $0.0e+00;
	v28 =	vadd.f32 v29, v28  }
0xd7: {  	v32 =	vld [tilespmem:s26+$0x10];
	v21 =	vmul.f32 v21, v11;
	v22 =	vadd.f32 v22, v13  }
0xd8: {  	v48 =	vld [tilespmem:s25+$0x20];
	v27 =	vadd.f32 v30, v44;
	v28 =	vmax.f32 v28, $0.0e+00  }
0xd9: {  	v19 =	vadd.f32 v20, v19;
	v51 =	vld [tilespmem:s26+$0x20];
	v50 =	vmul.f32 v28, v10;
	v49 =	vadd.f32 v21, v22  }
0xda: {  	v52 =	vld [tilespmem:s25+$0x30];
	v23 =	vmax.f32 v23, $0.0e+00;
	v24 =	vadd.f32 v31, v46;
	v27 =	vmax.f32 v27, $0.0e+00  }
0xdb: {  	v53 =	vld [tilespmem:s26+$0x30];
	v16 =	vadd.f32 v17, v16;
	v27 =	vmul.f32 v27, v9;
	v20 =	vadd.f32 v50, v49  }
0xdc: {  	v25 =	vadd.f32 v26, v25;
	v54 =	vadd.f32 v32, v47;
	v24 =	vmax.f32 v24, $0.0e+00  }
0xdd: {  	v23 =	vmul.f32 v23, v7;
	v24 =	vmul.f32 v24, v8;
	v20 =	vadd.f32 v27, v20  }
0xde: {  	v19 =	vmax.f32 v19, $0.0e+00;
	v55 =	vmax.f32 v54, $0.0e+00;
	v22 =	vadd.f32 v51, v48  }
0xdf: {  	v23 =	vadd.f32 v23, v25;
	v17 =	vmul.f32 v55, v7;
	v20 =	vadd.f32 v24, v20  }
0xe0: {  	v19 =	vmul.f32 v19, v6;
	v21 =	vadd.f32 v53, v52;
	v22 =	vmax.f32 v22, $0.0e+00  }
0xe1: {  	v16 =	vmax.f32 v16, $0.0e+00;
	v56 =	vmul.f32 v22, v6;
	v17 =	vadd.f32 v17, v20  }
0xe2: {  	v16 =	vmul.f32 v16, v5;
	v19 =	vadd.f32 v19, v23;
	v21 =	vmax.f32 v21, $0.0e+00  }
0xe3: {  	v57 =	vmul.f32 v21, v5;
	v17 =	vadd.f32 v56, v17  }
0xe4: {  	v16 =	vadd.f32 v16, v19  }
0xe5: {  	v17 =	vadd.f32 v57, v17  }
0xe6: {  	v19 =	vperm.xlane v16, v0  }
0xe7: {  	v20 =	vperm.xlane v17, v0  }
0xe8: {  	v16 =	vadd.f32 v16, v19  }
0xe9: {  	v17 =	vadd.f32 v17, v20  }
0xea: {  	v19 =	vperm.xlane v16, v1  }
0xeb: {  	v20 =	vperm.xlane v17, v1  }
0xec: {  	v16 =	vadd.f32 v16, v19  }
0xed: {  	v58 =	vperm.xlane v18, v2;
	v17 =	vadd.f32 v17, v20  }
0xee: {  	v19 =	vperm.xlane v16, v2  }
0xef: {  	v18 =	vadd.f32 v18, v58;
	v20 =	vperm.xlane v17, v2  }
0xf0: {  	v16 =	vadd.f32 v16, v19  }
0xf1: {  	v21 =	vperm.xlane v18, v3;
	v17 =	vadd.f32 v17, v20  }
0xf2: {  	v59 =	vmov s24;
	s31 =	sshll.u32 s1, $0x4;
	s1 =	sadd.s32 $0x1, s1;
	v60 =	vperm.xlane v16, v3  }
0xf3: {  	v62 =	vmov s9;
	p0 =	sne.s32 s1, $0x8;
	v18 =	vadd.f32 v18, v21;
	v61 =	vperm.xlane v17, v3  }
.Ltmp3:
0xf4: {  	v63 =	vmov s23;
	vm0 =	veq.s32 v59, v4;
	v16 =	vadd.f32 v16, v60;
	(pc) =	sbr.rel @p0 .LBB2_7-.Ltmp3, $4  }
0xf5: {  	vm14 =	veq.s32 v62, v4;
	v15 =	vsel vm0, v18, v15;
	v17 =	vadd.f32 v17, v61  }
0xf6: {  	vm15 =	veq.s32 v63, v4;
	v15 =	vsel vm14, v16, v15  }
0xf7: {  	s9 =	sand.u32 $0x3FFFFFF0, s31;
	v15 =	vsel vm15, v17, v15  }
0xf8: {  	s0 =	sadd.s32 $0x800, s0;
	s2 =	sadd.s32 $0x800, s2;
	[tilespmem:v14+s9+$0x0 ss:$0x1] =	vst.idx.msk $0xffff, v15  }
0xf9: {  	s30 =	sadd.s32 $0x1, s30  }
0xfa: {  	p0 =	sne.s32 s30, $0x27  }
.Ltmp4:
0xfb: {  	_ = 	snop;
	(pc) =	sbr.rel @p0 .LBB2_2-.Ltmp4, $1  }
0xfc: {  	_ =	sdelay $0x3  }
0xfd: {  	_ =	swait.ge [sflag:s18], $0x4000  }
0xfe: {  	[sflag:s18] =	ssyncset.done $0x0  }
0xff: {  	[sflag:s18] =	ssyncadd.s32 $0xFFFFC000  }
0x100: {  	_ =	swait.ge [sflag:s19], $0x4000  }
0x101: {  	[sflag:s19] =	ssyncset.done $0x0  }
0x102: {  	s0 =	simm.s32 $0x2700;
	s1 =	simm.s32 $0x14F00;
	[sflag:s19] =	ssyncadd.s32 $0xFFFFC000  }
0x103: {  	[tilespmem:s1], [sflag:$0x1] =	stream.indirect.gather [hbm4b:s4+s22], $0x80, s0, s22, $0xb8;
	[tilespmem:$0x18780] =	vst v63  }
0x104: {  	s24 =	simm.s32 $0x4E80;
	s25 =	simm.s32 $0x15700  }
0x105: {  	[tilespmem:s25], [sflag:$0x2] =	stream.indirect.gather [hbm4b:s5+s22], $0x80, s24, s22, $0xb8;
	[tilespmem:$0x18780] =	vst v63  }
0x106: {  	_ =	swait.ge [sflag:s18], $0x800  }
0x107: {  	[sflag:s18] =	ssyncset.done $0x0  }
0x108: {  	[sflag:s18] =	ssyncadd.s32 $0xFFFFF800  }
0x109: {  	_ =	swait.ge [sflag:s19], $0x800  }
0x10a: {  	[sflag:s19] =	ssyncset.done $0x0  }
0x10b: {  	s26 =	simm.s32 $0x14F40;
	[sflag:s19] =	ssyncadd.s32 $0xFFFFF800  }
0x10c: {  	s28 =	simm.s32 $0x15740;
	v14 =	vld [tilespmem:s26+$0xFFFFFFD0]  }
0x10d: {  	v15 =	vld [tilespmem:s28+$0xFFFFFFD0]  }
0x10e: {  	v16 =	vld [tilespmem:s26+$0xFFFFFFC0]  }
0x10f: {  	v17 =	vld [tilespmem:s28+$0xFFFFFFC0]  }
0x110: {  	v18 =	vld [tilespmem:s26+$0x30]  }
0x111: {  	v19 =	vld [tilespmem:s28+$0x30]  }
0x112: {  	v20 =	vld [tilespmem:s26+$0xFFFFFFE0]  }
0x113: {  	v21 =	vld [tilespmem:s28+$0xFFFFFFE0]  }
0x114: {  	v22 =	vld [tilespmem:s28+$0xFFFFFFF0];
	v16 =	vadd.f32 v17, v16  }
0x115: {  	v17 =	vld [tilespmem:s26+$0xFFFFFFF0]  }
0x116: {  	v23 =	vld [tilespmem:s28+$0x0];
	v14 =	vadd.f32 v15, v14;
	v15 =	vmax.f32 v16, $0.0e+00  }
0x117: {  	v16 =	vld [tilespmem:s26+$0x0];
	v15 =	vmul.f32 v15, v12  }
0x118: {  	v24 =	vld [tilespmem:s28+$0x10];
	v20 =	vadd.f32 v21, v20;
	v14 =	vmax.f32 v14, $0.0e+00  }
0x119: {  	v21 =	vld [tilespmem:s26+$0x10];
	v14 =	vmul.f32 v14, v11;
	v15 =	vadd.f32 v15, v13  }
0x11a: {  	v20 =	vmax.f32 v20, $0.0e+00;
	v17 =	vadd.f32 v22, v17;
	v22 =	vld [tilespmem:s26+$0x20]  }
0x11b: {  	s30 =	simm.s32 $0x14FC0;
	v14 =	vadd.f32 v14, v15;
	v15 =	vmul.f32 v20, v10;
	v20 =	vld [tilespmem:s28+$0x20]  }
0x11c: {  	s31 =	simm.s32 $0x157C0;
	v25 =	vld [tilespmem:s30+$0xFFFFFFD0];
	v17 =	vmax.f32 v17, $0.0e+00;
	v16 =	vadd.f32 v23, v16  }
0x11d: {  	v18 =	vadd.f32 v19, v18;
	v19 =	vld [tilespmem:s31+$0xFFFFFFE0];
	v14 =	vadd.f32 v15, v14;
	v15 =	vmul.f32 v17, v9  }
0x11e: {  	v21 =	vadd.f32 v24, v21;
	v24 =	vld [tilespmem:s31+$0xFFFFFFC0];
	v16 =	vmax.f32 v16, $0.0e+00  }
0x11f: {  	v17 =	vld [tilespmem:s30+$0xFFFFFFC0];
	v26 =	vmul.f32 v16, v8;
	v14 =	vadd.f32 v15, v14  }
0x120: {  	v23 =	vld [tilespmem:s31+$0xFFFFFFD0];
	v21 =	vmax.f32 v21, $0.0e+00;
	v20 =	vadd.f32 v20, v22  }
0x121: {  	v21 =	vmul.f32 v21, v7;
	v16 =	vld [tilespmem:s31+$0x30];
	v14 =	vadd.f32 v26, v14  }
0x122: {  	v15 =	vld [tilespmem:s30+$0x30];
	v20 =	vmax.f32 v20, $0.0e+00  }
0x123: {  	v22 =	vld [tilespmem:s30+$0xFFFFFFE0];
	v14 =	vadd.f32 v21, v14;
	v20 =	vmul.f32 v20, v6  }
0x124: {  	v18 =	vmax.f32 v18, $0.0e+00;
	v17 =	vadd.f32 v24, v17;
	v24 =	vld [tilespmem:s31+$0xFFFFFFF0]  }
0x125: {  	v18 =	vmul.f32 v18, v5;
	v21 =	vld [tilespmem:s30+$0xFFFFFFF0];
	v14 =	vadd.f32 v20, v14  }
0x126: {  	v17 =	vmax.f32 v17, $0.0e+00;
	v20 =	vadd.f32 v23, v25;
	v23 =	vld [tilespmem:s30+$0x0]  }
0x127: {  	v17 =	vmul.f32 v17, v12;
	v25 =	vld [tilespmem:s31+$0x0];
	v14 =	vadd.f32 v18, v14  }
0x128: {  	v26 =	vld [tilespmem:s31+$0x10];
	v19 =	vadd.f32 v19, v22;
	v18 =	vmax.f32 v20, $0.0e+00  }
0x129: {  	v22 =	vld [tilespmem:s30+$0x10];
	v17 =	vadd.f32 v17, v13;
	v20 =	vmul.f32 v18, v11;
	v27 =	vperm.xlane v14, v0  }
0x12a: {  	v19 =	vmax.f32 v19, $0.0e+00;
	v21 =	vadd.f32 v24, v21;
	v18 =	vld [tilespmem:s30+$0x20]  }
0x12b: {  	s9 =	simm.s32 $0x15040;
	v24 =	vmul.f32 v19, v10;
	v19 =	vld [tilespmem:s31+$0x20];
	v17 =	vadd.f32 v20, v17;
	v27 =	vadd.f32 v14, v27  }
0x12c: {  	v20 =	vld [tilespmem:s9+$0xFFFFFFD0];
	v25 =	vadd.f32 v25, v23;
	v14 =	vmax.f32 v21, $0.0e+00  }
0x12d: {  	s23 =	simm.s32 $0x15840;
	v23 =	vld [tilespmem:s9+$0xFFFFFFC0];
	v17 =	vadd.f32 v24, v17;
	v24 =	vmul.f32 v14, v9;
	v28 =	vperm.xlane v27, v1  }
0x12e: {  	s2 =	simm.s32 $0x0;
	v21 =	vld [tilespmem:s23+$0xFFFFFFD0];
	v14 =	vimm.f32 $0.0e+00;
	v29 =	vmax.f32 v25, $0.0e+00;
	v25 =	vadd.f32 v26, v22  }
0x12f: {  	s1 =	simm.s32 $0x1;
	s0 =	simm.s32 $0x2;
	s24 =	simm.s32 $0x3;
	v26 =	vld [tilespmem:s23+$0xFFFFFFC0];
	v22 =	vadd.f32 v24, v17;
	v24 =	vmul.f32 v29, v8;
	v17 =	vadd.f32 v27, v28  }
.LBB2_12:
0x130: {  	p0 =	sne.s32 s24, $0xF;
	v27 =	vld [tilespmem:s9+$0x30];
	v25 =	vmax.f32 v25, $0.0e+00;
	v18 =	vadd.f32 v19, v18  }
0x131: {  	v19 =	vld [tilespmem:s23+$0x30];
	v22 =	vadd.f32 v24, v22;
	v24 =	vmul.f32 v25, v7;
	v25 =	vperm.xlane v17, v2  }
0x132: {  	v16 =	vadd.f32 v16, v15;
	v28 =	vld [tilespmem:s9+$0xFFFFFFE0];
	v18 =	vmax.f32 v18, $0.0e+00  }
0x133: {  	v29 =	vld [tilespmem:s23+$0xFFFFFFE0];
	v30 =	vadd.f32 v24, v22;
	v18 =	vmul.f32 v18, v6;
	v17 =	vadd.f32 v17, v25  }
0x134: {  	v20 =	vadd.f32 v21, v20;
	v22 =	vadd.f32 v26, v23;
	v21 =	vld [tilespmem:s9+$0xFFFFFFF0];
	v26 =	vmax.f32 v16, $0.0e+00  }
0x135: {  	v23 =	vld [tilespmem:s23+$0xFFFFFFF0];
	v18 =	vadd.f32 v18, v30;
	v24 =	vmul.f32 v26, v5;
	v25 =	vperm.xlane v17, v3;
	v15 =	vmovc v27  }
0x136: {  	v20 =	vmax.f32 v20, $0.0e+00;
	v27 =	vmov s2;
	s2 =	smov.u32 s1;
	s1 =	smov.u32 s0;
	s0 =	smov.u32 s24;
	v22 =	vmax.f32 v22, $0.0e+00;
	v26 =	vld [tilespmem:s9+$0x0];
	v16 =	vmovc v19  }
0x137: {  	v19 =	vmul.f32 v22, v12;
	v22 =	vld [tilespmem:s23+$0x0];
	v24 =	vadd.f32 v24, v18;
	v17 =	vadd.f32 v17, v25  }
0x138: {  	v20 =	vmul.f32 v20, v11;
	vm0 =	veq.s32 v27, v4;
	v18 =	vadd.f32 v29, v28;
	v25 =	vld [tilespmem:s9+$0x10]  }
0x139: {  	v19 =	vadd.f32 v19, v13;
	v27 =	vld [tilespmem:s23+$0x10];
	v28 =	vperm.xlane v24, v0;
	v14 =	vsel vm0, v17, v14  }
0x13a: {  	v17 =	vmax.f32 v18, $0.0e+00;
	v21 =	vadd.f32 v23, v21;
	v18 =	vld [tilespmem:s9+$0x20]  }
.Ltmp5:
0x13b: {  	s9 =	sadd.s32 $0x80, s9;
	v23 =	vadd.f32 v20, v19;
	v17 =	vmul.f32 v17, v10;
	v19 =	vld [tilespmem:s23+$0x20];
	v28 =	vadd.f32 v24, v28;
	(pc) =	sbr.rel @p0 .LBB2_12-.Ltmp5, $4  }
0x13c: {  	s23 =	sadd.s32 $0x80, s23;
	v20 =	vld [tilespmem:s9+$0xFFFFFFD0];
	v24 =	vmax.f32 v21, $0.0e+00;
	v22 =	vadd.f32 v22, v26  }
0x13d: {  	v21 =	vld [tilespmem:s23+$0xFFFFFFD0];
	v17 =	vadd.f32 v17, v23;
	v24 =	vmul.f32 v24, v9;
	v29 =	vperm.xlane v28, v1  }
0x13e: {  	v23 =	vld [tilespmem:s9+$0xFFFFFFC0];
	v30 =	vmax.f32 v22, $0.0e+00;
	v25 =	vadd.f32 v27, v25  }
0x13f: {  	s24 =	sadd.s32 $0x1, s24;
	v26 =	vld [tilespmem:s23+$0xFFFFFFC0];
	v22 =	vadd.f32 v24, v17;
	v24 =	vmul.f32 v30, v8;
	v17 =	vadd.f32 v28, v29  }
0x140: {  	_ =	sdelay $0x1  }
0x141: {  	v27 =	vld [tilespmem:s9+$0xFFFFFFE0]  }
0x142: {  	v28 =	vld [tilespmem:s23+$0xFFFFFFE0]  }
0x143: {  	v34 =	vld [tilespmem:s9+$0xFFFFFFF0];
	v23 =	vadd.f32 v26, v23  }
0x144: {  	v29 =	vld [tilespmem:s23+$0xFFFFFFF0]  }
0x145: {  	v36 =	vld [tilespmem:s9+$0x0];
	v20 =	vadd.f32 v21, v20;
	v35 =	vmax.f32 v23, $0.0e+00  }
0x146: {  	v37 =	vld [tilespmem:s23+$0x0];
	v12 =	vmul.f32 v35, v12  }
0x147: {  	v38 =	vld [tilespmem:s9+$0x10];
	v20 =	vmax.f32 v20, $0.0e+00;
	v27 =	vadd.f32 v28, v27  }
0x148: {  	v39 =	vld [tilespmem:s23+$0x10];
	v11 =	vmul.f32 v20, v11;
	v12 =	vadd.f32 v12, v13  }
0x149: {  	v41 =	vld [tilespmem:s9+$0x20];
	v26 =	vadd.f32 v29, v34;
	v40 =	vmax.f32 v27, $0.0e+00  }
0x14a: {  	v25 =	vmax.f32 v25, $0.0e+00;
	v42 =	vld [tilespmem:s23+$0x20];
	v10 =	vmul.f32 v40, v10;
	v11 =	vadd.f32 v11, v12  }
0x14b: {  	v43 =	vld [tilespmem:s9+$0x30];
	v18 =	vadd.f32 v19, v18;
	v21 =	vadd.f32 v37, v36;
	v44 =	vmax.f32 v26, $0.0e+00  }
0x14c: {  	v45 =	vld [tilespmem:s23+$0x30];
	v48 =	vadd.f32 v16, v15;
	v9 =	vmul.f32 v44, v9;
	v10 =	vadd.f32 v10, v11  }
0x14d: {  	v22 =	vadd.f32 v24, v22;
	v47 =	vmax.f32 v21, $0.0e+00;
	v13 =	vadd.f32 v39, v38  }
0x14e: {  	v46 =	vmul.f32 v25, v7;
	v8 =	vmul.f32 v47, v8;
	v9 =	vadd.f32 v9, v10  }
0x14f: {  	v18 =	vmax.f32 v18, $0.0e+00;
	v13 =	vmax.f32 v13, $0.0e+00;
	v12 =	vadd.f32 v42, v41  }
0x150: {  	v49 =	vmul.f32 v18, v6;
	v7 =	vmul.f32 v13, v7;
	v8 =	vadd.f32 v8, v9  }
0x151: {  	v50 =	vadd.f32 v45, v43;
	v11 =	vadd.f32 v46, v22;
	v12 =	vmax.f32 v12, $0.0e+00  }
0x152: {  	v6 =	vmul.f32 v12, v6;
	v10 =	vmax.f32 v48, $0.0e+00;
	v7 =	vadd.f32 v7, v8  }
0x153: {  	v53 =	vmax.f32 v50, $0.0e+00;
	v51 =	vadd.f32 v49, v11;
	v52 =	vmul.f32 v10, v5  }
0x154: {  	v5 =	vmul.f32 v53, v5;
	v6 =	vadd.f32 v6, v7  }
0x155: {  	v7 =	vadd.f32 v52, v51  }
0x156: {  	v5 =	vadd.f32 v5, v6  }
0x157: {  	v6 =	vperm.xlane v7, v0  }
0x158: {  	v54 =	vperm.xlane v5, v0  }
0x159: {  	v6 =	vadd.f32 v7, v6  }
0x15a: {  	v5 =	vadd.f32 v5, v54  }
0x15b: {  	v7 =	vperm.xlane v6, v1  }
0x15c: {  	v8 =	vperm.xlane v5, v1  }
0x15d: {  	v6 =	vadd.f32 v6, v7  }
0x15e: {  	v55 =	vperm.xlane v17, v2;
	v5 =	vadd.f32 v5, v8  }
0x15f: {  	v56 =	vperm.xlane v6, v2  }
0x160: {  	v7 =	vadd.f32 v17, v55;
	v57 =	vperm.xlane v5, v2  }
0x161: {  	v6 =	vadd.f32 v6, v56  }
0x162: {  	v58 =	vperm.xlane v7, v3;
	v5 =	vadd.f32 v5, v57  }
0x163: {  	v59 =	vmov s2;
	v60 =	vperm.xlane v6, v3  }
0x164: {  	v62 =	vmov s1;
	v7 =	vadd.f32 v7, v58;
	v61 =	vperm.xlane v5, v3  }
0x165: {  	v63 =	vmov s0;
	vm0 =	veq.s32 v59, v4;
	v6 =	vadd.f32 v6, v60  }
0x166: {  	vm14 =	veq.s32 v62, v4;
	v7 =	vsel vm0, v7, v14;
	v5 =	vadd.f32 v5, v61  }
0x167: {  	s29 =	sadd.s32 $0x1, s29;
	vm15 =	veq.s32 v63, v4;
	v6 =	vsel vm14, v6, v7  }
0x168: {  	p0 =	sne.s32 s29, s11;
	v5 =	vsel vm15, v5, v6  }
.Ltmp6:
0x169: {  	s31 =	simm.s32 $0x15F00;
	[tilespmem:$0x18600] =	vst v5;
	(pc) =	sbr.rel @p0 .LBB2_1-.Ltmp6, $4  }
0x16a: {  	[hbm4b:s8+s3] =	stream.linear.scatter [tilespmem:s31], [sflag:$0x5], $0x2780, $0x38;
	[tilespmem:$0x18780] =	vst v63  }
0x16b: {  	_ =	swait.ge [sflag:s12], $0x2780  }
0x16c: {  	[sflag:s12] =	ssyncset.done $0x0  }
0x16d: {  	[sflag:s12] =	ssyncadd.s32 $0xFFFFD880  }
0x16e: {  	_ =	sfence.sel $0x180000  }
0x16f: {  	[bflag:$0x0] =	sbarrier.arrive $0xFFFF  }
0x170: {  	_ =	strace $0x90000050  }
0x171: {  	s0 =	stileid.u32;
	[bflag:$0x2] =	sbarrier.arrive $0xFFFF  }
0x172: {  	p0 =	sne.s32 s0, $0x0;
	s0 =	rddreg [dreg:$0x2]  }
0x173: {  	s0 =	sadd.s32 @!p0 $0x100000, s0  }
0x174: {  	[sflag:s0] =	ssyncadd.tile.s32 @!p0 $0x1;
	_ =	shalt  }
.Lfunc_end2:
_tile_overlayer_lowered:
.L_overlay_start_2:
0x175: {  	(tag) =	ssettag $0x2  }
0x176: {  	s0 =	rddreg [dreg:$0x0];
	s2 =	stileid.u32  }
0x177: {  	s1 =	rddreg [dreg:$0x1];
	p0 =	sne.s32 s2, $0x0  }
0x178: {  	s3 =	rddreg [dreg:$0x2];
	[bflag:$0x3] =	sbarrier.arrive $0xFFFF;
	s2 =	simm.s32 @!p0 $0x1C05  }
0x179: {  	[timem:s3], [sflag:s2] =	dma.local @!p0 [hbm:s0], s1  }
0x17a: {  	s0 =	simm.s32 @!p0 $0x5  }
0x17b: {  	_ =	swait.ge @!p0 [sflag:s0], s1  }
0x17c: {  	s1 =	ssub.s32 @!p0 $0x0, s1;
	[sflag:s0] =	ssyncset.done @!p0 $0x0  }
0x17d: {  	[sflag:s0] =	ssyncadd.s32 @!p0 s1  }
0x17e: {  	[bflag:$0x3] =	sbarrier.arrive $0xFFFF  }
0x17f: {  	_ =	shalt  }

// kernel: kernel.8.cloned.1.call-start
scs
__scs_entry_jumppad:
0x0: {  	(pc) =	sbr.rel $0x88, $3  }
0x1: {  	(tag) =	ssettag $0x0;
	lr =	simm.s32 $0x1  }
0x2: {  	[smem:$0x3F94] =	sst lr;
	_ =	strace $0xD0000000  }
0x3: {  	_ = 	snop  }
0x4: {  	_ = 	snop  }
0x5: {  	_ = 	snop  }
0x6: {  	_ = 	snop  }
0x7: {  	_ = 	snop  }
__scs_overlays_trampoline_lowered:
0x8: {  	[smem:$0x3FA3] =	sst s0  }
0x9: {  	[smem:$0x3FA4] =	sst s1  }
0xa: {  	[smem:$0x3FA5] =	sst s2  }
0xb: {  	[smem:$0x3FA6] =	sst s3  }
0xc: {  	[smem:$0x3FA7] =	sst s4  }
0xd: {  	[smem:$0x3FA8] =	sst s5  }
0xe: {  	[smem:$0x3FA9] =	sst s6  }
0xf: {  	[smem:$0x3FAA] =	sst s7  }
0x10: {  	[smem:$0x3FAB] =	sst s8  }
0x11: {  	[smem:$0x3FAC] =	sst s9;
	s0 =	simm.s32 @!p0 $0x0  }
0x12: {  	s1 =	sld [smem:$0x3F92];
	s0 =	simm.s32 @p0 $0x1  }
0x13: {  	[smem:$0x3FAD] =	sst s0;
	s0 =	simm.s32 @!p1 $0x0  }
0x14: {  	s2 =	sld [smem:$0x3F91];
	s0 =	simm.s32 @p1 $0x1  }
0x15: {  	[smem:$0x3FAE] =	sst s0;
	s0 =	simm.s32 @!p2 $0x0  }
0x16: {  	s3 =	sld [smem:$0x3FDB];
	s0 =	simm.s32 @p2 $0x1  }
0x17: {  	s4 =	simm.s32 $0x1BF5;
	[smem:$0x3FB0] =	sst s0  }
0x18: {  	s0 =	sld [smem:$0x3F93];
	_ =	swait.ge [sflag:s4], $0x0  }
0x19: {  	s7 =	sld [smem:$0x3F94]  }
0x1a: {  	s8 =	sadd.s32 $0xFFFFE003, lr  }
0x1b: {  	s9 =	sadd.s32 $0xFFFFFEF7, lr;
	s5 =	simm.s32 $0xFFFFFFFF;
	p2 =	slt.u32 s8, $0xFFFFF086  }
0x1c: {  	p1 =	slt.u32 s9, $0xF7A;
	s5 =	simm.s32 @!p2 $0x0  }
0x1d: {  	s5 =	simm.s32 @p1 $0x1;
	p0 =	seq.s32 s7, s2  }
0x1e: {  	s7 =	smul.u32 @!p0 $0xF7A, s2;
	p2 =	seq.s32 @!p0 s5, $0x0  }
0x1f: {  	s9 =	smul.u32 $0xF7A, s1;
	s8 =	simm.s32 @!p0 $0x1BF5;
	p2 =	por !p2, p0  }
0x20: {  	[sflag:s8] =	ssyncset.s32 @!p0 $0xFFFFF086;
	s6 =	sadd.s32 @!p0 s3, s7;
	s7 =	simm.s32 @!p0 $0x108  }
0x21: {  	s3 =	sadd.s32 s3, s9;
	s6 =	sadd.s32 @!p0 $0x88, s6;
	s7 =	simm.s32 @p2 $0x1082  }
0x22: {  	[simem:s7], [sflag:s8] =	dma.local @!p0 [hbm:s6], $0xF7A  }
0x23: {  	s9 =	sor.u32 $0xD0000000, s2;
	s6 =	simm.s32 $0x108;
	_ =	swait.ge @!p0 [sflag:s8], $0x0  }
0x24: {  	s3 =	sadd.s32 $0x88, s3;
	s6 =	simm.s32 @!p1 $0x1082;
	[sflag:s4] =	ssyncset.s32 $0xFFFFF086  }
0x25: {  	[simem:s6], [sflag:s4] =	dma.local [hbm:s3], $0xF7A  }
0x26: {  	[smem:$0x3F94] =	sst s1;
	(tag) =	ssettag s2;
	_ =	strace s9  }
0x27: {  	s1 =	sld [smem:$0x3FA4]  }
0x28: {  	s2 =	sld [smem:$0x3FA5]  }
0x29: {  	s4 =	sld [smem:$0x3FA7]  }
0x2a: {  	p0 =	seq.s32 s5, $0x0;
	s5 =	sld [smem:$0x3FA8]  }
0x2b: {  	s6 =	sld [smem:$0x3FA9]  }
0x2c: {  	s7 =	sld [smem:$0x3FAA]  }
0x2d: {  	s3 =	simm.s32 $0x108;
	s8 =	sld [smem:$0x3FAB]  }
0x2e: {  	s3 =	simm.s32 @!p0 $0x1082;
	s9 =	sld [smem:$0x3FAC]  }
0x2f: {  	lr =	sadd.s32 s0, s3;
	s0 =	sld [smem:$0x3FA3]  }
0x30: {  	s3 =	sld [smem:$0x3FA6]  }
0x31: {  	[smem:$0x3FAF] =	sst s10  }
0x32: {  	s10 =	sld [smem:$0x3FAD];
	_ =	sdelay $0x3  }
0x33: {  	p0 =	seq.s32 s10, $0x1;
	s10 =	sld [smem:$0x3FAF];
	_ =	sdelay $0x3  }
0x34: {  	[smem:$0x3FAF] =	sst s10  }
0x35: {  	s10 =	sld [smem:$0x3FAE];
	_ =	sdelay $0x3  }
0x36: {  	p1 =	seq.s32 s10, $0x1;
	s10 =	sld [smem:$0x3FAF];
	_ =	sdelay $0x3  }
0x37: {  	[smem:$0x3FAF] =	sst s10  }
0x38: {  	s10 =	sld [smem:$0x3FB0]  }
0x39: {  	_ = 	snop;
	(pc) =	sbr.ind lr, $3  }
0x3a: {  	_ = 	snop  }
0x3b: {  	_ = 	snop  }
0x3c: {  	p2 =	seq.s32 s10, $0x1;
	s10 =	sld [smem:$0x3FAF]  }
0x3d: {  	_ =	shalt  }
0x3e: {  	_ =	shalt  }
0x3f: {  	_ =	shalt  }
0x40: {  	_ =	shalt  }
0x41: {  	_ =	shalt  }
0x42: {  	_ =	shalt  }
0x43: {  	_ =	shalt  }
0x44: {  	_ =	shalt  }
0x45: {  	_ =	shalt  }
0x46: {  	_ =	shalt  }
0x47: {  	_ =	shalt  }
0x48: {  	_ =	shalt  }
0x49: {  	_ =	shalt  }
0x4a: {  	_ =	shalt  }
0x4b: {  	_ =	shalt  }
0x4c: {  	_ =	shalt  }
0x4d: {  	_ =	shalt  }
0x4e: {  	_ =	shalt  }
0x4f: {  	_ =	shalt  }
0x50: {  	_ =	shalt  }
0x51: {  	_ =	shalt  }
0x52: {  	_ =	shalt  }
0x53: {  	_ =	shalt  }
0x54: {  	_ =	shalt  }
0x55: {  	_ =	shalt  }
0x56: {  	_ =	shalt  }
0x57: {  	_ =	shalt  }
0x58: {  	_ =	shalt  }
0x59: {  	_ =	shalt  }
0x5a: {  	_ =	shalt  }
0x5b: {  	_ =	shalt  }
0x5c: {  	_ =	shalt  }
0x5d: {  	_ =	shalt  }
0x5e: {  	_ =	shalt  }
0x5f: {  	_ =	shalt  }
0x60: {  	_ =	shalt  }
0x61: {  	_ =	shalt  }
0x62: {  	_ =	shalt  }
0x63: {  	_ =	shalt  }
0x64: {  	_ =	shalt  }
0x65: {  	_ =	shalt  }
0x66: {  	_ =	shalt  }
0x67: {  	_ =	shalt  }
0x68: {  	_ =	shalt  }
0x69: {  	_ =	shalt  }
0x6a: {  	_ =	shalt  }
0x6b: {  	_ =	shalt  }
0x6c: {  	_ =	shalt  }
0x6d: {  	_ =	shalt  }
0x6e: {  	_ =	shalt  }
0x6f: {  	_ =	shalt  }
0x70: {  	_ =	shalt  }
0x71: {  	_ =	shalt  }
0x72: {  	_ =	shalt  }
0x73: {  	_ =	shalt  }
0x74: {  	_ =	shalt  }
0x75: {  	_ =	shalt  }
0x76: {  	_ =	shalt  }
0x77: {  	_ =	shalt  }
0x78: {  	_ =	shalt  }
0x79: {  	_ =	shalt  }
0x7a: {  	_ =	shalt  }
0x7b: {  	_ =	shalt  }
0x7c: {  	_ =	shalt  }
0x7d: {  	_ =	shalt  }
0x7e: {  	_ =	shalt  }
0x7f: {  	_ =	shalt  }
0x80: {  	_ =	shalt  }
0x81: {  	_ =	shalt  }
0x82: {  	_ =	shalt  }
0x83: {  	_ =	shalt  }
0x84: {  	_ =	shalt  }
0x85: {  	_ =	shalt  }
0x86: {  	_ =	shalt  }
0x87: {  	_ =	shalt  }
.Lfunc_end0:
.L_simem_size_0:
called_computation.1_lowered:
.L_overlay_start_0:
0x88: {  	s2 =	sld [smem:$0x3FD9]  }
0x89: {  	s3 =	sld [smem:$0x3FFE];
	_ =	sdelay $0x1  }
0x8a: {  	s1 =	srdreg.scid  }
0x8b: {  	s0 =	sand.u32 $0x1, s1  }
0x8c: {  	s17 =	sshll.u32 s0, $0xA;
	s2 =	sadd.s32 s3, s2  }
0x8d: {  	s2 =	sadd.s32 s2, s17  }
0x8e: {  	[smem:$0x3FBB] =	sst s2  }
0x8f: {  	_ = 	snop  }
0x90: {  	s18 =	sld [smem:$0x3FC9];
	(tm) =	ssettm $0x1  }
0x91: {  	s19 =	sld [smem:$0x3FFB];
	_ =	sdelay $0x3  }
0x92: {  	_ =	strace s19  }
0x93: {  	s2 =	sld [smem:$0x3FFC];
	_ =	sdelay $0x3  }
0x94: {  	_ =	strace s2  }
0x95: {  	s2 =	sld [smem:$0x3FFD];
	_ =	sdelay $0x3  }
0x96: {  	_ =	strace s2  }
0x97: {  	_ =	strace $0x8FFFFFFF  }
0x98: {  	s20 =	sld [smem:$0x3FDB];
	_ =	sdelay $0x1  }
0x99: {  	s4 =	simm.s32 $_scs_section_size  }
0x9a: {  	s5 =	simm.s32 $_size__tile_overlayer_lowered;
	s6 =	simm.s32 $_tile_overlayer_lowered  }
0x9b: {  	s7 =	simm.s32 $0x1BFF;
	s21 =	sshll.u32 s6, $0x1;
	s4 =	sadd.s32 s4, s20  }
0x9c: {  	s22 =	simm.s32 $0x0;
	s5 =	sshll.u32 s5, $0x1;
	s6 =	sadd.s32 s21, s4  }
0x9d: {  	[timem:s22], [sflag:s7] =	dma.local [hbm:s6], s5  }
0x9e: {  	_ =	swait.ge [sflag:s7], s5  }
0x9f: {  	s5 =	ssub.s32 $0x0, s5;
	[sflag:s7] =	ssyncset.done $0x0  }
0xa0: {  	[sflag:s7] =	ssyncadd.s32 s5;
	_ =	sdelay $0x1  }
0xa1: {  	s23 =	simm.s32 $0x1B8B  }
0xa2: {  	_ =	swait.ge [sflag:s23], $0x1  }
0xa3: {  	[sflag:s23] =	ssyncset.done $0x0  }
0xa4: {  	[sflag:s23] =	ssyncadd.s32 $0xFFFFFFFF  }
0xa5: {  	s5 =	sld [smem:$0x0]  }
0xa6: {  	s6 =	sand.u32 $0xFFFFFFFE, s1  }
0xa7: {  	p0 =	sne.s32 s1, s6  }
0xa8: {  	s6 =	sshll.u32 @p0 s6, $0xE  }
0xa9: {  	s6 =	sadd.s32 @p0 $0x11B8D, s6;
	s7 =	sshll.u32 @p0 s5, $0x11  }
0xaa: {  	s6 =	sor.u32 @p0 s7, s6  }
0xab: {  	[sflag:s6] =	ssyncadd.remote.s32 @p0 $0x1;
	_ =	sdelay $0x1  }
0xac: {  	s6 =	simm.s32 @p0 $0x1B8D  }
0xad: {  	_ =	swait.eq @p0 [sflag:s6], $0x1  }
0xae: {  	[sflag:s6] =	ssyncadd.s32 @p0 $0xFFFFFFFF  }
0xaf: {  	s7 =	sshll.u32 @!p0 s1, $0xE  }
0xb0: {  	s7 =	sor.u32 @!p0 $0x4000, s7;
	s6 =	simm.s32 @!p0 $0x1B8D  }
0xb1: {  	s5 =	sshll.u32 @!p0 s5, $0x11;
	s7 =	sadd.s32 @!p0 $0x11B8D, s7;
	_ =	swait.eq @!p0 [sflag:s6], $0x1  }
0xb2: {  	s5 =	sor.u32 @!p0 s5, s7;
	[sflag:s6] =	ssyncadd.s32 @!p0 $0xFFFFFFFF  }
0xb3: {  	s25 =	simm.s32 $0x1B8E;
	s24 =	sld [smem:$0x3FFE];
	[sflag:s5] =	ssyncadd.remote.s32 @!p0 $0x1  }
0xb4: {  	s26 =	simm.s32 $execute0_lowered;
	[smem:$0x3FD2] =	sst s25  }
0xb5: {  	s6 =	sshll.u32 s26, $0x1;
	_ =	strace $0x80000049;
	[dreg:$0x1] =	wrdreg $0xFFFFFFFF  }
0xb6: {  	s28 =	simm.s32 $_size_execute0_lowered;
	s4 =	sadd.s32 s4, s6;
	[dreg:$0x0] =	wrdreg $0x0  }
0xb7: {  	s6 =	sshll.u32 s28, $0x1;
	[dreg:$0x2] =	wrdreg s4  }
0xb8: {  	[dreg:$0x3] =	wrdreg s6  }
0xb9: {  	[dreg:$0x4] =	wrdreg $0xC0  }
0xba: {  	_ =	task [dreg:s22], $0x5FFFF  }
0xbb: {  	[dreg:$0x1] =	wrdreg $0xFFFFFFFF  }
0xbc: {  	[dreg:$0x0] =	wrdreg $0x60  }
0xbd: {  	[dreg:$0x2] =	wrdreg s18  }
0xbe: {  	[dreg:$0x3] =	wrdreg s24  }
0xbf: {  	[dreg:$0x4] =	wrdreg $0x48000  }
0xc0: {  	[dreg:$0x5] =	wrdreg $0xA  }
0xc1: {  	_ =	task.clear_ibuf [dreg:s22], $0x6FFFF;
	_ =	strace $0x90000049  }
0xc2: {  	s29 =	simm.s32 $0xA;
	_ =	strace $0x8000004B  }
0xc3: {  	_ =	swait.ge [sflag:s29], $0x1  }
0xc4: {  	[sflag:s29] =	ssyncadd.s32 $0xFFFFFFFF  }
0xc5: {  	_ =	strace $0x9000004B  }
0xc6: {  	_ =	sfence  }
0xc7: {  	s30 =	sld [smem:$0x0];
	_ =	sdelay $0x2  }
0xc8: {  	s31 =	sshll.u32 s1, $0xD;
	s1 =	sshrl.u32 s1, $0x2  }
0xc9: {  	s4 =	sand.u32 $0x4000, s31;
	s1 =	sadd.s32 s1, s30  }
0xca: {  	s0 =	sor.u32 s4, s0;
	s1 =	sshll.u32 s1, $0x11  }
0xcb: {  	s0 =	sor.u32 s1, s0  }
0xcc: {  	s0 =	sadd.s32 $0x8F2B, s0  }
0xcd: {  	[sflag:s0] =	ssyncadd.remote.s32 $0x1  }
0xce: {  	_ =	sfence.sel $0xFFFF  }
0xcf: {  	[dreg:$0x0] =	wrdreg $0xFFFFFFFF;
	(pc) =	sbr.abs _section_cstart, $3  }
0xd0: {  	[dreg:$0x1] =	wrdreg $0xFFFFFFFF  }
0xd1: {  	_ =	task.clear_ibuf [dreg:s22], $0x2FFFF;
	_ =	strace $0x9FFFFFFF  }
0xd2: {  	(tm) =	ssettm $0x7FFFFFFF  }
0xd3: {  	_ =	shalt  }
tec
execute0_lowered:
.L_overlay_start_1:
0x0: {  	(tag) =	ssettag $0x1  }
0x1: {  	s2 =	rddreg [dreg:$0x0]  }
0x2: {  	s0 =	srdreg.scid;
	s6 =	rddreg [dreg:$0x1]  }
0x3: {  	s11 =	stileid.u32;
	s3 =	rddreg [dreg:$0x2];
	s4 =	simm.s32 $0x0  }
0x4: {  	s28 =	simm.s32 $0x100;
	s29 =	simm.s32 $0x500;
	s30 =	simm.s32 $0x180  }
0x5: {  	s31 =	simm.s32 $0x580;
	s0 =	sand.u32 $0x1, s0;
	s1 =	smul.u32 $0x5000, s11  }
0x6: {  	[smem:$0x7FF] =	sst s4;
	s7 =	smul.u32 $0x50000, s11;
	s10 =	sadd.s32 $0x1FC00, s6  }
0x7: {  	s13 =	sshll.u32 s11, $0x6;
	s5 =	smul.u32 $0x2800, s0;
	_ =	strace $0x8000004A  }
0x8: {  	[dreg:$0x4] =	wrdreg s10;
	s8 =	ssub.s32 $0x2, s0;
	s10 =	smul.u32 $0x14000, s11  }
0x9: {  	s0 =	smul.u32 $0x140000, s0;
	s9 =	sshrl.u32 s8, $0x1;
	s7 =	sshrl.u32 s7, $0x2  }
0xa: {  	s1 =	sadd.s32 s5, s1;
	s8 =	ssub.s32 s8, s9;
	s12 =	sadd.s32 s7, s3  }
0xb: {  	s7 =	sor.u32 $0x1C02, s13;
	s14 =	sadd.s32 $0x4000, s10;
	s16 =	sadd.s32 $0x8000, s10  }
0xc: {  	s13 =	sadd.s32 s10, s0;
	s1 =	sshrl.u32 s1, $0x3;
	[dreg:$0x5] =	wrdreg s12  }
0xd: {  	s15 =	sadd.s32 s14, s3;
	s12 =	sadd.s32 $0xC000, s10;
	s17 =	sadd.s32 s16, s3  }
0xe: {  	s10 =	sadd.s32 $0x10000, s10;
	s13 =	sshrl.u32 s13, $0x3;
	s9 =	sadd.s32 s0, s14  }
0xf: {  	s22 =	sadd.s32 s0, s16;
	s26 =	smax.u32 s8, $0x1;
	s8 =	simm.s32 $0x680  }
0x10: {  	s1 =	sadd.s32 s1, s6;
	s6 =	sadd.s32 $0x20400, s6;
	[dreg:$0x6] =	wrdreg s15  }
0x11: {  	[dreg:$0x7] =	wrdreg s17;
	s18 =	sadd.s32 s12, s3;
	s19 =	sadd.s32 s10, s3  }
0x12: {  	s9 =	sshrl.u32 s9, $0x3;
	s23 =	sadd.s32 s0, s12;
	[dreg:$0xf] =	wrdreg s26  }
0x13: {  	s0 =	sadd.s32 s0, s10;
	s26 =	simm.s32 $0x480;
	[dreg:$0x8] =	wrdreg s18  }
0x14: {  	s10 =	simm.s32 $0x700;
	s12 =	simm.s32 $0x780;
	[dreg:$0x9] =	wrdreg s19  }
0x15: {  	s20 =	sadd.s32 s6, s13;
	s21 =	sadd.s32 s6, s9;
	s9 =	sshrl.u32 s22, $0x3  }
0x16: {  	s11 =	sshrl.u32 s23, $0x3;
	s0 =	sshrl.u32 s0, $0x3;
	s18 =	sadd.s32 $0x1800, s1  }
0x17: {  	s19 =	sadd.s32 $0x15600, s1;
	s22 =	simm.s32 $0x7D;
	s23 =	simm.s32 $0x800  }
0x18: {  	s1 =	simm.s32 $0x200;
	s13 =	simm.s32 $0x0;
	[dreg:$0xa] =	wrdreg s20  }
0x19: {  	[dreg:$0xb] =	wrdreg s21;
	s24 =	sadd.s32 s6, s9;
	s25 =	sadd.s32 s6, s11  }
0x1a: {  	s0 =	sadd.s32 s6, s0;
	s20 =	simm.s32 $0x2;
	[dreg:$0xc] =	wrdreg s24  }
0x1b: {  	s21 =	simm.s32 $0x400;
	s6 =	simm.s32 $0x280;
	[dreg:$0xd] =	wrdreg s25  }
0x1c: {  	s9 =	simm.s32 $0x300;
	s11 =	simm.s32 $0x380;
	[dreg:$0xe] =	wrdreg s0  }
0x1d: {  	s24 =	simm.s32 $0x1;
	s25 =	simm.s32 $0x80;
	s0 =	simm.s32 $0x600  }
.LBB2_1:
0x1e: {  	s5 =	rddreg [dreg:$0x5]  }
0x1f: {  	s14 =	sshrl.u32 s5, $0x3;
	s5 =	rddreg [dreg:$0x4]  }
0x20: {  	[dreg:$0x10] =	wrdreg s14  }
0x21: {  	[spmem:s14], [sflag:s7] =	dma.local [hbm:s5], $0x800  }
0x22: {  	_ =	swait.ge [sflag:s20], $0x800  }
0x23: {  	s16 =	rddreg [dreg:$0x6]  }
0x24: {  	[sflag:s20] =	ssyncset.done $0x0;
	s14 =	sshrl.u32 s16, $0x3  }
0x25: {  	[sflag:s20] =	ssyncadd.s32 $0xFFFFF800;
	[dreg:$0x11] =	wrdreg s14  }
0x26: {  	[spmem:s14], [sflag:s7] =	dma.local [hbm:s5], $0x800  }
0x27: {  	_ =	swait.ge [sflag:s20], $0x800  }
0x28: {  	s17 =	rddreg [dreg:$0x7]  }
0x29: {  	[sflag:s20] =	ssyncset.done $0x0;
	s14 =	sshrl.u32 s17, $0x3  }
0x2a: {  	[sflag:s20] =	ssyncadd.s32 $0xFFFFF800;
	[dreg:$0x12] =	wrdreg s14  }
0x2b: {  	[spmem:s14], [sflag:s7] =	dma.local [hbm:s5], $0x800  }
0x2c: {  	_ =	swait.ge [sflag:s20], $0x800  }
0x2d: {  	s15 =	rddreg [dreg:$0x8]  }
0x2e: {  	[sflag:s20] =	ssyncset.done $0x0;
	s14 =	sshrl.u32 s15, $0x3  }
0x2f: {  	[sflag:s20] =	ssyncadd.s32 $0xFFFFF800;
	[dreg:$0x13] =	wrdreg s14  }
0x30: {  	[spmem:s14], [sflag:s7] =	dma.local [hbm:s5], $0x800  }
0x31: {  	_ =	swait.ge [sflag:s20], $0x800  }
0x32: {  	s16 =	rddreg [dreg:$0x9]  }
0x33: {  	[sflag:s20] =	ssyncset.done $0x0;
	s14 =	sshrl.u32 s16, $0x3  }
0x34: {  	[sflag:s20] =	ssyncadd.s32 $0xFFFFF800;
	[dreg:$0x14] =	wrdreg s14  }
0x35: {  	[spmem:s14], [sflag:s7] =	dma.local [hbm:s5], $0x800  }
0x36: {  	_ =	swait.ge [sflag:s20], $0x800  }
0x37: {  	[sflag:s20] =	ssyncset.done $0x0  }
0x38: {  	[sflag:s20] =	ssyncadd.s32 $0xFFFFF800  }
0x39: {  	s15 =	sadd.s32 $0x0, s19;
	[bflag:$0x0] =	sbarrier.arrive $0xFFFF  }
0x3a: {  	[tilespmem:s4], [sflag:$0x2] =	stream.linear.gather [hbm4b:s15+s4], $0x400, $0x38;
	[tilespmem:$0x18800] =	vst v63  }
0x3b: {  	_ =	swait.ge [sflag:s20], $0x400  }
0x3c: {  	[sflag:s20] =	ssyncset.done $0x0  }
0x3d: {  	s17 =	sadd.s32 $0x0, s18;
	[sflag:s20] =	ssyncadd.s32 $0xFFFFFC00  }
0x3e: {  	[tilespmem:s21], [sflag:$0x2] =	stream.linear.gather [hbm4b:s17+s4], $0x400, $0x38;
	[tilespmem:$0x18800] =	vst v63  }
0x3f: {  	_ =	swait.ge [sflag:s20], $0x400  }
0x40: {  	[sflag:s20] =	ssyncset.done $0x0  }
0x41: {  	[sflag:s20] =	ssyncadd.s32 $0xFFFFFC00  }
0x42: {  	[tilespmem:s23], [sflag:$0x1] =	stream.indirect.gather [hbm4b:s2+s22], $0x80, s4, s22, $0xb8;
	[tilespmem:$0x18800] =	vst v63  }
0x43: {  	_ =	swait.ge [sflag:s24], $0x3E80  }
0x44: {  	[sflag:s24] =	ssyncset.done $0x0  }
0x45: {  	[sflag:s24] =	ssyncadd.s32 $0xFFFFC180  }
0x46: {  	[spmem:s3] =	stream.indirect.scatter.add.f32 [tilespmem:s23], [sflag:$0x2], $0x80, s21, s22, $0xb8;
	[tilespmem:$0x18800] =	vst v63  }
0x47: {  	_ =	swait.ge [sflag:s20], $0x3E80  }
0x48: {  	[sflag:s20] =	ssyncset.done $0x0  }
0x49: {  	[sflag:s20] =	ssyncadd.s32 $0xFFFFC180  }
0x4a: {  	[tilespmem:s23], [sflag:$0x1] =	stream.indirect.gather [hbm4b:s2+s22], $0x80, s25, s22, $0xb8;
	[tilespmem:$0x18800] =	vst v63  }
0x4b: {  	_ =	swait.ge [sflag:s24], $0x3E80  }
0x4c: {  	[sflag:s24] =	ssyncset.done $0x0  }
0x4d: {  	[sflag:s24] =	ssyncadd.s32 $0xFFFFC180  }
0x4e: {  	[spmem:s3] =	stream.indirect.scatter.add.f32 [tilespmem:s23], [sflag:$0x2], $0x80, s26, s22, $0xb8;
	[tilespmem:$0x18800] =	vst v63  }
0x4f: {  	_ =	swait.ge [sflag:s20], $0x3E80  }
0x50: {  	[sflag:s20] =	ssyncset.done $0x0  }
0x51: {  	[sflag:s20] =	ssyncadd.s32 $0xFFFFC180  }
0x52: {  	[tilespmem:s23], [sflag:$0x1] =	stream.indirect.gather [hbm4b:s2+s22], $0x80, s28, s22, $0xb8;
	[tilespmem:$0x18800] =	vst v63  }
0x53: {  	_ =	swait.ge [sflag:s24], $0x3E80  }
0x54: {  	[sflag:s24] =	ssyncset.done $0x0  }
0x55: {  	[sflag:s24] =	ssyncadd.s32 $0xFFFFC180  }
0x56: {  	[spmem:s3] =	stream.indirect.scatter.add.f32 [tilespmem:s23], [sflag:$0x2], $0x80, s29, s22, $0xb8;
	[tilespmem:$0x18800] =	vst v63  }
0x57: {  	_ =	swait.ge [sflag:s20], $0x3E80  }
0x58: {  	[sflag:s20] =	ssyncset.done $0x0  }
0x59: {  	[sflag:s20] =	ssyncadd.s32 $0xFFFFC180  }
0x5a: {  	[tilespmem:s23], [sflag:$0x1] =	stream.indirect.gather [hbm4b:s2+s22], $0x80, s30, s22, $0xb8;
	[tilespmem:$0x18800] =	vst v63  }
0x5b: {  	_ =	swait.ge [sflag:s24], $0x3E80  }
0x5c: {  	[sflag:s24] =	ssyncset.done $0x0  }
0x5d: {  	[sflag:s24] =	ssyncadd.s32 $0xFFFFC180  }
0x5e: {  	[spmem:s3] =	stream.indirect.scatter.add.f32 [tilespmem:s23], [sflag:$0x2], $0x80, s31, s22, $0xb8;
	[tilespmem:$0x18800] =	vst v63  }
0x5f: {  	_ =	swait.ge [sflag:s20], $0x3E80  }
0x60: {  	[sflag:s20] =	ssyncset.done $0x0  }
0x61: {  	[sflag:s20] =	ssyncadd.s32 $0xFFFFC180  }
0x62: {  	[tilespmem:s23], [sflag:$0x1] =	stream.indirect.gather [hbm4b:s2+s22], $0x80, s1, s22, $0xb8;
	[tilespmem:$0x18800] =	vst v63  }
0x63: {  	_ =	swait.ge [sflag:s24], $0x3E80  }
0x64: {  	[sflag:s24] =	ssyncset.done $0x0  }
0x65: {  	[sflag:s24] =	ssyncadd.s32 $0xFFFFC180  }
0x66: {  	[spmem:s3] =	stream.indirect.scatter.add.f32 [tilespmem:s23], [sflag:$0x2], $0x80, s0, s22, $0xb8;
	[tilespmem:$0x18800] =	vst v63  }
0x67: {  	_ =	swait.ge [sflag:s20], $0x3E80  }
0x68: {  	[sflag:s20] =	ssyncset.done $0x0  }
0x69: {  	[sflag:s20] =	ssyncadd.s32 $0xFFFFC180  }
0x6a: {  	[tilespmem:s23], [sflag:$0x1] =	stream.indirect.gather [hbm4b:s2+s22], $0x80, s6, s22, $0xb8;
	[tilespmem:$0x18800] =	vst v63  }
0x6b: {  	_ =	swait.ge [sflag:s24], $0x3E80  }
0x6c: {  	[sflag:s24] =	ssyncset.done $0x0  }
0x6d: {  	[sflag:s24] =	ssyncadd.s32 $0xFFFFC180  }
0x6e: {  	[spmem:s3] =	stream.indirect.scatter.add.f32 [tilespmem:s23], [sflag:$0x2], $0x80, s8, s22, $0xb8;
	[tilespmem:$0x18800] =	vst v63  }
0x6f: {  	_ =	swait.ge [sflag:s20], $0x3E80  }
0x70: {  	[sflag:s20] =	ssyncset.done $0x0  }
0x71: {  	[sflag:s20] =	ssyncadd.s32 $0xFFFFC180  }
0x72: {  	[tilespmem:s23], [sflag:$0x1] =	stream.indirect.gather [hbm4b:s2+s22], $0x80, s9, s22, $0xb8;
	[tilespmem:$0x18800] =	vst v63  }
0x73: {  	_ =	swait.ge [sflag:s24], $0x3E80  }
0x74: {  	[sflag:s24] =	ssyncset.done $0x0  }
0x75: {  	[sflag:s24] =	ssyncadd.s32 $0xFFFFC180  }
0x76: {  	[spmem:s3] =	stream.indirect.scatter.add.f32 [tilespmem:s23], [sflag:$0x2], $0x80, s10, s22, $0xb8;
	[tilespmem:$0x18800] =	vst v63  }
0x77: {  	_ =	swait.ge [sflag:s20], $0x3E80  }
0x78: {  	[sflag:s20] =	ssyncset.done $0x0  }
0x79: {  	[sflag:s20] =	ssyncadd.s32 $0xFFFFC180  }
0x7a: {  	[tilespmem:s23], [sflag:$0x1] =	stream.indirect.gather [hbm4b:s2+s22], $0x80, s11, s22, $0xb8;
	[tilespmem:$0x18800] =	vst v63  }
0x7b: {  	_ =	swait.ge [sflag:s24], $0x3E80  }
0x7c: {  	[sflag:s24] =	ssyncset.done $0x0  }
0x7d: {  	[sflag:s24] =	ssyncadd.s32 $0xFFFFC180  }
0x7e: {  	[spmem:s3] =	stream.indirect.scatter.add.f32 [tilespmem:s23], [sflag:$0x2], $0x80, s12, s22, $0xb8;
	[tilespmem:$0x18800] =	vst v63  }
0x7f: {  	_ =	swait.ge [sflag:s20], $0x3E80  }
0x80: {  	s16 =	simm.s32 $0x100;
	s15 =	simm.s32 $0x80;
	[sflag:s20] =	ssyncset.done $0x0  }
.LBB2_2:
0x81: {  	s14 =	sadd.s32 s15, s19  }
0x82: {  	[sflag:s20] =	ssyncadd.s32 $0xFFFFC180;
	s5 =	smov.u32 s16;
	s17 =	sadd.s32 $0x80, s16  }
0x83: {  	[tilespmem:s4], [sflag:$0x2] =	stream.linear.gather [hbm4b:s14+s4], $0x400, $0x38;
	[tilespmem:$0x18800] =	vst v63  }
0x84: {  	p0 =	sne.s32 s16, $0x480;
	_ =	swait.ge [sflag:s20], $0x400  }
0x85: {  	[sflag:s20] =	ssyncset.done $0x0  }
0x86: {  	s14 =	sadd.s32 s15, s18;
	s15 =	smov.u32 s5;
	[sflag:s20] =	ssyncadd.s32 $0xFFFFFC00  }
0x87: {  	[tilespmem:s21], [sflag:$0x2] =	stream.linear.gather [hbm4b:s14+s4], $0x400, $0x38;
	[tilespmem:$0x18800] =	vst v63  }
0x88: {  	_ =	swait.ge [sflag:s20], $0x400  }
0x89: {  	[sflag:s20] =	ssyncset.done $0x0  }
0x8a: {  	[sflag:s20] =	ssyncadd.s32 $0xFFFFFC00  }
0x8b: {  	[tilespmem:s23], [sflag:$0x1] =	stream.indirect.gather [hbm4b:s2+s22], $0x80, s4, s22, $0xb8;
	[tilespmem:$0x18800] =	vst v63  }
0x8c: {  	_ =	swait.ge [sflag:s24], $0x3E80  }
0x8d: {  	[sflag:s24] =	ssyncset.done $0x0  }
0x8e: {  	[sflag:s24] =	ssyncadd.s32 $0xFFFFC180  }
0x8f: {  	[spmem:s3] =	stream.indirect.scatter.add.f32 [tilespmem:s23], [sflag:$0x2], $0x80, s21, s22, $0xb8;
	[tilespmem:$0x18800] =	vst v63  }
0x90: {  	_ =	swait.ge [sflag:s20], $0x3E80  }
0x91: {  	[sflag:s20] =	ssyncset.done $0x0  }
0x92: {  	[sflag:s20] =	ssyncadd.s32 $0xFFFFC180  }
0x93: {  	[tilespmem:s23], [sflag:$0x1] =	stream.indirect.gather [hbm4b:s2+s22], $0x80, s25, s22, $0xb8;
	[tilespmem:$0x18800] =	vst v63  }
0x94: {  	_ =	swait.ge [sflag:s24], $0x3E80  }
0x95: {  	[sflag:s24] =	ssyncset.done $0x0  }
0x96: {  	[sflag:s24] =	ssyncadd.s32 $0xFFFFC180  }
0x97: {  	[spmem:s3] =	stream.indirect.scatter.add.f32 [tilespmem:s23], [sflag:$0x2], $0x80, s26, s22, $0xb8;
	[tilespmem:$0x18800] =	vst v63  }
0x98: {  	_ =	swait.ge [sflag:s20], $0x3E80  }
0x99: {  	[sflag:s20] =	ssyncset.done $0x0  }
0x9a: {  	[sflag:s20] =	ssyncadd.s32 $0xFFFFC180  }
0x9b: {  	[tilespmem:s23], [sflag:$0x1] =	stream.indirect.gather [hbm4b:s2+s22], $0x80, s28, s22, $0xb8;
	[tilespmem:$0x18800] =	vst v63  }
0x9c: {  	_ =	swait.ge [sflag:s24], $0x3E80  }
0x9d: {  	[sflag:s24] =	ssyncset.done $0x0  }
0x9e: {  	[sflag:s24] =	ssyncadd.s32 $0xFFFFC180  }
0x9f: {  	[spmem:s3] =	stream.indirect.scatter.add.f32 [tilespmem:s23], [sflag:$0x2], $0x80, s29, s22, $0xb8;
	[tilespmem:$0x18800] =	vst v63  }
0xa0: {  	_ =	swait.ge [sflag:s20], $0x3E80  }
0xa1: {  	[sflag:s20] =	ssyncset.done $0x0  }
0xa2: {  	[sflag:s20] =	ssyncadd.s32 $0xFFFFC180  }
0xa3: {  	[tilespmem:s23], [sflag:$0x1] =	stream.indirect.gather [hbm4b:s2+s22], $0x80, s30, s22, $0xb8;
	[tilespmem:$0x18800] =	vst v63  }
0xa4: {  	_ =	swait.ge [sflag:s24], $0x3E80  }
0xa5: {  	[sflag:s24] =	ssyncset.done $0x0  }
0xa6: {  	[sflag:s24] =	ssyncadd.s32 $0xFFFFC180  }
0xa7: {  	[spmem:s3] =	stream.indirect.scatter.add.f32 [tilespmem:s23], [sflag:$0x2], $0x80, s31, s22, $0xb8;
	[tilespmem:$0x18800] =	vst v63  }
0xa8: {  	_ =	swait.ge [sflag:s20], $0x3E80  }
0xa9: {  	[sflag:s20] =	ssyncset.done $0x0  }
0xaa: {  	[sflag:s20] =	ssyncadd.s32 $0xFFFFC180  }
0xab: {  	[tilespmem:s23], [sflag:$0x1] =	stream.indirect.gather [hbm4b:s2+s22], $0x80, s1, s22, $0xb8;
	[tilespmem:$0x18800] =	vst v63  }
0xac: {  	_ =	swait.ge [sflag:s24], $0x3E80  }
0xad: {  	[sflag:s24] =	ssyncset.done $0x0  }
0xae: {  	[sflag:s24] =	ssyncadd.s32 $0xFFFFC180  }
0xaf: {  	[spmem:s3] =	stream.indirect.scatter.add.f32 [tilespmem:s23], [sflag:$0x2], $0x80, s0, s22, $0xb8;
	[tilespmem:$0x18800] =	vst v63  }
0xb0: {  	_ =	swait.ge [sflag:s20], $0x3E80  }
0xb1: {  	[sflag:s20] =	ssyncset.done $0x0  }
0xb2: {  	[sflag:s20] =	ssyncadd.s32 $0xFFFFC180  }
0xb3: {  	[tilespmem:s23], [sflag:$0x1] =	stream.indirect.gather [hbm4b:s2+s22], $0x80, s6, s22, $0xb8;
	[tilespmem:$0x18800] =	vst v63  }
0xb4: {  	_ =	swait.ge [sflag:s24], $0x3E80  }
0xb5: {  	[sflag:s24] =	ssyncset.done $0x0  }
0xb6: {  	[sflag:s24] =	ssyncadd.s32 $0xFFFFC180  }
0xb7: {  	[spmem:s3] =	stream.indirect.scatter.add.f32 [tilespmem:s23], [sflag:$0x2], $0x80, s8, s22, $0xb8;
	[tilespmem:$0x18800] =	vst v63  }
0xb8: {  	_ =	swait.ge [sflag:s20], $0x3E80  }
0xb9: {  	[sflag:s20] =	ssyncset.done $0x0  }
0xba: {  	[sflag:s20] =	ssyncadd.s32 $0xFFFFC180  }
0xbb: {  	[tilespmem:s23], [sflag:$0x1] =	stream.indirect.gather [hbm4b:s2+s22], $0x80, s9, s22, $0xb8;
	[tilespmem:$0x18800] =	vst v63  }
0xbc: {  	_ =	swait.ge [sflag:s24], $0x3E80  }
0xbd: {  	[sflag:s24] =	ssyncset.done $0x0  }
0xbe: {  	[sflag:s24] =	ssyncadd.s32 $0xFFFFC180  }
0xbf: {  	[spmem:s3] =	stream.indirect.scatter.add.f32 [tilespmem:s23], [sflag:$0x2], $0x80, s10, s22, $0xb8;
	[tilespmem:$0x18800] =	vst v63  }
0xc0: {  	_ =	swait.ge [sflag:s20], $0x3E80  }
0xc1: {  	[sflag:s20] =	ssyncset.done $0x0  }
0xc2: {  	[sflag:s20] =	ssyncadd.s32 $0xFFFFC180  }
0xc3: {  	[tilespmem:s23], [sflag:$0x1] =	stream.indirect.gather [hbm4b:s2+s22], $0x80, s11, s22, $0xb8;
	[tilespmem:$0x18800] =	vst v63  }
0xc4: {  	_ =	swait.ge [sflag:s24], $0x3E80  }
.Ltmp0:
0xc5: {  	[sflag:s24] =	ssyncset.done $0x0;
	(pc) =	sbr.rel @p0 .LBB2_2-.Ltmp0, $4  }
0xc6: {  	[sflag:s24] =	ssyncadd.s32 $0xFFFFC180  }
0xc7: {  	[spmem:s3] =	stream.indirect.scatter.add.f32 [tilespmem:s23], [sflag:$0x2], $0x80, s12, s22, $0xb8;
	[tilespmem:$0x18800] =	vst v63  }
0xc8: {  	_ =	swait.ge [sflag:s20], $0x3E80  }
0xc9: {  	s16 =	smov.u32 s17;
	[sflag:s20] =	ssyncset.done $0x0  }
0xca: {  	s5 =	sadd.s32 s15, s19;
	[sflag:s20] =	ssyncadd.s32 $0xFFFFC180  }
0xcb: {  	[tilespmem:s4], [sflag:$0x2] =	stream.linear.gather [hbm4b:s5+s4], $0x400, $0x38;
	[tilespmem:$0x18800] =	vst v63  }
0xcc: {  	_ =	swait.ge [sflag:s20], $0x400  }
0xcd: {  	[sflag:s20] =	ssyncset.done $0x0  }
0xce: {  	s14 =	sadd.s32 s15, s18;
	[sflag:s20] =	ssyncadd.s32 $0xFFFFFC00  }
0xcf: {  	[tilespmem:s21], [sflag:$0x2] =	stream.linear.gather [hbm4b:s14+s4], $0x400, $0x38;
	[tilespmem:$0x18800] =	vst v63  }
0xd0: {  	_ =	swait.ge [sflag:s20], $0x400  }
0xd1: {  	[sflag:s20] =	ssyncset.done $0x0  }
0xd2: {  	[sflag:s20] =	ssyncadd.s32 $0xFFFFFC00  }
0xd3: {  	[tilespmem:s23], [sflag:$0x1] =	stream.indirect.gather [hbm4b:s2+s22], $0x80, s4, s22, $0xb8;
	[tilespmem:$0x18800] =	vst v63  }
0xd4: {  	_ =	swait.ge [sflag:s24], $0x3E80  }
0xd5: {  	[sflag:s24] =	ssyncset.done $0x0  }
0xd6: {  	[sflag:s24] =	ssyncadd.s32 $0xFFFFC180  }
0xd7: {  	[spmem:s3] =	stream.indirect.scatter.add.f32 [tilespmem:s23], [sflag:$0x2], $0x80, s21, s22, $0xb8;
	[tilespmem:$0x18800] =	vst v63  }
0xd8: {  	_ =	swait.ge [sflag:s20], $0x3E80  }
0xd9: {  	[sflag:s20] =	ssyncset.done $0x0  }
0xda: {  	[sflag:s20] =	ssyncadd.s32 $0xFFFFC180  }
0xdb: {  	[tilespmem:s23], [sflag:$0x1] =	stream.indirect.gather [hbm4b:s2+s22], $0x80, s25, s22, $0xb8;
	[tilespmem:$0x18800] =	vst v63  }
0xdc: {  	_ =	swait.ge [sflag:s24], $0x3E80  }
0xdd: {  	[sflag:s24] =	ssyncset.done $0x0  }
0xde: {  	[sflag:s24] =	ssyncadd.s32 $0xFFFFC180  }
0xdf: {  	[spmem:s3] =	stream.indirect.scatter.add.f32 [tilespmem:s23], [sflag:$0x2], $0x80, s26, s22, $0xb8;
	[tilespmem:$0x18800] =	vst v63  }
0xe0: {  	_ =	swait.ge [sflag:s20], $0x3E80  }
0xe1: {  	[sflag:s20] =	ssyncset.done $0x0  }
0xe2: {  	[sflag:s20] =	ssyncadd.s32 $0xFFFFC180  }
0xe3: {  	[tilespmem:s23], [sflag:$0x1] =	stream.indirect.gather [hbm4b:s2+s22], $0x80, s28, s22, $0xb8;
	[tilespmem:$0x18800] =	vst v63  }
0xe4: {  	_ =	swait.ge [sflag:s24], $0x3E80  }
0xe5: {  	[sflag:s24] =	ssyncset.done $0x0  }
0xe6: {  	[sflag:s24] =	ssyncadd.s32 $0xFFFFC180  }
0xe7: {  	[spmem:s3] =	stream.indirect.scatter.add.f32 [tilespmem:s23], [sflag:$0x2], $0x80, s29, s22, $0xb8;
	[tilespmem:$0x18800] =	vst v63  }
0xe8: {  	_ =	swait.ge [sflag:s20], $0x3E80  }
0xe9: {  	[sflag:s20] =	ssyncset.done $0x0  }
0xea: {  	[sflag:s20] =	ssyncadd.s32 $0xFFFFC180  }
0xeb: {  	[tilespmem:s23], [sflag:$0x1] =	stream.indirect.gather [hbm4b:s2+s22], $0x80, s30, s22, $0xb8;
	[tilespmem:$0x18800] =	vst v63  }
0xec: {  	_ =	swait.ge [sflag:s24], $0x3E80  }
0xed: {  	[sflag:s24] =	ssyncset.done $0x0  }
0xee: {  	[sflag:s24] =	ssyncadd.s32 $0xFFFFC180  }
0xef: {  	[spmem:s3] =	stream.indirect.scatter.add.f32 [tilespmem:s23], [sflag:$0x2], $0x80, s31, s22, $0xb8;
	[tilespmem:$0x18800] =	vst v63  }
0xf0: {  	_ =	swait.ge [sflag:s20], $0x3E80  }
0xf1: {  	[sflag:s20] =	ssyncset.done $0x0  }
0xf2: {  	[sflag:s20] =	ssyncadd.s32 $0xFFFFC180  }
0xf3: {  	[tilespmem:s23], [sflag:$0x1] =	stream.indirect.gather [hbm4b:s2+s22], $0x80, s1, s22, $0xb8;
	[tilespmem:$0x18800] =	vst v63  }
0xf4: {  	_ =	swait.ge [sflag:s24], $0x3E80  }
0xf5: {  	[sflag:s24] =	ssyncset.done $0x0  }
0xf6: {  	[sflag:s24] =	ssyncadd.s32 $0xFFFFC180  }
0xf7: {  	[spmem:s3] =	stream.indirect.scatter.add.f32 [tilespmem:s23], [sflag:$0x2], $0x80, s0, s22, $0xb8;
	[tilespmem:$0x18800] =	vst v63  }
0xf8: {  	_ =	swait.ge [sflag:s20], $0x3E80  }
0xf9: {  	[sflag:s20] =	ssyncset.done $0x0  }
0xfa: {  	[sflag:s20] =	ssyncadd.s32 $0xFFFFC180  }
0xfb: {  	[tilespmem:s23], [sflag:$0x1] =	stream.indirect.gather [hbm4b:s2+s22], $0x80, s6, s22, $0xb8;
	[tilespmem:$0x18800] =	vst v63  }
0xfc: {  	_ =	swait.ge [sflag:s24], $0x3E80  }
0xfd: {  	[sflag:s24] =	ssyncset.done $0x0  }
0xfe: {  	[sflag:s24] =	ssyncadd.s32 $0xFFFFC180  }
0xff: {  	[spmem:s3] =	stream.indirect.scatter.add.f32 [tilespmem:s23], [sflag:$0x2], $0x80, s8, s22, $0xb8;
	[tilespmem:$0x18800] =	vst v63  }
0x100: {  	_ =	swait.ge [sflag:s20], $0x3E80  }
0x101: {  	[sflag:s20] =	ssyncset.done $0x0  }
0x102: {  	[sflag:s20] =	ssyncadd.s32 $0xFFFFC180  }
0x103: {  	[tilespmem:s23], [sflag:$0x1] =	stream.indirect.gather [hbm4b:s2+s22], $0x80, s9, s22, $0xb8;
	[tilespmem:$0x18800] =	vst v63  }
0x104: {  	_ =	swait.ge [sflag:s24], $0x3E80  }
0x105: {  	[sflag:s24] =	ssyncset.done $0x0  }
0x106: {  	[sflag:s24] =	ssyncadd.s32 $0xFFFFC180  }
0x107: {  	[spmem:s3] =	stream.indirect.scatter.add.f32 [tilespmem:s23], [sflag:$0x2], $0x80, s10, s22, $0xb8;
	[tilespmem:$0x18800] =	vst v63  }
0x108: {  	_ =	swait.ge [sflag:s20], $0x3E80  }
0x109: {  	[sflag:s20] =	ssyncset.done $0x0  }
0x10a: {  	[sflag:s20] =	ssyncadd.s32 $0xFFFFC180  }
0x10b: {  	[tilespmem:s23], [sflag:$0x1] =	stream.indirect.gather [hbm4b:s2+s22], $0x80, s11, s22, $0xb8;
	[tilespmem:$0x18800] =	vst v63  }
0x10c: {  	_ =	swait.ge [sflag:s24], $0x3E80  }
0x10d: {  	[sflag:s24] =	ssyncset.done $0x0  }
0x10e: {  	[sflag:s24] =	ssyncadd.s32 $0xFFFFC180  }
0x10f: {  	[spmem:s3] =	stream.indirect.scatter.add.f32 [tilespmem:s23], [sflag:$0x2], $0x80, s12, s22, $0xb8;
	[tilespmem:$0x18800] =	vst v63  }
0x110: {  	_ =	swait.ge [sflag:s20], $0x3E80  }
0x111: {  	[sflag:s20] =	ssyncset.done $0x0  }
0x112: {  	[sflag:s20] =	ssyncadd.s32 $0xFFFFC180  }
0x113: {  	[bflag:$0x0] =	sbarrier.arrive $0xFFFF  }
0x114: {  	s15 =	rddreg [dreg:$0xa]  }
0x115: {  	s14 =	rddreg [dreg:$0x10]  }
0x116: {  	[hbm:s15], [sflag:s7] =	dma.local [spmem:s14], $0x800  }
0x117: {  	_ =	swait.ge [sflag:s20], $0x800  }
0x118: {  	[sflag:s20] =	ssyncset.done $0x0;
	s16 =	rddreg [dreg:$0xb]  }
0x119: {  	s17 =	rddreg [dreg:$0x11];
	[sflag:s20] =	ssyncadd.s32 $0xFFFFF800  }
0x11a: {  	[hbm:s16], [sflag:s7] =	dma.local [spmem:s17], $0x800  }
0x11b: {  	_ =	swait.ge [sflag:s20], $0x800  }
0x11c: {  	[sflag:s20] =	ssyncset.done $0x0;
	s14 =	rddreg [dreg:$0xc]  }
0x11d: {  	s15 =	rddreg [dreg:$0x12];
	[sflag:s20] =	ssyncadd.s32 $0xFFFFF800  }
0x11e: {  	[hbm:s14], [sflag:s7] =	dma.local [spmem:s15], $0x800  }
0x11f: {  	_ =	swait.ge [sflag:s20], $0x800  }
0x120: {  	[sflag:s20] =	ssyncset.done $0x0;
	s16 =	rddreg [dreg:$0xd]  }
0x121: {  	s17 =	rddreg [dreg:$0x13];
	[sflag:s20] =	ssyncadd.s32 $0xFFFFF800  }
0x122: {  	[hbm:s16], [sflag:s7] =	dma.local [spmem:s17], $0x800  }
0x123: {  	_ =	swait.ge [sflag:s20], $0x800  }
0x124: {  	[sflag:s20] =	ssyncset.done $0x0;
	s15 =	rddreg [dreg:$0xe]  }
0x125: {  	s16 =	rddreg [dreg:$0x14];
	[sflag:s20] =	ssyncadd.s32 $0xFFFFF800  }
0x126: {  	[hbm:s15], [sflag:s7] =	dma.local [spmem:s16], $0x800  }
0x127: {  	_ =	swait.ge [sflag:s20], $0x800  }
0x128: {  	s13 =	sadd.s32 $0x1, s13;
	s17 =	rddreg [dreg:$0xf]  }
0x129: {  	p0 =	sne.s32 s13, s17  }
.Ltmp1:
0x12a: {  	_ = 	snop;
	(pc) =	sbr.rel @p0 .LBB2_1-.Ltmp1, $3  }
0x12b: {  	_ =	sdelay $0x1  }
0x12c: {  	[sflag:s20] =	ssyncset.done $0x0  }
0x12d: {  	[sflag:s20] =	ssyncadd.s32 $0xFFFFF800  }
0x12e: {  	_ =	sfence.sel $0x180000  }
0x12f: {  	[bflag:$0x0] =	sbarrier.arrive $0xFFFF  }
0x130: {  	_ =	strace $0x9000004A  }
0x131: {  	s0 =	stileid.u32;
	[bflag:$0x2] =	sbarrier.arrive $0xFFFF  }
0x132: {  	p0 =	sne.s32 s0, $0x0;
	s0 =	rddreg [dreg:$0x3]  }
0x133: {  	s0 =	sadd.s32 @!p0 $0x100000, s0  }
0x134: {  	[sflag:s0] =	ssyncadd.tile.s32 @!p0 $0x1;
	_ =	shalt  }
.Lfunc_end2:
_tile_overlayer_lowered:
.L_overlay_start_2:
0x135: {  	(tag) =	ssettag $0x2  }
0x136: {  	s0 =	rddreg [dreg:$0x0];
	s2 =	stileid.u32  }
0x137: {  	s1 =	rddreg [dreg:$0x1];
	p0 =	sne.s32 s2, $0x0  }
0x138: {  	s3 =	rddreg [dreg:$0x2];
	[bflag:$0x3] =	sbarrier.arrive $0xFFFF;
	s2 =	simm.s32 @!p0 $0x1C02  }
0x139: {  	[timem:s3], [sflag:s2] =	dma.local @!p0 [hbm:s0], s1  }
0x13a: {  	s0 =	simm.s32 @!p0 $0x2  }
0x13b: {  	_ =	swait.ge @!p0 [sflag:s0], s1  }
0x13c: {  	s1 =	ssub.s32 @!p0 $0x0, s1;
	[sflag:s0] =	ssyncset.done @!p0 $0x0  }
0x13d: {  	[sflag:s0] =	ssyncadd.s32 @!p0 s1  }
0x13e: {  	[bflag:$0x3] =	sbarrier.arrive $0xFFFF  }
0x13f: {  	_ =	shalt  }

// kernel: scatter_offload_async_start
scs
__scs_entry_jumppad:
0x0: {  	(pc) =	sbr.rel $0x88, $3  }
0x1: {  	(tag) =	ssettag $0x0;
	lr =	simm.s32 $0x1  }
0x2: {  	[smem:$0x3F94] =	sst lr;
	_ =	strace $0xD0000000  }
0x3: {  	_ = 	snop  }
0x4: {  	_ = 	snop  }
0x5: {  	_ = 	snop  }
0x6: {  	_ = 	snop  }
0x7: {  	_ = 	snop  }
__scs_overlays_trampoline_lowered:
0x8: {  	[smem:$0x3FA3] =	sst s0  }
0x9: {  	[smem:$0x3FA4] =	sst s1  }
0xa: {  	[smem:$0x3FA5] =	sst s2  }
0xb: {  	[smem:$0x3FA6] =	sst s3  }
0xc: {  	[smem:$0x3FA7] =	sst s4  }
0xd: {  	[smem:$0x3FA8] =	sst s5  }
0xe: {  	[smem:$0x3FA9] =	sst s6  }
0xf: {  	[smem:$0x3FAA] =	sst s7  }
0x10: {  	[smem:$0x3FAB] =	sst s8  }
0x11: {  	[smem:$0x3FAC] =	sst s9;
	s0 =	simm.s32 @!p0 $0x0  }
0x12: {  	s1 =	sld [smem:$0x3F92];
	s0 =	simm.s32 @p0 $0x1  }
0x13: {  	[smem:$0x3FAD] =	sst s0;
	s0 =	simm.s32 @!p1 $0x0  }
0x14: {  	s2 =	sld [smem:$0x3F91];
	s0 =	simm.s32 @p1 $0x1  }
0x15: {  	[smem:$0x3FAE] =	sst s0;
	s0 =	simm.s32 @!p2 $0x0  }
0x16: {  	s3 =	sld [smem:$0x3FDB];
	s0 =	simm.s32 @p2 $0x1  }
0x17: {  	s4 =	simm.s32 $0x1BF5;
	[smem:$0x3FB0] =	sst s0  }
0x18: {  	s0 =	sld [smem:$0x3F93];
	_ =	swait.ge [sflag:s4], $0x0  }
0x19: {  	s7 =	sld [smem:$0x3F94]  }
0x1a: {  	s8 =	sadd.s32 $0xFFFFE003, lr  }
0x1b: {  	s9 =	sadd.s32 $0xFFFFFEF7, lr;
	s5 =	simm.s32 $0xFFFFFFFF;
	p2 =	slt.u32 s8, $0xFFFFF086  }
0x1c: {  	p1 =	slt.u32 s9, $0xF7A;
	s5 =	simm.s32 @!p2 $0x0  }
0x1d: {  	s5 =	simm.s32 @p1 $0x1;
	p0 =	seq.s32 s7, s2  }
0x1e: {  	s7 =	smul.u32 @!p0 $0xF7A, s2;
	p2 =	seq.s32 @!p0 s5, $0x0  }
0x1f: {  	s9 =	smul.u32 $0xF7A, s1;
	s8 =	simm.s32 @!p0 $0x1BF5;
	p2 =	por !p2, p0  }
0x20: {  	[sflag:s8] =	ssyncset.s32 @!p0 $0xFFFFF086;
	s6 =	sadd.s32 @!p0 s3, s7;
	s7 =	simm.s32 @!p0 $0x108  }
0x21: {  	s3 =	sadd.s32 s3, s9;
	s6 =	sadd.s32 @!p0 $0x88, s6;
	s7 =	simm.s32 @p2 $0x1082  }
0x22: {  	[simem:s7], [sflag:s8] =	dma.local @!p0 [hbm:s6], $0xF7A  }
0x23: {  	s9 =	sor.u32 $0xD0000000, s2;
	s6 =	simm.s32 $0x108;
	_ =	swait.ge @!p0 [sflag:s8], $0x0  }
0x24: {  	s3 =	sadd.s32 $0x88, s3;
	s6 =	simm.s32 @!p1 $0x1082;
	[sflag:s4] =	ssyncset.s32 $0xFFFFF086  }
0x25: {  	[simem:s6], [sflag:s4] =	dma.local [hbm:s3], $0xF7A  }
0x26: {  	[smem:$0x3F94] =	sst s1;
	(tag) =	ssettag s2;
	_ =	strace s9  }
0x27: {  	s1 =	sld [smem:$0x3FA4]  }
0x28: {  	s2 =	sld [smem:$0x3FA5]  }
0x29: {  	s4 =	sld [smem:$0x3FA7]  }
0x2a: {  	p0 =	seq.s32 s5, $0x0;
	s5 =	sld [smem:$0x3FA8]  }
0x2b: {  	s6 =	sld [smem:$0x3FA9]  }
0x2c: {  	s7 =	sld [smem:$0x3FAA]  }
0x2d: {  	s3 =	simm.s32 $0x108;
	s8 =	sld [smem:$0x3FAB]  }
0x2e: {  	s3 =	simm.s32 @!p0 $0x1082;
	s9 =	sld [smem:$0x3FAC]  }
0x2f: {  	lr =	sadd.s32 s0, s3;
	s0 =	sld [smem:$0x3FA3]  }
0x30: {  	s3 =	sld [smem:$0x3FA6]  }
0x31: {  	[smem:$0x3FAF] =	sst s10  }
0x32: {  	s10 =	sld [smem:$0x3FAD];
	_ =	sdelay $0x3  }
0x33: {  	p0 =	seq.s32 s10, $0x1;
	s10 =	sld [smem:$0x3FAF];
	_ =	sdelay $0x3  }
0x34: {  	[smem:$0x3FAF] =	sst s10  }
0x35: {  	s10 =	sld [smem:$0x3FAE];
	_ =	sdelay $0x3  }
0x36: {  	p1 =	seq.s32 s10, $0x1;
	s10 =	sld [smem:$0x3FAF];
	_ =	sdelay $0x3  }
0x37: {  	[smem:$0x3FAF] =	sst s10  }
0x38: {  	s10 =	sld [smem:$0x3FB0]  }
0x39: {  	_ = 	snop;
	(pc) =	sbr.ind lr, $3  }
0x3a: {  	_ = 	snop  }
0x3b: {  	_ = 	snop  }
0x3c: {  	p2 =	seq.s32 s10, $0x1;
	s10 =	sld [smem:$0x3FAF]  }
0x3d: {  	_ =	shalt  }
0x3e: {  	_ =	shalt  }
0x3f: {  	_ =	shalt  }
0x40: {  	_ =	shalt  }
0x41: {  	_ =	shalt  }
0x42: {  	_ =	shalt  }
0x43: {  	_ =	shalt  }
0x44: {  	_ =	shalt  }
0x45: {  	_ =	shalt  }
0x46: {  	_ =	shalt  }
0x47: {  	_ =	shalt  }
0x48: {  	_ =	shalt  }
0x49: {  	_ =	shalt  }
0x4a: {  	_ =	shalt  }
0x4b: {  	_ =	shalt  }
0x4c: {  	_ =	shalt  }
0x4d: {  	_ =	shalt  }
0x4e: {  	_ =	shalt  }
0x4f: {  	_ =	shalt  }
0x50: {  	_ =	shalt  }
0x51: {  	_ =	shalt  }
0x52: {  	_ =	shalt  }
0x53: {  	_ =	shalt  }
0x54: {  	_ =	shalt  }
0x55: {  	_ =	shalt  }
0x56: {  	_ =	shalt  }
0x57: {  	_ =	shalt  }
0x58: {  	_ =	shalt  }
0x59: {  	_ =	shalt  }
0x5a: {  	_ =	shalt  }
0x5b: {  	_ =	shalt  }
0x5c: {  	_ =	shalt  }
0x5d: {  	_ =	shalt  }
0x5e: {  	_ =	shalt  }
0x5f: {  	_ =	shalt  }
0x60: {  	_ =	shalt  }
0x61: {  	_ =	shalt  }
0x62: {  	_ =	shalt  }
0x63: {  	_ =	shalt  }
0x64: {  	_ =	shalt  }
0x65: {  	_ =	shalt  }
0x66: {  	_ =	shalt  }
0x67: {  	_ =	shalt  }
0x68: {  	_ =	shalt  }
0x69: {  	_ =	shalt  }
0x6a: {  	_ =	shalt  }
0x6b: {  	_ =	shalt  }
0x6c: {  	_ =	shalt  }
0x6d: {  	_ =	shalt  }
0x6e: {  	_ =	shalt  }
0x6f: {  	_ =	shalt  }
0x70: {  	_ =	shalt  }
0x71: {  	_ =	shalt  }
0x72: {  	_ =	shalt  }
0x73: {  	_ =	shalt  }
0x74: {  	_ =	shalt  }
0x75: {  	_ =	shalt  }
0x76: {  	_ =	shalt  }
0x77: {  	_ =	shalt  }
0x78: {  	_ =	shalt  }
0x79: {  	_ =	shalt  }
0x7a: {  	_ =	shalt  }
0x7b: {  	_ =	shalt  }
0x7c: {  	_ =	shalt  }
0x7d: {  	_ =	shalt  }
0x7e: {  	_ =	shalt  }
0x7f: {  	_ =	shalt  }
0x80: {  	_ =	shalt  }
0x81: {  	_ =	shalt  }
0x82: {  	_ =	shalt  }
0x83: {  	_ =	shalt  }
0x84: {  	_ =	shalt  }
0x85: {  	_ =	shalt  }
0x86: {  	_ =	shalt  }
0x87: {  	_ =	shalt  }
.Lfunc_end0:
.L_simem_size_0:
called_computation_lowered:
.L_overlay_start_0:
0x88: {  	s0 =	sld [smem:$0x3FD9]  }
0x89: {  	s1 =	sld [smem:$0x3FFE];
	_ =	sdelay $0x3  }
0x8a: {  	s0 =	sadd.s32 s1, s0  }
0x8b: {  	[smem:$0x3FBB] =	sst s0  }
0x8c: {  	_ = 	snop  }
0x8d: {  	s0 =	sld [smem:$0x3FD0];
	(tm) =	ssettm $0x1  }
0x8e: {  	s16 =	sld [smem:$0x3FFB];
	_ =	sdelay $0x3  }
0x8f: {  	_ =	strace s16  }
0x90: {  	s1 =	sld [smem:$0x3FFC];
	_ =	sdelay $0x3  }
0x91: {  	_ =	strace s1  }
0x92: {  	s1 =	sld [smem:$0x3FFD];
	_ =	sdelay $0x3  }
0x93: {  	_ =	strace s1  }
0x94: {  	_ =	strace $0x8FFFFFFF  }
0x95: {  	s17 =	sld [smem:$0x3FDB];
	_ =	sdelay $0x1  }
0x96: {  	s2 =	simm.s32 $_scs_section_size  }
0x97: {  	s3 =	simm.s32 $_size__tile_overlayer_lowered;
	s4 =	simm.s32 $_tile_overlayer_lowered  }
0x98: {  	s20 =	simm.s32 $0x1BFF;
	s19 =	sshll.u32 s4, $0x1;
	s1 =	sadd.s32 s2, s17  }
0x99: {  	s5 =	simm.s32 $0x0;
	s18 =	sshll.u32 s3, $0x1;
	s3 =	sadd.s32 s19, s1  }
0x9a: {  	[timem:s5], [sflag:s20] =	dma.local [hbm:s3], s18  }
0x9b: {  	_ =	swait.ge [sflag:s20], s18  }
0x9c: {  	s2 =	ssub.s32 $0x0, s18;
	[sflag:s20] =	ssyncset.done $0x0  }
0x9d: {  	[sflag:s20] =	ssyncadd.s32 s2;
	_ =	sdelay $0x1  }
0x9e: {  	s21 =	simm.s32 $0x1B8B  }
0x9f: {  	_ =	swait.ge [sflag:s21], $0x1  }
0xa0: {  	[sflag:s21] =	ssyncset.done $0x0  }
0xa1: {  	s23 =	simm.s32 $0x1B8E;
	s22 =	sld [smem:$0x3FFE];
	[sflag:s21] =	ssyncadd.s32 $0xFFFFFFFF  }
0xa2: {  	s24 =	simm.s32 $execute0_lowered;
	[smem:$0x3FD2] =	sst s23  }
0xa3: {  	s3 =	sshll.u32 s24, $0x1;
	_ =	strace $0x80000046;
	[dreg:$0x1] =	wrdreg $0xFFFFFFFF  }
0xa4: {  	s25 =	simm.s32 $_size_execute0_lowered;
	s1 =	sadd.s32 s1, s3;
	[dreg:$0x0] =	wrdreg $0x0  }
0xa5: {  	s3 =	sshll.u32 s25, $0x1;
	[dreg:$0x2] =	wrdreg s1  }
0xa6: {  	[dreg:$0x3] =	wrdreg s3  }
0xa7: {  	[dreg:$0x4] =	wrdreg $0xC0  }
0xa8: {  	_ =	task [dreg:s5], $0x5FFFF  }
0xa9: {  	[dreg:$0x1] =	wrdreg $0xFFFFFFFF  }
0xaa: {  	[dreg:$0x0] =	wrdreg $0x60  }
0xab: {  	[dreg:$0x2] =	wrdreg s22  }
0xac: {  	[dreg:$0x3] =	wrdreg s0  }
0xad: {  	[dreg:$0x4] =	wrdreg $0x9  }
0xae: {  	_ =	task.clear_ibuf [dreg:s5], $0x5FFFF;
	_ =	strace $0x90000046  }
0xaf: {  	s26 =	simm.s32 $0x9;
	_ =	strace $0x80000048  }
0xb0: {  	_ =	swait.ge [sflag:s26], $0x1  }
0xb1: {  	[sflag:s26] =	ssyncadd.s32 $0xFFFFFFFF  }
0xb2: {  	_ =	strace $0x90000048  }
0xb3: {  	_ =	sfence  }
0xb4: {  	s28 =	sld [smem:$0x0];
	_ =	sdelay $0x1  }
0xb5: {  	s29 =	srdreg.scid  }
0xb6: {  	s30 =	sshll.u32 s29, $0xD;
	s31 =	sshrl.u32 s29, $0x2  }
0xb7: {  	s2 =	sand.u32 $0x4000, s30;
	s1 =	sand.u32 $0x1, s29;
	s0 =	sadd.s32 s31, s28  }
0xb8: {  	s1 =	sor.u32 s2, s1;
	s0 =	sshll.u32 s0, $0x11  }
0xb9: {  	s0 =	sor.u32 s0, s1  }
0xba: {  	s0 =	sadd.s32 $0x8F2B, s0  }
0xbb: {  	[sflag:s0] =	ssyncadd.remote.s32 $0x1  }
0xbc: {  	_ =	sfence.sel $0xFFFF  }
0xbd: {  	[dreg:$0x0] =	wrdreg $0xFFFFFFFF;
	(pc) =	sbr.abs _section_cstart, $3  }
0xbe: {  	[dreg:$0x1] =	wrdreg $0xFFFFFFFF  }
0xbf: {  	_ =	task.clear_ibuf [dreg:s5], $0x2FFFF;
	_ =	strace $0x9FFFFFFF  }
0xc0: {  	(tm) =	ssettm $0x7FFFFFFF  }
0xc1: {  	_ =	shalt  }
tec
execute0_lowered:
.L_overlay_start_1:
0x0: {  	(tag) =	ssettag $0x1  }
0x1: {  	s0 =	rddreg [dreg:$0x0]  }
0x2: {  	s3 =	rddreg [dreg:$0x1];
	_ =	strace $0x80000047;
	s15 =	stileid.u32  }
0x3: {  	s2 =	simm.s32 $0x1;
	s1 =	smin.u32 s15, $0x8;
	s4 =	sshll.u32 s15, $0x1  }
0x4: {  	v1 =	vimm.s32 $0xFFFFFFFF;
	[sflag:s2] =	ssyncpa.u1 $0x0;
	s1 =	sadd.s32 s1, s4  }
0x5: {  	p0 =	slt.u32 s15, $0x8;
	[tilespmem:$0x10] =	vst v1;
	s5 =	smul.u32 $0x1F40, s1;
	s1 =	simm.s32 $0x5DC0  }
0x6: {  	v0 =	vimm.f32 $0.0e+00;
	[tilespmem:$0x20] =	vst v1;
	s1 =	simm.s32 @!p0 $0x3E80  }
0x7: {  	[tilespmem:$0x30] =	vst v0;
	s1 =	sadd.s32 s1, s5  }
0x8: {  	[tilespmem:$0x40] =	vst v0;
	s6 =	smin.u32 s1, $0x4E200  }
0x9: {  	s7 =	simm.s32 $0x2;
	[tilespmem:$0x50] =	vst v0;
	s9 =	ssub.s32 s6, s5  }
0xa: {  	s8 =	simm.s32 $0x8;
	s31 =	simm.s32 $0x9;
	[tilespmem:$0x60] =	vst v1;
	p0 =	sgt.s32 s9, $0x0  }
0xb: {  	s16 =	simm.s32 $0x0;
	s17 =	simm.s32 $0xF0;
	[tilespmem:$0x70] =	vst v1;
	s9 =	simm.s32 @!p0 $0x0  }
0xc: {  	s18 =	simm.s32 $0xFFFFFFFF;
	s19 =	simm.s32 $0xFFFFC280;
	[tilespmem:$0x80] =	vst v1;
	s30 =	smulhi.u32 $0x10624DD3, s9  }
0xd: {  	s20 =	simm.s32 $0xFFFFFFFE;
	s21 =	simm.s32 $0xF;
	s25 =	simm.s32 $0x0;
	v1 =	vimm.s32 $0x0;
	[tilespmem:$0xB0] =	vst v0  }
0xe: {  	s24 =	simm.s32 $0x0;
	s15 =	sshllo.u32 s15, $0x1;
	[tilespmem:$0x90] =	vst v1;
	s10 =	sshrl.u32 s30, $0x9  }
0xf: {  	[tilespmem:$0xA0] =	vst v1;
	[sflag:s7] =	ssyncpa.u1 $0x0;
	s7 =	simm.s32 $0x7;
	s11 =	smul.u32 $0x1F40, s10  }
.Ltmp0:
0x10: {  	s13 =	sor.u32 $0x80, s4;
	[sflag:s7] =	ssyncpa.u1 $0x0;
	(pc) =	sbr.rel .LBB2_1-.Ltmp0, $4  }
0x11: {  	s14 =	sor.u32 $0x81, s4;
	[sflag:s8] =	ssyncpa.u1 $0x0;
	p0 =	sne.s32 s9, s11  }
0x12: {  	s23 =	smov.u32 s5;
	s1 =	sadd.s32 $0x1F600, s0;
	s2 =	simm.s32 @!p0 $0x0  }
0x13: {  	vm0 =	vmmov $0xffff;
	v2 =	vlaneseq.u32;
	[sflag:s31] =	ssyncpa.u1 $0x0;
	s9 =	sadd.s32 $0xB800, s0;
	s10 =	sadd.s32 s2, s10  }
0x14: {  	vm1 =	vmxor vm1, vm1;
	vm2 =	vmmov $0x1;
	vm3 =	vcmask $0x3F3C;
	p0 =	por $0x0, $0x0;
	s11 =	sadd.s32 $0x1, s10;
	s12 =	sadd.s32 $0x2, s10  }
.LBB2_9:
0x15: {  	p1 =	slt.u32 s24, $0x3  }
0x16: {  	s0 =	simm.s32 @!p1 $0x2  }
0x17: {  	_ =	swait.ge @!p1 [sflag:s0], $0x1F40  }
0x18: {  	[sflag:s0] =	ssyncset.done @!p1 $0x0  }
0x19: {  	[sflag:s0] =	ssyncadd.s32 @!p1 $0xFFFFE0C0;
	s0 =	simm.s32 @!p1 $0x9  }
0x1a: {  	_ =	swait.ge @!p1 [sflag:s0], $0x10  }
0x1b: {  	[sflag:s0] =	ssyncset.done @!p1 $0x0  }
0x1c: {  	[sflag:s0] =	ssyncadd.s32 @!p1 $0xFFFFFFF0;
	p1 =	sne.s32 s24, s12  }
.Ltmp1:
0x1d: {  	s2 =	sadd.s32 $0x1F40, s23;
	(pc) =	sbr.rel @!p1 .LBB2_10-.Ltmp1, $4  }
0x1e: {  	s22 =	smov.u32 s5;
	s31 =	sadd.s32 $0x1, s24;
	s17 =	sadd.s32 $0x1F40, s17  }
0x1f: {  	s18 =	sadd.s32 $0x1, s18;
	s25 =	smov.u32 s23;
	p2 =	slt.s32 s2, s6  }
0x20: {  	p0 =	por !p0, !p0;
	s19 =	sadd.s32 $0x1F40, s19;
	s22 =	smov.u32 @p2 s2  }
0x21: {  	s20 =	sadd.s32 $0x1, s20;
	s23 =	smov.u32 s22;
	s24 =	smov.u32 s31  }
.LBB2_1:
0x22: {  	p1 =	sge.u32 s24, s10  }
0x23: {  	s0 =	smulhi.u32 @!p1 $0xAAAAAAAB, s24;
	_ =	sdelay $0x1  }
0x24: {  	s0 =	sshrl.u32 @!p1 s0, $0x1  }
0x25: {  	s0 =	smul.u32 @!p1 $0x3, s0;
	_ =	sdelay $0x1  }
0x26: {  	s0 =	ssub.s32 @!p1 s24, s0  }
0x27: {  	s0 =	smul.u32 @!p1 $0x7D00, s0;
	_ =	sdelay $0x1  }
0x28: {  	s2 =	sshrl.u32 @!p1 s23, $0x3;
	s0 =	sshrl.u32 @!p1 s0, $0x2  }
0x29: {  	s22 =	sand.u32 @!p1 $0x7, s23;
	s2 =	sadd.s32 @!p1 s3, s2;
	s0 =	sadd.s32 @!p1 $0x100, s0  }
0x2a: {  	[tilespmem:s0], [sflag:$0x7] =	stream.linear.gather @!p1 [hbm4b:s2+s22], $0x1F40, $0x38;
	[tilespmem:$0x11A60] =	vst v63  }
0x2b: {  	s0 =	sadd.s32 $0xFFFFFFFF, s24  }
0x2c: {  	p1 =	sge.u32 s0, s10  }
.Ltmp2:
0x2d: {  	_ = 	snop;
	(pc) =	sbr.rel @p1 .LBB2_5-.Ltmp2, $1  }
0x2e: {  	_ =	sdelay $0x3  }
0x2f: {  	s2 =	smulhi.u32 $0xAAAAAAAB, s0;
	_ =	sdelay $0x1  }
0x30: {  	s2 =	sshrl.u32 s2, $0x1  }
0x31: {  	s2 =	smul.u32 $0x3, s2;
	_ =	sdelay $0x1  }
0x32: {  	s2 =	ssub.s32 s0, s2  }
0x33: {  	s2 =	smul.u32 $0x7D00, s2  }
0x34: {  	_ =	swait.ge [sflag:s7], $0x1F40  }
0x35: {  	[sflag:s7] =	ssyncset.done $0x0;
	s2 =	sshrl.u32 s2, $0x2  }
0x36: {  	[sflag:s7] =	ssyncadd.s32 $0xFFFFE0C0;
	(ifvalue) =	ssetifvalue $0xFFFFFFFF;
	v3 =	vld.msk [tilespmem:s2+$0x100 ss:$0x1], $0xffff;
	_ =	sdelay $0x2  }
0x37: {  	s30 =	smulhi.u32 $0xAAAAAAAB, s18;
	p1 =	sne.s32 s24, $0x1  }
0x38: {  	v4 =	vimm.s32 @!p1 $0x0  }
0x39: {  	s2 =	sshrl.u32 s30, $0x1;
	v4 =	vperm.xlane @!p1 v3, v4  }
0x3a: {  	s22 =	sshll.u32 s24, $0x4;
	s2 =	smul.u32 $0xFFFE8900, s2;
	vm4 =	vlt.u32 v3, $0x2800  }
0x3b: {  	s22 =	sand.u32 $0x10, s22;
	v3 =	vnsel vm4, $0xFFFFFFFE, v3;
	vm4 =	vlt.u32 @!p1 v4, $0x2800  }
0x3c: {  	s2 =	sshra.s32 s2, $0x2;
	[tilespmem:s22+$0x60] =	vst v3;
	v3 =	vnsel @!p1 vm4, $0xFFFFFFFE, v4  }
0x3d: {  	s28 =	sadd.s32 s2, s17;
	[tilespmem:$0x80] =	vst @!p1 v3  }
0x3e: {  	v3 =	vld.msk [tilespmem:s28+$0x0 ss:$0x1], $0xffff;
	_ =	sdelay $0x4  }
0x3f: {  	(xrf1) =	vunique.msk.u32 $0xffff, v3;
	_ =	sdelay $0xd  }
0x40: {  	v4 =	vimm.s32 $0xFFFFFFFF;
	v5, _, _ =	vpop (xrf1)  }
0x41: {  	vm5 =	vne.s32 v3, v4;
	vm4 =	veq.s32 v5, v2  }
0x42: {  	vm6 =	vlt.u32 v3, $0x2800;
	vm4 =	vmand vm5, vm4  }
0x43: {  	vm4 =	vmand vm6, vm4  }
0x44: {  	v4 =	vnsel vm4, $0xFFFFFFFF, v3  }
0x45: {  	s31 =	sand.u32 $0x1, s0  }
0x46: {  	s0 =	simm.s32 $0x1F40;
	p1 =	seq.s32 s31, $0x1  }
0x47: {  	s0 =	simm.s32 @!p1 $0x0  }
0x48: {  	s26 =	sadd.s32 $0x7DF0, s0;
	(ifvalue) =	ssetifvalue $0xFFFFFFFF  }
0x49: {  	v3 =	vperm.xlane v3, v1;
	[tilespmem:s26], [sflag:$0x8] =	stream.indirect_vreg.gather [hbm4b:s1+s16], $0x1, v4, vm0, $0x4038;
	v4 =	vnsel vm6, $0xFFFFFFFE, v4;
	[tilespmem:$0x11A60] =	vst v63  }
0x4a: {  	s2 =	simm.s32 $0x0;
	s22 =	sadd.s32 $0xFFFFFFF0, s28;
	[tilespmem:s28+$0x0] =	vst v4  }
.LBB2_3:
0x4b: {  	v4 =	vld.msk [tilespmem:s22+$0x0 ss:$0x1], $0xffff;
	s2 =	sadd.s32 $0x10, s2;
	v5 =	vmov v3;
	s28 =	smov.u32 s22  }
0x4c: {  	p1 =	slt.u32 s2, $0x1F30;
	_ =	sdelay $0x4  }
0x4d: {  	v3 =	vperm.xlane v4, v1;
	(xrf1) =	vunique.msk.u32 $0xffff, v4;
	_ =	sdelay $0xd  }
0x4e: {  	v6, _, _ =	vpop (xrf1)  }
0x4f: {  	vm5 =	vne.s32 v4, v5;
	vm4 =	veq.s32 v6, v2  }
0x50: {  	vm6 =	vlt.u32 v4, $0x2800;
	vm4 =	vmand vm5, vm4  }
0x51: {  	vm4 =	vmand vm6, vm4  }
0x52: {  	v4 =	vnsel vm4, $0xFFFFFFFF, v4  }
.Ltmp3:
0x53: {  	v5 =	vnsel vm6, $0xFFFFFFFE, v4;
	(pc) =	sbr.rel @p1 .LBB2_3-.Ltmp3, $3  }
0x54: {  	_ =	sdelay $0x1  }
0x55: {  	s22 =	sadd.s32 $0xFFFFFFF0, s22;
	s26 =	sadd.s32 $0xFFFFFFF0, s26;
	(ifvalue) =	ssetifvalue $0xFFFFFFFF  }
0x56: {  	[tilespmem:s26], [sflag:$0x8] =	stream.indirect_vreg.gather [hbm4b:s1+s16], $0x1, v4, vm0, $0x4038;
	[tilespmem:s28+$0x0] =	vst v5  }
0x57: {  	s2 =	sshrl.u32 s25, $0x3  }
0x58: {  	s0 =	sadd.s32 $0x9D40, s0;
	s2 =	sadd.s32 s9, s2  }
0x59: {  	[tilespmem:s0], [sflag:$0x8] =	stream.linear.gather [hbm:s2], $0x1F40, $0x38;
	[tilespmem:$0x11A60] =	vst v63  }
.LBB2_5:
0x5a: {  	p1 =	slt.u32 s24, $0x2  }
0x5b: {  	p2 =	sge.u32 @!p1 s24, s12  }
0x5c: {  	p1 =	por p1, p2  }
.Ltmp4:
0x5d: {  	_ = 	snop;
	(pc) =	sbr.rel @p1 .LBB2_9-.Ltmp4, $1  }
0x5e: {  	_ =	sdelay $0x3  }
0x5f: {  	s0 =	sadd.s32 $0xFFFFFFFE, s24  }
0x60: {  	s2 =	smulhi.u32 $0xAAAAAAAB, s0;
	_ =	sdelay $0x1  }
0x61: {  	s2 =	sshrl.u32 s2, $0x1  }
0x62: {  	s2 =	smul.u32 $0x3, s2;
	_ =	sdelay $0x1  }
0x63: {  	s0 =	ssub.s32 s0, s2  }
0x64: {  	_ =	swait.ge [sflag:s8], $0x3E80;
	s0 =	smul.u32 $0x1F40, s0  }
0x65: {  	p1 =	sne.s32 s24, s11;
	[sflag:s8] =	ssyncset.done $0x0  }
0x66: {  	[sflag:s8] =	ssyncadd.s32 $0xFFFFC180;
	s2 =	sadd.s32 @!p1 $0x203F, s0  }
0x67: {  	[spmem:s14] =	stream.linear.scatter @!p1 [tilespmem:s2], [sflag:$0x1], $0x1, $0x38;
	[tilespmem:$0x11A60] =	vst v63  }
0x68: {  	s2 =	simm.s32 @!p1 $0x1  }
0x69: {  	_ =	swait.ge @!p1 [sflag:s2], $0x1  }
0x6a: {  	s22 =	sshll.u32 s24, $0x4;
	[sflag:s2] =	ssyncset.done @!p1 $0x0  }
0x6b: {  	s25 =	sand.u32 $0x10, s22;
	[sflag:s2] =	ssyncadd.s32 @!p1 $0xFFFFFFFF  }
0x6c: {  	s2 =	sxor.u32 $0x10, s25;
	v4 =	vld [tilespmem:s25+$0x10]  }
0x6d: {  	v5 =	vld [tilespmem:s2+$0x60]  }
0x6e: {  	v3 =	vld [tilespmem:$0x80];
	_ =	sdelay $0x2  }
0x6f: {  	(v2sf) =	vpush v4, $0x0  }
0x70: {  	(v2sf) =	vpush v5, $0x0  }
0x71: {  	(v2sf) =	vpush v3, $0x0;
	_ =	sdelay $0xc  }
0x72: {  	s22 =	spop (v2sf)  }
0x73: {  	s26 =	spop (v2sf)  }
0x74: {  	s28 =	spop (v2sf)  }
0x75: {  	p2 =	seq.s32 s22, s26;
	p3 =	seq.s32 s28, s22  }
0x76: {  	p3 =	por p2, p3  }
0x77: {  	s26 =	sand.u32 $0x1, s24;
	v4 =	vpsel p3, $0xFFFFFFFF, v4  }
0x78: {  	s29 =	smul.u32 $0x1F40, s26;
	[tilespmem:s25+$0x10] =	vst.msk $0x1, v4  }
0x79: {  	v4 =	vld [tilespmem:$0x30]  }
0x7a: {  	v5 =	vld [tilespmem:s29+$0x9D40]  }
0x7b: {  	v6 =	vld [tilespmem:s25+$0x40];
	_ =	sdelay $0x3  }
0x7c: {  	vm4 =	vmmov vm1;
	v5 =	vadd.f32 v5, v4  }
0x7d: {  	vm5 =	vmmov vm2;
	vm4 =	vmmov @p2 vm2;
	s22 =	sshll.u32 s26, $0x4;
	v4 =	vadd.f32 v6, v4  }
0x7e: {  	s26 =	sor.u32 $0x11A40, s22;
	vm5 =	vmmov @p3 vm1;
	[tilespmem:s29+$0x9D40] =	vst.msk vm4, v5  }
0x7f: {  	[tilespmem:s26+$0x0] =	vst.msk vm5, v4  }
0x80: {  	v4 =	vld [tilespmem:s29+$0x7DF0];
	_ =	sdelay $0x3  }
0x81: {  	v5 =	vimm.f32 $0.0e+00  }
0x82: {  	v4 =	vshift.insert v4, v5, s21  }
0x83: {  	s22 =	sor.u32 $0x40, s2  }
0x84: {  	[tilespmem:s22+$0x0] =	vst.msk $0x1, v4  }
0x85: {  	[tilespmem:s29+$0x7DFF] =	vst.msk $0x1, v5  }
0x86: {  	v4 =	vld [tilespmem:s0+$0x2030];
	_ =	sdelay $0x1  }
0x87: {  	s22 =	smulhi.u32 $0xAAAAAAAB, s20;
	s0 =	simm.s32 $0x1  }
0x88: {  	s0 =	simm.s32 @!p0 $0x0  }
0x89: {  	s22 =	sshrl.u32 s22, $0x1;
	s0 =	smul.u32 $0x7D00, s0  }
0x8a: {  	s22 =	smul.u32 $0xFFFE8900, s22;
	v4 =	vshift.insert v4, v1, s21  }
0x8b: {  	s0 =	sshrl.u32 s0, $0x2  }
0x8c: {  	s22 =	sshra.s32 s22, $0x2;
	s30 =	sadd.s32 $0x9D40, s0;
	[tilespmem:s2+$0x10] =	vst.msk $0x1, v4  }
0x8d: {  	s22 =	sadd.s32 s22, s19;
	v6 =	vld [tilespmem:s30+$0x0]  }
0x8e: {  	v7 =	vld [tilespmem:s22+$0x0];
	_ =	sdelay $0x3  }
0x8f: {  	v5 =	vadd.f32 v6, v5  }
0x90: {  	vm4 =	vne.s32 v7, $0xFFFFFFFF  }
0x91: {  	(xrf2) =	vadd.seg.scan.f32 vm4, v5;
	_ =	sdelay $0x3  }
0x92: {  	s31 =	sadd.s32 $0x5EC0, s0;
	v5 =	vperm.xlane v4, v1  }
0x93: {  	v6 =	vld [tilespmem:s31+$0x0]  }
0x94: {  	vm5 =	veq.s32 v7, v3;
	vm6 =	veq.s32 v7, v5  }
0x95: {  	vm7 =	vgt.u32 v7, $0xFFFFFFFD;
	vm6 =	vmor vm6, vm5  }
0x96: {  	vm6 =	vmor vm6, vm7  }
0x97: {  	v9 =	vld [tilespmem:$0xA0];
	v7 =	vsel vm6, $0xFFFFFFFF, v7  }
0x98: {  	v10 =	vld [tilespmem:$0x90];
	v6 =	vsel vm5, $0x0, v6;
	v8, _, _ =	vpop (xrf2)  }
0x99: {  	v6 =	vadd.f32 v8, v6  }
0x9a: {  	s0 =	sadd.s32 $0xDBC0, s0  }
0x9b: {  	vm4 =	vmand vm4, vm3;
	[tilespmem:s0+$0x0] =	vst v6;
	(ifvalue) =	ssetifvalue $0xFFFFFFFF  }
0x9c: {  	vm6 =	veq.s32 v9, $0x1;
	[hbm4b:s1+s16] =	stream.indirect_vreg.scatter [tilespmem:s0], [sflag:$0x2], $0x1, v7, vm0, $0x4038;
	v7 =	vsel vm4, $0x0, v8;
	[tilespmem:$0x11A60] =	vst v63  }
0x9d: {  	s2 =	simm.s32 $0x0;
	s22 =	sadd.s32 $0x10, s22;
	vm4 =	vmor vm6, vm5;
	v6 =	vsel vm5, v8, v10;
	v7 =	vshift.insert v7, v0, s21  }
.LBB2_7:
0x9e: {  	v8 =	vld [tilespmem:s22+$0x0];
	s30 =	sadd.s32 $0x10, s30  }
0x9f: {  	s31 =	sadd.s32 $0x10, s31;
	v9 =	vld [tilespmem:s30+$0x0]  }
0xa0: {  	s2 =	sadd.s32 $0x10, s2;
	v10 =	vld [tilespmem:s31+$0x0]  }
0xa1: {  	p2 =	slt.u32 s2, $0x1F30;
	_ =	sdelay $0x2  }
0xa2: {  	v7 =	vadd.f32 v9, v7  }
0xa3: {  	vm5 =	vne.s32 v8, $0xFFFFFFFF  }
0xa4: {  	vm6 =	vmand vm5, vm3;
	(xrf2) =	vadd.seg.scan.f32 vm5, v7;
	_ =	sdelay $0x5  }
0xa5: {  	vm7 =	veq.s32 v8, v5;
	vm5 =	veq.s32 v8, v3  }
0xa6: {  	vm8 =	vgt.u32 v8, $0xFFFFFFFD;
	vm4 =	vmor vm4, vm5;
	vm7 =	vmor vm7, vm5  }
0xa7: {  	vm7 =	vmor vm7, vm8  }
0xa8: {  	v8 =	vsel vm7, $0xFFFFFFFF, v8  }
.Ltmp5:
0xa9: {  	v7 =	vsel vm5, $0x0, v10;
	v9, _, _ =	vpop (xrf2);
	(pc) =	sbr.rel @p2 .LBB2_7-.Ltmp5, $4  }
0xaa: {  	v6 =	vsel vm5, v9, v6;
	v10 =	vadd.f32 v9, v7;
	v7 =	vsel vm6, $0x0, v9  }
0xab: {  	s0 =	sadd.s32 $0x10, s0;
	v7 =	vshift.insert v7, v0, s21  }
0xac: {  	s22 =	sadd.s32 $0x10, s22;
	[tilespmem:s0+$0x0] =	vst v10;
	(ifvalue) =	ssetifvalue $0xFFFFFFFF  }
0xad: {  	[hbm4b:s1+s16] =	stream.indirect_vreg.scatter [tilespmem:s0], [sflag:$0x2], $0x1, v8, vm0, $0x4038;
	[tilespmem:$0x11A60] =	vst v63  }
0xae: {  	v3 =	vld [tilespmem:s29+$0xFAF0];
	_ =	sdelay $0x4  }
0xaf: {  	v3 =	vshift.insert v3, v0, s21  }
0xb0: {  	s0 =	simm.s32 $0x30  }
0xb1: {  	[tilespmem:s0+$0x0] =	vst.msk $0x1, v3  }
0xb2: {  	v3 =	vsel vm4, $0x1, v1;
	[tilespmem:$0x90] =	vst v6  }
0xb3: {  	s0 =	sadd.s32 @!p1 $0xFAFF, s29;
	[tilespmem:$0xA0] =	vst v3  }
0xb4: {  	[spmem:s15] =	stream.linear.scatter @!p1 [tilespmem:s0], [sflag:$0x1], $0x1, $0x38;
	[tilespmem:$0x11A60] =	vst v63  }
0xb5: {  	s0 =	simm.s32 @!p1 $0x1  }
0xb6: {  	v3 =	vmctz.xlane @!p1 vm4;
	_ =	swait.ge @!p1 [sflag:s0], $0x1  }
0xb7: {  	(v2sf) =	vpush @!p1 v4, $0x0  }
0xb8: {  	(v2sf) =	vpush @!p1 v3, $0x0;
	_ =	sdelay $0xd  }
0xb9: {  	s2 =	spop @!p1 (v2sf)  }
0xba: {  	s22 =	spop @!p1 (v2sf)  }
0xbb: {  	p2 =	sne.s32 @!p1 s28, s2;
	p3 =	slt.s32 @!p1 s22, $0xF  }
0xbc: {  	[sflag:s0] =	ssyncset.done @!p1 $0x0;
	p2 =	por p2, p1;
	p3 =	por !p3, p1  }
0xbd: {  	[sflag:s0] =	ssyncadd.s32 @!p1 $0xFFFFFFFF;
	v3 =	vimm.s32 @!p2 $0xFFFFFFFF;
	s22 =	simm.s32 @p3 $0xF  }
0xbe: {  	[tilespmem:$0x80] =	vst @!p2 v3;
	s2 =	sadd.s32 @!p1 $0x90, s22  }
0xbf: {  	[spmem:s4] =	stream.linear.scatter @!p1 [tilespmem:s2], [sflag:$0x1], $0x1, $0x38;
	[tilespmem:$0x11A60] =	vst v63  }
0xc0: {  	_ =	swait.ge @!p1 [sflag:s0], $0x1  }
0xc1: {  	[sflag:s0] =	ssyncset.done @!p1 $0x0  }
0xc2: {  	s2 =	simm.s32 @!p1 $0x80;
	[sflag:s0] =	ssyncadd.s32 @!p1 $0xFFFFFFFF  }
0xc3: {  	[spmem:s13] =	stream.linear.scatter @!p1 [tilespmem:s2], [sflag:$0x1], $0x1, $0x38;
	[tilespmem:$0x11A60] =	vst v63  }
0xc4: {  	_ =	swait.ge @!p1 [sflag:s0], $0x1  }
0xc5: {  	[sflag:s0] =	ssyncset.done @!p1 $0x0  }
0xc6: {  	[sflag:s0] =	ssyncadd.s32 @!p1 $0xFFFFFFFF;
	(ifvalue) =	ssetifvalue $0xFFFFFFFF;
	v3 =	vld [tilespmem:s25+$0x10];
	_ =	sdelay $0x3  }
.Ltmp6:
0xc7: {  	_ = 	snop;
	(pc) =	sbr.rel .LBB2_9-.Ltmp6, $3  }
0xc8: {  	_ =	sdelay $0x1  }
0xc9: {  	(ifvalue) =	ssetifvalue $0xFFFFFFFF  }
0xca: {  	[hbm4b:s1+s16] =	stream.indirect_vreg.scatter [tilespmem:s26], [sflag:$0x9], $0x1, v3, vm0, $0x4038;
	[tilespmem:$0x11A60] =	vst v63  }
.LBB2_10:
0xcb: {  	_ =	sfence.sel $0x180000  }
0xcc: {  	s0 =	simm.s32 $0x7;
	[bflag:$0x0] =	sbarrier.arrive $0xFFFF  }
0xcd: {  	s26 =	simm.s32 $0x8;
	[sflag:s0] =	ssyncpa.u1 $0x1  }
0xce: {  	s28 =	simm.s32 $0x9;
	[sflag:s26] =	ssyncpa.u1 $0x1  }
0xcf: {  	[sflag:s28] =	ssyncpa.u1 $0x1  }
0xd0: {  	_ =	sfence.stream.spmem  }
0xd1: {  	s29 =	simm.s32 $0x3;
	[bflag:$0x0] =	sbarrier.arrive $0xFFFF  }
0xd2: {  	s30 =	simm.s32 $0x4;
	[sflag:s29] =	ssyncpa.u1 $0x1  }
0xd3: {  	s31 =	simm.s32 $0x3C;
	s2 =	stileid.u32;
	[sflag:s30] =	ssyncpa.u1 $0x1  }
0xd4: {  	p0 =	sne.s32 s2, $0x0;
	[sflag:s31] =	ssyncpa.u1 $0x1  }
0xd5: {  	s0 =	simm.s32 @p0 $0x1;
	_ =	sfence @p0  }
0xd6: {  	[sflag:s0] =	ssyncpa.u1 @p0 $0x1;
	s0 =	simm.s32 @p0 $0x2  }
0xd7: {  	[sflag:s0] =	ssyncpa.u1 @p0 $0x1  }
0xd8: {  	_ =	strace @p0 $0x90000047  }
0xd9: {  	[bflag:$0x2] =	sbarrier.arrive @p0 $0xFFFF  }
0xda: {  	_ =	shalt @p0  }
.LBB2_11:
0xdb: {  	_ =	sfence.stream.spmem;
	s0 =	simm.s32 $0x5  }
0xdc: {  	s2 =	simm.s32 $0x80;
	s3 =	simm.s32 $0xC0;
	[sflag:s0] =	ssyncpa.u1 $0x0  }
0xdd: {  	[tilespmem:s3], [sflag:$0x5] =	stream.linear.gather [spmem:s2], $0x20, $0x38;
	[tilespmem:$0x11A60] =	vst v63  }
0xde: {  	s2 =	simm.s32 $0x0;
	s3 =	simm.s32 $0xE0  }
0xdf: {  	[tilespmem:s3], [sflag:$0x5] =	stream.linear.gather [spmem:s2], $0x20, $0x38;
	[tilespmem:$0x11A60] =	vst v63  }
.Ltmp7:
0xe0: {  	_ = 	snop;
	(pc) =	sbr.rel .LBB2_12-.Ltmp7, $4  }
0xe1: {  	_ =	swait.ge [sflag:s0], $0x40  }
0xe2: {  	[sflag:s0] =	ssyncset.done $0x0  }
0xe3: {  	s31 =	simm.s32 $0x6;
	[sflag:s0] =	ssyncadd.s32 $0xFFFFFFC0  }
0xe4: {  	s4 =	simm.s32 $0x0;
	[sflag:s31] =	ssyncpa.u1 $0x0  }
.LBB2_17:
0xe5: {  	p0 =	sgt.u32 s5, $0x27FF  }
0xe6: {  	s0 =	sshrl.u32 @!p0 s5, $0x3  }
0xe7: {  	s5 =	sand.u32 @!p0 $0x7, s5;
	s6 =	simm.s32 @!p0 $0xB0;
	s0 =	sadd.s32 @!p0 s1, s0  }
0xe8: {  	[tilespmem:s6], [sflag:$0x6] =	stream.linear.gather @!p0 [hbm4b:s0+s5], $0x1, $0x38;
	[tilespmem:$0x11A60] =	vst v63  }
0xe9: {  	s0 =	simm.s32 @!p0 $0x6  }
0xea: {  	_ =	swait.ge @!p0 [sflag:s0], $0x1  }
0xeb: {  	[sflag:s0] =	ssyncset.done @!p0 $0x0  }
0xec: {  	[sflag:s0] =	ssyncadd.s32 @!p0 $0xFFFFFFFF  }
0xed: {  	v2 =	vmov @!p0 s4;
	v1 =	vld.msk @!p0 [tilespmem:$0xB0], $0x1;
	_ =	sdelay $0x3  }
0xee: {  	s0 =	simm.s32 @!p0 $0xE0  }
0xef: {  	[tilespmem:v2+s0+$0x0], v1 =	vst.idx.ret.add.f32.msk @!p0 $0x1, v1  }
0xf0: {  	[tilespmem:s2+$0xC0] =	vst.msk $0x1, v0  }
0xf1: {  	v0 =	vld.msk [tilespmem:s4+$0xE0], $0x1;
	_ =	sdelay $0x4  }
0xf2: {  	[tilespmem:s2+$0xE0] =	vst.msk $0x1, v0;
	s2 =	sadd.s32 $0x1, s2  }
.LBB2_19:
0xf3: {  	s4 =	sadd.s32 $0x1, s4  }
0xf4: {  	p0 =	sne.s32 s4, $0x20  }
.Ltmp8:
0xf5: {  	_ = 	snop;
	(pc) =	sbr.rel @!p0 .LBB2_20-.Ltmp8, $1  }
0xf6: {  	_ =	sdelay $0x3  }
.LBB2_12:
0xf7: {  	v0 =	vld.msk [tilespmem:s4+$0xC0], $0x1;
	_ =	sdelay $0x4  }
0xf8: {  	(v2sf) =	vpush v0, $0x0;
	_ =	sdelay $0xe  }
0xf9: {  	s5 =	spop (v2sf)  }
0xfa: {  	p0 =	seq.s32 s5, $0xFFFFFFFF  }
.Ltmp9:
0xfb: {  	_ = 	snop;
	(pc) =	sbr.rel @p0 .LBB2_19-.Ltmp9, $1  }
0xfc: {  	_ =	sdelay $0x3  }
0xfd: {  	p0 =	slt.s32 s2, $0x1  }
.Ltmp10:
0xfe: {  	_ = 	snop;
	(pc) =	sbr.rel @p0 .LBB2_17-.Ltmp10, $1  }
0xff: {  	_ =	sdelay $0x3  }
0x100: {  	s0 =	simm.s32 $0xC0;
	p0 =	por $0x0, $0x0  }
0x101: {  	v1 =	vld.msk @!p0 [tilespmem:s0+$0x0], $0x1;
	_ =	sdelay $0x4  }
0x102: {  	(v2sf) =	vpush @!p0 v1, $0x0;
	_ =	sdelay $0xd  }
0x103: {  	p2 =	sne.s32 s2, $0x1  }
.Ltmp11:
0x104: {  	s6 =	spop @!p0 (v2sf);
	(pc) =	sbr.rel @!p2 .LBB2_16-.Ltmp11, $4  }
0x105: {  	p1 =	seq.s32 @!p0 s5, s6  }
0x106: {  	s6 =	simm.s32 $0x0;
	p1 =	por !p1, p0  }
0x107: {  	s8 =	simm.s32 $0xFFFFFFFF;
	s6 =	simm.s32 @p1 $0xFFFFFFFF  }
0x108: {  	s7 =	simm.s32 $0x1;
	s6 =	smov.u32 @p0 s8  }
.LBB2_15:
0x109: {  	s8 =	smov.u32 s6;
	p0 =	sne.s32 s6, $0xFFFFFFFF  }
0x10a: {  	s0 =	sadd.s32 $0x1, s0;
	s6 =	smov.u32 s7;
	s7 =	sadd.s32 $0x1, s7  }
0x10b: {  	p1 =	sne.s32 s2, s7;
	v1 =	vld.msk @!p0 [tilespmem:s0+$0x0], $0x1;
	_ =	sdelay $0x4  }
0x10c: {  	(v2sf) =	vpush @!p0 v1, $0x0;
	_ =	sdelay $0xe  }
.Ltmp12:
0x10d: {  	s9 =	spop @!p0 (v2sf);
	(pc) =	sbr.rel @p1 .LBB2_15-.Ltmp12, $4  }
0x10e: {  	p2 =	seq.s32 @!p0 s5, s9  }
0x10f: {  	p2 =	por !p2, p0  }
0x110: {  	s6 =	simm.s32 @p2 $0xFFFFFFFF  }
0x111: {  	s6 =	smov.u32 @p0 s8  }
.LBB2_16:
0x112: {  	p0 =	sne.s32 s6, $0xFFFFFFFF  }
.Ltmp13:
0x113: {  	_ = 	snop;
	(pc) =	sbr.rel @!p0 .LBB2_17-.Ltmp13, $1  }
0x114: {  	_ =	sdelay $0x3  }
0x115: {  	v0 =	vld.msk [tilespmem:s4+$0xE0], $0x1;
	v1 =	vmov s6  }
.Ltmp14:
0x116: {  	_ = 	snop;
	(pc) =	sbr.rel .LBB2_19-.Ltmp14, $2  }
0x117: {  	_ =	sdelay $0x2  }
0x118: {  	[tilespmem:v1+s3+$0x0], v0 =	vst.idx.ret.add.f32.msk $0x1, v0  }
.LBB2_20:
0x119: {  	p0 =	slt.s32 s2, $0x1  }
.Ltmp15:
0x11a: {  	_ = 	snop;
	(pc) =	sbr.rel @p0 .LBB2_24-.Ltmp15, $3  }
0x11b: {  	_ =	sdelay $0x1  }
0x11c: {  	s0 =	simm.s32 $0x6  }
0x11d: {  	s3 =	simm.s32 $0x0;
	[sflag:s0] =	ssyncpa.u1 $0x1  }
0x11e: {  	s0 =	simm.s32 $0xC0  }
0x11f: {  	v0 =	vld.msk [tilespmem:s0+$0x0], $0x1;
	_ =	sdelay $0x4  }
0x120: {  	(v2sf) =	vpush v0, $0x0;
	_ =	sdelay $0xe  }
0x121: {  	s2 =	sadd.s32 $0xFFFFFFFF, s2;
	s4 =	spop (v2sf)  }
0x122: {  	p1 =	sne.s32 s2, $0x0;
	p0 =	sgt.u32 s4, $0x27FF  }
.Ltmp16:
0x123: {  	s5 =	sshrl.u32 @!p0 s4, $0x3;
	(pc) =	sbr.rel @!p1 .LBB2_23-.Ltmp16, $4  }
0x124: {  	s0 =	simm.s32 $0xE0;
	s4 =	sand.u32 @!p0 $0x7, s4;
	s5 =	sadd.s32 @!p0 s1, s5  }
0x125: {  	[hbm4b:s5+s4] =	stream.linear.scatter @!p0 [tilespmem:s0], [sflag:$0x5], $0x1, $0x38;
	[tilespmem:$0x11A60] =	vst v63  }
0x126: {  	s5 =	simm.s32 $0x0  }
0x127: {  	s4 =	simm.s32 $0xC1;
	s5 =	simm.s32 @!p0 $0x4  }
.LBB2_22:
0x128: {  	v0 =	vld.msk [tilespmem:s4+$0x0], $0x1;
	s2 =	sadd.s32 $0xFFFFFFFF, s2;
	s3 =	sadd.s32 s3, s5  }
0x129: {  	p0 =	sne.s32 s2, $0x0;
	_ =	sdelay $0x3  }
0x12a: {  	(v2sf) =	vpush v0, $0x0;
	_ =	sdelay $0xe  }
.Ltmp17:
0x12b: {  	s6 =	spop (v2sf);
	(pc) =	sbr.rel @p0 .LBB2_22-.Ltmp17, $4  }
0x12c: {  	s5 =	simm.s32 $0x0;
	p1 =	sgt.u32 s6, $0x27FF  }
0x12d: {  	s0 =	sadd.s32 $0x1, s0;
	s5 =	simm.s32 @!p1 $0x4;
	s7 =	sshrl.u32 @!p1 s6, $0x3  }
0x12e: {  	s4 =	sadd.s32 $0x1, s4;
	s6 =	sand.u32 @!p1 $0x7, s6;
	s7 =	sadd.s32 @!p1 s1, s7  }
0x12f: {  	[hbm4b:s7+s6] =	stream.linear.scatter @!p1 [tilespmem:s0], [sflag:$0x5], $0x1, $0x38;
	[tilespmem:$0x11A60] =	vst v63  }
.LBB2_23:
0x130: {  	s0 =	sadd.s32 s3, s5  }
0x131: {  	s3 =	sshrl.u32 s0, $0x2  }
.LBB2_24:
0x132: {  	s0 =	simm.s32 $0x5  }
0x133: {  	_ =	swait.ge [sflag:s0], s3  }
0x134: {  	s1 =	ssub.s32 $0x0, s3;
	[sflag:s0] =	ssyncset.done $0x0  }
0x135: {  	[sflag:s0] =	ssyncadd.s32 s1  }
0x136: {  	[sflag:s0] =	ssyncpa.u1 $0x1  }
0x137: {  	s29 =	simm.s32 $0x1;
	_ =	sfence  }
0x138: {  	s30 =	simm.s32 $0x2;
	[sflag:s29] =	ssyncpa.u1 $0x1  }
0x139: {  	[sflag:s30] =	ssyncpa.u1 $0x1  }
0x13a: {  	_ =	strace $0x90000047  }
0x13b: {  	[bflag:$0x2] =	sbarrier.arrive $0xFFFF  }
0x13c: {  	s31 =	rddreg [dreg:$0x2]  }
0x13d: {  	s0 =	sadd.s32 $0x100000, s31  }
0x13e: {  	[sflag:s0] =	ssyncadd.tile.s32 $0x1;
	_ =	shalt  }
.Lfunc_end2:
_tile_overlayer_lowered:
.L_overlay_start_2:
0x13f: {  	(tag) =	ssettag $0x2  }
0x140: {  	s0 =	rddreg [dreg:$0x0];
	s2 =	stileid.u32  }
0x141: {  	s1 =	rddreg [dreg:$0x1];
	p0 =	sne.s32 s2, $0x0  }
0x142: {  	s3 =	rddreg [dreg:$0x2];
	[bflag:$0x3] =	sbarrier.arrive $0xFFFF;
	s2 =	simm.s32 @!p0 $0x1C01  }
0x143: {  	[timem:s3], [sflag:s2] =	dma.local @!p0 [hbm:s0], s1  }
0x144: {  	s0 =	simm.s32 @!p0 $0x1  }
0x145: {  	_ =	swait.ge @!p0 [sflag:s0], s1  }
0x146: {  	s1 =	ssub.s32 @!p0 $0x0, s1;
	[sflag:s0] =	ssyncset.done @!p0 $0x0  }
0x147: {  	[sflag:s0] =	ssyncadd.s32 @!p0 s1  }
0x148: {  	[bflag:$0x3] =	sbarrier.arrive $0xFFFF  }
0x149: {  	_ =	shalt  }

</sc_bundles>
